<compile_context>
chip_gen: v7x
topology: tpu7x:2x2x1
jax: 0.10.2.dev20260603
libtpu: 0.0.44.dev20260713+nightly
codegen_flags: <defaults>
</compile_context>

<pallas_src>
import jax
import jax.numpy as jnp
from jax import lax
from jax.experimental import pallas as pl
from jax.experimental.pallas import tpu as pltpu
from jax.experimental.pallas import tpu_sc as plsc

N = 10000
E = 320000
D = 128
H = 8
NC = 2
NS = 16
NW = NC * NS
EPW = E // NW
CH = 128
NCHUNK = EPW // CH
REM = EPW - NCHUNK * CH
SB = 2048
SBB = SB // CH
NSB = EPW // SB
TAIL = EPW - NSB * SB
TBATCH = TAIL // CH
ZR = 64
ZF = 632 // ZR
ZT = 632 - ZF * ZR
OZ = 32
OF = 632 // OZ
OT = 632 - OF * OZ
RPS = 632
RPSB = 640
NPAD = NS * RPS
DW = 16
BLK = 1000
NBLK = N // BLK

import functools


@functools.cache
def _mesh():
    return plsc.VectorSubcoreMesh(
        core_axis_name="c", subcore_axis_name="s", num_cores=NC, num_subcores=NS
    )


def _zero_fill(ref, nrows, ncols):
    cpr = ncols // 16

    def body(i, carry):
        r = i // cpr
        c = (i % cpr) * 16
        ref[r, pl.ds(c, 16)] = jnp.zeros((16,), jnp.float32)
        return carry

    lax.fori_loop(0, nrows * cpr, body, 0)


def _one_fill(ref, nrows):
    def body(i, carry):
        ref[i, pl.ds(0, 16)] = jnp.ones((16,), jnp.float32)
        return carry

    lax.fori_loop(0, nrows, body, 0)


def _worker(cid, sid):
    base = (sid * NC + cid) * EPW
    r0 = sid * RPS
    return base, r0


def _fill_1d(ref, n, value):

    def body(i, carry):
        ref[pl.ds(i * 16, 16)] = jnp.full((16,), value, jnp.float32)
        return carry

    lax.fori_loop(0, n // 16, body, 0)


def _sc_degree_body(dst_hbm, pdeg_hbm, idx_all, ones, dbuf, dacc):
    cid = lax.axis_index("c")
    sid = lax.axis_index("s")
    base, r0 = _worker(cid, sid)

    _fill_1d(dbuf, RPSB, 0.0)
    _fill_1d(ones, CH, 1.0)
    pltpu.sync_copy(dbuf.at[pl.ds(0, RPS)], dacc.at[pl.ds(r0, RPS)])
    pltpu.sync_copy(dst_hbm.at[pl.ds(base, EPW)], idx_all)

    plsc.subcore_barrier()

    @pl.loop(0, NCHUNK)
    def chunk(j):
        pltpu.sync_copy(ones, dacc.at[idx_all.at[pl.ds(j * CH, CH)]], add=True)

    pltpu.sync_copy(ones.at[pl.ds(0, REM)],
                    dacc.at[idx_all.at[pl.ds(NCHUNK * CH, REM)]], add=True)

    plsc.subcore_barrier()

    pltpu.sync_copy(dacc.at[pl.ds(r0, RPS)], dbuf.at[pl.ds(0, RPS)])
    pltpu.sync_copy(dbuf.at[pl.ds(0, RPS)],
                    pdeg_hbm.at[pl.ds(cid * NPAD + r0, RPS)])


@functools.cache
def _sc_degree():
    return pl.kernel(
        _sc_degree_body,
        out_type=[jax.ShapeDtypeStruct((NC * NPAD,), jnp.float32)],
        mesh=_mesh(),
        scratch_types=[
            pltpu.VMEM((EPW,), jnp.int32),
            pltpu.VMEM((CH,), jnp.float32),
            pltpu.VMEM((RPSB,), jnp.float32),
            pltpu.VMEM_SHARED((NPAD,), jnp.float32),
        ],
    )


def _sc_agg_body(t_hbm, src_hbm, dst_hbm, psum_hbm,
                 sbuf_s, sbuf_d, rows0, rows1, rows2, zbuf, acc, sem0, sem1):
    cid = lax.axis_index("c")
    sid = lax.axis_index("s")
    base, r0 = _worker(cid, sid)
    rows = (rows0, rows1)
    sems = (sem0, sem1)

    _zero_fill(zbuf, ZR, D)

    @pl.loop(0, ZF)
    def zrow(k):
        pltpu.sync_copy(zbuf, acc.at[pl.ds(r0 + k * ZR, ZR)])

    pltpu.sync_copy(zbuf.at[pl.ds(0, ZT)], acc.at[pl.ds(r0 + ZF * ZR, ZT)])

    plsc.subcore_barrier()

    def run_block(nbatch):
        pltpu.async_copy(t_hbm.at[sbuf_s.at[pl.ds(0, CH)]], rows0, sem0)

        @pl.loop(0, nbatch, step=2)
        def pair(i):
            for bb in range(2):
                j = i + bb
                nb = 1 - bb
                jn = j + 1

                @pl.when(jn < nbatch)
                def _():
                    pltpu.async_copy(
                        t_hbm.at[sbuf_s.at[pl.ds(jn * CH, CH)]],
                        rows[nb], sems[nb])

                pltpu.make_async_copy(
                    t_hbm.at[sbuf_s.at[pl.ds(j * CH, CH)]],
                    rows[bb], sems[bb]).wait()
                pltpu.sync_copy(rows[bb],
                                acc.at[sbuf_d.at[pl.ds(j * CH, CH)]],
                                add=True)

    @pl.loop(0, NSB)
    def sbatch(ss):
        off = base + ss * SB
        pltpu.sync_copy(src_hbm.at[pl.ds(off, SB)], sbuf_s)
        pltpu.sync_copy(dst_hbm.at[pl.ds(off, SB)], sbuf_d)
        run_block(SBB)

    offt = base + NSB * SB
    pltpu.sync_copy(src_hbm.at[pl.ds(offt, TAIL)], sbuf_s.at[pl.ds(0, TAIL)])
    pltpu.sync_copy(dst_hbm.at[pl.ds(offt, TAIL)], sbuf_d.at[pl.ds(0, TAIL)])
    run_block(TBATCH)

    pltpu.async_copy(t_hbm.at[sbuf_s.at[pl.ds(TBATCH * CH, REM)]],
                     rows2, sem0).wait()
    pltpu.sync_copy(rows2, acc.at[sbuf_d.at[pl.ds(TBATCH * CH, REM)]],
                    add=True)

    plsc.subcore_barrier()

    def out_unit(k, h, nrows):
        pltpu.sync_copy(acc.at[pl.ds(r0 + k * OZ, nrows)],
                        zbuf.at[pl.ds(h * OZ, nrows)])
        pltpu.async_copy(zbuf.at[pl.ds(h * OZ, nrows)],
                         psum_hbm.at[pl.ds(cid * NPAD + r0 + k * OZ, nrows)],
                         sems[h])

    def out_wait(k, h, nrows):
        pltpu.make_async_copy(
            zbuf.at[pl.ds(h * OZ, nrows)],
            psum_hbm.at[pl.ds(cid * NPAD + r0 + k * OZ, nrows)],
            sems[h]).wait()

    @pl.loop(0, OF - 1, step=2)
    def ounit(i):
        for bb in range(2):
            k = i + bb

            @pl.when(k >= 2)
            def _():
                out_wait(k - 2, bb, OZ)

            out_unit(k, bb, OZ)

    out_wait(OF - 3, 0, OZ)
    out_unit(OF - 1, 0, OZ)
    out_wait(OF - 2, 1, OZ)
    pltpu.sync_copy(acc.at[pl.ds(r0 + OF * OZ, OT)], zbuf.at[pl.ds(OZ, OT)])
    pltpu.async_copy(zbuf.at[pl.ds(OZ, OT)],
                     psum_hbm.at[pl.ds(cid * NPAD + r0 + OF * OZ, OT)],
                     sem1)
    out_wait(OF - 1, 0, OZ)
    pltpu.make_async_copy(
        zbuf.at[pl.ds(OZ, OT)],
        psum_hbm.at[pl.ds(cid * NPAD + r0 + OF * OZ, OT)],
        sem1).wait()


@functools.cache
def _sc_agg():
    return pl.kernel(
        _sc_agg_body,
        out_type=[jax.ShapeDtypeStruct((NC * NPAD, D), jnp.float32)],
        mesh=_mesh(),
        scratch_types=[
            pltpu.VMEM((SB,), jnp.int32),
            pltpu.VMEM((SB,), jnp.int32),
            pltpu.VMEM((CH, D), jnp.float32),
            pltpu.VMEM((CH, D), jnp.float32),
            pltpu.VMEM((REM, D), jnp.float32),
            pltpu.VMEM((ZR, D), jnp.float32),
            pltpu.VMEM_SHARED((NPAD, D), jnp.float32),
            pltpu.SemaphoreType.DMA,
            pltpu.SemaphoreType.DMA,
        ],
    )


def _mean_wb(W_ref, b_ref):
    Wbar = W_ref[0]
    bbar = b_ref[0]
    for h in range(1, H):
        Wbar = Wbar + W_ref[h]
        bbar = bbar + b_ref[h]
    return Wbar * (1.0 / H), bbar * (1.0 / H)


def _matxw(x, Wbar, bbar):
    y = lax.dot_general(x, Wbar, (((1,), (1,)), ((), ())),
                        preferred_element_type=jnp.float32)
    return y + bbar[None, :]


def _tc_transform(x, W, b):

    def body(W_ref, b_ref, x_ref, o_ref):
        Wbar, bbar = _mean_wb(W_ref, b_ref)
        o_ref[...] = _matxw(x_ref[...], Wbar, bbar)

    return pl.pallas_call(
        body,
        grid=(NBLK,),
        in_specs=[
            pl.BlockSpec((H, D, D), lambda i: (0, 0, 0)),
            pl.BlockSpec((H, D), lambda i: (0, 0)),
            pl.BlockSpec((BLK, D), lambda i: (i, 0)),
        ],
        out_specs=pl.BlockSpec((BLK, D), lambda i: (i, 0)),
        out_shape=jax.ShapeDtypeStruct((N, D), jnp.float32),
    )(W, b, x)


def _deg_inv(dp_ref):
    i = pl.program_id(0)
    deg = dp_ref[0, i] + dp_ref[1, i]
    return 1.0 / jnp.maximum(deg, 1.0)


def _tc_combine(p, dp, W, b):

    def body(W_ref, b_ref, p_ref, dp_ref, hop_ref, t_ref):
        Wbar, bbar = _mean_wb(W_ref, b_ref)
        invd = _deg_inv(dp_ref)
        hop = (p_ref[0] + p_ref[1]) * invd[:, None]
        hop_ref[...] = hop
        t_ref[...] = _matxw(hop, Wbar, bbar)

    return pl.pallas_call(
        body,
        grid=(NBLK,),
        in_specs=[
            pl.BlockSpec((H, D, D), lambda i: (0, 0, 0)),
            pl.BlockSpec((H, D), lambda i: (0, 0)),
            pl.BlockSpec((NC, BLK, D), lambda i: (0, i, 0)),
            pl.BlockSpec((NC, NBLK, BLK), lambda i: (0, 0, 0)),
        ],
        out_specs=[
            pl.BlockSpec((BLK, D), lambda i: (i, 0)),
            pl.BlockSpec((BLK, D), lambda i: (i, 0)),
        ],
        out_shape=[
            jax.ShapeDtypeStruct((N, D), jnp.float32),
            jax.ShapeDtypeStruct((N, D), jnp.float32),
        ],
    )(W, b, p, dp)


def _tc_fuse(hw, hop1, p2, dp):

    def body(hw_ref, hop1_ref, p_ref, dp_ref, o_ref):
        invd = _deg_inv(dp_ref)
        hop2 = (p_ref[0] + p_ref[1]) * invd[:, None]
        a0 = hw_ref[0]
        a1 = hw_ref[1]
        m = jnp.maximum(a0, a1)
        e0 = jnp.exp(a0 - m)
        e1 = jnp.exp(a1 - m)
        inv = 1.0 / (e0 + e1)
        o_ref[...] = (e0 * inv) * hop1_ref[...] + (e1 * inv) * hop2

    return pl.pallas_call(
        body,
        grid=(NBLK,),
        in_specs=[
            pl.BlockSpec(memory_space=pltpu.SMEM),
            pl.BlockSpec((BLK, D), lambda i: (i, 0)),
            pl.BlockSpec((NC, BLK, D), lambda i: (0, i, 0)),
            pl.BlockSpec((NC, NBLK, BLK), lambda i: (0, 0, 0)),
        ],
        out_specs=pl.BlockSpec((BLK, D), lambda i: (i, 0)),
        out_shape=jax.ShapeDtypeStruct((N, D), jnp.float32),
    )(hw, hop1, p2, dp)


@jax.jit
def kernel(node_features, edge_index, W, b, hop_weights):
    src = edge_index[0]
    dst = edge_index[1]
    dp = _sc_degree()(dst)[0].reshape(NC, NPAD)[:, :N].reshape(NC, NBLK, BLK)
    t1 = _tc_transform(node_features, W, b)
    p1 = _sc_agg()(t1, src, dst)[0].reshape(NC, NPAD, D)
    hop1, t2 = _tc_combine(p1, dp, W, b)
    p2 = _sc_agg()(t2, src, dst)[0].reshape(NC, NPAD, D)
    return _tc_fuse(hop_weights, hop1, p2, dp)

# --- scband reference (transcript-rebuilt; emitter-appended) ---
"""Pipeline reference for scband-neighborhood-fusion-layer-90391881711710 (READ-ONLY COPY).

The authoritative reference and input builder live on the scoring server;
editing this copy changes nothing except your own understanding.
"""

import jax, jax.numpy as jnp
import numpy as np

N_NODES = 10000
N_EDGES = 320000
D = 128
NUM_HOPS = 2
NUM_HEADS = 8


def setup_inputs(seed: int = 0) -> dict:
    key = jax.random.key(seed)
    ks = jax.random.split(key, 5)
    node_features = jax.random.normal(ks[0], (N_NODES, D), dtype=jnp.float32)
    edge_index = jax.random.randint(ks[1], (2, N_EDGES), 0, N_NODES, dtype=jnp.int32)
    # Learned parameters: per-head Linear weights/biases (torch nn.Linear: y = x @ W.T + b)
    W = jax.random.normal(ks[2], (NUM_HEADS, D, D), dtype=jnp.float32) * (1.0 / np.sqrt(D))
    b = jax.random.normal(ks[3], (NUM_HEADS, D), dtype=jnp.float32) * 0.01
    hop_weights = jax.random.normal(ks[4], (NUM_HOPS,), dtype=jnp.float32)
    return {
        "node_features": node_features,
        "edge_index": edge_index,
        "W": W,
        "b": b,
        "hop_weights": hop_weights,
    }


def reference(node_features, edge_index, W, b, hop_weights):
    src = edge_index[0]
    dst = edge_index[1]
    n = node_features.shape[0]
    # In-degree for mean reduction (DGL update_all with mean over mailbox);
    # zero in-degree nodes receive zeros (sum is 0, clamp deg to 1).
    deg = jax.ops.segment_sum(jnp.ones((src.shape[0],), dtype=jnp.float32), dst, num_segments=n)
    deg = jnp.maximum(deg, 1.0)

    def aggregate_neighbors(x):
        head_outs = []
        for h in range(NUM_HEADS):
            h_t = x @ W[h].T + b[h]
            msg_sum = jax.ops.segment_sum(h_t[src], dst, num_segments=n)
            head_outs.append(msg_sum / deg[:, None])
        return jnp.mean(jnp.stack(head_outs, axis=0), axis=0)

    hop_embeddings = []
    current = node_features
    for _k in range(NUM_HOPS):
        current = aggregate_neighbors(current)
        hop_embeddings.append(current)

    w = jax.nn.softmax(hop_weights, axis=0)
    h_fused = jnp.zeros_like(node_features)
    for k, hop_emb in enumerate(hop_embeddings):
        h_fused = h_fused + w[k] * hop_emb
    return h_fused

if __name__ == "__main__":
    import jax
    _d = setup_inputs()
    print(jax.jit(kernel)(*tuple(_d.values())))

</pallas_src>

<mosaic_0001>
#map = affine_map<(d0, d1) -> (0)>
module attributes {stable_mosaic.version = 14 : i64} {
  func.func @_sc_degree_body(%arg0: i32, %arg1: i32, %arg2: memref<320000xi32, #tpu.memory_space<hbm>>, %arg3: memref<20224xf32, #tpu.memory_space<hbm>>, %arg4: memref<10000xi32, #tpu.memory_space<vmem>>, %arg5: memref<128xf32, #tpu.memory_space<vmem>>, %arg6: memref<640xf32, #tpu.memory_space<vmem>>, %arg7: memref<10112xf32, #tpu.memory_space<vmem_shared>>) attributes {dimension_semantics = [#tpu.dimension_semantics<core_parallel>, #tpu.dimension_semantics<subcore_parallel>], iteration_bounds = array<i64: 2, 16>, scalar_prefetch = 0 : i64, scratch_operands = 4 : i64, tpu.core_type = #tpu.core_type<sc_vector_subcore>, window_params = [{transform_indices = #map}, {transform_indices = #map}]} {
    %mul3A = arith.constant 2 : i32
    %mul3A_0 = arith.muli %arg1, %mul3A : i32
    %add3A = arith.addi %mul3A_0, %arg0 : i32
    %mul3A_1 = arith.constant 10000 : i32
    %mul3A_2 = arith.muli %add3A, %mul3A_1 : i32
    %mul3A_3 = arith.constant 632 : i32
    %mul3A_4 = arith.muli %arg1, %mul3A_3 : i32
    %scan3A = arith.constant 0 : i32
    %scan3A_5 = arith.constant 0 : i32
    %scan3A_6 = arith.constant 40 : i32
    %scan3A_7 = arith.addi %scan3A_5, %scan3A_6 : i32
    %scan3A_8 = arith.constant 1 : i32
    scf.for %scan3A_25 = %scan3A_5 to %scan3A_7 step %scan3A_8  : i32 {
      %broadcast_in_dim3A = arith.constant 0.000000e+00 : f32
      %broadcast_in_dim3A_26 = vector.broadcast %broadcast_in_dim3A : f32 to vector<16xf32>
      %mul3A_27 = arith.constant 16 : i32
      %mul3A_28 = arith.muli %scan3A_25, %mul3A_27 : i32
      %swap3A = arith.index_cast %mul3A_28 : i32 to index
      %swap3A_29 = tpu.vector_load %arg6[%swap3A] {strides = array<i32>} : memref<640xf32, #tpu.memory_space<vmem>>, vector<16xf32>,
      %swap3A_30 = vector.shape_cast %swap3A_29 : vector<16xf32> to vector<16xf32>
      %swap3A_31 = vector.shape_cast %broadcast_in_dim3A_26 : vector<16xf32> to vector<16xf32>
      tpu.vector_store %arg6[%swap3A], %swap3A_31 {strides = array<i32>} : memref<640xf32, #tpu.memory_space<vmem>>, vector<16xf32>,
    }
    %scan3A_9 = arith.constant 40 : i32
    %scan3A_10 = arith.constant 0 : i32
    %scan3A_11 = arith.constant 0 : i32
    %scan3A_12 = arith.constant 8 : i32
    %scan3A_13 = arith.addi %scan3A_11, %scan3A_12 : i32
    %scan3A_14 = arith.constant 1 : i32
    scf.for %scan3A_25 = %scan3A_11 to %scan3A_13 step %scan3A_14  : i32 {
      %broadcast_in_dim3A = arith.constant 1.000000e+00 : f32
      %broadcast_in_dim3A_26 = vector.broadcast %broadcast_in_dim3A : f32 to vector<16xf32>
      %mul3A_27 = arith.constant 16 : i32
      %mul3A_28 = arith.muli %scan3A_25, %mul3A_27 : i32
      %swap3A = arith.index_cast %mul3A_28 : i32 to index
      %swap3A_29 = tpu.vector_load %arg5[%swap3A] {strides = array<i32>} : memref<128xf32, #tpu.memory_space<vmem>>, vector<16xf32>,
      %swap3A_30 = vector.shape_cast %swap3A_29 : vector<16xf32> to vector<16xf32>
      %swap3A_31 = vector.shape_cast %broadcast_in_dim3A_26 : vector<16xf32> to vector<16xf32>
      tpu.vector_store %arg5[%swap3A], %swap3A_31 {strides = array<i32>} : memref<128xf32, #tpu.memory_space<vmem>>, vector<16xf32>,
    }
    %scan3A_15 = arith.constant 8 : i32
    "tpu.region"() ({
      %run_scoped3A = tpu.sem_alloc : memref<!tpu.dma_semaphore, #tpu.memory_space<semaphore_mem>>
      %dma_start3A = arith.constant 0 : i32
      %dma_start3A_25 = tpu.memref_slice %arg6[%dma_start3A] : memref<640xf32, #tpu.memory_space<vmem>> -> memref<632xf32, #tpu.memory_space<vmem>>
      %dma_start3A_26 = tpu.memref_slice %arg7[%mul3A_4] : memref<10112xf32, #tpu.memory_space<vmem_shared>> -> memref<632xf32, #tpu.memory_space<vmem_shared>>
      %dma_start3A_27 = tpu.memref_slice %arg7[%mul3A_4] : memref<10112xf32, #tpu.memory_space<vmem_shared>> -> memref<632xf32, #tpu.memory_space<vmem_shared>>
      %dma_start3A_28 = arith.constant 0 : i32
      %dma_start3A_29 = tpu.memref_slice %arg6[%dma_start3A_28] : memref<640xf32, #tpu.memory_space<vmem>> -> memref<632xf32, #tpu.memory_space<vmem>>
      tpu.enqueue_dma source(%dma_start3A_29 : memref<632xf32, #tpu.memory_space<vmem>>) target(%dma_start3A_27 : memref<632xf32, #tpu.memory_space<vmem_shared>>) target_semaphore(%run_scoped3A : memref<!tpu.dma_semaphore, #tpu.memory_space<semaphore_mem>>)
      %dma_wait3A = arith.constant 0 : i32
      %dma_wait3A_30 = tpu.memref_slice %arg6[%dma_wait3A] : memref<640xf32, #tpu.memory_space<vmem>> -> memref<632xf32, #tpu.memory_space<vmem>>
      %dma_wait3A_31 = tpu.memref_slice %arg7[%mul3A_4] : memref<10112xf32, #tpu.memory_space<vmem_shared>> -> memref<632xf32, #tpu.memory_space<vmem_shared>>
      %dma_wait3A_32 = tpu.memref_slice %arg7[%mul3A_4] : memref<10112xf32, #tpu.memory_space<vmem_shared>> -> memref<632xf32, #tpu.memory_space<vmem_shared>>
      %dma_wait3A_33 = arith.constant 0 : i32
      %dma_wait3A_34 = tpu.memref_slice %arg6[%dma_wait3A_33] : memref<640xf32, #tpu.memory_space<vmem>> -> memref<632xf32, #tpu.memory_space<vmem>>
      tpu.wait_dma2 semaphore(%run_scoped3A : memref<!tpu.dma_semaphore, #tpu.memory_space<semaphore_mem>>) src(%dma_wait3A_34 : memref<632xf32, #tpu.memory_space<vmem>>) dst(%dma_wait3A_32 : memref<632xf32, #tpu.memory_space<vmem_shared>>)
      tpu.yield
    }) : () -> ()
    "tpu.region"() ({
      %run_scoped3A = tpu.sem_alloc : memref<!tpu.dma_semaphore, #tpu.memory_space<semaphore_mem>>
      %dma_start3A = tpu.memref_slice %arg2[%mul3A_2] : memref<320000xi32, #tpu.memory_space<hbm>> -> memref<10000xi32, #tpu.memory_space<hbm>>
      %dma_start3A_25 = tpu.memref_slice %arg2[%mul3A_2] : memref<320000xi32, #tpu.memory_space<hbm>> -> memref<10000xi32, #tpu.memory_space<hbm>>
      tpu.enqueue_dma source(%dma_start3A_25 : memref<10000xi32, #tpu.memory_space<hbm>>) target(%arg4 : memref<10000xi32, #tpu.memory_space<vmem>>) target_semaphore(%run_scoped3A : memref<!tpu.dma_semaphore, #tpu.memory_space<semaphore_mem>>)
      %dma_wait3A = tpu.memref_slice %arg2[%mul3A_2] : memref<320000xi32, #tpu.memory_space<hbm>> -> memref<10000xi32, #tpu.memory_space<hbm>>
      %dma_wait3A_26 = tpu.memref_slice %arg2[%mul3A_2] : memref<320000xi32, #tpu.memory_space<hbm>> -> memref<10000xi32, #tpu.memory_space<hbm>>
      tpu.wait_dma2 semaphore(%run_scoped3A : memref<!tpu.dma_semaphore, #tpu.memory_space<semaphore_mem>>) src(%dma_wait3A_26 : memref<10000xi32, #tpu.memory_space<hbm>>) dst(%arg4 : memref<10000xi32, #tpu.memory_space<vmem>>)
      tpu.yield
    }) : () -> ()
    %barrier3A = arith.constant 0 : index
    tpu.barrier barrier_id(%barrier3A)
    %scan3A_16 = arith.constant 0 : i32
    %scan3A_17 = arith.constant 78 : i32
    %scan3A_18 = arith.addi %scan3A_16, %scan3A_17 : i32
    %scan3A_19 = arith.constant 1 : i32
    scf.for %scan3A_25 = %scan3A_16 to %scan3A_18 step %scan3A_19  : i32 {
      %mul3A_26 = arith.constant 1 : i32
      %mul3A_27 = arith.muli %scan3A_25, %mul3A_26 : i32
      %add3A_28 = arith.constant 0 : i32
      %add3A_29 = arith.addi %add3A_28, %mul3A_27 : i32
      %mul3A_30 = arith.constant 128 : i32
      %mul3A_31 = arith.muli %add3A_29, %mul3A_30 : i32
      "tpu.region"() ({
        %run_scoped3A = tpu.sem_alloc : memref<!tpu.dma_semaphore, #tpu.memory_space<semaphore_mem>>
        %dma_start3A = tpu.memref_slice %arg4[%mul3A_31] : memref<10000xi32, #tpu.memory_space<vmem>> -> memref<128xi32, #tpu.memory_space<vmem>>
        %dma_start3A_32 = arith.constant 0 : i32
        %dma_start3A_33 = tpu.memref_slice %arg7[%dma_start3A_32] : memref<10112xf32, #tpu.memory_space<vmem_shared>> -> memref<10112xf32, #tpu.memory_space<vmem_shared>>
        tpu.enqueue_indirect_dma source(%arg5 : memref<128xf32, #tpu.memory_space<vmem>>) target(%dma_start3A_33 : memref<10112xf32, #tpu.memory_space<vmem_shared>>) offsets(%dma_start3A : memref<128xi32, #tpu.memory_space<vmem>>) semaphore(%run_scoped3A : memref<!tpu.dma_semaphore, #tpu.memory_space<semaphore_mem>>) {add = true}
        %dma_wait3A = tpu.memref_slice %arg4[%mul3A_31] : memref<10000xi32, #tpu.memory_space<vmem>> -> memref<128xi32, #tpu.memory_space<vmem>>
        %dma_wait3A_34 = arith.constant 0 : i32
        %dma_wait3A_35 = tpu.memref_slice %arg7[%dma_wait3A_34] : memref<10112xf32, #tpu.memory_space<vmem_shared>> -> memref<10112xf32, #tpu.memory_space<vmem_shared>>
        tpu.wait_indirect_dma semaphore(%run_scoped3A : memref<!tpu.dma_semaphore, #tpu.memory_space<semaphore_mem>>) src(%arg5 : memref<128xf32, #tpu.memory_space<vmem>>) dst(%dma_wait3A_35 : memref<10112xf32, #tpu.memory_space<vmem_shared>>)
        tpu.yield
      }) : () -> ()
    }
    %scan3A_20 = arith.constant 78 : i32
    "tpu.region"() ({
      %run_scoped3A = tpu.sem_alloc : memref<!tpu.dma_semaphore, #tpu.memory_space<semaphore_mem>>
      %dma_start3A = arith.constant 0 : i32
      %dma_start3A_25 = tpu.memref_slice %arg5[%dma_start3A] : memref<128xf32, #tpu.memory_space<vmem>> -> memref<16xf32, #tpu.memory_space<vmem>>
      %dma_start3A_26 = arith.constant 9984 : i32
      %dma_start3A_27 = tpu.memref_slice %arg4[%dma_start3A_26] : memref<10000xi32, #tpu.memory_space<vmem>> -> memref<16xi32, #tpu.memory_space<vmem>>
      %dma_start3A_28 = arith.constant 0 : i32
      %dma_start3A_29 = tpu.memref_slice %arg7[%dma_start3A_28] : memref<10112xf32, #tpu.memory_space<vmem_shared>> -> memref<10112xf32, #tpu.memory_space<vmem_shared>>
      tpu.enqueue_indirect_dma source(%dma_start3A_25 : memref<16xf32, #tpu.memory_space<vmem>>) target(%dma_start3A_29 : memref<10112xf32, #tpu.memory_space<vmem_shared>>) offsets(%dma_start3A_27 : memref<16xi32, #tpu.memory_space<vmem>>) semaphore(%run_scoped3A : memref<!tpu.dma_semaphore, #tpu.memory_space<semaphore_mem>>) {add = true}
      %dma_wait3A = arith.constant 0 : i32
      %dma_wait3A_30 = tpu.memref_slice %arg5[%dma_wait3A] : memref<128xf32, #tpu.memory_space<vmem>> -> memref<16xf32, #tpu.memory_space<vmem>>
      %dma_wait3A_31 = arith.constant 9984 : i32
      %dma_wait3A_32 = tpu.memref_slice %arg4[%dma_wait3A_31] : memref<10000xi32, #tpu.memory_space<vmem>> -> memref<16xi32, #tpu.memory_space<vmem>>
      %dma_wait3A_33 = arith.constant 0 : i32
      %dma_wait3A_34 = tpu.memref_slice %arg7[%dma_wait3A_33] : memref<10112xf32, #tpu.memory_space<vmem_shared>> -> memref<10112xf32, #tpu.memory_space<vmem_shared>>
      tpu.wait_indirect_dma semaphore(%run_scoped3A : memref<!tpu.dma_semaphore, #tpu.memory_space<semaphore_mem>>) src(%dma_wait3A_30 : memref<16xf32, #tpu.memory_space<vmem>>) dst(%dma_wait3A_34 : memref<10112xf32, #tpu.memory_space<vmem_shared>>)
      tpu.yield
    }) : () -> ()
    %barrier3A_21 = arith.constant 0 : index
    tpu.barrier barrier_id(%barrier3A_21)
    "tpu.region"() ({
      %run_scoped3A = tpu.sem_alloc : memref<!tpu.dma_semaphore, #tpu.memory_space<semaphore_mem>>
      %dma_start3A = arith.constant 0 : i32
      %dma_start3A_25 = tpu.memref_slice %arg6[%dma_start3A] : memref<640xf32, #tpu.memory_space<vmem>> -> memref<632xf32, #tpu.memory_space<vmem>>
      %dma_start3A_26 = tpu.memref_slice %arg7[%mul3A_4] : memref<10112xf32, #tpu.memory_space<vmem_shared>> -> memref<632xf32, #tpu.memory_space<vmem_shared>>
      %dma_start3A_27 = arith.constant 0 : i32
      %dma_start3A_28 = tpu.memref_slice %arg6[%dma_start3A_27] : memref<640xf32, #tpu.memory_space<vmem>> -> memref<632xf32, #tpu.memory_space<vmem>>
      %dma_start3A_29 = tpu.memref_slice %arg7[%mul3A_4] : memref<10112xf32, #tpu.memory_space<vmem_shared>> -> memref<632xf32, #tpu.memory_space<vmem_shared>>
      tpu.enqueue_dma source(%dma_start3A_29 : memref<632xf32, #tpu.memory_space<vmem_shared>>) target(%dma_start3A_28 : memref<632xf32, #tpu.memory_space<vmem>>) target_semaphore(%run_scoped3A : memref<!tpu.dma_semaphore, #tpu.memory_space<semaphore_mem>>)
      %dma_wait3A = arith.constant 0 : i32
      %dma_wait3A_30 = tpu.memref_slice %arg6[%dma_wait3A] : memref<640xf32, #tpu.memory_space<vmem>> -> memref<632xf32, #tpu.memory_space<vmem>>
      %dma_wait3A_31 = tpu.memref_slice %arg7[%mul3A_4] : memref<10112xf32, #tpu.memory_space<vmem_shared>> -> memref<632xf32, #tpu.memory_space<vmem_shared>>
      %dma_wait3A_32 = arith.constant 0 : i32
      %dma_wait3A_33 = tpu.memref_slice %arg6[%dma_wait3A_32] : memref<640xf32, #tpu.memory_space<vmem>> -> memref<632xf32, #tpu.memory_space<vmem>>
      %dma_wait3A_34 = tpu.memref_slice %arg7[%mul3A_4] : memref<10112xf32, #tpu.memory_space<vmem_shared>> -> memref<632xf32, #tpu.memory_space<vmem_shared>>
      tpu.wait_dma2 semaphore(%run_scoped3A : memref<!tpu.dma_semaphore, #tpu.memory_space<semaphore_mem>>) src(%dma_wait3A_34 : memref<632xf32, #tpu.memory_space<vmem_shared>>) dst(%dma_wait3A_33 : memref<632xf32, #tpu.memory_space<vmem>>)
      tpu.yield
    }) : () -> ()
    %mul3A_22 = arith.constant 10112 : i32
    %mul3A_23 = arith.muli %arg0, %mul3A_22 : i32
    %add3A_24 = arith.addi %mul3A_23, %mul3A_4 : i32
    "tpu.region"() ({
      %run_scoped3A = tpu.sem_alloc : memref<!tpu.dma_semaphore, #tpu.memory_space<semaphore_mem>>
      %dma_start3A = arith.constant 0 : i32
      %dma_start3A_25 = tpu.memref_slice %arg6[%dma_start3A] : memref<640xf32, #tpu.memory_space<vmem>> -> memref<632xf32, #tpu.memory_space<vmem>>
      %dma_start3A_26 = tpu.memref_slice %arg3[%add3A_24] : memref<20224xf32, #tpu.memory_space<hbm>> -> memref<632xf32, #tpu.memory_space<hbm>>
      %dma_start3A_27 = tpu.memref_slice %arg3[%add3A_24] : memref<20224xf32, #tpu.memory_space<hbm>> -> memref<632xf32, #tpu.memory_space<hbm>>
      %dma_start3A_28 = arith.constant 0 : i32
      %dma_start3A_29 = tpu.memref_slice %arg6[%dma_start3A_28] : memref<640xf32, #tpu.memory_space<vmem>> -> memref<632xf32, #tpu.memory_space<vmem>>
      tpu.enqueue_dma source(%dma_start3A_29 : memref<632xf32, #tpu.memory_space<vmem>>) target(%dma_start3A_27 : memref<632xf32, #tpu.memory_space<hbm>>) target_semaphore(%run_scoped3A : memref<!tpu.dma_semaphore, #tpu.memory_space<semaphore_mem>>)
      %dma_wait3A = arith.constant 0 : i32
      %dma_wait3A_30 = tpu.memref_slice %arg6[%dma_wait3A] : memref<640xf32, #tpu.memory_space<vmem>> -> memref<632xf32, #tpu.memory_space<vmem>>
      %dma_wait3A_31 = tpu.memref_slice %arg3[%add3A_24] : memref<20224xf32, #tpu.memory_space<hbm>> -> memref<632xf32, #tpu.memory_space<hbm>>
      %dma_wait3A_32 = tpu.memref_slice %arg3[%add3A_24] : memref<20224xf32, #tpu.memory_space<hbm>> -> memref<632xf32, #tpu.memory_space<hbm>>
      %dma_wait3A_33 = arith.constant 0 : i32
      %dma_wait3A_34 = tpu.memref_slice %arg6[%dma_wait3A_33] : memref<640xf32, #tpu.memory_space<vmem>> -> memref<632xf32, #tpu.memory_space<vmem>>
      tpu.wait_dma2 semaphore(%run_scoped3A : memref<!tpu.dma_semaphore, #tpu.memory_space<semaphore_mem>>) src(%dma_wait3A_34 : memref<632xf32, #tpu.memory_space<vmem>>) dst(%dma_wait3A_32 : memref<632xf32, #tpu.memory_space<hbm>>)
      tpu.yield
    }) : () -> ()
    return
  }
}

#map = affine_map<(d0, d1) -> (0, 0)>
#map1 = affine_map<(d0, d1) -> (0)>
module attributes {stable_mosaic.version = 14 : i64} {
  func.func @_sc_agg_body(%arg0: i32, %arg1: i32, %arg2: memref<10000x128xf32, #tpu.memory_space<hbm>>, %arg3: memref<320000xi32, #tpu.memory_space<hbm>>, %arg4: memref<320000xi32, #tpu.memory_space<hbm>>, %arg5: memref<20224x128xf32, #tpu.memory_space<hbm>>, %arg6: memref<2048xi32, #tpu.memory_space<vmem>>, %arg7: memref<2048xi32, #tpu.memory_space<vmem>>, %arg8: memref<128x128xf32, #tpu.memory_space<vmem>>, %arg9: memref<128x128xf32, #tpu.memory_space<vmem>>, %arg10: memref<16x128xf32, #tpu.memory_space<vmem>>, %arg11: memref<64x128xf32, #tpu.memory_space<vmem>>, %arg12: memref<10112x128xf32, #tpu.memory_space<vmem_shared>>, %arg13: memref<!tpu.dma_semaphore, #tpu.memory_space<semaphore_mem>>, %arg14: memref<!tpu.dma_semaphore, #tpu.memory_space<semaphore_mem>>) attributes {dimension_semantics = [#tpu.dimension_semantics<core_parallel>, #tpu.dimension_semantics<subcore_parallel>], iteration_bounds = array<i64: 2, 16>, scalar_prefetch = 0 : i64, scratch_operands = 9 : i64, tpu.core_type = #tpu.core_type<sc_vector_subcore>, window_params = [{transform_indices = #map}, {transform_indices = #map1}, {transform_indices = #map1}, {transform_indices = #map}]} {
    %mul3A = arith.constant 2 : i32
    %mul3A_0 = arith.muli %arg1, %mul3A : i32
    %add3A = arith.addi %mul3A_0, %arg0 : i32
    %mul3A_1 = arith.constant 10000 : i32
    %mul3A_2 = arith.muli %add3A, %mul3A_1 : i32
    %mul3A_3 = arith.constant 632 : i32
    %mul3A_4 = arith.muli %arg1, %mul3A_3 : i32
    %scan3A = arith.constant 0 : i32
    %scan3A_5 = arith.constant 0 : i32
    %scan3A_6 = arith.constant 512 : i32
    %scan3A_7 = arith.addi %scan3A_5, %scan3A_6 : i32
    %scan3A_8 = arith.constant 1 : i32
    scf.for %scan3A_142 = %scan3A_5 to %scan3A_7 step %scan3A_8  : i32 {
      %jit3A = arith.constant 8 : i32
      %div3A = arith.divsi %scan3A_142, %jit3A : i32
      %sign3A = arith.constant 0 : i32
      %sign3A_143 = arith.cmpi sgt, %scan3A_142, %sign3A : i32
      %sign3A_144 = arith.extui %sign3A_143 : i1 to i32
      %sign3A_145 = arith.constant 0 : i32
      %sign3A_146 = arith.cmpi slt, %scan3A_142, %sign3A_145 : i32
      %sign3A_147 = arith.extui %sign3A_146 : i1 to i32
      %sign3A_148 = arith.subi %sign3A_144, %sign3A_147 : i32
      %sign3A_149 = arith.constant 0 : i32
      %sign3A_150 = arith.cmpi sgt, %jit3A, %sign3A_149 : i32
      %sign3A_151 = arith.extui %sign3A_150 : i1 to i32
      %sign3A_152 = arith.constant 0 : i32
      %sign3A_153 = arith.cmpi slt, %jit3A, %sign3A_152 : i32
      %sign3A_154 = arith.extui %sign3A_153 : i1 to i32
      %sign3A_155 = arith.subi %sign3A_151, %sign3A_154 : i32
      %ne3A = arith.cmpi ne, %sign3A_148, %sign3A_155 : i32
      %rem3A = arith.remsi %scan3A_142, %jit3A : i32
      %ne3A_156 = arith.constant 0 : i32
      %ne3A_157 = arith.cmpi ne, %rem3A, %ne3A_156 : i32
      %and3A = arith.andi %ne3A, %ne3A_157 : i1
      %sub3A = arith.constant 1 : i32
      %sub3A_158 = arith.subi %div3A, %sub3A : i32
      %select_n3A = arith.select %and3A, %sub3A_158, %div3A : i32
      %jit3A_159 = arith.constant 8 : i32
      %eq3A = arith.constant 0 : i32
      %eq3A_160 = arith.cmpi eq, %jit3A_159, %eq3A : i32
      %jit3A_161 = arith.constant 1 : i32
      %select_n3A_162 = arith.select %eq3A_160, %jit3A_161, %jit3A_159 : i32
      %rem3A_163 = arith.remsi %scan3A_142, %select_n3A_162 : i32
      %ne3A_164 = arith.constant 0 : i32
      %ne3A_165 = arith.cmpi ne, %rem3A_163, %ne3A_164 : i32
      %lt3A = arith.constant 0 : i32
      %lt3A_166 = arith.cmpi slt, %rem3A_163, %lt3A : i32
      %lt3A_167 = arith.constant 0 : i32
      %lt3A_168 = arith.cmpi slt, %select_n3A_162, %lt3A_167 : i32
      %ne3A_169 = arith.xori %lt3A_166, %lt3A_168 : i1
      %and3A_170 = arith.andi %ne3A_169, %ne3A_165 : i1
      %add3A_171 = arith.addi %rem3A_163, %select_n3A_162 : i32
      %select_n3A_172 = arith.select %and3A_170, %add3A_171, %rem3A_163 : i32
      %mul3A_173 = arith.constant 16 : i32
      %mul3A_174 = arith.muli %select_n3A_172, %mul3A_173 : i32
      %broadcast_in_dim3A = arith.constant 0.000000e+00 : f32
      %broadcast_in_dim3A_175 = vector.broadcast %broadcast_in_dim3A : f32 to vector<16xf32>
      %swap3A = arith.index_cast %select_n3A : i32 to index
      %swap3A_176 = arith.index_cast %mul3A_174 : i32 to index
      %swap3A_177 = tpu.vector_load %arg11[%swap3A, %swap3A_176] {strides = array<i32>} : memref<64x128xf32, #tpu.memory_space<vmem>>, vector<1x16xf32>,
      %swap3A_178 = vector.shape_cast %swap3A_177 : vector<1x16xf32> to vector<16xf32>
      %swap3A_179 = vector.shape_cast %broadcast_in_dim3A_175 : vector<16xf32> to vector<1x16xf32>
      tpu.vector_store %arg11[%swap3A, %swap3A_176], %swap3A_179 {strides = array<i32>} : memref<64x128xf32, #tpu.memory_space<vmem>>, vector<1x16xf32>,
    }
    %scan3A_9 = arith.constant 512 : i32
    %scan3A_10 = arith.constant 0 : i32
    %scan3A_11 = arith.constant 9 : i32
    %scan3A_12 = arith.addi %scan3A_10, %scan3A_11 : i32
    %scan3A_13 = arith.constant 1 : i32
    scf.for %scan3A_142 = %scan3A_10 to %scan3A_12 step %scan3A_13  : i32 {
      %mul3A_143 = arith.constant 1 : i32
      %mul3A_144 = arith.muli %scan3A_142, %mul3A_143 : i32
      %add3A_145 = arith.constant 0 : i32
      %add3A_146 = arith.addi %add3A_145, %mul3A_144 : i32
      %mul3A_147 = arith.constant 64 : i32
      %mul3A_148 = arith.muli %add3A_146, %mul3A_147 : i32
      %add3A_149 = arith.addi %mul3A_4, %mul3A_148 : i32
      "tpu.region"() ({
        %run_scoped3A = tpu.sem_alloc : memref<!tpu.dma_semaphore, #tpu.memory_space<semaphore_mem>>
        %dma_start3A_150 = arith.constant 0 : i32
        %dma_start3A_151 = tpu.memref_slice %arg12[%add3A_149, %dma_start3A_150] : memref<10112x128xf32, #tpu.memory_space<vmem_shared>> -> memref<64x128xf32, #tpu.memory_space<vmem_shared>>
        %dma_start3A_152 = arith.constant 0 : i32
        %dma_start3A_153 = tpu.memref_slice %arg12[%add3A_149, %dma_start3A_152] : memref<10112x128xf32, #tpu.memory_space<vmem_shared>> -> memref<64x128xf32, #tpu.memory_space<vmem_shared>>
        tpu.enqueue_dma source(%arg11 : memref<64x128xf32, #tpu.memory_space<vmem>>) target(%dma_start3A_153 : memref<64x128xf32, #tpu.memory_space<vmem_shared>>) target_semaphore(%run_scoped3A : memref<!tpu.dma_semaphore, #tpu.memory_space<semaphore_mem>>)
        %dma_wait3A_154 = arith.constant 0 : i32
        %dma_wait3A_155 = tpu.memref_slice %arg12[%add3A_149, %dma_wait3A_154] : memref<10112x128xf32, #tpu.memory_space<vmem_shared>> -> memref<64x128xf32, #tpu.memory_space<vmem_shared>>
        %dma_wait3A_156 = arith.constant 0 : i32
        %dma_wait3A_157 = tpu.memref_slice %arg12[%add3A_149, %dma_wait3A_156] : memref<10112x128xf32, #tpu.memory_space<vmem_shared>> -> memref<64x128xf32, #tpu.memory_space<vmem_shared>>
        tpu.wait_dma2 semaphore(%run_scoped3A : memref<!tpu.dma_semaphore, #tpu.memory_space<semaphore_mem>>) src(%arg11 : memref<64x128xf32, #tpu.memory_space<vmem>>) dst(%dma_wait3A_157 : memref<64x128xf32, #tpu.memory_space<vmem_shared>>)
        tpu.yield
      }) : () -> ()
    }
    %scan3A_14 = arith.constant 9 : i32
    %add3A_15 = arith.constant 576 : i32
    %add3A_16 = arith.addi %mul3A_4, %add3A_15 : i32
    "tpu.region"() ({
      %run_scoped3A = tpu.sem_alloc : memref<!tpu.dma_semaphore, #tpu.memory_space<semaphore_mem>>
      %dma_start3A_142 = arith.constant 0 : i32
      %dma_start3A_143 = arith.constant 0 : i32
      %dma_start3A_144 = tpu.memref_slice %arg11[%dma_start3A_142, %dma_start3A_143] : memref<64x128xf32, #tpu.memory_space<vmem>> -> memref<56x128xf32, #tpu.memory_space<vmem>>
      %dma_start3A_145 = arith.constant 0 : i32
      %dma_start3A_146 = tpu.memref_slice %arg12[%add3A_16, %dma_start3A_145] : memref<10112x128xf32, #tpu.memory_space<vmem_shared>> -> memref<56x128xf32, #tpu.memory_space<vmem_shared>>
      %dma_start3A_147 = arith.constant 0 : i32
      %dma_start3A_148 = tpu.memref_slice %arg12[%add3A_16, %dma_start3A_147] : memref<10112x128xf32, #tpu.memory_space<vmem_shared>> -> memref<56x128xf32, #tpu.memory_space<vmem_shared>>
      %dma_start3A_149 = arith.constant 0 : i32
      %dma_start3A_150 = arith.constant 0 : i32
      %dma_start3A_151 = tpu.memref_slice %arg11[%dma_start3A_149, %dma_start3A_150] : memref<64x128xf32, #tpu.memory_space<vmem>> -> memref<56x128xf32, #tpu.memory_space<vmem>>
      tpu.enqueue_dma source(%dma_start3A_151 : memref<56x128xf32, #tpu.memory_space<vmem>>) target(%dma_start3A_148 : memref<56x128xf32, #tpu.memory_space<vmem_shared>>) target_semaphore(%run_scoped3A : memref<!tpu.dma_semaphore, #tpu.memory_space<semaphore_mem>>)
      %dma_wait3A_152 = arith.constant 0 : i32
      %dma_wait3A_153 = arith.constant 0 : i32
      %dma_wait3A_154 = tpu.memref_slice %arg11[%dma_wait3A_152, %dma_wait3A_153] : memref<64x128xf32, #tpu.memory_space<vmem>> -> memref<56x128xf32, #tpu.memory_space<vmem>>
      %dma_wait3A_155 = arith.constant 0 : i32
      %dma_wait3A_156 = tpu.memref_slice %arg12[%add3A_16, %dma_wait3A_155] : memref<10112x128xf32, #tpu.memory_space<vmem_shared>> -> memref<56x128xf32, #tpu.memory_space<vmem_shared>>
      %dma_wait3A_157 = arith.constant 0 : i32
      %dma_wait3A_158 = tpu.memref_slice %arg12[%add3A_16, %dma_wait3A_157] : memref<10112x128xf32, #tpu.memory_space<vmem_shared>> -> memref<56x128xf32, #tpu.memory_space<vmem_shared>>
      %dma_wait3A_159 = arith.constant 0 : i32
      %dma_wait3A_160 = arith.constant 0 : i32
      %dma_wait3A_161 = tpu.memref_slice %arg11[%dma_wait3A_159, %dma_wait3A_160] : memref<64x128xf32, #tpu.memory_space<vmem>> -> memref<56x128xf32, #tpu.memory_space<vmem>>
      tpu.wait_dma2 semaphore(%run_scoped3A : memref<!tpu.dma_semaphore, #tpu.memory_space<semaphore_mem>>) src(%dma_wait3A_161 : memref<56x128xf32, #tpu.memory_space<vmem>>) dst(%dma_wait3A_158 : memref<56x128xf32, #tpu.memory_space<vmem_shared>>)
      tpu.yield
    }) : () -> ()
    %barrier3A = arith.constant 0 : index
    tpu.barrier barrier_id(%barrier3A)
    %scan3A_17 = arith.constant 0 : i32
    %scan3A_18 = arith.constant 4 : i32
    %scan3A_19 = arith.addi %scan3A_17, %scan3A_18 : i32
    %scan3A_20 = arith.constant 1 : i32
    scf.for %scan3A_142 = %scan3A_17 to %scan3A_19 step %scan3A_20  : i32 {
      %mul3A_143 = arith.constant 1 : i32
      %mul3A_144 = arith.muli %scan3A_142, %mul3A_143 : i32
      %add3A_145 = arith.constant 0 : i32
      %add3A_146 = arith.addi %add3A_145, %mul3A_144 : i32
      %mul3A_147 = arith.constant 2048 : i32
      %mul3A_148 = arith.muli %add3A_146, %mul3A_147 : i32
      %add3A_149 = arith.addi %mul3A_2, %mul3A_148 : i32
      "tpu.region"() ({
        %run_scoped3A = tpu.sem_alloc : memref<!tpu.dma_semaphore, #tpu.memory_space<semaphore_mem>>
        %dma_start3A_160 = tpu.memref_slice %arg3[%add3A_149] : memref<320000xi32, #tpu.memory_space<hbm>> -> memref<2048xi32, #tpu.memory_space<hbm>>
        %dma_start3A_161 = tpu.memref_slice %arg3[%add3A_149] : memref<320000xi32, #tpu.memory_space<hbm>> -> memref<2048xi32, #tpu.memory_space<hbm>>
        tpu.enqueue_dma source(%dma_start3A_161 : memref<2048xi32, #tpu.memory_space<hbm>>) target(%arg6 : memref<2048xi32, #tpu.memory_space<vmem>>) target_semaphore(%run_scoped3A : memref<!tpu.dma_semaphore, #tpu.memory_space<semaphore_mem>>)
        %dma_wait3A_162 = tpu.memref_slice %arg3[%add3A_149] : memref<320000xi32, #tpu.memory_space<hbm>> -> memref<2048xi32, #tpu.memory_space<hbm>>
        %dma_wait3A_163 = tpu.memref_slice %arg3[%add3A_149] : memref<320000xi32, #tpu.memory_space<hbm>> -> memref<2048xi32, #tpu.memory_space<hbm>>
        tpu.wait_dma2 semaphore(%run_scoped3A : memref<!tpu.dma_semaphore, #tpu.memory_space<semaphore_mem>>) src(%dma_wait3A_163 : memref<2048xi32, #tpu.memory_space<hbm>>) dst(%arg6 : memref<2048xi32, #tpu.memory_space<vmem>>)
        tpu.yield
      }) : () -> ()
      "tpu.region"() ({
        %run_scoped3A = tpu.sem_alloc : memref<!tpu.dma_semaphore, #tpu.memory_space<semaphore_mem>>
        %dma_start3A_160 = tpu.memref_slice %arg4[%add3A_149] : memref<320000xi32, #tpu.memory_space<hbm>> -> memref<2048xi32, #tpu.memory_space<hbm>>
        %dma_start3A_161 = tpu.memref_slice %arg4[%add3A_149] : memref<320000xi32, #tpu.memory_space<hbm>> -> memref<2048xi32, #tpu.memory_space<hbm>>
        tpu.enqueue_dma source(%dma_start3A_161 : memref<2048xi32, #tpu.memory_space<hbm>>) target(%arg7 : memref<2048xi32, #tpu.memory_space<vmem>>) target_semaphore(%run_scoped3A : memref<!tpu.dma_semaphore, #tpu.memory_space<semaphore_mem>>)
        %dma_wait3A_162 = tpu.memref_slice %arg4[%add3A_149] : memref<320000xi32, #tpu.memory_space<hbm>> -> memref<2048xi32, #tpu.memory_space<hbm>>
        %dma_wait3A_163 = tpu.memref_slice %arg4[%add3A_149] : memref<320000xi32, #tpu.memory_space<hbm>> -> memref<2048xi32, #tpu.memory_space<hbm>>
        tpu.wait_dma2 semaphore(%run_scoped3A : memref<!tpu.dma_semaphore, #tpu.memory_space<semaphore_mem>>) src(%dma_wait3A_163 : memref<2048xi32, #tpu.memory_space<hbm>>) dst(%arg7 : memref<2048xi32, #tpu.memory_space<vmem>>)
        tpu.yield
      }) : () -> ()
      %dma_start3A_150 = arith.constant 0 : i32
      %dma_start3A_151 = tpu.memref_slice %arg6[%dma_start3A_150] : memref<2048xi32, #tpu.memory_space<vmem>> -> memref<128xi32, #tpu.memory_space<vmem>>
      %dma_start3A_152 = arith.constant 0 : i32
      %dma_start3A_153 = arith.constant 0 : i32
      %dma_start3A_154 = tpu.memref_slice %arg2[%dma_start3A_152, %dma_start3A_153] : memref<10000x128xf32, #tpu.memory_space<hbm>> -> memref<10000x128xf32, #tpu.memory_space<hbm>>
      tpu.enqueue_indirect_dma source(%dma_start3A_154 : memref<10000x128xf32, #tpu.memory_space<hbm>>) target(%arg8 : memref<128x128xf32, #tpu.memory_space<vmem>>) offsets(%dma_start3A_151 : memref<128xi32, #tpu.memory_space<vmem>>) semaphore(%arg13 : memref<!tpu.dma_semaphore, #tpu.memory_space<semaphore_mem>>)
      %scan3A_155 = arith.constant 0 : i32
      %scan3A_156 = arith.constant 8 : i32
      %scan3A_157 = arith.addi %scan3A_155, %scan3A_156 : i32
      %scan3A_158 = arith.constant 1 : i32
      scf.for %scan3A_160 = %scan3A_155 to %scan3A_157 step %scan3A_158  : i32 {
        %mul3A_161 = arith.constant 2 : i32
        %mul3A_162 = arith.muli %scan3A_160, %mul3A_161 : i32
        %add3A_163 = arith.constant 0 : i32
        %add3A_164 = arith.addi %add3A_163, %mul3A_162 : i32
        %add3A_165 = arith.constant 0 : i32
        %add3A_166 = arith.addi %add3A_164, %add3A_165 : i32
        %add3A_167 = arith.constant 1 : i32
        %add3A_168 = arith.addi %add3A_166, %add3A_167 : i32
        %lt3A = arith.constant 16 : i32
        %lt3A_169 = arith.cmpi slt, %add3A_168, %lt3A : i32
        %convert_element_type3A = arith.extui %lt3A_169 : i1 to i32
        %cond3A = arith.constant 0 : i32
        %cond3A_170 = arith.cmpi ne, %convert_element_type3A, %cond3A : i32
        scf.if %cond3A_170 {
          %mul3A_196 = arith.constant 128 : i32
          %mul3A_197 = arith.muli %add3A_168, %mul3A_196 : i32
          %dma_start3A_198 = tpu.memref_slice %arg6[%mul3A_197] : memref<2048xi32, #tpu.memory_space<vmem>> -> memref<128xi32, #tpu.memory_space<vmem>>
          %dma_start3A_199 = arith.constant 0 : i32
          %dma_start3A_200 = arith.constant 0 : i32
          %dma_start3A_201 = tpu.memref_slice %arg2[%dma_start3A_199, %dma_start3A_200] : memref<10000x128xf32, #tpu.memory_space<hbm>> -> memref<10000x128xf32, #tpu.memory_space<hbm>>
          tpu.enqueue_indirect_dma source(%dma_start3A_201 : memref<10000x128xf32, #tpu.memory_space<hbm>>) target(%arg9 : memref<128x128xf32, #tpu.memory_space<vmem>>) offsets(%dma_start3A_198 : memref<128xi32, #tpu.memory_space<vmem>>) semaphore(%arg14 : memref<!tpu.dma_semaphore, #tpu.memory_space<semaphore_mem>>)
        } else {
        }
        %mul3A_171 = arith.constant 128 : i32
        %mul3A_172 = arith.muli %add3A_166, %mul3A_171 : i32
        %dma_wait3A_173 = tpu.memref_slice %arg6[%mul3A_172] : memref<2048xi32, #tpu.memory_space<vmem>> -> memref<128xi32, #tpu.memory_space<vmem>>
        %dma_wait3A_174 = arith.constant 0 : i32
        %dma_wait3A_175 = arith.constant 0 : i32
        %dma_wait3A_176 = tpu.memref_slice %arg2[%dma_wait3A_174, %dma_wait3A_175] : memref<10000x128xf32, #tpu.memory_space<hbm>> -> memref<10000x128xf32, #tpu.memory_space<hbm>>
        tpu.wait_indirect_dma semaphore(%arg13 : memref<!tpu.dma_semaphore, #tpu.memory_space<semaphore_mem>>) src(%dma_wait3A_176 : memref<10000x128xf32, #tpu.memory_space<hbm>>) dst(%arg8 : memref<128x128xf32, #tpu.memory_space<vmem>>)
        %mul3A_177 = arith.constant 128 : i32
        %mul3A_178 = arith.muli %add3A_166, %mul3A_177 : i32
        "tpu.region"() ({
          %run_scoped3A = tpu.sem_alloc : memref<!tpu.dma_semaphore, #tpu.memory_space<semaphore_mem>>
          %dma_start3A_196 = tpu.memref_slice %arg7[%mul3A_178] : memref<2048xi32, #tpu.memory_space<vmem>> -> memref<128xi32, #tpu.memory_space<vmem>>
          %dma_start3A_197 = arith.constant 0 : i32
          %dma_start3A_198 = arith.constant 0 : i32
          %dma_start3A_199 = tpu.memref_slice %arg12[%dma_start3A_197, %dma_start3A_198] : memref<10112x128xf32, #tpu.memory_space<vmem_shared>> -> memref<10112x128xf32, #tpu.memory_space<vmem_shared>>
          tpu.enqueue_indirect_dma source(%arg8 : memref<128x128xf32, #tpu.memory_space<vmem>>) target(%dma_start3A_199 : memref<10112x128xf32, #tpu.memory_space<vmem_shared>>) offsets(%dma_start3A_196 : memref<128xi32, #tpu.memory_space<vmem>>) semaphore(%run_scoped3A : memref<!tpu.dma_semaphore, #tpu.memory_space<semaphore_mem>>) {add = true}
          %dma_wait3A_200 = tpu.memref_slice %arg7[%mul3A_178] : memref<2048xi32, #tpu.memory_space<vmem>> -> memref<128xi32, #tpu.memory_space<vmem>>
          %dma_wait3A_201 = arith.constant 0 : i32
          %dma_wait3A_202 = arith.constant 0 : i32
          %dma_wait3A_203 = tpu.memref_slice %arg12[%dma_wait3A_201, %dma_wait3A_202] : memref<10112x128xf32, #tpu.memory_space<vmem_shared>> -> memref<10112x128xf32, #tpu.memory_space<vmem_shared>>
          tpu.wait_indirect_dma semaphore(%run_scoped3A : memref<!tpu.dma_semaphore, #tpu.memory_space<semaphore_mem>>) src(%arg8 : memref<128x128xf32, #tpu.memory_space<vmem>>) dst(%dma_wait3A_203 : memref<10112x128xf32, #tpu.memory_space<vmem_shared>>)
          tpu.yield
        }) : () -> ()
        %add3A_179 = arith.constant 1 : i32
        %add3A_180 = arith.addi %add3A_164, %add3A_179 : i32
        %add3A_181 = arith.constant 1 : i32
        %add3A_182 = arith.addi %add3A_180, %add3A_181 : i32
        %lt3A_183 = arith.constant 16 : i32
        %lt3A_184 = arith.cmpi slt, %add3A_182, %lt3A_183 : i32
        %convert_element_type3A_185 = arith.extui %lt3A_184 : i1 to i32
        %cond3A_186 = arith.constant 0 : i32
        %cond3A_187 = arith.cmpi ne, %convert_element_type3A_185, %cond3A_186 : i32
        scf.if %cond3A_187 {
          %mul3A_196 = arith.constant 128 : i32
          %mul3A_197 = arith.muli %add3A_182, %mul3A_196 : i32
          %dma_start3A_198 = tpu.memref_slice %arg6[%mul3A_197] : memref<2048xi32, #tpu.memory_space<vmem>> -> memref<128xi32, #tpu.memory_space<vmem>>
          %dma_start3A_199 = arith.constant 0 : i32
          %dma_start3A_200 = arith.constant 0 : i32
          %dma_start3A_201 = tpu.memref_slice %arg2[%dma_start3A_199, %dma_start3A_200] : memref<10000x128xf32, #tpu.memory_space<hbm>> -> memref<10000x128xf32, #tpu.memory_space<hbm>>
          tpu.enqueue_indirect_dma source(%dma_start3A_201 : memref<10000x128xf32, #tpu.memory_space<hbm>>) target(%arg8 : memref<128x128xf32, #tpu.memory_space<vmem>>) offsets(%dma_start3A_198 : memref<128xi32, #tpu.memory_space<vmem>>) semaphore(%arg13 : memref<!tpu.dma_semaphore, #tpu.memory_space<semaphore_mem>>)
        } else {
        }
        %mul3A_188 = arith.constant 128 : i32
        %mul3A_189 = arith.muli %add3A_180, %mul3A_188 : i32
        %dma_wait3A_190 = tpu.memref_slice %arg6[%mul3A_189] : memref<2048xi32, #tpu.memory_space<vmem>> -> memref<128xi32, #tpu.memory_space<vmem>>
        %dma_wait3A_191 = arith.constant 0 : i32
        %dma_wait3A_192 = arith.constant 0 : i32
        %dma_wait3A_193 = tpu.memref_slice %arg2[%dma_wait3A_191, %dma_wait3A_192] : memref<10000x128xf32, #tpu.memory_space<hbm>> -> memref<10000x128xf32, #tpu.memory_space<hbm>>
        tpu.wait_indirect_dma semaphore(%arg14 : memref<!tpu.dma_semaphore, #tpu.memory_space<semaphore_mem>>) src(%dma_wait3A_193 : memref<10000x128xf32, #tpu.memory_space<hbm>>) dst(%arg9 : memref<128x128xf32, #tpu.memory_space<vmem>>)
        %mul3A_194 = arith.constant 128 : i32
        %mul3A_195 = arith.muli %add3A_180, %mul3A_194 : i32
        "tpu.region"() ({
          %run_scoped3A = tpu.sem_alloc : memref<!tpu.dma_semaphore, #tpu.memory_space<semaphore_mem>>
          %dma_start3A_196 = tpu.memref_slice %arg7[%mul3A_195] : memref<2048xi32, #tpu.memory_space<vmem>> -> memref<128xi32, #tpu.memory_space<vmem>>
          %dma_start3A_197 = arith.constant 0 : i32
          %dma_start3A_198 = arith.constant 0 : i32
          %dma_start3A_199 = tpu.memref_slice %arg12[%dma_start3A_197, %dma_start3A_198] : memref<10112x128xf32, #tpu.memory_space<vmem_shared>> -> memref<10112x128xf32, #tpu.memory_space<vmem_shared>>
          tpu.enqueue_indirect_dma source(%arg9 : memref<128x128xf32, #tpu.memory_space<vmem>>) target(%dma_start3A_199 : memref<10112x128xf32, #tpu.memory_space<vmem_shared>>) offsets(%dma_start3A_196 : memref<128xi32, #tpu.memory_space<vmem>>) semaphore(%run_scoped3A : memref<!tpu.dma_semaphore, #tpu.memory_space<semaphore_mem>>) {add = true}
          %dma_wait3A_200 = tpu.memref_slice %arg7[%mul3A_195] : memref<2048xi32, #tpu.memory_space<vmem>> -> memref<128xi32, #tpu.memory_space<vmem>>
          %dma_wait3A_201 = arith.constant 0 : i32
          %dma_wait3A_202 = arith.constant 0 : i32
          %dma_wait3A_203 = tpu.memref_slice %arg12[%dma_wait3A_201, %dma_wait3A_202] : memref<10112x128xf32, #tpu.memory_space<vmem_shared>> -> memref<10112x128xf32, #tpu.memory_space<vmem_shared>>
          tpu.wait_indirect_dma semaphore(%run_scoped3A : memref<!tpu.dma_semaphore, #tpu.memory_space<semaphore_mem>>) src(%arg9 : memref<128x128xf32, #tpu.memory_space<vmem>>) dst(%dma_wait3A_203 : memref<10112x128xf32, #tpu.memory_space<vmem_shared>>)
          tpu.yield
        }) : () -> ()
      }
      %scan3A_159 = arith.constant 8 : i32
    }
    %scan3A_21 = arith.constant 4 : i32
    %add3A_22 = arith.constant 8192 : i32
    %add3A_23 = arith.addi %mul3A_2, %add3A_22 : i32
    "tpu.region"() ({
      %run_scoped3A = tpu.sem_alloc : memref<!tpu.dma_semaphore, #tpu.memory_space<semaphore_mem>>
      %dma_start3A_142 = arith.constant 0 : i32
      %dma_start3A_143 = tpu.memref_slice %arg6[%dma_start3A_142] : memref<2048xi32, #tpu.memory_space<vmem>> -> memref<1808xi32, #tpu.memory_space<vmem>>
      %dma_start3A_144 = tpu.memref_slice %arg3[%add3A_23] : memref<320000xi32, #tpu.memory_space<hbm>> -> memref<1808xi32, #tpu.memory_space<hbm>>
      %dma_start3A_145 = arith.constant 0 : i32
      %dma_start3A_146 = tpu.memref_slice %arg6[%dma_start3A_145] : memref<2048xi32, #tpu.memory_space<vmem>> -> memref<1808xi32, #tpu.memory_space<vmem>>
      %dma_start3A_147 = tpu.memref_slice %arg3[%add3A_23] : memref<320000xi32, #tpu.memory_space<hbm>> -> memref<1808xi32, #tpu.memory_space<hbm>>
      tpu.enqueue_dma source(%dma_start3A_147 : memref<1808xi32, #tpu.memory_space<hbm>>) target(%dma_start3A_146 : memref<1808xi32, #tpu.memory_space<vmem>>) target_semaphore(%run_scoped3A : memref<!tpu.dma_semaphore, #tpu.memory_space<semaphore_mem>>)
      %dma_wait3A_148 = arith.constant 0 : i32
      %dma_wait3A_149 = tpu.memref_slice %arg6[%dma_wait3A_148] : memref<2048xi32, #tpu.memory_space<vmem>> -> memref<1808xi32, #tpu.memory_space<vmem>>
      %dma_wait3A_150 = tpu.memref_slice %arg3[%add3A_23] : memref<320000xi32, #tpu.memory_space<hbm>> -> memref<1808xi32, #tpu.memory_space<hbm>>
      %dma_wait3A_151 = arith.constant 0 : i32
      %dma_wait3A_152 = tpu.memref_slice %arg6[%dma_wait3A_151] : memref<2048xi32, #tpu.memory_space<vmem>> -> memref<1808xi32, #tpu.memory_space<vmem>>
      %dma_wait3A_153 = tpu.memref_slice %arg3[%add3A_23] : memref<320000xi32, #tpu.memory_space<hbm>> -> memref<1808xi32, #tpu.memory_space<hbm>>
      tpu.wait_dma2 semaphore(%run_scoped3A : memref<!tpu.dma_semaphore, #tpu.memory_space<semaphore_mem>>) src(%dma_wait3A_153 : memref<1808xi32, #tpu.memory_space<hbm>>) dst(%dma_wait3A_152 : memref<1808xi32, #tpu.memory_space<vmem>>)
      tpu.yield
    }) : () -> ()
    "tpu.region"() ({
      %run_scoped3A = tpu.sem_alloc : memref<!tpu.dma_semaphore, #tpu.memory_space<semaphore_mem>>
      %dma_start3A_142 = arith.constant 0 : i32
      %dma_start3A_143 = tpu.memref_slice %arg7[%dma_start3A_142] : memref<2048xi32, #tpu.memory_space<vmem>> -> memref<1808xi32, #tpu.memory_space<vmem>>
      %dma_start3A_144 = tpu.memref_slice %arg4[%add3A_23] : memref<320000xi32, #tpu.memory_space<hbm>> -> memref<1808xi32, #tpu.memory_space<hbm>>
      %dma_start3A_145 = arith.constant 0 : i32
      %dma_start3A_146 = tpu.memref_slice %arg7[%dma_start3A_145] : memref<2048xi32, #tpu.memory_space<vmem>> -> memref<1808xi32, #tpu.memory_space<vmem>>
      %dma_start3A_147 = tpu.memref_slice %arg4[%add3A_23] : memref<320000xi32, #tpu.memory_space<hbm>> -> memref<1808xi32, #tpu.memory_space<hbm>>
      tpu.enqueue_dma source(%dma_start3A_147 : memref<1808xi32, #tpu.memory_space<hbm>>) target(%dma_start3A_146 : memref<1808xi32, #tpu.memory_space<vmem>>) target_semaphore(%run_scoped3A : memref<!tpu.dma_semaphore, #tpu.memory_space<semaphore_mem>>)
      %dma_wait3A_148 = arith.constant 0 : i32
      %dma_wait3A_149 = tpu.memref_slice %arg7[%dma_wait3A_148] : memref<2048xi32, #tpu.memory_space<vmem>> -> memref<1808xi32, #tpu.memory_space<vmem>>
      %dma_wait3A_150 = tpu.memref_slice %arg4[%add3A_23] : memref<320000xi32, #tpu.memory_space<hbm>> -> memref<1808xi32, #tpu.memory_space<hbm>>
      %dma_wait3A_151 = arith.constant 0 : i32
      %dma_wait3A_152 = tpu.memref_slice %arg7[%dma_wait3A_151] : memref<2048xi32, #tpu.memory_space<vmem>> -> memref<1808xi32, #tpu.memory_space<vmem>>
      %dma_wait3A_153 = tpu.memref_slice %arg4[%add3A_23] : memref<320000xi32, #tpu.memory_space<hbm>> -> memref<1808xi32, #tpu.memory_space<hbm>>
      tpu.wait_dma2 semaphore(%run_scoped3A : memref<!tpu.dma_semaphore, #tpu.memory_space<semaphore_mem>>) src(%dma_wait3A_153 : memref<1808xi32, #tpu.memory_space<hbm>>) dst(%dma_wait3A_152 : memref<1808xi32, #tpu.memory_space<vmem>>)
      tpu.yield
    }) : () -> ()
    %dma_start3A = arith.constant 0 : i32
    %dma_start3A_24 = tpu.memref_slice %arg6[%dma_start3A] : memref<2048xi32, #tpu.memory_space<vmem>> -> memref<128xi32, #tpu.memory_space<vmem>>
    %dma_start3A_25 = arith.constant 0 : i32
    %dma_start3A_26 = arith.constant 0 : i32
    %dma_start3A_27 = tpu.memref_slice %arg2[%dma_start3A_25, %dma_start3A_26] : memref<10000x128xf32, #tpu.memory_space<hbm>> -> memref<10000x128xf32, #tpu.memory_space<hbm>>
    tpu.enqueue_indirect_dma source(%dma_start3A_27 : memref<10000x128xf32, #tpu.memory_space<hbm>>) target(%arg8 : memref<128x128xf32, #tpu.memory_space<vmem>>) offsets(%dma_start3A_24 : memref<128xi32, #tpu.memory_space<vmem>>) semaphore(%arg13 : memref<!tpu.dma_semaphore, #tpu.memory_space<semaphore_mem>>)
    %scan3A_28 = arith.constant 0 : i32
    %scan3A_29 = arith.constant 7 : i32
    %scan3A_30 = arith.addi %scan3A_28, %scan3A_29 : i32
    %scan3A_31 = arith.constant 1 : i32
    scf.for %scan3A_142 = %scan3A_28 to %scan3A_30 step %scan3A_31  : i32 {
      %mul3A_143 = arith.constant 2 : i32
      %mul3A_144 = arith.muli %scan3A_142, %mul3A_143 : i32
      %add3A_145 = arith.constant 0 : i32
      %add3A_146 = arith.addi %add3A_145, %mul3A_144 : i32
      %add3A_147 = arith.constant 0 : i32
      %add3A_148 = arith.addi %add3A_146, %add3A_147 : i32
      %add3A_149 = arith.constant 1 : i32
      %add3A_150 = arith.addi %add3A_148, %add3A_149 : i32
      %lt3A = arith.constant 14 : i32
      %lt3A_151 = arith.cmpi slt, %add3A_150, %lt3A : i32
      %convert_element_type3A = arith.extui %lt3A_151 : i1 to i32
      %cond3A = arith.constant 0 : i32
      %cond3A_152 = arith.cmpi ne, %convert_element_type3A, %cond3A : i32
      scf.if %cond3A_152 {
        %mul3A_178 = arith.constant 128 : i32
        %mul3A_179 = arith.muli %add3A_150, %mul3A_178 : i32
        %dma_start3A_180 = tpu.memref_slice %arg6[%mul3A_179] : memref<2048xi32, #tpu.memory_space<vmem>> -> memref<128xi32, #tpu.memory_space<vmem>>
        %dma_start3A_181 = arith.constant 0 : i32
        %dma_start3A_182 = arith.constant 0 : i32
        %dma_start3A_183 = tpu.memref_slice %arg2[%dma_start3A_181, %dma_start3A_182] : memref<10000x128xf32, #tpu.memory_space<hbm>> -> memref<10000x128xf32, #tpu.memory_space<hbm>>
        tpu.enqueue_indirect_dma source(%dma_start3A_183 : memref<10000x128xf32, #tpu.memory_space<hbm>>) target(%arg9 : memref<128x128xf32, #tpu.memory_space<vmem>>) offsets(%dma_start3A_180 : memref<128xi32, #tpu.memory_space<vmem>>) semaphore(%arg14 : memref<!tpu.dma_semaphore, #tpu.memory_space<semaphore_mem>>)
      } else {
      }
      %mul3A_153 = arith.constant 128 : i32
      %mul3A_154 = arith.muli %add3A_148, %mul3A_153 : i32
      %dma_wait3A_155 = tpu.memref_slice %arg6[%mul3A_154] : memref<2048xi32, #tpu.memory_space<vmem>> -> memref<128xi32, #tpu.memory_space<vmem>>
      %dma_wait3A_156 = arith.constant 0 : i32
      %dma_wait3A_157 = arith.constant 0 : i32
      %dma_wait3A_158 = tpu.memref_slice %arg2[%dma_wait3A_156, %dma_wait3A_157] : memref<10000x128xf32, #tpu.memory_space<hbm>> -> memref<10000x128xf32, #tpu.memory_space<hbm>>
      tpu.wait_indirect_dma semaphore(%arg13 : memref<!tpu.dma_semaphore, #tpu.memory_space<semaphore_mem>>) src(%dma_wait3A_158 : memref<10000x128xf32, #tpu.memory_space<hbm>>) dst(%arg8 : memref<128x128xf32, #tpu.memory_space<vmem>>)
      %mul3A_159 = arith.constant 128 : i32
      %mul3A_160 = arith.muli %add3A_148, %mul3A_159 : i32
      "tpu.region"() ({
        %run_scoped3A = tpu.sem_alloc : memref<!tpu.dma_semaphore, #tpu.memory_space<semaphore_mem>>
        %dma_start3A_178 = tpu.memref_slice %arg7[%mul3A_160] : memref<2048xi32, #tpu.memory_space<vmem>> -> memref<128xi32, #tpu.memory_space<vmem>>
        %dma_start3A_179 = arith.constant 0 : i32
        %dma_start3A_180 = arith.constant 0 : i32
        %dma_start3A_181 = tpu.memref_slice %arg12[%dma_start3A_179, %dma_start3A_180] : memref<10112x128xf32, #tpu.memory_space<vmem_shared>> -> memref<10112x128xf32, #tpu.memory_space<vmem_shared>>
        tpu.enqueue_indirect_dma source(%arg8 : memref<128x128xf32, #tpu.memory_space<vmem>>) target(%dma_start3A_181 : memref<10112x128xf32, #tpu.memory_space<vmem_shared>>) offsets(%dma_start3A_178 : memref<128xi32, #tpu.memory_space<vmem>>) semaphore(%run_scoped3A : memref<!tpu.dma_semaphore, #tpu.memory_space<semaphore_mem>>) {add = true}
        %dma_wait3A_182 = tpu.memref_slice %arg7[%mul3A_160] : memref<2048xi32, #tpu.memory_space<vmem>> -> memref<128xi32, #tpu.memory_space<vmem>>
        %dma_wait3A_183 = arith.constant 0 : i32
        %dma_wait3A_184 = arith.constant 0 : i32
        %dma_wait3A_185 = tpu.memref_slice %arg12[%dma_wait3A_183, %dma_wait3A_184] : memref<10112x128xf32, #tpu.memory_space<vmem_shared>> -> memref<10112x128xf32, #tpu.memory_space<vmem_shared>>
        tpu.wait_indirect_dma semaphore(%run_scoped3A : memref<!tpu.dma_semaphore, #tpu.memory_space<semaphore_mem>>) src(%arg8 : memref<128x128xf32, #tpu.memory_space<vmem>>) dst(%dma_wait3A_185 : memref<10112x128xf32, #tpu.memory_space<vmem_shared>>)
        tpu.yield
      }) : () -> ()
      %add3A_161 = arith.constant 1 : i32
      %add3A_162 = arith.addi %add3A_146, %add3A_161 : i32
      %add3A_163 = arith.constant 1 : i32
      %add3A_164 = arith.addi %add3A_162, %add3A_163 : i32
      %lt3A_165 = arith.constant 14 : i32
      %lt3A_166 = arith.cmpi slt, %add3A_164, %lt3A_165 : i32
      %convert_element_type3A_167 = arith.extui %lt3A_166 : i1 to i32
      %cond3A_168 = arith.constant 0 : i32
      %cond3A_169 = arith.cmpi ne, %convert_element_type3A_167, %cond3A_168 : i32
      scf.if %cond3A_169 {
        %mul3A_178 = arith.constant 128 : i32
        %mul3A_179 = arith.muli %add3A_164, %mul3A_178 : i32
        %dma_start3A_180 = tpu.memref_slice %arg6[%mul3A_179] : memref<2048xi32, #tpu.memory_space<vmem>> -> memref<128xi32, #tpu.memory_space<vmem>>
        %dma_start3A_181 = arith.constant 0 : i32
        %dma_start3A_182 = arith.constant 0 : i32
        %dma_start3A_183 = tpu.memref_slice %arg2[%dma_start3A_181, %dma_start3A_182] : memref<10000x128xf32, #tpu.memory_space<hbm>> -> memref<10000x128xf32, #tpu.memory_space<hbm>>
        tpu.enqueue_indirect_dma source(%dma_start3A_183 : memref<10000x128xf32, #tpu.memory_space<hbm>>) target(%arg8 : memref<128x128xf32, #tpu.memory_space<vmem>>) offsets(%dma_start3A_180 : memref<128xi32, #tpu.memory_space<vmem>>) semaphore(%arg13 : memref<!tpu.dma_semaphore, #tpu.memory_space<semaphore_mem>>)
      } else {
      }
      %mul3A_170 = arith.constant 128 : i32
      %mul3A_171 = arith.muli %add3A_162, %mul3A_170 : i32
      %dma_wait3A_172 = tpu.memref_slice %arg6[%mul3A_171] : memref<2048xi32, #tpu.memory_space<vmem>> -> memref<128xi32, #tpu.memory_space<vmem>>
      %dma_wait3A_173 = arith.constant 0 : i32
      %dma_wait3A_174 = arith.constant 0 : i32
      %dma_wait3A_175 = tpu.memref_slice %arg2[%dma_wait3A_173, %dma_wait3A_174] : memref<10000x128xf32, #tpu.memory_space<hbm>> -> memref<10000x128xf32, #tpu.memory_space<hbm>>
      tpu.wait_indirect_dma semaphore(%arg14 : memref<!tpu.dma_semaphore, #tpu.memory_space<semaphore_mem>>) src(%dma_wait3A_175 : memref<10000x128xf32, #tpu.memory_space<hbm>>) dst(%arg9 : memref<128x128xf32, #tpu.memory_space<vmem>>)
      %mul3A_176 = arith.constant 128 : i32
      %mul3A_177 = arith.muli %add3A_162, %mul3A_176 : i32
      "tpu.region"() ({
        %run_scoped3A = tpu.sem_alloc : memref<!tpu.dma_semaphore, #tpu.memory_space<semaphore_mem>>
        %dma_start3A_178 = tpu.memref_slice %arg7[%mul3A_177] : memref<2048xi32, #tpu.memory_space<vmem>> -> memref<128xi32, #tpu.memory_space<vmem>>
        %dma_start3A_179 = arith.constant 0 : i32
        %dma_start3A_180 = arith.constant 0 : i32
        %dma_start3A_181 = tpu.memref_slice %arg12[%dma_start3A_179, %dma_start3A_180] : memref<10112x128xf32, #tpu.memory_space<vmem_shared>> -> memref<10112x128xf32, #tpu.memory_space<vmem_shared>>
        tpu.enqueue_indirect_dma source(%arg9 : memref<128x128xf32, #tpu.memory_space<vmem>>) target(%dma_start3A_181 : memref<10112x128xf32, #tpu.memory_space<vmem_shared>>) offsets(%dma_start3A_178 : memref<128xi32, #tpu.memory_space<vmem>>) semaphore(%run_scoped3A : memref<!tpu.dma_semaphore, #tpu.memory_space<semaphore_mem>>) {add = true}
        %dma_wait3A_182 = tpu.memref_slice %arg7[%mul3A_177] : memref<2048xi32, #tpu.memory_space<vmem>> -> memref<128xi32, #tpu.memory_space<vmem>>
        %dma_wait3A_183 = arith.constant 0 : i32
        %dma_wait3A_184 = arith.constant 0 : i32
        %dma_wait3A_185 = tpu.memref_slice %arg12[%dma_wait3A_183, %dma_wait3A_184] : memref<10112x128xf32, #tpu.memory_space<vmem_shared>> -> memref<10112x128xf32, #tpu.memory_space<vmem_shared>>
        tpu.wait_indirect_dma semaphore(%run_scoped3A : memref<!tpu.dma_semaphore, #tpu.memory_space<semaphore_mem>>) src(%arg9 : memref<128x128xf32, #tpu.memory_space<vmem>>) dst(%dma_wait3A_185 : memref<10112x128xf32, #tpu.memory_space<vmem_shared>>)
        tpu.yield
      }) : () -> ()
    }
    %scan3A_32 = arith.constant 7 : i32
    %dma_start3A_33 = arith.constant 1792 : i32
    %dma_start3A_34 = tpu.memref_slice %arg6[%dma_start3A_33] : memref<2048xi32, #tpu.memory_space<vmem>> -> memref<16xi32, #tpu.memory_space<vmem>>
    %dma_start3A_35 = arith.constant 0 : i32
    %dma_start3A_36 = arith.constant 0 : i32
    %dma_start3A_37 = tpu.memref_slice %arg2[%dma_start3A_35, %dma_start3A_36] : memref<10000x128xf32, #tpu.memory_space<hbm>> -> memref<10000x128xf32, #tpu.memory_space<hbm>>
    tpu.enqueue_indirect_dma source(%dma_start3A_37 : memref<10000x128xf32, #tpu.memory_space<hbm>>) target(%arg10 : memref<16x128xf32, #tpu.memory_space<vmem>>) offsets(%dma_start3A_34 : memref<16xi32, #tpu.memory_space<vmem>>) semaphore(%arg13 : memref<!tpu.dma_semaphore, #tpu.memory_space<semaphore_mem>>)
    %dma_wait3A = arith.constant 1792 : i32
    %dma_wait3A_38 = tpu.memref_slice %arg6[%dma_wait3A] : memref<2048xi32, #tpu.memory_space<vmem>> -> memref<16xi32, #tpu.memory_space<vmem>>
    %dma_wait3A_39 = arith.constant 0 : i32
    %dma_wait3A_40 = arith.constant 0 : i32
    %dma_wait3A_41 = tpu.memref_slice %arg2[%dma_wait3A_39, %dma_wait3A_40] : memref<10000x128xf32, #tpu.memory_space<hbm>> -> memref<10000x128xf32, #tpu.memory_space<hbm>>
    tpu.wait_indirect_dma semaphore(%arg13 : memref<!tpu.dma_semaphore, #tpu.memory_space<semaphore_mem>>) src(%dma_wait3A_41 : memref<10000x128xf32, #tpu.memory_space<hbm>>) dst(%arg10 : memref<16x128xf32, #tpu.memory_space<vmem>>)
    "tpu.region"() ({
      %run_scoped3A = tpu.sem_alloc : memref<!tpu.dma_semaphore, #tpu.memory_space<semaphore_mem>>
      %dma_start3A_142 = arith.constant 1792 : i32
      %dma_start3A_143 = tpu.memref_slice %arg7[%dma_start3A_142] : memref<2048xi32, #tpu.memory_space<vmem>> -> memref<16xi32, #tpu.memory_space<vmem>>
      %dma_start3A_144 = arith.constant 0 : i32
      %dma_start3A_145 = arith.constant 0 : i32
      %dma_start3A_146 = tpu.memref_slice %arg12[%dma_start3A_144, %dma_start3A_145] : memref<10112x128xf32, #tpu.memory_space<vmem_shared>> -> memref<10112x128xf32, #tpu.memory_space<vmem_shared>>
      tpu.enqueue_indirect_dma source(%arg10 : memref<16x128xf32, #tpu.memory_space<vmem>>) target(%dma_start3A_146 : memref<10112x128xf32, #tpu.memory_space<vmem_shared>>) offsets(%dma_start3A_143 : memref<16xi32, #tpu.memory_space<vmem>>) semaphore(%run_scoped3A : memref<!tpu.dma_semaphore, #tpu.memory_space<semaphore_mem>>) {add = true}
      %dma_wait3A_147 = arith.constant 1792 : i32
      %dma_wait3A_148 = tpu.memref_slice %arg7[%dma_wait3A_147] : memref<2048xi32, #tpu.memory_space<vmem>> -> memref<16xi32, #tpu.memory_space<vmem>>
      %dma_wait3A_149 = arith.constant 0 : i32
      %dma_wait3A_150 = arith.constant 0 : i32
      %dma_wait3A_151 = tpu.memref_slice %arg12[%dma_wait3A_149, %dma_wait3A_150] : memref<10112x128xf32, #tpu.memory_space<vmem_shared>> -> memref<10112x128xf32, #tpu.memory_space<vmem_shared>>
      tpu.wait_indirect_dma semaphore(%run_scoped3A : memref<!tpu.dma_semaphore, #tpu.memory_space<semaphore_mem>>) src(%arg10 : memref<16x128xf32, #tpu.memory_space<vmem>>) dst(%dma_wait3A_151 : memref<10112x128xf32, #tpu.memory_space<vmem_shared>>)
      tpu.yield
    }) : () -> ()
    %barrier3A_42 = arith.constant 0 : index
    tpu.barrier barrier_id(%barrier3A_42)
    %scan3A_43 = arith.constant 0 : i32
    %scan3A_44 = arith.constant 9 : i32
    %scan3A_45 = arith.addi %scan3A_43, %scan3A_44 : i32
    %scan3A_46 = arith.constant 1 : i32
    scf.for %scan3A_142 = %scan3A_43 to %scan3A_45 step %scan3A_46  : i32 {
      %mul3A_143 = arith.constant 2 : i32
      %mul3A_144 = arith.muli %scan3A_142, %mul3A_143 : i32
      %add3A_145 = arith.constant 0 : i32
      %add3A_146 = arith.addi %add3A_145, %mul3A_144 : i32
      %add3A_147 = arith.constant 0 : i32
      %add3A_148 = arith.addi %add3A_146, %add3A_147 : i32
      %ge3A = arith.constant 2 : i32
      %ge3A_149 = arith.cmpi sge, %add3A_148, %ge3A : i32
      %convert_element_type3A = arith.extui %ge3A_149 : i1 to i32
      %cond3A = arith.constant 0 : i32
      %cond3A_150 = arith.cmpi ne, %convert_element_type3A, %cond3A : i32
      scf.if %cond3A_150 {
        %sub3A = arith.constant 2 : i32
        %sub3A_196 = arith.subi %add3A_148, %sub3A : i32
        %mul3A_197 = arith.constant 10112 : i32
        %mul3A_198 = arith.muli %arg0, %mul3A_197 : i32
        %add3A_199 = arith.addi %mul3A_198, %mul3A_4 : i32
        %mul3A_200 = arith.constant 32 : i32
        %mul3A_201 = arith.muli %sub3A_196, %mul3A_200 : i32
        %add3A_202 = arith.addi %add3A_199, %mul3A_201 : i32
        %dma_wait3A_203 = arith.constant 0 : i32
        %dma_wait3A_204 = arith.constant 0 : i32
        %dma_wait3A_205 = tpu.memref_slice %arg11[%dma_wait3A_203, %dma_wait3A_204] : memref<64x128xf32, #tpu.memory_space<vmem>> -> memref<32x128xf32, #tpu.memory_space<vmem>>
        %dma_wait3A_206 = arith.constant 0 : i32
        %dma_wait3A_207 = tpu.memref_slice %arg5[%add3A_202, %dma_wait3A_206] : memref<20224x128xf32, #tpu.memory_space<hbm>> -> memref<32x128xf32, #tpu.memory_space<hbm>>
        %dma_wait3A_208 = arith.constant 0 : i32
        %dma_wait3A_209 = tpu.memref_slice %arg5[%add3A_202, %dma_wait3A_208] : memref<20224x128xf32, #tpu.memory_space<hbm>> -> memref<32x128xf32, #tpu.memory_space<hbm>>
        %dma_wait3A_210 = arith.constant 0 : i32
        %dma_wait3A_211 = arith.constant 0 : i32
        %dma_wait3A_212 = tpu.memref_slice %arg11[%dma_wait3A_210, %dma_wait3A_211] : memref<64x128xf32, #tpu.memory_space<vmem>> -> memref<32x128xf32, #tpu.memory_space<vmem>>
        tpu.wait_dma2 semaphore(%arg13 : memref<!tpu.dma_semaphore, #tpu.memory_space<semaphore_mem>>) src(%dma_wait3A_212 : memref<32x128xf32, #tpu.memory_space<vmem>>) dst(%dma_wait3A_209 : memref<32x128xf32, #tpu.memory_space<hbm>>)
      } else {
      }
      %mul3A_151 = arith.constant 32 : i32
      %mul3A_152 = arith.muli %add3A_148, %mul3A_151 : i32
      %add3A_153 = arith.addi %mul3A_4, %mul3A_152 : i32
      "tpu.region"() ({
        %run_scoped3A = tpu.sem_alloc : memref<!tpu.dma_semaphore, #tpu.memory_space<semaphore_mem>>
        %dma_start3A_196 = arith.constant 0 : i32
        %dma_start3A_197 = arith.constant 0 : i32
        %dma_start3A_198 = tpu.memref_slice %arg11[%dma_start3A_196, %dma_start3A_197] : memref<64x128xf32, #tpu.memory_space<vmem>> -> memref<32x128xf32, #tpu.memory_space<vmem>>
        %dma_start3A_199 = arith.constant 0 : i32
        %dma_start3A_200 = tpu.memref_slice %arg12[%add3A_153, %dma_start3A_199] : memref<10112x128xf32, #tpu.memory_space<vmem_shared>> -> memref<32x128xf32, #tpu.memory_space<vmem_shared>>
        %dma_start3A_201 = arith.constant 0 : i32
        %dma_start3A_202 = arith.constant 0 : i32
        %dma_start3A_203 = tpu.memref_slice %arg11[%dma_start3A_201, %dma_start3A_202] : memref<64x128xf32, #tpu.memory_space<vmem>> -> memref<32x128xf32, #tpu.memory_space<vmem>>
        %dma_start3A_204 = arith.constant 0 : i32
        %dma_start3A_205 = tpu.memref_slice %arg12[%add3A_153, %dma_start3A_204] : memref<10112x128xf32, #tpu.memory_space<vmem_shared>> -> memref<32x128xf32, #tpu.memory_space<vmem_shared>>
        tpu.enqueue_dma source(%dma_start3A_205 : memref<32x128xf32, #tpu.memory_space<vmem_shared>>) target(%dma_start3A_203 : memref<32x128xf32, #tpu.memory_space<vmem>>) target_semaphore(%run_scoped3A : memref<!tpu.dma_semaphore, #tpu.memory_space<semaphore_mem>>)
        %dma_wait3A_206 = arith.constant 0 : i32
        %dma_wait3A_207 = arith.constant 0 : i32
        %dma_wait3A_208 = tpu.memref_slice %arg11[%dma_wait3A_206, %dma_wait3A_207] : memref<64x128xf32, #tpu.memory_space<vmem>> -> memref<32x128xf32, #tpu.memory_space<vmem>>
        %dma_wait3A_209 = arith.constant 0 : i32
        %dma_wait3A_210 = tpu.memref_slice %arg12[%add3A_153, %dma_wait3A_209] : memref<10112x128xf32, #tpu.memory_space<vmem_shared>> -> memref<32x128xf32, #tpu.memory_space<vmem_shared>>
        %dma_wait3A_211 = arith.constant 0 : i32
        %dma_wait3A_212 = arith.constant 0 : i32
        %dma_wait3A_213 = tpu.memref_slice %arg11[%dma_wait3A_211, %dma_wait3A_212] : memref<64x128xf32, #tpu.memory_space<vmem>> -> memref<32x128xf32, #tpu.memory_space<vmem>>
        %dma_wait3A_214 = arith.constant 0 : i32
        %dma_wait3A_215 = tpu.memref_slice %arg12[%add3A_153, %dma_wait3A_214] : memref<10112x128xf32, #tpu.memory_space<vmem_shared>> -> memref<32x128xf32, #tpu.memory_space<vmem_shared>>
        tpu.wait_dma2 semaphore(%run_scoped3A : memref<!tpu.dma_semaphore, #tpu.memory_space<semaphore_mem>>) src(%dma_wait3A_215 : memref<32x128xf32, #tpu.memory_space<vmem_shared>>) dst(%dma_wait3A_213 : memref<32x128xf32, #tpu.memory_space<vmem>>)
        tpu.yield
      }) : () -> ()
      %mul3A_154 = arith.constant 10112 : i32
      %mul3A_155 = arith.muli %arg0, %mul3A_154 : i32
      %add3A_156 = arith.addi %mul3A_155, %mul3A_4 : i32
      %mul3A_157 = arith.constant 32 : i32
      %mul3A_158 = arith.muli %add3A_148, %mul3A_157 : i32
      %add3A_159 = arith.addi %add3A_156, %mul3A_158 : i32
      %dma_start3A_160 = arith.constant 0 : i32
      %dma_start3A_161 = arith.constant 0 : i32
      %dma_start3A_162 = tpu.memref_slice %arg11[%dma_start3A_160, %dma_start3A_161] : memref<64x128xf32, #tpu.memory_space<vmem>> -> memref<32x128xf32, #tpu.memory_space<vmem>>
      %dma_start3A_163 = arith.constant 0 : i32
      %dma_start3A_164 = tpu.memref_slice %arg5[%add3A_159, %dma_start3A_163] : memref<20224x128xf32, #tpu.memory_space<hbm>> -> memref<32x128xf32, #tpu.memory_space<hbm>>
      %dma_start3A_165 = arith.constant 0 : i32
      %dma_start3A_166 = tpu.memref_slice %arg5[%add3A_159, %dma_start3A_165] : memref<20224x128xf32, #tpu.memory_space<hbm>> -> memref<32x128xf32, #tpu.memory_space<hbm>>
      %dma_start3A_167 = arith.constant 0 : i32
      %dma_start3A_168 = arith.constant 0 : i32
      %dma_start3A_169 = tpu.memref_slice %arg11[%dma_start3A_167, %dma_start3A_168] : memref<64x128xf32, #tpu.memory_space<vmem>> -> memref<32x128xf32, #tpu.memory_space<vmem>>
      tpu.enqueue_dma source(%dma_start3A_169 : memref<32x128xf32, #tpu.memory_space<vmem>>) target(%dma_start3A_166 : memref<32x128xf32, #tpu.memory_space<hbm>>) target_semaphore(%arg13 : memref<!tpu.dma_semaphore, #tpu.memory_space<semaphore_mem>>)
      %add3A_170 = arith.constant 1 : i32
      %add3A_171 = arith.addi %add3A_146, %add3A_170 : i32
      %ge3A_172 = arith.constant 2 : i32
      %ge3A_173 = arith.cmpi sge, %add3A_171, %ge3A_172 : i32
      %convert_element_type3A_174 = arith.extui %ge3A_173 : i1 to i32
      %cond3A_175 = arith.constant 0 : i32
      %cond3A_176 = arith.cmpi ne, %convert_element_type3A_174, %cond3A_175 : i32
      scf.if %cond3A_176 {
        %sub3A = arith.constant 2 : i32
        %sub3A_196 = arith.subi %add3A_171, %sub3A : i32
        %mul3A_197 = arith.constant 10112 : i32
        %mul3A_198 = arith.muli %arg0, %mul3A_197 : i32
        %add3A_199 = arith.addi %mul3A_198, %mul3A_4 : i32
        %mul3A_200 = arith.constant 32 : i32
        %mul3A_201 = arith.muli %sub3A_196, %mul3A_200 : i32
        %add3A_202 = arith.addi %add3A_199, %mul3A_201 : i32
        %dma_wait3A_203 = arith.constant 32 : i32
        %dma_wait3A_204 = arith.constant 0 : i32
        %dma_wait3A_205 = tpu.memref_slice %arg11[%dma_wait3A_203, %dma_wait3A_204] : memref<64x128xf32, #tpu.memory_space<vmem>> -> memref<32x128xf32, #tpu.memory_space<vmem>>
        %dma_wait3A_206 = arith.constant 0 : i32
        %dma_wait3A_207 = tpu.memref_slice %arg5[%add3A_202, %dma_wait3A_206] : memref<20224x128xf32, #tpu.memory_space<hbm>> -> memref<32x128xf32, #tpu.memory_space<hbm>>
        %dma_wait3A_208 = arith.constant 0 : i32
        %dma_wait3A_209 = tpu.memref_slice %arg5[%add3A_202, %dma_wait3A_208] : memref<20224x128xf32, #tpu.memory_space<hbm>> -> memref<32x128xf32, #tpu.memory_space<hbm>>
        %dma_wait3A_210 = arith.constant 32 : i32
        %dma_wait3A_211 = arith.constant 0 : i32
        %dma_wait3A_212 = tpu.memref_slice %arg11[%dma_wait3A_210, %dma_wait3A_211] : memref<64x128xf32, #tpu.memory_space<vmem>> -> memref<32x128xf32, #tpu.memory_space<vmem>>
        tpu.wait_dma2 semaphore(%arg14 : memref<!tpu.dma_semaphore, #tpu.memory_space<semaphore_mem>>) src(%dma_wait3A_212 : memref<32x128xf32, #tpu.memory_space<vmem>>) dst(%dma_wait3A_209 : memref<32x128xf32, #tpu.memory_space<hbm>>)
      } else {
      }
      %mul3A_177 = arith.constant 32 : i32
      %mul3A_178 = arith.muli %add3A_171, %mul3A_177 : i32
      %add3A_179 = arith.addi %mul3A_4, %mul3A_178 : i32
      "tpu.region"() ({
        %run_scoped3A = tpu.sem_alloc : memref<!tpu.dma_semaphore, #tpu.memory_space<semaphore_mem>>
        %dma_start3A_196 = arith.constant 32 : i32
        %dma_start3A_197 = arith.constant 0 : i32
        %dma_start3A_198 = tpu.memref_slice %arg11[%dma_start3A_196, %dma_start3A_197] : memref<64x128xf32, #tpu.memory_space<vmem>> -> memref<32x128xf32, #tpu.memory_space<vmem>>
        %dma_start3A_199 = arith.constant 0 : i32
        %dma_start3A_200 = tpu.memref_slice %arg12[%add3A_179, %dma_start3A_199] : memref<10112x128xf32, #tpu.memory_space<vmem_shared>> -> memref<32x128xf32, #tpu.memory_space<vmem_shared>>
        %dma_start3A_201 = arith.constant 32 : i32
        %dma_start3A_202 = arith.constant 0 : i32
        %dma_start3A_203 = tpu.memref_slice %arg11[%dma_start3A_201, %dma_start3A_202] : memref<64x128xf32, #tpu.memory_space<vmem>> -> memref<32x128xf32, #tpu.memory_space<vmem>>
        %dma_start3A_204 = arith.constant 0 : i32
        %dma_start3A_205 = tpu.memref_slice %arg12[%add3A_179, %dma_start3A_204] : memref<10112x128xf32, #tpu.memory_space<vmem_shared>> -> memref<32x128xf32, #tpu.memory_space<vmem_shared>>
        tpu.enqueue_dma source(%dma_start3A_205 : memref<32x128xf32, #tpu.memory_space<vmem_shared>>) target(%dma_start3A_203 : memref<32x128xf32, #tpu.memory_space<vmem>>) target_semaphore(%run_scoped3A : memref<!tpu.dma_semaphore, #tpu.memory_space<semaphore_mem>>)
        %dma_wait3A_206 = arith.constant 32 : i32
        %dma_wait3A_207 = arith.constant 0 : i32
        %dma_wait3A_208 = tpu.memref_slice %arg11[%dma_wait3A_206, %dma_wait3A_207] : memref<64x128xf32, #tpu.memory_space<vmem>> -> memref<32x128xf32, #tpu.memory_space<vmem>>
        %dma_wait3A_209 = arith.constant 0 : i32
        %dma_wait3A_210 = tpu.memref_slice %arg12[%add3A_179, %dma_wait3A_209] : memref<10112x128xf32, #tpu.memory_space<vmem_shared>> -> memref<32x128xf32, #tpu.memory_space<vmem_shared>>
        %dma_wait3A_211 = arith.constant 32 : i32
        %dma_wait3A_212 = arith.constant 0 : i32
        %dma_wait3A_213 = tpu.memref_slice %arg11[%dma_wait3A_211, %dma_wait3A_212] : memref<64x128xf32, #tpu.memory_space<vmem>> -> memref<32x128xf32, #tpu.memory_space<vmem>>
        %dma_wait3A_214 = arith.constant 0 : i32
        %dma_wait3A_215 = tpu.memref_slice %arg12[%add3A_179, %dma_wait3A_214] : memref<10112x128xf32, #tpu.memory_space<vmem_shared>> -> memref<32x128xf32, #tpu.memory_space<vmem_shared>>
        tpu.wait_dma2 semaphore(%run_scoped3A : memref<!tpu.dma_semaphore, #tpu.memory_space<semaphore_mem>>) src(%dma_wait3A_215 : memref<32x128xf32, #tpu.memory_space<vmem_shared>>) dst(%dma_wait3A_213 : memref<32x128xf32, #tpu.memory_space<vmem>>)
        tpu.yield
      }) : () -> ()
      %mul3A_180 = arith.constant 10112 : i32
      %mul3A_181 = arith.muli %arg0, %mul3A_180 : i32
      %add3A_182 = arith.addi %mul3A_181, %mul3A_4 : i32
      %mul3A_183 = arith.constant 32 : i32
      %mul3A_184 = arith.muli %add3A_171, %mul3A_183 : i32
      %add3A_185 = arith.addi %add3A_182, %mul3A_184 : i32
      %dma_start3A_186 = arith.constant 32 : i32
      %dma_start3A_187 = arith.constant 0 : i32
      %dma_start3A_188 = tpu.memref_slice %arg11[%dma_start3A_186, %dma_start3A_187] : memref<64x128xf32, #tpu.memory_space<vmem>> -> memref<32x128xf32, #tpu.memory_space<vmem>>
      %dma_start3A_189 = arith.constant 0 : i32
      %dma_start3A_190 = tpu.memref_slice %arg5[%add3A_185, %dma_start3A_189] : memref<20224x128xf32, #tpu.memory_space<hbm>> -> memref<32x128xf32, #tpu.memory_space<hbm>>
      %dma_start3A_191 = arith.constant 0 : i32
      %dma_start3A_192 = tpu.memref_slice %arg5[%add3A_185, %dma_start3A_191] : memref<20224x128xf32, #tpu.memory_space<hbm>> -> memref<32x128xf32, #tpu.memory_space<hbm>>
      %dma_start3A_193 = arith.constant 32 : i32
      %dma_start3A_194 = arith.constant 0 : i32
      %dma_start3A_195 = tpu.memref_slice %arg11[%dma_start3A_193, %dma_start3A_194] : memref<64x128xf32, #tpu.memory_space<vmem>> -> memref<32x128xf32, #tpu.memory_space<vmem>>
      tpu.enqueue_dma source(%dma_start3A_195 : memref<32x128xf32, #tpu.memory_space<vmem>>) target(%dma_start3A_192 : memref<32x128xf32, #tpu.memory_space<hbm>>) target_semaphore(%arg14 : memref<!tpu.dma_semaphore, #tpu.memory_space<semaphore_mem>>)
    }
    %scan3A_47 = arith.constant 9 : i32
    %mul3A_48 = arith.constant 10112 : i32
    %mul3A_49 = arith.muli %arg0, %mul3A_48 : i32
    %add3A_50 = arith.addi %mul3A_49, %mul3A_4 : i32
    %add3A_51 = arith.constant 512 : i32
    %add3A_52 = arith.addi %add3A_50, %add3A_51 : i32
    %dma_wait3A_53 = arith.constant 0 : i32
    %dma_wait3A_54 = arith.constant 0 : i32
    %dma_wait3A_55 = tpu.memref_slice %arg11[%dma_wait3A_53, %dma_wait3A_54] : memref<64x128xf32, #tpu.memory_space<vmem>> -> memref<32x128xf32, #tpu.memory_space<vmem>>
    %dma_wait3A_56 = arith.constant 0 : i32
    %dma_wait3A_57 = tpu.memref_slice %arg5[%add3A_52, %dma_wait3A_56] : memref<20224x128xf32, #tpu.memory_space<hbm>> -> memref<32x128xf32, #tpu.memory_space<hbm>>
    %dma_wait3A_58 = arith.constant 0 : i32
    %dma_wait3A_59 = tpu.memref_slice %arg5[%add3A_52, %dma_wait3A_58] : memref<20224x128xf32, #tpu.memory_space<hbm>> -> memref<32x128xf32, #tpu.memory_space<hbm>>
    %dma_wait3A_60 = arith.constant 0 : i32
    %dma_wait3A_61 = arith.constant 0 : i32
    %dma_wait3A_62 = tpu.memref_slice %arg11[%dma_wait3A_60, %dma_wait3A_61] : memref<64x128xf32, #tpu.memory_space<vmem>> -> memref<32x128xf32, #tpu.memory_space<vmem>>
    tpu.wait_dma2 semaphore(%arg13 : memref<!tpu.dma_semaphore, #tpu.memory_space<semaphore_mem>>) src(%dma_wait3A_62 : memref<32x128xf32, #tpu.memory_space<vmem>>) dst(%dma_wait3A_59 : memref<32x128xf32, #tpu.memory_space<hbm>>)
    %add3A_63 = arith.constant 576 : i32
    %add3A_64 = arith.addi %mul3A_4, %add3A_63 : i32
    "tpu.region"() ({
      %run_scoped3A = tpu.sem_alloc : memref<!tpu.dma_semaphore, #tpu.memory_space<semaphore_mem>>
      %dma_start3A_142 = arith.constant 0 : i32
      %dma_start3A_143 = arith.constant 0 : i32
      %dma_start3A_144 = tpu.memref_slice %arg11[%dma_start3A_142, %dma_start3A_143] : memref<64x128xf32, #tpu.memory_space<vmem>> -> memref<32x128xf32, #tpu.memory_space<vmem>>
      %dma_start3A_145 = arith.constant 0 : i32
      %dma_start3A_146 = tpu.memref_slice %arg12[%add3A_64, %dma_start3A_145] : memref<10112x128xf32, #tpu.memory_space<vmem_shared>> -> memref<32x128xf32, #tpu.memory_space<vmem_shared>>
      %dma_start3A_147 = arith.constant 0 : i32
      %dma_start3A_148 = arith.constant 0 : i32
      %dma_start3A_149 = tpu.memref_slice %arg11[%dma_start3A_147, %dma_start3A_148] : memref<64x128xf32, #tpu.memory_space<vmem>> -> memref<32x128xf32, #tpu.memory_space<vmem>>
      %dma_start3A_150 = arith.constant 0 : i32
      %dma_start3A_151 = tpu.memref_slice %arg12[%add3A_64, %dma_start3A_150] : memref<10112x128xf32, #tpu.memory_space<vmem_shared>> -> memref<32x128xf32, #tpu.memory_space<vmem_shared>>
      tpu.enqueue_dma source(%dma_start3A_151 : memref<32x128xf32, #tpu.memory_space<vmem_shared>>) target(%dma_start3A_149 : memref<32x128xf32, #tpu.memory_space<vmem>>) target_semaphore(%run_scoped3A : memref<!tpu.dma_semaphore, #tpu.memory_space<semaphore_mem>>)
      %dma_wait3A_152 = arith.constant 0 : i32
      %dma_wait3A_153 = arith.constant 0 : i32
      %dma_wait3A_154 = tpu.memref_slice %arg11[%dma_wait3A_152, %dma_wait3A_153] : memref<64x128xf32, #tpu.memory_space<vmem>> -> memref<32x128xf32, #tpu.memory_space<vmem>>
      %dma_wait3A_155 = arith.constant 0 : i32
      %dma_wait3A_156 = tpu.memref_slice %arg12[%add3A_64, %dma_wait3A_155] : memref<10112x128xf32, #tpu.memory_space<vmem_shared>> -> memref<32x128xf32, #tpu.memory_space<vmem_shared>>
      %dma_wait3A_157 = arith.constant 0 : i32
      %dma_wait3A_158 = arith.constant 0 : i32
      %dma_wait3A_159 = tpu.memref_slice %arg11[%dma_wait3A_157, %dma_wait3A_158] : memref<64x128xf32, #tpu.memory_space<vmem>> -> memref<32x128xf32, #tpu.memory_space<vmem>>
      %dma_wait3A_160 = arith.constant 0 : i32
      %dma_wait3A_161 = tpu.memref_slice %arg12[%add3A_64, %dma_wait3A_160] : memref<10112x128xf32, #tpu.memory_space<vmem_shared>> -> memref<32x128xf32, #tpu.memory_space<vmem_shared>>
      tpu.wait_dma2 semaphore(%run_scoped3A : memref<!tpu.dma_semaphore, #tpu.memory_space<semaphore_mem>>) src(%dma_wait3A_161 : memref<32x128xf32, #tpu.memory_space<vmem_shared>>) dst(%dma_wait3A_159 : memref<32x128xf32, #tpu.memory_space<vmem>>)
      tpu.yield
    }) : () -> ()
    %mul3A_65 = arith.constant 10112 : i32
    %mul3A_66 = arith.muli %arg0, %mul3A_65 : i32
    %add3A_67 = arith.addi %mul3A_66, %mul3A_4 : i32
    %add3A_68 = arith.constant 576 : i32
    %add3A_69 = arith.addi %add3A_67, %add3A_68 : i32
    %dma_start3A_70 = arith.constant 0 : i32
    %dma_start3A_71 = arith.constant 0 : i32
    %dma_start3A_72 = tpu.memref_slice %arg11[%dma_start3A_70, %dma_start3A_71] : memref<64x128xf32, #tpu.memory_space<vmem>> -> memref<32x128xf32, #tpu.memory_space<vmem>>
    %dma_start3A_73 = arith.constant 0 : i32
    %dma_start3A_74 = tpu.memref_slice %arg5[%add3A_69, %dma_start3A_73] : memref<20224x128xf32, #tpu.memory_space<hbm>> -> memref<32x128xf32, #tpu.memory_space<hbm>>
    %dma_start3A_75 = arith.constant 0 : i32
    %dma_start3A_76 = tpu.memref_slice %arg5[%add3A_69, %dma_start3A_75] : memref<20224x128xf32, #tpu.memory_space<hbm>> -> memref<32x128xf32, #tpu.memory_space<hbm>>
    %dma_start3A_77 = arith.constant 0 : i32
    %dma_start3A_78 = arith.constant 0 : i32
    %dma_start3A_79 = tpu.memref_slice %arg11[%dma_start3A_77, %dma_start3A_78] : memref<64x128xf32, #tpu.memory_space<vmem>> -> memref<32x128xf32, #tpu.memory_space<vmem>>
    tpu.enqueue_dma source(%dma_start3A_79 : memref<32x128xf32, #tpu.memory_space<vmem>>) target(%dma_start3A_76 : memref<32x128xf32, #tpu.memory_space<hbm>>) target_semaphore(%arg13 : memref<!tpu.dma_semaphore, #tpu.memory_space<semaphore_mem>>)
    %mul3A_80 = arith.constant 10112 : i32
    %mul3A_81 = arith.muli %arg0, %mul3A_80 : i32
    %add3A_82 = arith.addi %mul3A_81, %mul3A_4 : i32
    %add3A_83 = arith.constant 544 : i32
    %add3A_84 = arith.addi %add3A_82, %add3A_83 : i32
    %dma_wait3A_85 = arith.constant 32 : i32
    %dma_wait3A_86 = arith.constant 0 : i32
    %dma_wait3A_87 = tpu.memref_slice %arg11[%dma_wait3A_85, %dma_wait3A_86] : memref<64x128xf32, #tpu.memory_space<vmem>> -> memref<32x128xf32, #tpu.memory_space<vmem>>
    %dma_wait3A_88 = arith.constant 0 : i32
    %dma_wait3A_89 = tpu.memref_slice %arg5[%add3A_84, %dma_wait3A_88] : memref<20224x128xf32, #tpu.memory_space<hbm>> -> memref<32x128xf32, #tpu.memory_space<hbm>>
    %dma_wait3A_90 = arith.constant 0 : i32
    %dma_wait3A_91 = tpu.memref_slice %arg5[%add3A_84, %dma_wait3A_90] : memref<20224x128xf32, #tpu.memory_space<hbm>> -> memref<32x128xf32, #tpu.memory_space<hbm>>
    %dma_wait3A_92 = arith.constant 32 : i32
    %dma_wait3A_93 = arith.constant 0 : i32
    %dma_wait3A_94 = tpu.memref_slice %arg11[%dma_wait3A_92, %dma_wait3A_93] : memref<64x128xf32, #tpu.memory_space<vmem>> -> memref<32x128xf32, #tpu.memory_space<vmem>>
    tpu.wait_dma2 semaphore(%arg14 : memref<!tpu.dma_semaphore, #tpu.memory_space<semaphore_mem>>) src(%dma_wait3A_94 : memref<32x128xf32, #tpu.memory_space<vmem>>) dst(%dma_wait3A_91 : memref<32x128xf32, #tpu.memory_space<hbm>>)
    %add3A_95 = arith.constant 608 : i32
    %add3A_96 = arith.addi %mul3A_4, %add3A_95 : i32
    "tpu.region"() ({
      %run_scoped3A = tpu.sem_alloc : memref<!tpu.dma_semaphore, #tpu.memory_space<semaphore_mem>>
      %dma_start3A_142 = arith.constant 32 : i32
      %dma_start3A_143 = arith.constant 0 : i32
      %dma_start3A_144 = tpu.memref_slice %arg11[%dma_start3A_142, %dma_start3A_143] : memref<64x128xf32, #tpu.memory_space<vmem>> -> memref<24x128xf32, #tpu.memory_space<vmem>>
      %dma_start3A_145 = arith.constant 0 : i32
      %dma_start3A_146 = tpu.memref_slice %arg12[%add3A_96, %dma_start3A_145] : memref<10112x128xf32, #tpu.memory_space<vmem_shared>> -> memref<24x128xf32, #tpu.memory_space<vmem_shared>>
      %dma_start3A_147 = arith.constant 32 : i32
      %dma_start3A_148 = arith.constant 0 : i32
      %dma_start3A_149 = tpu.memref_slice %arg11[%dma_start3A_147, %dma_start3A_148] : memref<64x128xf32, #tpu.memory_space<vmem>> -> memref<24x128xf32, #tpu.memory_space<vmem>>
      %dma_start3A_150 = arith.constant 0 : i32
      %dma_start3A_151 = tpu.memref_slice %arg12[%add3A_96, %dma_start3A_150] : memref<10112x128xf32, #tpu.memory_space<vmem_shared>> -> memref<24x128xf32, #tpu.memory_space<vmem_shared>>
      tpu.enqueue_dma source(%dma_start3A_151 : memref<24x128xf32, #tpu.memory_space<vmem_shared>>) target(%dma_start3A_149 : memref<24x128xf32, #tpu.memory_space<vmem>>) target_semaphore(%run_scoped3A : memref<!tpu.dma_semaphore, #tpu.memory_space<semaphore_mem>>)
      %dma_wait3A_152 = arith.constant 32 : i32
      %dma_wait3A_153 = arith.constant 0 : i32
      %dma_wait3A_154 = tpu.memref_slice %arg11[%dma_wait3A_152, %dma_wait3A_153] : memref<64x128xf32, #tpu.memory_space<vmem>> -> memref<24x128xf32, #tpu.memory_space<vmem>>
      %dma_wait3A_155 = arith.constant 0 : i32
      %dma_wait3A_156 = tpu.memref_slice %arg12[%add3A_96, %dma_wait3A_155] : memref<10112x128xf32, #tpu.memory_space<vmem_shared>> -> memref<24x128xf32, #tpu.memory_space<vmem_shared>>
      %dma_wait3A_157 = arith.constant 32 : i32
      %dma_wait3A_158 = arith.constant 0 : i32
      %dma_wait3A_159 = tpu.memref_slice %arg11[%dma_wait3A_157, %dma_wait3A_158] : memref<64x128xf32, #tpu.memory_space<vmem>> -> memref<24x128xf32, #tpu.memory_space<vmem>>
      %dma_wait3A_160 = arith.constant 0 : i32
      %dma_wait3A_161 = tpu.memref_slice %arg12[%add3A_96, %dma_wait3A_160] : memref<10112x128xf32, #tpu.memory_space<vmem_shared>> -> memref<24x128xf32, #tpu.memory_space<vmem_shared>>
      tpu.wait_dma2 semaphore(%run_scoped3A : memref<!tpu.dma_semaphore, #tpu.memory_space<semaphore_mem>>) src(%dma_wait3A_161 : memref<24x128xf32, #tpu.memory_space<vmem_shared>>) dst(%dma_wait3A_159 : memref<24x128xf32, #tpu.memory_space<vmem>>)
      tpu.yield
    }) : () -> ()
    %mul3A_97 = arith.constant 10112 : i32
    %mul3A_98 = arith.muli %arg0, %mul3A_97 : i32
    %add3A_99 = arith.addi %mul3A_98, %mul3A_4 : i32
    %add3A_100 = arith.constant 608 : i32
    %add3A_101 = arith.addi %add3A_99, %add3A_100 : i32
    %dma_start3A_102 = arith.constant 32 : i32
    %dma_start3A_103 = arith.constant 0 : i32
    %dma_start3A_104 = tpu.memref_slice %arg11[%dma_start3A_102, %dma_start3A_103] : memref<64x128xf32, #tpu.memory_space<vmem>> -> memref<24x128xf32, #tpu.memory_space<vmem>>
    %dma_start3A_105 = arith.constant 0 : i32
    %dma_start3A_106 = tpu.memref_slice %arg5[%add3A_101, %dma_start3A_105] : memref<20224x128xf32, #tpu.memory_space<hbm>> -> memref<24x128xf32, #tpu.memory_space<hbm>>
    %dma_start3A_107 = arith.constant 0 : i32
    %dma_start3A_108 = tpu.memref_slice %arg5[%add3A_101, %dma_start3A_107] : memref<20224x128xf32, #tpu.memory_space<hbm>> -> memref<24x128xf32, #tpu.memory_space<hbm>>
    %dma_start3A_109 = arith.constant 32 : i32
    %dma_start3A_110 = arith.constant 0 : i32
    %dma_start3A_111 = tpu.memref_slice %arg11[%dma_start3A_109, %dma_start3A_110] : memref<64x128xf32, #tpu.memory_space<vmem>> -> memref<24x128xf32, #tpu.memory_space<vmem>>
    tpu.enqueue_dma source(%dma_start3A_111 : memref<24x128xf32, #tpu.memory_space<vmem>>) target(%dma_start3A_108 : memref<24x128xf32, #tpu.memory_space<hbm>>) target_semaphore(%arg14 : memref<!tpu.dma_semaphore, #tpu.memory_space<semaphore_mem>>)
    %mul3A_112 = arith.constant 10112 : i32
    %mul3A_113 = arith.muli %arg0, %mul3A_112 : i32
    %add3A_114 = arith.addi %mul3A_113, %mul3A_4 : i32
    %add3A_115 = arith.constant 576 : i32
    %add3A_116 = arith.addi %add3A_114, %add3A_115 : i32
    %dma_wait3A_117 = arith.constant 0 : i32
    %dma_wait3A_118 = arith.constant 0 : i32
    %dma_wait3A_119 = tpu.memref_slice %arg11[%dma_wait3A_117, %dma_wait3A_118] : memref<64x128xf32, #tpu.memory_space<vmem>> -> memref<32x128xf32, #tpu.memory_space<vmem>>
    %dma_wait3A_120 = arith.constant 0 : i32
    %dma_wait3A_121 = tpu.memref_slice %arg5[%add3A_116, %dma_wait3A_120] : memref<20224x128xf32, #tpu.memory_space<hbm>> -> memref<32x128xf32, #tpu.memory_space<hbm>>
    %dma_wait3A_122 = arith.constant 0 : i32
    %dma_wait3A_123 = tpu.memref_slice %arg5[%add3A_116, %dma_wait3A_122] : memref<20224x128xf32, #tpu.memory_space<hbm>> -> memref<32x128xf32, #tpu.memory_space<hbm>>
    %dma_wait3A_124 = arith.constant 0 : i32
    %dma_wait3A_125 = arith.constant 0 : i32
    %dma_wait3A_126 = tpu.memref_slice %arg11[%dma_wait3A_124, %dma_wait3A_125] : memref<64x128xf32, #tpu.memory_space<vmem>> -> memref<32x128xf32, #tpu.memory_space<vmem>>
    tpu.wait_dma2 semaphore(%arg13 : memref<!tpu.dma_semaphore, #tpu.memory_space<semaphore_mem>>) src(%dma_wait3A_126 : memref<32x128xf32, #tpu.memory_space<vmem>>) dst(%dma_wait3A_123 : memref<32x128xf32, #tpu.memory_space<hbm>>)
    %mul3A_127 = arith.constant 10112 : i32
    %mul3A_128 = arith.muli %arg0, %mul3A_127 : i32
    %add3A_129 = arith.addi %mul3A_128, %mul3A_4 : i32
    %add3A_130 = arith.constant 608 : i32
    %add3A_131 = arith.addi %add3A_129, %add3A_130 : i32
    %dma_wait3A_132 = arith.constant 32 : i32
    %dma_wait3A_133 = arith.constant 0 : i32
    %dma_wait3A_134 = tpu.memref_slice %arg11[%dma_wait3A_132, %dma_wait3A_133] : memref<64x128xf32, #tpu.memory_space<vmem>> -> memref<24x128xf32, #tpu.memory_space<vmem>>
    %dma_wait3A_135 = arith.constant 0 : i32
    %dma_wait3A_136 = tpu.memref_slice %arg5[%add3A_131, %dma_wait3A_135] : memref<20224x128xf32, #tpu.memory_space<hbm>> -> memref<24x128xf32, #tpu.memory_space<hbm>>
    %dma_wait3A_137 = arith.constant 0 : i32
    %dma_wait3A_138 = tpu.memref_slice %arg5[%add3A_131, %dma_wait3A_137] : memref<20224x128xf32, #tpu.memory_space<hbm>> -> memref<24x128xf32, #tpu.memory_space<hbm>>
    %dma_wait3A_139 = arith.constant 32 : i32
    %dma_wait3A_140 = arith.constant 0 : i32
    %dma_wait3A_141 = tpu.memref_slice %arg11[%dma_wait3A_139, %dma_wait3A_140] : memref<64x128xf32, #tpu.memory_space<vmem>> -> memref<24x128xf32, #tpu.memory_space<vmem>>
    tpu.wait_dma2 semaphore(%arg14 : memref<!tpu.dma_semaphore, #tpu.memory_space<semaphore_mem>>) src(%dma_wait3A_141 : memref<24x128xf32, #tpu.memory_space<vmem>>) dst(%dma_wait3A_138 : memref<24x128xf32, #tpu.memory_space<hbm>>)
    return
  }
}

#map = affine_map<(d0, d1) -> (0, 0)>
#map1 = affine_map<(d0, d1) -> (0)>
module attributes {stable_mosaic.version = 14 : i64} {
  func.func @_sc_agg_body(%arg0: i32, %arg1: i32, %arg2: memref<10000x128xf32, #tpu.memory_space<hbm>>, %arg3: memref<320000xi32, #tpu.memory_space<hbm>>, %arg4: memref<320000xi32, #tpu.memory_space<hbm>>, %arg5: memref<20224x128xf32, #tpu.memory_space<hbm>>, %arg6: memref<2048xi32, #tpu.memory_space<vmem>>, %arg7: memref<2048xi32, #tpu.memory_space<vmem>>, %arg8: memref<128x128xf32, #tpu.memory_space<vmem>>, %arg9: memref<128x128xf32, #tpu.memory_space<vmem>>, %arg10: memref<16x128xf32, #tpu.memory_space<vmem>>, %arg11: memref<64x128xf32, #tpu.memory_space<vmem>>, %arg12: memref<10112x128xf32, #tpu.memory_space<vmem_shared>>, %arg13: memref<!tpu.dma_semaphore, #tpu.memory_space<semaphore_mem>>, %arg14: memref<!tpu.dma_semaphore, #tpu.memory_space<semaphore_mem>>) attributes {dimension_semantics = [#tpu.dimension_semantics<core_parallel>, #tpu.dimension_semantics<subcore_parallel>], iteration_bounds = array<i64: 2, 16>, scalar_prefetch = 0 : i64, scratch_operands = 9 : i64, tpu.core_type = #tpu.core_type<sc_vector_subcore>, window_params = [{transform_indices = #map}, {transform_indices = #map1}, {transform_indices = #map1}, {transform_indices = #map}]} {
    %mul3A = arith.constant 2 : i32
    %mul3A_0 = arith.muli %arg1, %mul3A : i32
    %add3A = arith.addi %mul3A_0, %arg0 : i32
    %mul3A_1 = arith.constant 10000 : i32
    %mul3A_2 = arith.muli %add3A, %mul3A_1 : i32
    %mul3A_3 = arith.constant 632 : i32
    %mul3A_4 = arith.muli %arg1, %mul3A_3 : i32
    %scan3A = arith.constant 0 : i32
    %scan3A_5 = arith.constant 0 : i32
    %scan3A_6 = arith.constant 512 : i32
    %scan3A_7 = arith.addi %scan3A_5, %scan3A_6 : i32
    %scan3A_8 = arith.constant 1 : i32
    scf.for %scan3A_142 = %scan3A_5 to %scan3A_7 step %scan3A_8  : i32 {
      %jit3A = arith.constant 8 : i32
      %div3A = arith.divsi %scan3A_142, %jit3A : i32
      %sign3A = arith.constant 0 : i32
      %sign3A_143 = arith.cmpi sgt, %scan3A_142, %sign3A : i32
      %sign3A_144 = arith.extui %sign3A_143 : i1 to i32
      %sign3A_145 = arith.constant 0 : i32
      %sign3A_146 = arith.cmpi slt, %scan3A_142, %sign3A_145 : i32
      %sign3A_147 = arith.extui %sign3A_146 : i1 to i32
      %sign3A_148 = arith.subi %sign3A_144, %sign3A_147 : i32
      %sign3A_149 = arith.constant 0 : i32
      %sign3A_150 = arith.cmpi sgt, %jit3A, %sign3A_149 : i32
      %sign3A_151 = arith.extui %sign3A_150 : i1 to i32
      %sign3A_152 = arith.constant 0 : i32
      %sign3A_153 = arith.cmpi slt, %jit3A, %sign3A_152 : i32
      %sign3A_154 = arith.extui %sign3A_153 : i1 to i32
      %sign3A_155 = arith.subi %sign3A_151, %sign3A_154 : i32
      %ne3A = arith.cmpi ne, %sign3A_148, %sign3A_155 : i32
      %rem3A = arith.remsi %scan3A_142, %jit3A : i32
      %ne3A_156 = arith.constant 0 : i32
      %ne3A_157 = arith.cmpi ne, %rem3A, %ne3A_156 : i32
      %and3A = arith.andi %ne3A, %ne3A_157 : i1
      %sub3A = arith.constant 1 : i32
      %sub3A_158 = arith.subi %div3A, %sub3A : i32
      %select_n3A = arith.select %and3A, %sub3A_158, %div3A : i32
      %jit3A_159 = arith.constant 8 : i32
      %eq3A = arith.constant 0 : i32
      %eq3A_160 = arith.cmpi eq, %jit3A_159, %eq3A : i32
      %jit3A_161 = arith.constant 1 : i32
      %select_n3A_162 = arith.select %eq3A_160, %jit3A_161, %jit3A_159 : i32
      %rem3A_163 = arith.remsi %scan3A_142, %select_n3A_162 : i32
      %ne3A_164 = arith.constant 0 : i32
      %ne3A_165 = arith.cmpi ne, %rem3A_163, %ne3A_164 : i32
      %lt3A = arith.constant 0 : i32
      %lt3A_166 = arith.cmpi slt, %rem3A_163, %lt3A : i32
      %lt3A_167 = arith.constant 0 : i32
      %lt3A_168 = arith.cmpi slt, %select_n3A_162, %lt3A_167 : i32
      %ne3A_169 = arith.xori %lt3A_166, %lt3A_168 : i1
      %and3A_170 = arith.andi %ne3A_169, %ne3A_165 : i1
      %add3A_171 = arith.addi %rem3A_163, %select_n3A_162 : i32
      %select_n3A_172 = arith.select %and3A_170, %add3A_171, %rem3A_163 : i32
      %mul3A_173 = arith.constant 16 : i32
      %mul3A_174 = arith.muli %select_n3A_172, %mul3A_173 : i32
      %broadcast_in_dim3A = arith.constant 0.000000e+00 : f32
      %broadcast_in_dim3A_175 = vector.broadcast %broadcast_in_dim3A : f32 to vector<16xf32>
      %swap3A = arith.index_cast %select_n3A : i32 to index
      %swap3A_176 = arith.index_cast %mul3A_174 : i32 to index
      %swap3A_177 = tpu.vector_load %arg11[%swap3A, %swap3A_176] {strides = array<i32>} : memref<64x128xf32, #tpu.memory_space<vmem>>, vector<1x16xf32>,
      %swap3A_178 = vector.shape_cast %swap3A_177 : vector<1x16xf32> to vector<16xf32>
      %swap3A_179 = vector.shape_cast %broadcast_in_dim3A_175 : vector<16xf32> to vector<1x16xf32>
      tpu.vector_store %arg11[%swap3A, %swap3A_176], %swap3A_179 {strides = array<i32>} : memref<64x128xf32, #tpu.memory_space<vmem>>, vector<1x16xf32>,
    }
    %scan3A_9 = arith.constant 512 : i32
    %scan3A_10 = arith.constant 0 : i32
    %scan3A_11 = arith.constant 9 : i32
    %scan3A_12 = arith.addi %scan3A_10, %scan3A_11 : i32
    %scan3A_13 = arith.constant 1 : i32
    scf.for %scan3A_142 = %scan3A_10 to %scan3A_12 step %scan3A_13  : i32 {
      %mul3A_143 = arith.constant 1 : i32
      %mul3A_144 = arith.muli %scan3A_142, %mul3A_143 : i32
      %add3A_145 = arith.constant 0 : i32
      %add3A_146 = arith.addi %add3A_145, %mul3A_144 : i32
      %mul3A_147 = arith.constant 64 : i32
      %mul3A_148 = arith.muli %add3A_146, %mul3A_147 : i32
      %add3A_149 = arith.addi %mul3A_4, %mul3A_148 : i32
      "tpu.region"() ({
        %run_scoped3A = tpu.sem_alloc : memref<!tpu.dma_semaphore, #tpu.memory_space<semaphore_mem>>
        %dma_start3A_150 = arith.constant 0 : i32
        %dma_start3A_151 = tpu.memref_slice %arg12[%add3A_149, %dma_start3A_150] : memref<10112x128xf32, #tpu.memory_space<vmem_shared>> -> memref<64x128xf32, #tpu.memory_space<vmem_shared>>
        %dma_start3A_152 = arith.constant 0 : i32
        %dma_start3A_153 = tpu.memref_slice %arg12[%add3A_149, %dma_start3A_152] : memref<10112x128xf32, #tpu.memory_space<vmem_shared>> -> memref<64x128xf32, #tpu.memory_space<vmem_shared>>
        tpu.enqueue_dma source(%arg11 : memref<64x128xf32, #tpu.memory_space<vmem>>) target(%dma_start3A_153 : memref<64x128xf32, #tpu.memory_space<vmem_shared>>) target_semaphore(%run_scoped3A : memref<!tpu.dma_semaphore, #tpu.memory_space<semaphore_mem>>)
        %dma_wait3A_154 = arith.constant 0 : i32
        %dma_wait3A_155 = tpu.memref_slice %arg12[%add3A_149, %dma_wait3A_154] : memref<10112x128xf32, #tpu.memory_space<vmem_shared>> -> memref<64x128xf32, #tpu.memory_space<vmem_shared>>
        %dma_wait3A_156 = arith.constant 0 : i32
        %dma_wait3A_157 = tpu.memref_slice %arg12[%add3A_149, %dma_wait3A_156] : memref<10112x128xf32, #tpu.memory_space<vmem_shared>> -> memref<64x128xf32, #tpu.memory_space<vmem_shared>>
        tpu.wait_dma2 semaphore(%run_scoped3A : memref<!tpu.dma_semaphore, #tpu.memory_space<semaphore_mem>>) src(%arg11 : memref<64x128xf32, #tpu.memory_space<vmem>>) dst(%dma_wait3A_157 : memref<64x128xf32, #tpu.memory_space<vmem_shared>>)
        tpu.yield
      }) : () -> ()
    }
    %scan3A_14 = arith.constant 9 : i32
    %add3A_15 = arith.constant 576 : i32
    %add3A_16 = arith.addi %mul3A_4, %add3A_15 : i32
    "tpu.region"() ({
      %run_scoped3A = tpu.sem_alloc : memref<!tpu.dma_semaphore, #tpu.memory_space<semaphore_mem>>
      %dma_start3A_142 = arith.constant 0 : i32
      %dma_start3A_143 = arith.constant 0 : i32
      %dma_start3A_144 = tpu.memref_slice %arg11[%dma_start3A_142, %dma_start3A_143] : memref<64x128xf32, #tpu.memory_space<vmem>> -> memref<56x128xf32, #tpu.memory_space<vmem>>
      %dma_start3A_145 = arith.constant 0 : i32
      %dma_start3A_146 = tpu.memref_slice %arg12[%add3A_16, %dma_start3A_145] : memref<10112x128xf32, #tpu.memory_space<vmem_shared>> -> memref<56x128xf32, #tpu.memory_space<vmem_shared>>
      %dma_start3A_147 = arith.constant 0 : i32
      %dma_start3A_148 = tpu.memref_slice %arg12[%add3A_16, %dma_start3A_147] : memref<10112x128xf32, #tpu.memory_space<vmem_shared>> -> memref<56x128xf32, #tpu.memory_space<vmem_shared>>
      %dma_start3A_149 = arith.constant 0 : i32
      %dma_start3A_150 = arith.constant 0 : i32
      %dma_start3A_151 = tpu.memref_slice %arg11[%dma_start3A_149, %dma_start3A_150] : memref<64x128xf32, #tpu.memory_space<vmem>> -> memref<56x128xf32, #tpu.memory_space<vmem>>
      tpu.enqueue_dma source(%dma_start3A_151 : memref<56x128xf32, #tpu.memory_space<vmem>>) target(%dma_start3A_148 : memref<56x128xf32, #tpu.memory_space<vmem_shared>>) target_semaphore(%run_scoped3A : memref<!tpu.dma_semaphore, #tpu.memory_space<semaphore_mem>>)
      %dma_wait3A_152 = arith.constant 0 : i32
      %dma_wait3A_153 = arith.constant 0 : i32
      %dma_wait3A_154 = tpu.memref_slice %arg11[%dma_wait3A_152, %dma_wait3A_153] : memref<64x128xf32, #tpu.memory_space<vmem>> -> memref<56x128xf32, #tpu.memory_space<vmem>>
      %dma_wait3A_155 = arith.constant 0 : i32
      %dma_wait3A_156 = tpu.memref_slice %arg12[%add3A_16, %dma_wait3A_155] : memref<10112x128xf32, #tpu.memory_space<vmem_shared>> -> memref<56x128xf32, #tpu.memory_space<vmem_shared>>
      %dma_wait3A_157 = arith.constant 0 : i32
      %dma_wait3A_158 = tpu.memref_slice %arg12[%add3A_16, %dma_wait3A_157] : memref<10112x128xf32, #tpu.memory_space<vmem_shared>> -> memref<56x128xf32, #tpu.memory_space<vmem_shared>>
      %dma_wait3A_159 = arith.constant 0 : i32
      %dma_wait3A_160 = arith.constant 0 : i32
      %dma_wait3A_161 = tpu.memref_slice %arg11[%dma_wait3A_159, %dma_wait3A_160] : memref<64x128xf32, #tpu.memory_space<vmem>> -> memref<56x128xf32, #tpu.memory_space<vmem>>
      tpu.wait_dma2 semaphore(%run_scoped3A : memref<!tpu.dma_semaphore, #tpu.memory_space<semaphore_mem>>) src(%dma_wait3A_161 : memref<56x128xf32, #tpu.memory_space<vmem>>) dst(%dma_wait3A_158 : memref<56x128xf32, #tpu.memory_space<vmem_shared>>)
      tpu.yield
    }) : () -> ()
    %barrier3A = arith.constant 0 : index
    tpu.barrier barrier_id(%barrier3A)
    %scan3A_17 = arith.constant 0 : i32
    %scan3A_18 = arith.constant 4 : i32
    %scan3A_19 = arith.addi %scan3A_17, %scan3A_18 : i32
    %scan3A_20 = arith.constant 1 : i32
    scf.for %scan3A_142 = %scan3A_17 to %scan3A_19 step %scan3A_20  : i32 {
      %mul3A_143 = arith.constant 1 : i32
      %mul3A_144 = arith.muli %scan3A_142, %mul3A_143 : i32
      %add3A_145 = arith.constant 0 : i32
      %add3A_146 = arith.addi %add3A_145, %mul3A_144 : i32
      %mul3A_147 = arith.constant 2048 : i32
      %mul3A_148 = arith.muli %add3A_146, %mul3A_147 : i32
      %add3A_149 = arith.addi %mul3A_2, %mul3A_148 : i32
      "tpu.region"() ({
        %run_scoped3A = tpu.sem_alloc : memref<!tpu.dma_semaphore, #tpu.memory_space<semaphore_mem>>
        %dma_start3A_160 = tpu.memref_slice %arg3[%add3A_149] : memref<320000xi32, #tpu.memory_space<hbm>> -> memref<2048xi32, #tpu.memory_space<hbm>>
        %dma_start3A_161 = tpu.memref_slice %arg3[%add3A_149] : memref<320000xi32, #tpu.memory_space<hbm>> -> memref<2048xi32, #tpu.memory_space<hbm>>
        tpu.enqueue_dma source(%dma_start3A_161 : memref<2048xi32, #tpu.memory_space<hbm>>) target(%arg6 : memref<2048xi32, #tpu.memory_space<vmem>>) target_semaphore(%run_scoped3A : memref<!tpu.dma_semaphore, #tpu.memory_space<semaphore_mem>>)
        %dma_wait3A_162 = tpu.memref_slice %arg3[%add3A_149] : memref<320000xi32, #tpu.memory_space<hbm>> -> memref<2048xi32, #tpu.memory_space<hbm>>
        %dma_wait3A_163 = tpu.memref_slice %arg3[%add3A_149] : memref<320000xi32, #tpu.memory_space<hbm>> -> memref<2048xi32, #tpu.memory_space<hbm>>
        tpu.wait_dma2 semaphore(%run_scoped3A : memref<!tpu.dma_semaphore, #tpu.memory_space<semaphore_mem>>) src(%dma_wait3A_163 : memref<2048xi32, #tpu.memory_space<hbm>>) dst(%arg6 : memref<2048xi32, #tpu.memory_space<vmem>>)
        tpu.yield
      }) : () -> ()
      "tpu.region"() ({
        %run_scoped3A = tpu.sem_alloc : memref<!tpu.dma_semaphore, #tpu.memory_space<semaphore_mem>>
        %dma_start3A_160 = tpu.memref_slice %arg4[%add3A_149] : memref<320000xi32, #tpu.memory_space<hbm>> -> memref<2048xi32, #tpu.memory_space<hbm>>
        %dma_start3A_161 = tpu.memref_slice %arg4[%add3A_149] : memref<320000xi32, #tpu.memory_space<hbm>> -> memref<2048xi32, #tpu.memory_space<hbm>>
        tpu.enqueue_dma source(%dma_start3A_161 : memref<2048xi32, #tpu.memory_space<hbm>>) target(%arg7 : memref<2048xi32, #tpu.memory_space<vmem>>) target_semaphore(%run_scoped3A : memref<!tpu.dma_semaphore, #tpu.memory_space<semaphore_mem>>)
        %dma_wait3A_162 = tpu.memref_slice %arg4[%add3A_149] : memref<320000xi32, #tpu.memory_space<hbm>> -> memref<2048xi32, #tpu.memory_space<hbm>>
        %dma_wait3A_163 = tpu.memref_slice %arg4[%add3A_149] : memref<320000xi32, #tpu.memory_space<hbm>> -> memref<2048xi32, #tpu.memory_space<hbm>>
        tpu.wait_dma2 semaphore(%run_scoped3A : memref<!tpu.dma_semaphore, #tpu.memory_space<semaphore_mem>>) src(%dma_wait3A_163 : memref<2048xi32, #tpu.memory_space<hbm>>) dst(%arg7 : memref<2048xi32, #tpu.memory_space<vmem>>)
        tpu.yield
      }) : () -> ()
      %dma_start3A_150 = arith.constant 0 : i32
      %dma_start3A_151 = tpu.memref_slice %arg6[%dma_start3A_150] : memref<2048xi32, #tpu.memory_space<vmem>> -> memref<128xi32, #tpu.memory_space<vmem>>
      %dma_start3A_152 = arith.constant 0 : i32
      %dma_start3A_153 = arith.constant 0 : i32
      %dma_start3A_154 = tpu.memref_slice %arg2[%dma_start3A_152, %dma_start3A_153] : memref<10000x128xf32, #tpu.memory_space<hbm>> -> memref<10000x128xf32, #tpu.memory_space<hbm>>
      tpu.enqueue_indirect_dma source(%dma_start3A_154 : memref<10000x128xf32, #tpu.memory_space<hbm>>) target(%arg8 : memref<128x128xf32, #tpu.memory_space<vmem>>) offsets(%dma_start3A_151 : memref<128xi32, #tpu.memory_space<vmem>>) semaphore(%arg13 : memref<!tpu.dma_semaphore, #tpu.memory_space<semaphore_mem>>)
      %scan3A_155 = arith.constant 0 : i32
      %scan3A_156 = arith.constant 8 : i32
      %scan3A_157 = arith.addi %scan3A_155, %scan3A_156 : i32
      %scan3A_158 = arith.constant 1 : i32
      scf.for %scan3A_160 = %scan3A_155 to %scan3A_157 step %scan3A_158  : i32 {
        %mul3A_161 = arith.constant 2 : i32
        %mul3A_162 = arith.muli %scan3A_160, %mul3A_161 : i32
        %add3A_163 = arith.constant 0 : i32
        %add3A_164 = arith.addi %add3A_163, %mul3A_162 : i32
        %add3A_165 = arith.constant 0 : i32
        %add3A_166 = arith.addi %add3A_164, %add3A_165 : i32
        %add3A_167 = arith.constant 1 : i32
        %add3A_168 = arith.addi %add3A_166, %add3A_167 : i32
        %lt3A = arith.constant 16 : i32
        %lt3A_169 = arith.cmpi slt, %add3A_168, %lt3A : i32
        %convert_element_type3A = arith.extui %lt3A_169 : i1 to i32
        %cond3A = arith.constant 0 : i32
        %cond3A_170 = arith.cmpi ne, %convert_element_type3A, %cond3A : i32
        scf.if %cond3A_170 {
          %mul3A_196 = arith.constant 128 : i32
          %mul3A_197 = arith.muli %add3A_168, %mul3A_196 : i32
          %dma_start3A_198 = tpu.memref_slice %arg6[%mul3A_197] : memref<2048xi32, #tpu.memory_space<vmem>> -> memref<128xi32, #tpu.memory_space<vmem>>
          %dma_start3A_199 = arith.constant 0 : i32
          %dma_start3A_200 = arith.constant 0 : i32
          %dma_start3A_201 = tpu.memref_slice %arg2[%dma_start3A_199, %dma_start3A_200] : memref<10000x128xf32, #tpu.memory_space<hbm>> -> memref<10000x128xf32, #tpu.memory_space<hbm>>
          tpu.enqueue_indirect_dma source(%dma_start3A_201 : memref<10000x128xf32, #tpu.memory_space<hbm>>) target(%arg9 : memref<128x128xf32, #tpu.memory_space<vmem>>) offsets(%dma_start3A_198 : memref<128xi32, #tpu.memory_space<vmem>>) semaphore(%arg14 : memref<!tpu.dma_semaphore, #tpu.memory_space<semaphore_mem>>)
        } else {
        }
        %mul3A_171 = arith.constant 128 : i32
        %mul3A_172 = arith.muli %add3A_166, %mul3A_171 : i32
        %dma_wait3A_173 = tpu.memref_slice %arg6[%mul3A_172] : memref<2048xi32, #tpu.memory_space<vmem>> -> memref<128xi32, #tpu.memory_space<vmem>>
        %dma_wait3A_174 = arith.constant 0 : i32
        %dma_wait3A_175 = arith.constant 0 : i32
        %dma_wait3A_176 = tpu.memref_slice %arg2[%dma_wait3A_174, %dma_wait3A_175] : memref<10000x128xf32, #tpu.memory_space<hbm>> -> memref<10000x128xf32, #tpu.memory_space<hbm>>
        tpu.wait_indirect_dma semaphore(%arg13 : memref<!tpu.dma_semaphore, #tpu.memory_space<semaphore_mem>>) src(%dma_wait3A_176 : memref<10000x128xf32, #tpu.memory_space<hbm>>) dst(%arg8 : memref<128x128xf32, #tpu.memory_space<vmem>>)
        %mul3A_177 = arith.constant 128 : i32
        %mul3A_178 = arith.muli %add3A_166, %mul3A_177 : i32
        "tpu.region"() ({
          %run_scoped3A = tpu.sem_alloc : memref<!tpu.dma_semaphore, #tpu.memory_space<semaphore_mem>>
          %dma_start3A_196 = tpu.memref_slice %arg7[%mul3A_178] : memref<2048xi32, #tpu.memory_space<vmem>> -> memref<128xi32, #tpu.memory_space<vmem>>
          %dma_start3A_197 = arith.constant 0 : i32
          %dma_start3A_198 = arith.constant 0 : i32
          %dma_start3A_199 = tpu.memref_slice %arg12[%dma_start3A_197, %dma_start3A_198] : memref<10112x128xf32, #tpu.memory_space<vmem_shared>> -> memref<10112x128xf32, #tpu.memory_space<vmem_shared>>
          tpu.enqueue_indirect_dma source(%arg8 : memref<128x128xf32, #tpu.memory_space<vmem>>) target(%dma_start3A_199 : memref<10112x128xf32, #tpu.memory_space<vmem_shared>>) offsets(%dma_start3A_196 : memref<128xi32, #tpu.memory_space<vmem>>) semaphore(%run_scoped3A : memref<!tpu.dma_semaphore, #tpu.memory_space<semaphore_mem>>) {add = true}
          %dma_wait3A_200 = tpu.memref_slice %arg7[%mul3A_178] : memref<2048xi32, #tpu.memory_space<vmem>> -> memref<128xi32, #tpu.memory_space<vmem>>
          %dma_wait3A_201 = arith.constant 0 : i32
          %dma_wait3A_202 = arith.constant 0 : i32
          %dma_wait3A_203 = tpu.memref_slice %arg12[%dma_wait3A_201, %dma_wait3A_202] : memref<10112x128xf32, #tpu.memory_space<vmem_shared>> -> memref<10112x128xf32, #tpu.memory_space<vmem_shared>>
          tpu.wait_indirect_dma semaphore(%run_scoped3A : memref<!tpu.dma_semaphore, #tpu.memory_space<semaphore_mem>>) src(%arg8 : memref<128x128xf32, #tpu.memory_space<vmem>>) dst(%dma_wait3A_203 : memref<10112x128xf32, #tpu.memory_space<vmem_shared>>)
          tpu.yield
        }) : () -> ()
        %add3A_179 = arith.constant 1 : i32
        %add3A_180 = arith.addi %add3A_164, %add3A_179 : i32
        %add3A_181 = arith.constant 1 : i32
        %add3A_182 = arith.addi %add3A_180, %add3A_181 : i32
        %lt3A_183 = arith.constant 16 : i32
        %lt3A_184 = arith.cmpi slt, %add3A_182, %lt3A_183 : i32
        %convert_element_type3A_185 = arith.extui %lt3A_184 : i1 to i32
        %cond3A_186 = arith.constant 0 : i32
        %cond3A_187 = arith.cmpi ne, %convert_element_type3A_185, %cond3A_186 : i32
        scf.if %cond3A_187 {
          %mul3A_196 = arith.constant 128 : i32
          %mul3A_197 = arith.muli %add3A_182, %mul3A_196 : i32
          %dma_start3A_198 = tpu.memref_slice %arg6[%mul3A_197] : memref<2048xi32, #tpu.memory_space<vmem>> -> memref<128xi32, #tpu.memory_space<vmem>>
          %dma_start3A_199 = arith.constant 0 : i32
          %dma_start3A_200 = arith.constant 0 : i32
          %dma_start3A_201 = tpu.memref_slice %arg2[%dma_start3A_199, %dma_start3A_200] : memref<10000x128xf32, #tpu.memory_space<hbm>> -> memref<10000x128xf32, #tpu.memory_space<hbm>>
          tpu.enqueue_indirect_dma source(%dma_start3A_201 : memref<10000x128xf32, #tpu.memory_space<hbm>>) target(%arg8 : memref<128x128xf32, #tpu.memory_space<vmem>>) offsets(%dma_start3A_198 : memref<128xi32, #tpu.memory_space<vmem>>) semaphore(%arg13 : memref<!tpu.dma_semaphore, #tpu.memory_space<semaphore_mem>>)
        } else {
        }
        %mul3A_188 = arith.constant 128 : i32
        %mul3A_189 = arith.muli %add3A_180, %mul3A_188 : i32
        %dma_wait3A_190 = tpu.memref_slice %arg6[%mul3A_189] : memref<2048xi32, #tpu.memory_space<vmem>> -> memref<128xi32, #tpu.memory_space<vmem>>
        %dma_wait3A_191 = arith.constant 0 : i32
        %dma_wait3A_192 = arith.constant 0 : i32
        %dma_wait3A_193 = tpu.memref_slice %arg2[%dma_wait3A_191, %dma_wait3A_192] : memref<10000x128xf32, #tpu.memory_space<hbm>> -> memref<10000x128xf32, #tpu.memory_space<hbm>>
        tpu.wait_indirect_dma semaphore(%arg14 : memref<!tpu.dma_semaphore, #tpu.memory_space<semaphore_mem>>) src(%dma_wait3A_193 : memref<10000x128xf32, #tpu.memory_space<hbm>>) dst(%arg9 : memref<128x128xf32, #tpu.memory_space<vmem>>)
        %mul3A_194 = arith.constant 128 : i32
        %mul3A_195 = arith.muli %add3A_180, %mul3A_194 : i32
        "tpu.region"() ({
          %run_scoped3A = tpu.sem_alloc : memref<!tpu.dma_semaphore, #tpu.memory_space<semaphore_mem>>
          %dma_start3A_196 = tpu.memref_slice %arg7[%mul3A_195] : memref<2048xi32, #tpu.memory_space<vmem>> -> memref<128xi32, #tpu.memory_space<vmem>>
          %dma_start3A_197 = arith.constant 0 : i32
          %dma_start3A_198 = arith.constant 0 : i32
          %dma_start3A_199 = tpu.memref_slice %arg12[%dma_start3A_197, %dma_start3A_198] : memref<10112x128xf32, #tpu.memory_space<vmem_shared>> -> memref<10112x128xf32, #tpu.memory_space<vmem_shared>>
          tpu.enqueue_indirect_dma source(%arg9 : memref<128x128xf32, #tpu.memory_space<vmem>>) target(%dma_start3A_199 : memref<10112x128xf32, #tpu.memory_space<vmem_shared>>) offsets(%dma_start3A_196 : memref<128xi32, #tpu.memory_space<vmem>>) semaphore(%run_scoped3A : memref<!tpu.dma_semaphore, #tpu.memory_space<semaphore_mem>>) {add = true}
          %dma_wait3A_200 = tpu.memref_slice %arg7[%mul3A_195] : memref<2048xi32, #tpu.memory_space<vmem>> -> memref<128xi32, #tpu.memory_space<vmem>>
          %dma_wait3A_201 = arith.constant 0 : i32
          %dma_wait3A_202 = arith.constant 0 : i32
          %dma_wait3A_203 = tpu.memref_slice %arg12[%dma_wait3A_201, %dma_wait3A_202] : memref<10112x128xf32, #tpu.memory_space<vmem_shared>> -> memref<10112x128xf32, #tpu.memory_space<vmem_shared>>
          tpu.wait_indirect_dma semaphore(%run_scoped3A : memref<!tpu.dma_semaphore, #tpu.memory_space<semaphore_mem>>) src(%arg9 : memref<128x128xf32, #tpu.memory_space<vmem>>) dst(%dma_wait3A_203 : memref<10112x128xf32, #tpu.memory_space<vmem_shared>>)
          tpu.yield
        }) : () -> ()
      }
      %scan3A_159 = arith.constant 8 : i32
    }
    %scan3A_21 = arith.constant 4 : i32
    %add3A_22 = arith.constant 8192 : i32
    %add3A_23 = arith.addi %mul3A_2, %add3A_22 : i32
    "tpu.region"() ({
      %run_scoped3A = tpu.sem_alloc : memref<!tpu.dma_semaphore, #tpu.memory_space<semaphore_mem>>
      %dma_start3A_142 = arith.constant 0 : i32
      %dma_start3A_143 = tpu.memref_slice %arg6[%dma_start3A_142] : memref<2048xi32, #tpu.memory_space<vmem>> -> memref<1808xi32, #tpu.memory_space<vmem>>
      %dma_start3A_144 = tpu.memref_slice %arg3[%add3A_23] : memref<320000xi32, #tpu.memory_space<hbm>> -> memref<1808xi32, #tpu.memory_space<hbm>>
      %dma_start3A_145 = arith.constant 0 : i32
      %dma_start3A_146 = tpu.memref_slice %arg6[%dma_start3A_145] : memref<2048xi32, #tpu.memory_space<vmem>> -> memref<1808xi32, #tpu.memory_space<vmem>>
      %dma_start3A_147 = tpu.memref_slice %arg3[%add3A_23] : memref<320000xi32, #tpu.memory_space<hbm>> -> memref<1808xi32, #tpu.memory_space<hbm>>
      tpu.enqueue_dma source(%dma_start3A_147 : memref<1808xi32, #tpu.memory_space<hbm>>) target(%dma_start3A_146 : memref<1808xi32, #tpu.memory_space<vmem>>) target_semaphore(%run_scoped3A : memref<!tpu.dma_semaphore, #tpu.memory_space<semaphore_mem>>)
      %dma_wait3A_148 = arith.constant 0 : i32
      %dma_wait3A_149 = tpu.memref_slice %arg6[%dma_wait3A_148] : memref<2048xi32, #tpu.memory_space<vmem>> -> memref<1808xi32, #tpu.memory_space<vmem>>
      %dma_wait3A_150 = tpu.memref_slice %arg3[%add3A_23] : memref<320000xi32, #tpu.memory_space<hbm>> -> memref<1808xi32, #tpu.memory_space<hbm>>
      %dma_wait3A_151 = arith.constant 0 : i32
      %dma_wait3A_152 = tpu.memref_slice %arg6[%dma_wait3A_151] : memref<2048xi32, #tpu.memory_space<vmem>> -> memref<1808xi32, #tpu.memory_space<vmem>>
      %dma_wait3A_153 = tpu.memref_slice %arg3[%add3A_23] : memref<320000xi32, #tpu.memory_space<hbm>> -> memref<1808xi32, #tpu.memory_space<hbm>>
      tpu.wait_dma2 semaphore(%run_scoped3A : memref<!tpu.dma_semaphore, #tpu.memory_space<semaphore_mem>>) src(%dma_wait3A_153 : memref<1808xi32, #tpu.memory_space<hbm>>) dst(%dma_wait3A_152 : memref<1808xi32, #tpu.memory_space<vmem>>)
      tpu.yield
    }) : () -> ()
    "tpu.region"() ({
      %run_scoped3A = tpu.sem_alloc : memref<!tpu.dma_semaphore, #tpu.memory_space<semaphore_mem>>
      %dma_start3A_142 = arith.constant 0 : i32
      %dma_start3A_143 = tpu.memref_slice %arg7[%dma_start3A_142] : memref<2048xi32, #tpu.memory_space<vmem>> -> memref<1808xi32, #tpu.memory_space<vmem>>
      %dma_start3A_144 = tpu.memref_slice %arg4[%add3A_23] : memref<320000xi32, #tpu.memory_space<hbm>> -> memref<1808xi32, #tpu.memory_space<hbm>>
      %dma_start3A_145 = arith.constant 0 : i32
      %dma_start3A_146 = tpu.memref_slice %arg7[%dma_start3A_145] : memref<2048xi32, #tpu.memory_space<vmem>> -> memref<1808xi32, #tpu.memory_space<vmem>>
      %dma_start3A_147 = tpu.memref_slice %arg4[%add3A_23] : memref<320000xi32, #tpu.memory_space<hbm>> -> memref<1808xi32, #tpu.memory_space<hbm>>
      tpu.enqueue_dma source(%dma_start3A_147 : memref<1808xi32, #tpu.memory_space<hbm>>) target(%dma_start3A_146 : memref<1808xi32, #tpu.memory_space<vmem>>) target_semaphore(%run_scoped3A : memref<!tpu.dma_semaphore, #tpu.memory_space<semaphore_mem>>)
      %dma_wait3A_148 = arith.constant 0 : i32
      %dma_wait3A_149 = tpu.memref_slice %arg7[%dma_wait3A_148] : memref<2048xi32, #tpu.memory_space<vmem>> -> memref<1808xi32, #tpu.memory_space<vmem>>
      %dma_wait3A_150 = tpu.memref_slice %arg4[%add3A_23] : memref<320000xi32, #tpu.memory_space<hbm>> -> memref<1808xi32, #tpu.memory_space<hbm>>
      %dma_wait3A_151 = arith.constant 0 : i32
      %dma_wait3A_152 = tpu.memref_slice %arg7[%dma_wait3A_151] : memref<2048xi32, #tpu.memory_space<vmem>> -> memref<1808xi32, #tpu.memory_space<vmem>>
      %dma_wait3A_153 = tpu.memref_slice %arg4[%add3A_23] : memref<320000xi32, #tpu.memory_space<hbm>> -> memref<1808xi32, #tpu.memory_space<hbm>>
      tpu.wait_dma2 semaphore(%run_scoped3A : memref<!tpu.dma_semaphore, #tpu.memory_space<semaphore_mem>>) src(%dma_wait3A_153 : memref<1808xi32, #tpu.memory_space<hbm>>) dst(%dma_wait3A_152 : memref<1808xi32, #tpu.memory_space<vmem>>)
      tpu.yield
    }) : () -> ()
    %dma_start3A = arith.constant 0 : i32
    %dma_start3A_24 = tpu.memref_slice %arg6[%dma_start3A] : memref<2048xi32, #tpu.memory_space<vmem>> -> memref<128xi32, #tpu.memory_space<vmem>>
    %dma_start3A_25 = arith.constant 0 : i32
    %dma_start3A_26 = arith.constant 0 : i32
    %dma_start3A_27 = tpu.memref_slice %arg2[%dma_start3A_25, %dma_start3A_26] : memref<10000x128xf32, #tpu.memory_space<hbm>> -> memref<10000x128xf32, #tpu.memory_space<hbm>>
    tpu.enqueue_indirect_dma source(%dma_start3A_27 : memref<10000x128xf32, #tpu.memory_space<hbm>>) target(%arg8 : memref<128x128xf32, #tpu.memory_space<vmem>>) offsets(%dma_start3A_24 : memref<128xi32, #tpu.memory_space<vmem>>) semaphore(%arg13 : memref<!tpu.dma_semaphore, #tpu.memory_space<semaphore_mem>>)
    %scan3A_28 = arith.constant 0 : i32
    %scan3A_29 = arith.constant 7 : i32
    %scan3A_30 = arith.addi %scan3A_28, %scan3A_29 : i32
    %scan3A_31 = arith.constant 1 : i32
    scf.for %scan3A_142 = %scan3A_28 to %scan3A_30 step %scan3A_31  : i32 {
      %mul3A_143 = arith.constant 2 : i32
      %mul3A_144 = arith.muli %scan3A_142, %mul3A_143 : i32
      %add3A_145 = arith.constant 0 : i32
      %add3A_146 = arith.addi %add3A_145, %mul3A_144 : i32
      %add3A_147 = arith.constant 0 : i32
      %add3A_148 = arith.addi %add3A_146, %add3A_147 : i32
      %add3A_149 = arith.constant 1 : i32
      %add3A_150 = arith.addi %add3A_148, %add3A_149 : i32
      %lt3A = arith.constant 14 : i32
      %lt3A_151 = arith.cmpi slt, %add3A_150, %lt3A : i32
      %convert_element_type3A = arith.extui %lt3A_151 : i1 to i32
      %cond3A = arith.constant 0 : i32
      %cond3A_152 = arith.cmpi ne, %convert_element_type3A, %cond3A : i32
      scf.if %cond3A_152 {
        %mul3A_178 = arith.constant 128 : i32
        %mul3A_179 = arith.muli %add3A_150, %mul3A_178 : i32
        %dma_start3A_180 = tpu.memref_slice %arg6[%mul3A_179] : memref<2048xi32, #tpu.memory_space<vmem>> -> memref<128xi32, #tpu.memory_space<vmem>>
        %dma_start3A_181 = arith.constant 0 : i32
        %dma_start3A_182 = arith.constant 0 : i32
        %dma_start3A_183 = tpu.memref_slice %arg2[%dma_start3A_181, %dma_start3A_182] : memref<10000x128xf32, #tpu.memory_space<hbm>> -> memref<10000x128xf32, #tpu.memory_space<hbm>>
        tpu.enqueue_indirect_dma source(%dma_start3A_183 : memref<10000x128xf32, #tpu.memory_space<hbm>>) target(%arg9 : memref<128x128xf32, #tpu.memory_space<vmem>>) offsets(%dma_start3A_180 : memref<128xi32, #tpu.memory_space<vmem>>) semaphore(%arg14 : memref<!tpu.dma_semaphore, #tpu.memory_space<semaphore_mem>>)
      } else {
      }
      %mul3A_153 = arith.constant 128 : i32
      %mul3A_154 = arith.muli %add3A_148, %mul3A_153 : i32
      %dma_wait3A_155 = tpu.memref_slice %arg6[%mul3A_154] : memref<2048xi32, #tpu.memory_space<vmem>> -> memref<128xi32, #tpu.memory_space<vmem>>
      %dma_wait3A_156 = arith.constant 0 : i32
      %dma_wait3A_157 = arith.constant 0 : i32
      %dma_wait3A_158 = tpu.memref_slice %arg2[%dma_wait3A_156, %dma_wait3A_157] : memref<10000x128xf32, #tpu.memory_space<hbm>> -> memref<10000x128xf32, #tpu.memory_space<hbm>>
      tpu.wait_indirect_dma semaphore(%arg13 : memref<!tpu.dma_semaphore, #tpu.memory_space<semaphore_mem>>) src(%dma_wait3A_158 : memref<10000x128xf32, #tpu.memory_space<hbm>>) dst(%arg8 : memref<128x128xf32, #tpu.memory_space<vmem>>)
      %mul3A_159 = arith.constant 128 : i32
      %mul3A_160 = arith.muli %add3A_148, %mul3A_159 : i32
      "tpu.region"() ({
        %run_scoped3A = tpu.sem_alloc : memref<!tpu.dma_semaphore, #tpu.memory_space<semaphore_mem>>
        %dma_start3A_178 = tpu.memref_slice %arg7[%mul3A_160] : memref<2048xi32, #tpu.memory_space<vmem>> -> memref<128xi32, #tpu.memory_space<vmem>>
        %dma_start3A_179 = arith.constant 0 : i32
        %dma_start3A_180 = arith.constant 0 : i32
        %dma_start3A_181 = tpu.memref_slice %arg12[%dma_start3A_179, %dma_start3A_180] : memref<10112x128xf32, #tpu.memory_space<vmem_shared>> -> memref<10112x128xf32, #tpu.memory_space<vmem_shared>>
        tpu.enqueue_indirect_dma source(%arg8 : memref<128x128xf32, #tpu.memory_space<vmem>>) target(%dma_start3A_181 : memref<10112x128xf32, #tpu.memory_space<vmem_shared>>) offsets(%dma_start3A_178 : memref<128xi32, #tpu.memory_space<vmem>>) semaphore(%run_scoped3A : memref<!tpu.dma_semaphore, #tpu.memory_space<semaphore_mem>>) {add = true}
        %dma_wait3A_182 = tpu.memref_slice %arg7[%mul3A_160] : memref<2048xi32, #tpu.memory_space<vmem>> -> memref<128xi32, #tpu.memory_space<vmem>>
        %dma_wait3A_183 = arith.constant 0 : i32
        %dma_wait3A_184 = arith.constant 0 : i32
        %dma_wait3A_185 = tpu.memref_slice %arg12[%dma_wait3A_183, %dma_wait3A_184] : memref<10112x128xf32, #tpu.memory_space<vmem_shared>> -> memref<10112x128xf32, #tpu.memory_space<vmem_shared>>
        tpu.wait_indirect_dma semaphore(%run_scoped3A : memref<!tpu.dma_semaphore, #tpu.memory_space<semaphore_mem>>) src(%arg8 : memref<128x128xf32, #tpu.memory_space<vmem>>) dst(%dma_wait3A_185 : memref<10112x128xf32, #tpu.memory_space<vmem_shared>>)
        tpu.yield
      }) : () -> ()
      %add3A_161 = arith.constant 1 : i32
      %add3A_162 = arith.addi %add3A_146, %add3A_161 : i32
      %add3A_163 = arith.constant 1 : i32
      %add3A_164 = arith.addi %add3A_162, %add3A_163 : i32
      %lt3A_165 = arith.constant 14 : i32
      %lt3A_166 = arith.cmpi slt, %add3A_164, %lt3A_165 : i32
      %convert_element_type3A_167 = arith.extui %lt3A_166 : i1 to i32
      %cond3A_168 = arith.constant 0 : i32
      %cond3A_169 = arith.cmpi ne, %convert_element_type3A_167, %cond3A_168 : i32
      scf.if %cond3A_169 {
        %mul3A_178 = arith.constant 128 : i32
        %mul3A_179 = arith.muli %add3A_164, %mul3A_178 : i32
        %dma_start3A_180 = tpu.memref_slice %arg6[%mul3A_179] : memref<2048xi32, #tpu.memory_space<vmem>> -> memref<128xi32, #tpu.memory_space<vmem>>
        %dma_start3A_181 = arith.constant 0 : i32
        %dma_start3A_182 = arith.constant 0 : i32
        %dma_start3A_183 = tpu.memref_slice %arg2[%dma_start3A_181, %dma_start3A_182] : memref<10000x128xf32, #tpu.memory_space<hbm>> -> memref<10000x128xf32, #tpu.memory_space<hbm>>
        tpu.enqueue_indirect_dma source(%dma_start3A_183 : memref<10000x128xf32, #tpu.memory_space<hbm>>) target(%arg8 : memref<128x128xf32, #tpu.memory_space<vmem>>) offsets(%dma_start3A_180 : memref<128xi32, #tpu.memory_space<vmem>>) semaphore(%arg13 : memref<!tpu.dma_semaphore, #tpu.memory_space<semaphore_mem>>)
      } else {
      }
      %mul3A_170 = arith.constant 128 : i32
      %mul3A_171 = arith.muli %add3A_162, %mul3A_170 : i32
      %dma_wait3A_172 = tpu.memref_slice %arg6[%mul3A_171] : memref<2048xi32, #tpu.memory_space<vmem>> -> memref<128xi32, #tpu.memory_space<vmem>>
      %dma_wait3A_173 = arith.constant 0 : i32
      %dma_wait3A_174 = arith.constant 0 : i32
      %dma_wait3A_175 = tpu.memref_slice %arg2[%dma_wait3A_173, %dma_wait3A_174] : memref<10000x128xf32, #tpu.memory_space<hbm>> -> memref<10000x128xf32, #tpu.memory_space<hbm>>
      tpu.wait_indirect_dma semaphore(%arg14 : memref<!tpu.dma_semaphore, #tpu.memory_space<semaphore_mem>>) src(%dma_wait3A_175 : memref<10000x128xf32, #tpu.memory_space<hbm>>) dst(%arg9 : memref<128x128xf32, #tpu.memory_space<vmem>>)
      %mul3A_176 = arith.constant 128 : i32
      %mul3A_177 = arith.muli %add3A_162, %mul3A_176 : i32
      "tpu.region"() ({
        %run_scoped3A = tpu.sem_alloc : memref<!tpu.dma_semaphore, #tpu.memory_space<semaphore_mem>>
        %dma_start3A_178 = tpu.memref_slice %arg7[%mul3A_177] : memref<2048xi32, #tpu.memory_space<vmem>> -> memref<128xi32, #tpu.memory_space<vmem>>
        %dma_start3A_179 = arith.constant 0 : i32
        %dma_start3A_180 = arith.constant 0 : i32
        %dma_start3A_181 = tpu.memref_slice %arg12[%dma_start3A_179, %dma_start3A_180] : memref<10112x128xf32, #tpu.memory_space<vmem_shared>> -> memref<10112x128xf32, #tpu.memory_space<vmem_shared>>
        tpu.enqueue_indirect_dma source(%arg9 : memref<128x128xf32, #tpu.memory_space<vmem>>) target(%dma_start3A_181 : memref<10112x128xf32, #tpu.memory_space<vmem_shared>>) offsets(%dma_start3A_178 : memref<128xi32, #tpu.memory_space<vmem>>) semaphore(%run_scoped3A : memref<!tpu.dma_semaphore, #tpu.memory_space<semaphore_mem>>) {add = true}
        %dma_wait3A_182 = tpu.memref_slice %arg7[%mul3A_177] : memref<2048xi32, #tpu.memory_space<vmem>> -> memref<128xi32, #tpu.memory_space<vmem>>
        %dma_wait3A_183 = arith.constant 0 : i32
        %dma_wait3A_184 = arith.constant 0 : i32
        %dma_wait3A_185 = tpu.memref_slice %arg12[%dma_wait3A_183, %dma_wait3A_184] : memref<10112x128xf32, #tpu.memory_space<vmem_shared>> -> memref<10112x128xf32, #tpu.memory_space<vmem_shared>>
        tpu.wait_indirect_dma semaphore(%run_scoped3A : memref<!tpu.dma_semaphore, #tpu.memory_space<semaphore_mem>>) src(%arg9 : memref<128x128xf32, #tpu.memory_space<vmem>>) dst(%dma_wait3A_185 : memref<10112x128xf32, #tpu.memory_space<vmem_shared>>)
        tpu.yield
      }) : () -> ()
    }
    %scan3A_32 = arith.constant 7 : i32
    %dma_start3A_33 = arith.constant 1792 : i32
    %dma_start3A_34 = tpu.memref_slice %arg6[%dma_start3A_33] : memref<2048xi32, #tpu.memory_space<vmem>> -> memref<16xi32, #tpu.memory_space<vmem>>
    %dma_start3A_35 = arith.constant 0 : i32
    %dma_start3A_36 = arith.constant 0 : i32
    %dma_start3A_37 = tpu.memref_slice %arg2[%dma_start3A_35, %dma_start3A_36] : memref<10000x128xf32, #tpu.memory_space<hbm>> -> memref<10000x128xf32, #tpu.memory_space<hbm>>
    tpu.enqueue_indirect_dma source(%dma_start3A_37 : memref<10000x128xf32, #tpu.memory_space<hbm>>) target(%arg10 : memref<16x128xf32, #tpu.memory_space<vmem>>) offsets(%dma_start3A_34 : memref<16xi32, #tpu.memory_space<vmem>>) semaphore(%arg13 : memref<!tpu.dma_semaphore, #tpu.memory_space<semaphore_mem>>)
    %dma_wait3A = arith.constant 1792 : i32
    %dma_wait3A_38 = tpu.memref_slice %arg6[%dma_wait3A] : memref<2048xi32, #tpu.memory_space<vmem>> -> memref<16xi32, #tpu.memory_space<vmem>>
    %dma_wait3A_39 = arith.constant 0 : i32
    %dma_wait3A_40 = arith.constant 0 : i32
    %dma_wait3A_41 = tpu.memref_slice %arg2[%dma_wait3A_39, %dma_wait3A_40] : memref<10000x128xf32, #tpu.memory_space<hbm>> -> memref<10000x128xf32, #tpu.memory_space<hbm>>
    tpu.wait_indirect_dma semaphore(%arg13 : memref<!tpu.dma_semaphore, #tpu.memory_space<semaphore_mem>>) src(%dma_wait3A_41 : memref<10000x128xf32, #tpu.memory_space<hbm>>) dst(%arg10 : memref<16x128xf32, #tpu.memory_space<vmem>>)
    "tpu.region"() ({
      %run_scoped3A = tpu.sem_alloc : memref<!tpu.dma_semaphore, #tpu.memory_space<semaphore_mem>>
      %dma_start3A_142 = arith.constant 1792 : i32
      %dma_start3A_143 = tpu.memref_slice %arg7[%dma_start3A_142] : memref<2048xi32, #tpu.memory_space<vmem>> -> memref<16xi32, #tpu.memory_space<vmem>>
      %dma_start3A_144 = arith.constant 0 : i32
      %dma_start3A_145 = arith.constant 0 : i32
      %dma_start3A_146 = tpu.memref_slice %arg12[%dma_start3A_144, %dma_start3A_145] : memref<10112x128xf32, #tpu.memory_space<vmem_shared>> -> memref<10112x128xf32, #tpu.memory_space<vmem_shared>>
      tpu.enqueue_indirect_dma source(%arg10 : memref<16x128xf32, #tpu.memory_space<vmem>>) target(%dma_start3A_146 : memref<10112x128xf32, #tpu.memory_space<vmem_shared>>) offsets(%dma_start3A_143 : memref<16xi32, #tpu.memory_space<vmem>>) semaphore(%run_scoped3A : memref<!tpu.dma_semaphore, #tpu.memory_space<semaphore_mem>>) {add = true}
      %dma_wait3A_147 = arith.constant 1792 : i32
      %dma_wait3A_148 = tpu.memref_slice %arg7[%dma_wait3A_147] : memref<2048xi32, #tpu.memory_space<vmem>> -> memref<16xi32, #tpu.memory_space<vmem>>
      %dma_wait3A_149 = arith.constant 0 : i32
      %dma_wait3A_150 = arith.constant 0 : i32
      %dma_wait3A_151 = tpu.memref_slice %arg12[%dma_wait3A_149, %dma_wait3A_150] : memref<10112x128xf32, #tpu.memory_space<vmem_shared>> -> memref<10112x128xf32, #tpu.memory_space<vmem_shared>>
      tpu.wait_indirect_dma semaphore(%run_scoped3A : memref<!tpu.dma_semaphore, #tpu.memory_space<semaphore_mem>>) src(%arg10 : memref<16x128xf32, #tpu.memory_space<vmem>>) dst(%dma_wait3A_151 : memref<10112x128xf32, #tpu.memory_space<vmem_shared>>)
      tpu.yield
    }) : () -> ()
    %barrier3A_42 = arith.constant 0 : index
    tpu.barrier barrier_id(%barrier3A_42)
    %scan3A_43 = arith.constant 0 : i32
    %scan3A_44 = arith.constant 9 : i32
    %scan3A_45 = arith.addi %scan3A_43, %scan3A_44 : i32
    %scan3A_46 = arith.constant 1 : i32
    scf.for %scan3A_142 = %scan3A_43 to %scan3A_45 step %scan3A_46  : i32 {
      %mul3A_143 = arith.constant 2 : i32
      %mul3A_144 = arith.muli %scan3A_142, %mul3A_143 : i32
      %add3A_145 = arith.constant 0 : i32
      %add3A_146 = arith.addi %add3A_145, %mul3A_144 : i32
      %add3A_147 = arith.constant 0 : i32
      %add3A_148 = arith.addi %add3A_146, %add3A_147 : i32
      %ge3A = arith.constant 2 : i32
      %ge3A_149 = arith.cmpi sge, %add3A_148, %ge3A : i32
      %convert_element_type3A = arith.extui %ge3A_149 : i1 to i32
      %cond3A = arith.constant 0 : i32
      %cond3A_150 = arith.cmpi ne, %convert_element_type3A, %cond3A : i32
      scf.if %cond3A_150 {
        %sub3A = arith.constant 2 : i32
        %sub3A_196 = arith.subi %add3A_148, %sub3A : i32
        %mul3A_197 = arith.constant 10112 : i32
        %mul3A_198 = arith.muli %arg0, %mul3A_197 : i32
        %add3A_199 = arith.addi %mul3A_198, %mul3A_4 : i32
        %mul3A_200 = arith.constant 32 : i32
        %mul3A_201 = arith.muli %sub3A_196, %mul3A_200 : i32
        %add3A_202 = arith.addi %add3A_199, %mul3A_201 : i32
        %dma_wait3A_203 = arith.constant 0 : i32
        %dma_wait3A_204 = arith.constant 0 : i32
        %dma_wait3A_205 = tpu.memref_slice %arg11[%dma_wait3A_203, %dma_wait3A_204] : memref<64x128xf32, #tpu.memory_space<vmem>> -> memref<32x128xf32, #tpu.memory_space<vmem>>
        %dma_wait3A_206 = arith.constant 0 : i32
        %dma_wait3A_207 = tpu.memref_slice %arg5[%add3A_202, %dma_wait3A_206] : memref<20224x128xf32, #tpu.memory_space<hbm>> -> memref<32x128xf32, #tpu.memory_space<hbm>>
        %dma_wait3A_208 = arith.constant 0 : i32
        %dma_wait3A_209 = tpu.memref_slice %arg5[%add3A_202, %dma_wait3A_208] : memref<20224x128xf32, #tpu.memory_space<hbm>> -> memref<32x128xf32, #tpu.memory_space<hbm>>
        %dma_wait3A_210 = arith.constant 0 : i32
        %dma_wait3A_211 = arith.constant 0 : i32
        %dma_wait3A_212 = tpu.memref_slice %arg11[%dma_wait3A_210, %dma_wait3A_211] : memref<64x128xf32, #tpu.memory_space<vmem>> -> memref<32x128xf32, #tpu.memory_space<vmem>>
        tpu.wait_dma2 semaphore(%arg13 : memref<!tpu.dma_semaphore, #tpu.memory_space<semaphore_mem>>) src(%dma_wait3A_212 : memref<32x128xf32, #tpu.memory_space<vmem>>) dst(%dma_wait3A_209 : memref<32x128xf32, #tpu.memory_space<hbm>>)
      } else {
      }
      %mul3A_151 = arith.constant 32 : i32
      %mul3A_152 = arith.muli %add3A_148, %mul3A_151 : i32
      %add3A_153 = arith.addi %mul3A_4, %mul3A_152 : i32
      "tpu.region"() ({
        %run_scoped3A = tpu.sem_alloc : memref<!tpu.dma_semaphore, #tpu.memory_space<semaphore_mem>>
        %dma_start3A_196 = arith.constant 0 : i32
        %dma_start3A_197 = arith.constant 0 : i32
        %dma_start3A_198 = tpu.memref_slice %arg11[%dma_start3A_196, %dma_start3A_197] : memref<64x128xf32, #tpu.memory_space<vmem>> -> memref<32x128xf32, #tpu.memory_space<vmem>>
        %dma_start3A_199 = arith.constant 0 : i32
        %dma_start3A_200 = tpu.memref_slice %arg12[%add3A_153, %dma_start3A_199] : memref<10112x128xf32, #tpu.memory_space<vmem_shared>> -> memref<32x128xf32, #tpu.memory_space<vmem_shared>>
        %dma_start3A_201 = arith.constant 0 : i32
        %dma_start3A_202 = arith.constant 0 : i32
        %dma_start3A_203 = tpu.memref_slice %arg11[%dma_start3A_201, %dma_start3A_202] : memref<64x128xf32, #tpu.memory_space<vmem>> -> memref<32x128xf32, #tpu.memory_space<vmem>>
        %dma_start3A_204 = arith.constant 0 : i32
        %dma_start3A_205 = tpu.memref_slice %arg12[%add3A_153, %dma_start3A_204] : memref<10112x128xf32, #tpu.memory_space<vmem_shared>> -> memref<32x128xf32, #tpu.memory_space<vmem_shared>>
        tpu.enqueue_dma source(%dma_start3A_205 : memref<32x128xf32, #tpu.memory_space<vmem_shared>>) target(%dma_start3A_203 : memref<32x128xf32, #tpu.memory_space<vmem>>) target_semaphore(%run_scoped3A : memref<!tpu.dma_semaphore, #tpu.memory_space<semaphore_mem>>)
        %dma_wait3A_206 = arith.constant 0 : i32
        %dma_wait3A_207 = arith.constant 0 : i32
        %dma_wait3A_208 = tpu.memref_slice %arg11[%dma_wait3A_206, %dma_wait3A_207] : memref<64x128xf32, #tpu.memory_space<vmem>> -> memref<32x128xf32, #tpu.memory_space<vmem>>
        %dma_wait3A_209 = arith.constant 0 : i32
        %dma_wait3A_210 = tpu.memref_slice %arg12[%add3A_153, %dma_wait3A_209] : memref<10112x128xf32, #tpu.memory_space<vmem_shared>> -> memref<32x128xf32, #tpu.memory_space<vmem_shared>>
        %dma_wait3A_211 = arith.constant 0 : i32
        %dma_wait3A_212 = arith.constant 0 : i32
        %dma_wait3A_213 = tpu.memref_slice %arg11[%dma_wait3A_211, %dma_wait3A_212] : memref<64x128xf32, #tpu.memory_space<vmem>> -> memref<32x128xf32, #tpu.memory_space<vmem>>
        %dma_wait3A_214 = arith.constant 0 : i32
        %dma_wait3A_215 = tpu.memref_slice %arg12[%add3A_153, %dma_wait3A_214] : memref<10112x128xf32, #tpu.memory_space<vmem_shared>> -> memref<32x128xf32, #tpu.memory_space<vmem_shared>>
        tpu.wait_dma2 semaphore(%run_scoped3A : memref<!tpu.dma_semaphore, #tpu.memory_space<semaphore_mem>>) src(%dma_wait3A_215 : memref<32x128xf32, #tpu.memory_space<vmem_shared>>) dst(%dma_wait3A_213 : memref<32x128xf32, #tpu.memory_space<vmem>>)
        tpu.yield
      }) : () -> ()
      %mul3A_154 = arith.constant 10112 : i32
      %mul3A_155 = arith.muli %arg0, %mul3A_154 : i32
      %add3A_156 = arith.addi %mul3A_155, %mul3A_4 : i32
      %mul3A_157 = arith.constant 32 : i32
      %mul3A_158 = arith.muli %add3A_148, %mul3A_157 : i32
      %add3A_159 = arith.addi %add3A_156, %mul3A_158 : i32
      %dma_start3A_160 = arith.constant 0 : i32
      %dma_start3A_161 = arith.constant 0 : i32
      %dma_start3A_162 = tpu.memref_slice %arg11[%dma_start3A_160, %dma_start3A_161] : memref<64x128xf32, #tpu.memory_space<vmem>> -> memref<32x128xf32, #tpu.memory_space<vmem>>
      %dma_start3A_163 = arith.constant 0 : i32
      %dma_start3A_164 = tpu.memref_slice %arg5[%add3A_159, %dma_start3A_163] : memref<20224x128xf32, #tpu.memory_space<hbm>> -> memref<32x128xf32, #tpu.memory_space<hbm>>
      %dma_start3A_165 = arith.constant 0 : i32
      %dma_start3A_166 = tpu.memref_slice %arg5[%add3A_159, %dma_start3A_165] : memref<20224x128xf32, #tpu.memory_space<hbm>> -> memref<32x128xf32, #tpu.memory_space<hbm>>
      %dma_start3A_167 = arith.constant 0 : i32
      %dma_start3A_168 = arith.constant 0 : i32
      %dma_start3A_169 = tpu.memref_slice %arg11[%dma_start3A_167, %dma_start3A_168] : memref<64x128xf32, #tpu.memory_space<vmem>> -> memref<32x128xf32, #tpu.memory_space<vmem>>
      tpu.enqueue_dma source(%dma_start3A_169 : memref<32x128xf32, #tpu.memory_space<vmem>>) target(%dma_start3A_166 : memref<32x128xf32, #tpu.memory_space<hbm>>) target_semaphore(%arg13 : memref<!tpu.dma_semaphore, #tpu.memory_space<semaphore_mem>>)
      %add3A_170 = arith.constant 1 : i32
      %add3A_171 = arith.addi %add3A_146, %add3A_170 : i32
      %ge3A_172 = arith.constant 2 : i32
      %ge3A_173 = arith.cmpi sge, %add3A_171, %ge3A_172 : i32
      %convert_element_type3A_174 = arith.extui %ge3A_173 : i1 to i32
      %cond3A_175 = arith.constant 0 : i32
      %cond3A_176 = arith.cmpi ne, %convert_element_type3A_174, %cond3A_175 : i32
      scf.if %cond3A_176 {
        %sub3A = arith.constant 2 : i32
        %sub3A_196 = arith.subi %add3A_171, %sub3A : i32
        %mul3A_197 = arith.constant 10112 : i32
        %mul3A_198 = arith.muli %arg0, %mul3A_197 : i32
        %add3A_199 = arith.addi %mul3A_198, %mul3A_4 : i32
        %mul3A_200 = arith.constant 32 : i32
        %mul3A_201 = arith.muli %sub3A_196, %mul3A_200 : i32
        %add3A_202 = arith.addi %add3A_199, %mul3A_201 : i32
        %dma_wait3A_203 = arith.constant 32 : i32
        %dma_wait3A_204 = arith.constant 0 : i32
        %dma_wait3A_205 = tpu.memref_slice %arg11[%dma_wait3A_203, %dma_wait3A_204] : memref<64x128xf32, #tpu.memory_space<vmem>> -> memref<32x128xf32, #tpu.memory_space<vmem>>
        %dma_wait3A_206 = arith.constant 0 : i32
        %dma_wait3A_207 = tpu.memref_slice %arg5[%add3A_202, %dma_wait3A_206] : memref<20224x128xf32, #tpu.memory_space<hbm>> -> memref<32x128xf32, #tpu.memory_space<hbm>>
        %dma_wait3A_208 = arith.constant 0 : i32
        %dma_wait3A_209 = tpu.memref_slice %arg5[%add3A_202, %dma_wait3A_208] : memref<20224x128xf32, #tpu.memory_space<hbm>> -> memref<32x128xf32, #tpu.memory_space<hbm>>
        %dma_wait3A_210 = arith.constant 32 : i32
        %dma_wait3A_211 = arith.constant 0 : i32
        %dma_wait3A_212 = tpu.memref_slice %arg11[%dma_wait3A_210, %dma_wait3A_211] : memref<64x128xf32, #tpu.memory_space<vmem>> -> memref<32x128xf32, #tpu.memory_space<vmem>>
        tpu.wait_dma2 semaphore(%arg14 : memref<!tpu.dma_semaphore, #tpu.memory_space<semaphore_mem>>) src(%dma_wait3A_212 : memref<32x128xf32, #tpu.memory_space<vmem>>) dst(%dma_wait3A_209 : memref<32x128xf32, #tpu.memory_space<hbm>>)
      } else {
      }
      %mul3A_177 = arith.constant 32 : i32
      %mul3A_178 = arith.muli %add3A_171, %mul3A_177 : i32
      %add3A_179 = arith.addi %mul3A_4, %mul3A_178 : i32
      "tpu.region"() ({
        %run_scoped3A = tpu.sem_alloc : memref<!tpu.dma_semaphore, #tpu.memory_space<semaphore_mem>>
        %dma_start3A_196 = arith.constant 32 : i32
        %dma_start3A_197 = arith.constant 0 : i32
        %dma_start3A_198 = tpu.memref_slice %arg11[%dma_start3A_196, %dma_start3A_197] : memref<64x128xf32, #tpu.memory_space<vmem>> -> memref<32x128xf32, #tpu.memory_space<vmem>>
        %dma_start3A_199 = arith.constant 0 : i32
        %dma_start3A_200 = tpu.memref_slice %arg12[%add3A_179, %dma_start3A_199] : memref<10112x128xf32, #tpu.memory_space<vmem_shared>> -> memref<32x128xf32, #tpu.memory_space<vmem_shared>>
        %dma_start3A_201 = arith.constant 32 : i32
        %dma_start3A_202 = arith.constant 0 : i32
        %dma_start3A_203 = tpu.memref_slice %arg11[%dma_start3A_201, %dma_start3A_202] : memref<64x128xf32, #tpu.memory_space<vmem>> -> memref<32x128xf32, #tpu.memory_space<vmem>>
        %dma_start3A_204 = arith.constant 0 : i32
        %dma_start3A_205 = tpu.memref_slice %arg12[%add3A_179, %dma_start3A_204] : memref<10112x128xf32, #tpu.memory_space<vmem_shared>> -> memref<32x128xf32, #tpu.memory_space<vmem_shared>>
        tpu.enqueue_dma source(%dma_start3A_205 : memref<32x128xf32, #tpu.memory_space<vmem_shared>>) target(%dma_start3A_203 : memref<32x128xf32, #tpu.memory_space<vmem>>) target_semaphore(%run_scoped3A : memref<!tpu.dma_semaphore, #tpu.memory_space<semaphore_mem>>)
        %dma_wait3A_206 = arith.constant 32 : i32
        %dma_wait3A_207 = arith.constant 0 : i32
        %dma_wait3A_208 = tpu.memref_slice %arg11[%dma_wait3A_206, %dma_wait3A_207] : memref<64x128xf32, #tpu.memory_space<vmem>> -> memref<32x128xf32, #tpu.memory_space<vmem>>
        %dma_wait3A_209 = arith.constant 0 : i32
        %dma_wait3A_210 = tpu.memref_slice %arg12[%add3A_179, %dma_wait3A_209] : memref<10112x128xf32, #tpu.memory_space<vmem_shared>> -> memref<32x128xf32, #tpu.memory_space<vmem_shared>>
        %dma_wait3A_211 = arith.constant 32 : i32
        %dma_wait3A_212 = arith.constant 0 : i32
        %dma_wait3A_213 = tpu.memref_slice %arg11[%dma_wait3A_211, %dma_wait3A_212] : memref<64x128xf32, #tpu.memory_space<vmem>> -> memref<32x128xf32, #tpu.memory_space<vmem>>
        %dma_wait3A_214 = arith.constant 0 : i32
        %dma_wait3A_215 = tpu.memref_slice %arg12[%add3A_179, %dma_wait3A_214] : memref<10112x128xf32, #tpu.memory_space<vmem_shared>> -> memref<32x128xf32, #tpu.memory_space<vmem_shared>>
        tpu.wait_dma2 semaphore(%run_scoped3A : memref<!tpu.dma_semaphore, #tpu.memory_space<semaphore_mem>>) src(%dma_wait3A_215 : memref<32x128xf32, #tpu.memory_space<vmem_shared>>) dst(%dma_wait3A_213 : memref<32x128xf32, #tpu.memory_space<vmem>>)
        tpu.yield
      }) : () -> ()
      %mul3A_180 = arith.constant 10112 : i32
      %mul3A_181 = arith.muli %arg0, %mul3A_180 : i32
      %add3A_182 = arith.addi %mul3A_181, %mul3A_4 : i32
      %mul3A_183 = arith.constant 32 : i32
      %mul3A_184 = arith.muli %add3A_171, %mul3A_183 : i32
      %add3A_185 = arith.addi %add3A_182, %mul3A_184 : i32
      %dma_start3A_186 = arith.constant 32 : i32
      %dma_start3A_187 = arith.constant 0 : i32
      %dma_start3A_188 = tpu.memref_slice %arg11[%dma_start3A_186, %dma_start3A_187] : memref<64x128xf32, #tpu.memory_space<vmem>> -> memref<32x128xf32, #tpu.memory_space<vmem>>
      %dma_start3A_189 = arith.constant 0 : i32
      %dma_start3A_190 = tpu.memref_slice %arg5[%add3A_185, %dma_start3A_189] : memref<20224x128xf32, #tpu.memory_space<hbm>> -> memref<32x128xf32, #tpu.memory_space<hbm>>
      %dma_start3A_191 = arith.constant 0 : i32
      %dma_start3A_192 = tpu.memref_slice %arg5[%add3A_185, %dma_start3A_191] : memref<20224x128xf32, #tpu.memory_space<hbm>> -> memref<32x128xf32, #tpu.memory_space<hbm>>
      %dma_start3A_193 = arith.constant 32 : i32
      %dma_start3A_194 = arith.constant 0 : i32
      %dma_start3A_195 = tpu.memref_slice %arg11[%dma_start3A_193, %dma_start3A_194] : memref<64x128xf32, #tpu.memory_space<vmem>> -> memref<32x128xf32, #tpu.memory_space<vmem>>
      tpu.enqueue_dma source(%dma_start3A_195 : memref<32x128xf32, #tpu.memory_space<vmem>>) target(%dma_start3A_192 : memref<32x128xf32, #tpu.memory_space<hbm>>) target_semaphore(%arg14 : memref<!tpu.dma_semaphore, #tpu.memory_space<semaphore_mem>>)
    }
    %scan3A_47 = arith.constant 9 : i32
    %mul3A_48 = arith.constant 10112 : i32
    %mul3A_49 = arith.muli %arg0, %mul3A_48 : i32
    %add3A_50 = arith.addi %mul3A_49, %mul3A_4 : i32
    %add3A_51 = arith.constant 512 : i32
    %add3A_52 = arith.addi %add3A_50, %add3A_51 : i32
    %dma_wait3A_53 = arith.constant 0 : i32
    %dma_wait3A_54 = arith.constant 0 : i32
    %dma_wait3A_55 = tpu.memref_slice %arg11[%dma_wait3A_53, %dma_wait3A_54] : memref<64x128xf32, #tpu.memory_space<vmem>> -> memref<32x128xf32, #tpu.memory_space<vmem>>
    %dma_wait3A_56 = arith.constant 0 : i32
    %dma_wait3A_57 = tpu.memref_slice %arg5[%add3A_52, %dma_wait3A_56] : memref<20224x128xf32, #tpu.memory_space<hbm>> -> memref<32x128xf32, #tpu.memory_space<hbm>>
    %dma_wait3A_58 = arith.constant 0 : i32
    %dma_wait3A_59 = tpu.memref_slice %arg5[%add3A_52, %dma_wait3A_58] : memref<20224x128xf32, #tpu.memory_space<hbm>> -> memref<32x128xf32, #tpu.memory_space<hbm>>
    %dma_wait3A_60 = arith.constant 0 : i32
    %dma_wait3A_61 = arith.constant 0 : i32
    %dma_wait3A_62 = tpu.memref_slice %arg11[%dma_wait3A_60, %dma_wait3A_61] : memref<64x128xf32, #tpu.memory_space<vmem>> -> memref<32x128xf32, #tpu.memory_space<vmem>>
    tpu.wait_dma2 semaphore(%arg13 : memref<!tpu.dma_semaphore, #tpu.memory_space<semaphore_mem>>) src(%dma_wait3A_62 : memref<32x128xf32, #tpu.memory_space<vmem>>) dst(%dma_wait3A_59 : memref<32x128xf32, #tpu.memory_space<hbm>>)
    %add3A_63 = arith.constant 576 : i32
    %add3A_64 = arith.addi %mul3A_4, %add3A_63 : i32
    "tpu.region"() ({
      %run_scoped3A = tpu.sem_alloc : memref<!tpu.dma_semaphore, #tpu.memory_space<semaphore_mem>>
      %dma_start3A_142 = arith.constant 0 : i32
      %dma_start3A_143 = arith.constant 0 : i32
      %dma_start3A_144 = tpu.memref_slice %arg11[%dma_start3A_142, %dma_start3A_143] : memref<64x128xf32, #tpu.memory_space<vmem>> -> memref<32x128xf32, #tpu.memory_space<vmem>>
      %dma_start3A_145 = arith.constant 0 : i32
      %dma_start3A_146 = tpu.memref_slice %arg12[%add3A_64, %dma_start3A_145] : memref<10112x128xf32, #tpu.memory_space<vmem_shared>> -> memref<32x128xf32, #tpu.memory_space<vmem_shared>>
      %dma_start3A_147 = arith.constant 0 : i32
      %dma_start3A_148 = arith.constant 0 : i32
      %dma_start3A_149 = tpu.memref_slice %arg11[%dma_start3A_147, %dma_start3A_148] : memref<64x128xf32, #tpu.memory_space<vmem>> -> memref<32x128xf32, #tpu.memory_space<vmem>>
      %dma_start3A_150 = arith.constant 0 : i32
      %dma_start3A_151 = tpu.memref_slice %arg12[%add3A_64, %dma_start3A_150] : memref<10112x128xf32, #tpu.memory_space<vmem_shared>> -> memref<32x128xf32, #tpu.memory_space<vmem_shared>>
      tpu.enqueue_dma source(%dma_start3A_151 : memref<32x128xf32, #tpu.memory_space<vmem_shared>>) target(%dma_start3A_149 : memref<32x128xf32, #tpu.memory_space<vmem>>) target_semaphore(%run_scoped3A : memref<!tpu.dma_semaphore, #tpu.memory_space<semaphore_mem>>)
      %dma_wait3A_152 = arith.constant 0 : i32
      %dma_wait3A_153 = arith.constant 0 : i32
      %dma_wait3A_154 = tpu.memref_slice %arg11[%dma_wait3A_152, %dma_wait3A_153] : memref<64x128xf32, #tpu.memory_space<vmem>> -> memref<32x128xf32, #tpu.memory_space<vmem>>
      %dma_wait3A_155 = arith.constant 0 : i32
      %dma_wait3A_156 = tpu.memref_slice %arg12[%add3A_64, %dma_wait3A_155] : memref<10112x128xf32, #tpu.memory_space<vmem_shared>> -> memref<32x128xf32, #tpu.memory_space<vmem_shared>>
      %dma_wait3A_157 = arith.constant 0 : i32
      %dma_wait3A_158 = arith.constant 0 : i32
      %dma_wait3A_159 = tpu.memref_slice %arg11[%dma_wait3A_157, %dma_wait3A_158] : memref<64x128xf32, #tpu.memory_space<vmem>> -> memref<32x128xf32, #tpu.memory_space<vmem>>
      %dma_wait3A_160 = arith.constant 0 : i32
      %dma_wait3A_161 = tpu.memref_slice %arg12[%add3A_64, %dma_wait3A_160] : memref<10112x128xf32, #tpu.memory_space<vmem_shared>> -> memref<32x128xf32, #tpu.memory_space<vmem_shared>>
      tpu.wait_dma2 semaphore(%run_scoped3A : memref<!tpu.dma_semaphore, #tpu.memory_space<semaphore_mem>>) src(%dma_wait3A_161 : memref<32x128xf32, #tpu.memory_space<vmem_shared>>) dst(%dma_wait3A_159 : memref<32x128xf32, #tpu.memory_space<vmem>>)
      tpu.yield
    }) : () -> ()
    %mul3A_65 = arith.constant 10112 : i32
    %mul3A_66 = arith.muli %arg0, %mul3A_65 : i32
    %add3A_67 = arith.addi %mul3A_66, %mul3A_4 : i32
    %add3A_68 = arith.constant 576 : i32
    %add3A_69 = arith.addi %add3A_67, %add3A_68 : i32
    %dma_start3A_70 = arith.constant 0 : i32
    %dma_start3A_71 = arith.constant 0 : i32
    %dma_start3A_72 = tpu.memref_slice %arg11[%dma_start3A_70, %dma_start3A_71] : memref<64x128xf32, #tpu.memory_space<vmem>> -> memref<32x128xf32, #tpu.memory_space<vmem>>
    %dma_start3A_73 = arith.constant 0 : i32
    %dma_start3A_74 = tpu.memref_slice %arg5[%add3A_69, %dma_start3A_73] : memref<20224x128xf32, #tpu.memory_space<hbm>> -> memref<32x128xf32, #tpu.memory_space<hbm>>
    %dma_start3A_75 = arith.constant 0 : i32
    %dma_start3A_76 = tpu.memref_slice %arg5[%add3A_69, %dma_start3A_75] : memref<20224x128xf32, #tpu.memory_space<hbm>> -> memref<32x128xf32, #tpu.memory_space<hbm>>
    %dma_start3A_77 = arith.constant 0 : i32
    %dma_start3A_78 = arith.constant 0 : i32
    %dma_start3A_79 = tpu.memref_slice %arg11[%dma_start3A_77, %dma_start3A_78] : memref<64x128xf32, #tpu.memory_space<vmem>> -> memref<32x128xf32, #tpu.memory_space<vmem>>
    tpu.enqueue_dma source(%dma_start3A_79 : memref<32x128xf32, #tpu.memory_space<vmem>>) target(%dma_start3A_76 : memref<32x128xf32, #tpu.memory_space<hbm>>) target_semaphore(%arg13 : memref<!tpu.dma_semaphore, #tpu.memory_space<semaphore_mem>>)
    %mul3A_80 = arith.constant 10112 : i32
    %mul3A_81 = arith.muli %arg0, %mul3A_80 : i32
    %add3A_82 = arith.addi %mul3A_81, %mul3A_4 : i32
    %add3A_83 = arith.constant 544 : i32
    %add3A_84 = arith.addi %add3A_82, %add3A_83 : i32
    %dma_wait3A_85 = arith.constant 32 : i32
    %dma_wait3A_86 = arith.constant 0 : i32
    %dma_wait3A_87 = tpu.memref_slice %arg11[%dma_wait3A_85, %dma_wait3A_86] : memref<64x128xf32, #tpu.memory_space<vmem>> -> memref<32x128xf32, #tpu.memory_space<vmem>>
    %dma_wait3A_88 = arith.constant 0 : i32
    %dma_wait3A_89 = tpu.memref_slice %arg5[%add3A_84, %dma_wait3A_88] : memref<20224x128xf32, #tpu.memory_space<hbm>> -> memref<32x128xf32, #tpu.memory_space<hbm>>
    %dma_wait3A_90 = arith.constant 0 : i32
    %dma_wait3A_91 = tpu.memref_slice %arg5[%add3A_84, %dma_wait3A_90] : memref<20224x128xf32, #tpu.memory_space<hbm>> -> memref<32x128xf32, #tpu.memory_space<hbm>>
    %dma_wait3A_92 = arith.constant 32 : i32
    %dma_wait3A_93 = arith.constant 0 : i32
    %dma_wait3A_94 = tpu.memref_slice %arg11[%dma_wait3A_92, %dma_wait3A_93] : memref<64x128xf32, #tpu.memory_space<vmem>> -> memref<32x128xf32, #tpu.memory_space<vmem>>
    tpu.wait_dma2 semaphore(%arg14 : memref<!tpu.dma_semaphore, #tpu.memory_space<semaphore_mem>>) src(%dma_wait3A_94 : memref<32x128xf32, #tpu.memory_space<vmem>>) dst(%dma_wait3A_91 : memref<32x128xf32, #tpu.memory_space<hbm>>)
    %add3A_95 = arith.constant 608 : i32
    %add3A_96 = arith.addi %mul3A_4, %add3A_95 : i32
    "tpu.region"() ({
      %run_scoped3A = tpu.sem_alloc : memref<!tpu.dma_semaphore, #tpu.memory_space<semaphore_mem>>
      %dma_start3A_142 = arith.constant 32 : i32
      %dma_start3A_143 = arith.constant 0 : i32
      %dma_start3A_144 = tpu.memref_slice %arg11[%dma_start3A_142, %dma_start3A_143] : memref<64x128xf32, #tpu.memory_space<vmem>> -> memref<24x128xf32, #tpu.memory_space<vmem>>
      %dma_start3A_145 = arith.constant 0 : i32
      %dma_start3A_146 = tpu.memref_slice %arg12[%add3A_96, %dma_start3A_145] : memref<10112x128xf32, #tpu.memory_space<vmem_shared>> -> memref<24x128xf32, #tpu.memory_space<vmem_shared>>
      %dma_start3A_147 = arith.constant 32 : i32
      %dma_start3A_148 = arith.constant 0 : i32
      %dma_start3A_149 = tpu.memref_slice %arg11[%dma_start3A_147, %dma_start3A_148] : memref<64x128xf32, #tpu.memory_space<vmem>> -> memref<24x128xf32, #tpu.memory_space<vmem>>
      %dma_start3A_150 = arith.constant 0 : i32
      %dma_start3A_151 = tpu.memref_slice %arg12[%add3A_96, %dma_start3A_150] : memref<10112x128xf32, #tpu.memory_space<vmem_shared>> -> memref<24x128xf32, #tpu.memory_space<vmem_shared>>
      tpu.enqueue_dma source(%dma_start3A_151 : memref<24x128xf32, #tpu.memory_space<vmem_shared>>) target(%dma_start3A_149 : memref<24x128xf32, #tpu.memory_space<vmem>>) target_semaphore(%run_scoped3A : memref<!tpu.dma_semaphore, #tpu.memory_space<semaphore_mem>>)
      %dma_wait3A_152 = arith.constant 32 : i32
      %dma_wait3A_153 = arith.constant 0 : i32
      %dma_wait3A_154 = tpu.memref_slice %arg11[%dma_wait3A_152, %dma_wait3A_153] : memref<64x128xf32, #tpu.memory_space<vmem>> -> memref<24x128xf32, #tpu.memory_space<vmem>>
      %dma_wait3A_155 = arith.constant 0 : i32
      %dma_wait3A_156 = tpu.memref_slice %arg12[%add3A_96, %dma_wait3A_155] : memref<10112x128xf32, #tpu.memory_space<vmem_shared>> -> memref<24x128xf32, #tpu.memory_space<vmem_shared>>
      %dma_wait3A_157 = arith.constant 32 : i32
      %dma_wait3A_158 = arith.constant 0 : i32
      %dma_wait3A_159 = tpu.memref_slice %arg11[%dma_wait3A_157, %dma_wait3A_158] : memref<64x128xf32, #tpu.memory_space<vmem>> -> memref<24x128xf32, #tpu.memory_space<vmem>>
      %dma_wait3A_160 = arith.constant 0 : i32
      %dma_wait3A_161 = tpu.memref_slice %arg12[%add3A_96, %dma_wait3A_160] : memref<10112x128xf32, #tpu.memory_space<vmem_shared>> -> memref<24x128xf32, #tpu.memory_space<vmem_shared>>
      tpu.wait_dma2 semaphore(%run_scoped3A : memref<!tpu.dma_semaphore, #tpu.memory_space<semaphore_mem>>) src(%dma_wait3A_161 : memref<24x128xf32, #tpu.memory_space<vmem_shared>>) dst(%dma_wait3A_159 : memref<24x128xf32, #tpu.memory_space<vmem>>)
      tpu.yield
    }) : () -> ()
    %mul3A_97 = arith.constant 10112 : i32
    %mul3A_98 = arith.muli %arg0, %mul3A_97 : i32
    %add3A_99 = arith.addi %mul3A_98, %mul3A_4 : i32
    %add3A_100 = arith.constant 608 : i32
    %add3A_101 = arith.addi %add3A_99, %add3A_100 : i32
    %dma_start3A_102 = arith.constant 32 : i32
    %dma_start3A_103 = arith.constant 0 : i32
    %dma_start3A_104 = tpu.memref_slice %arg11[%dma_start3A_102, %dma_start3A_103] : memref<64x128xf32, #tpu.memory_space<vmem>> -> memref<24x128xf32, #tpu.memory_space<vmem>>
    %dma_start3A_105 = arith.constant 0 : i32
    %dma_start3A_106 = tpu.memref_slice %arg5[%add3A_101, %dma_start3A_105] : memref<20224x128xf32, #tpu.memory_space<hbm>> -> memref<24x128xf32, #tpu.memory_space<hbm>>
    %dma_start3A_107 = arith.constant 0 : i32
    %dma_start3A_108 = tpu.memref_slice %arg5[%add3A_101, %dma_start3A_107] : memref<20224x128xf32, #tpu.memory_space<hbm>> -> memref<24x128xf32, #tpu.memory_space<hbm>>
    %dma_start3A_109 = arith.constant 32 : i32
    %dma_start3A_110 = arith.constant 0 : i32
    %dma_start3A_111 = tpu.memref_slice %arg11[%dma_start3A_109, %dma_start3A_110] : memref<64x128xf32, #tpu.memory_space<vmem>> -> memref<24x128xf32, #tpu.memory_space<vmem>>
    tpu.enqueue_dma source(%dma_start3A_111 : memref<24x128xf32, #tpu.memory_space<vmem>>) target(%dma_start3A_108 : memref<24x128xf32, #tpu.memory_space<hbm>>) target_semaphore(%arg14 : memref<!tpu.dma_semaphore, #tpu.memory_space<semaphore_mem>>)
    %mul3A_112 = arith.constant 10112 : i32
    %mul3A_113 = arith.muli %arg0, %mul3A_112 : i32
    %add3A_114 = arith.addi %mul3A_113, %mul3A_4 : i32
    %add3A_115 = arith.constant 576 : i32
    %add3A_116 = arith.addi %add3A_114, %add3A_115 : i32
    %dma_wait3A_117 = arith.constant 0 : i32
    %dma_wait3A_118 = arith.constant 0 : i32
    %dma_wait3A_119 = tpu.memref_slice %arg11[%dma_wait3A_117, %dma_wait3A_118] : memref<64x128xf32, #tpu.memory_space<vmem>> -> memref<32x128xf32, #tpu.memory_space<vmem>>
    %dma_wait3A_120 = arith.constant 0 : i32
    %dma_wait3A_121 = tpu.memref_slice %arg5[%add3A_116, %dma_wait3A_120] : memref<20224x128xf32, #tpu.memory_space<hbm>> -> memref<32x128xf32, #tpu.memory_space<hbm>>
    %dma_wait3A_122 = arith.constant 0 : i32
    %dma_wait3A_123 = tpu.memref_slice %arg5[%add3A_116, %dma_wait3A_122] : memref<20224x128xf32, #tpu.memory_space<hbm>> -> memref<32x128xf32, #tpu.memory_space<hbm>>
    %dma_wait3A_124 = arith.constant 0 : i32
    %dma_wait3A_125 = arith.constant 0 : i32
    %dma_wait3A_126 = tpu.memref_slice %arg11[%dma_wait3A_124, %dma_wait3A_125] : memref<64x128xf32, #tpu.memory_space<vmem>> -> memref<32x128xf32, #tpu.memory_space<vmem>>
    tpu.wait_dma2 semaphore(%arg13 : memref<!tpu.dma_semaphore, #tpu.memory_space<semaphore_mem>>) src(%dma_wait3A_126 : memref<32x128xf32, #tpu.memory_space<vmem>>) dst(%dma_wait3A_123 : memref<32x128xf32, #tpu.memory_space<hbm>>)
    %mul3A_127 = arith.constant 10112 : i32
    %mul3A_128 = arith.muli %arg0, %mul3A_127 : i32
    %add3A_129 = arith.addi %mul3A_128, %mul3A_4 : i32
    %add3A_130 = arith.constant 608 : i32
    %add3A_131 = arith.addi %add3A_129, %add3A_130 : i32
    %dma_wait3A_132 = arith.constant 32 : i32
    %dma_wait3A_133 = arith.constant 0 : i32
    %dma_wait3A_134 = tpu.memref_slice %arg11[%dma_wait3A_132, %dma_wait3A_133] : memref<64x128xf32, #tpu.memory_space<vmem>> -> memref<24x128xf32, #tpu.memory_space<vmem>>
    %dma_wait3A_135 = arith.constant 0 : i32
    %dma_wait3A_136 = tpu.memref_slice %arg5[%add3A_131, %dma_wait3A_135] : memref<20224x128xf32, #tpu.memory_space<hbm>> -> memref<24x128xf32, #tpu.memory_space<hbm>>
    %dma_wait3A_137 = arith.constant 0 : i32
    %dma_wait3A_138 = tpu.memref_slice %arg5[%add3A_131, %dma_wait3A_137] : memref<20224x128xf32, #tpu.memory_space<hbm>> -> memref<24x128xf32, #tpu.memory_space<hbm>>
    %dma_wait3A_139 = arith.constant 32 : i32
    %dma_wait3A_140 = arith.constant 0 : i32
    %dma_wait3A_141 = tpu.memref_slice %arg11[%dma_wait3A_139, %dma_wait3A_140] : memref<64x128xf32, #tpu.memory_space<vmem>> -> memref<24x128xf32, #tpu.memory_space<vmem>>
    tpu.wait_dma2 semaphore(%arg14 : memref<!tpu.dma_semaphore, #tpu.memory_space<semaphore_mem>>) src(%dma_wait3A_141 : memref<24x128xf32, #tpu.memory_space<vmem>>) dst(%dma_wait3A_138 : memref<24x128xf32, #tpu.memory_space<hbm>>)
    return
  }
}

module attributes {stable_mosaic.version = 14 : i64} {
  func.func @body(%arg0: i32, %arg1: memref<8x128x128xf32, #tpu.memory_space<vmem>>, %arg2: memref<8x128xf32, #tpu.memory_space<vmem>>, %arg3: memref<1000x128xf32, #tpu.memory_space<vmem>>, %arg4: memref<1000x128xf32, #tpu.memory_space<vmem>>) attributes {dimension_semantics = [#tpu.dimension_semantics<arbitrary>], iteration_bounds = array<i64: 10>, scalar_prefetch = 0 : i64, scratch_operands = 0 : i64, tpu.core_type = #tpu.core_type<tc>, window_params = [{pipeline_mode = #tpu.pipeline_mode<synchronous>, transform_indices = @transform_0, window_bounds = array<i64: 8, 128, 128>}, {pipeline_mode = #tpu.pipeline_mode<synchronous>, transform_indices = @transform_1, window_bounds = array<i64: 8, 128>}, {transform_indices = @transform_2, window_bounds = array<i64: 1000, 128>}, {transform_indices = @transform_3, window_bounds = array<i64: 1000, 128>}]} {
    %get3A = arith.constant 0 : index
    %get3A_0 = arith.constant 0 : index
    %get3A_1 = arith.constant 0 : index
    %get3A_2 = vector.load %arg1[%get3A, %get3A_0, %get3A_1] : memref<8x128x128xf32, #tpu.memory_space<vmem>>, vector<1x128x128xf32>
    %get3A_3 = vector.shape_cast %get3A_2 : vector<1x128x128xf32> to vector<128x128xf32>
    %get3A_4 = arith.constant 0 : index
    %get3A_5 = arith.constant 0 : index
    %get3A_6 = vector.load %arg2[%get3A_4, %get3A_5] : memref<8x128xf32, #tpu.memory_space<vmem>>, vector<1x128xf32>
    %get3A_7 = vector.shape_cast %get3A_6 : vector<1x128xf32> to vector<128xf32>
    %get3A_8 = arith.constant 1 : index
    %get3A_9 = arith.constant 0 : index
    %get3A_10 = arith.constant 0 : index
    %get3A_11 = vector.load %arg1[%get3A_8, %get3A_9, %get3A_10] : memref<8x128x128xf32, #tpu.memory_space<vmem>>, vector<1x128x128xf32>
    %get3A_12 = vector.shape_cast %get3A_11 : vector<1x128x128xf32> to vector<128x128xf32>
    %add3A = arith.addf %get3A_3, %get3A_12 : vector<128x128xf32>
    %get3A_13 = arith.constant 1 : index
    %get3A_14 = arith.constant 0 : index
    %get3A_15 = vector.load %arg2[%get3A_13, %get3A_14] : memref<8x128xf32, #tpu.memory_space<vmem>>, vector<1x128xf32>
    %get3A_16 = vector.shape_cast %get3A_15 : vector<1x128xf32> to vector<128xf32>
    %add3A_17 = arith.addf %get3A_7, %get3A_16 : vector<128xf32>
    %get3A_18 = arith.constant 2 : index
    %get3A_19 = arith.constant 0 : index
    %get3A_20 = arith.constant 0 : index
    %get3A_21 = vector.load %arg1[%get3A_18, %get3A_19, %get3A_20] : memref<8x128x128xf32, #tpu.memory_space<vmem>>, vector<1x128x128xf32>
    %get3A_22 = vector.shape_cast %get3A_21 : vector<1x128x128xf32> to vector<128x128xf32>
    %add3A_23 = arith.addf %add3A, %get3A_22 : vector<128x128xf32>
    %get3A_24 = arith.constant 2 : index
    %get3A_25 = arith.constant 0 : index
    %get3A_26 = vector.load %arg2[%get3A_24, %get3A_25] : memref<8x128xf32, #tpu.memory_space<vmem>>, vector<1x128xf32>
    %get3A_27 = vector.shape_cast %get3A_26 : vector<1x128xf32> to vector<128xf32>
    %add3A_28 = arith.addf %add3A_17, %get3A_27 : vector<128xf32>
    %get3A_29 = arith.constant 3 : index
    %get3A_30 = arith.constant 0 : index
    %get3A_31 = arith.constant 0 : index
    %get3A_32 = vector.load %arg1[%get3A_29, %get3A_30, %get3A_31] : memref<8x128x128xf32, #tpu.memory_space<vmem>>, vector<1x128x128xf32>
    %get3A_33 = vector.shape_cast %get3A_32 : vector<1x128x128xf32> to vector<128x128xf32>
    %add3A_34 = arith.addf %add3A_23, %get3A_33 : vector<128x128xf32>
    %get3A_35 = arith.constant 3 : index
    %get3A_36 = arith.constant 0 : index
    %get3A_37 = vector.load %arg2[%get3A_35, %get3A_36] : memref<8x128xf32, #tpu.memory_space<vmem>>, vector<1x128xf32>
    %get3A_38 = vector.shape_cast %get3A_37 : vector<1x128xf32> to vector<128xf32>
    %add3A_39 = arith.addf %add3A_28, %get3A_38 : vector<128xf32>
    %get3A_40 = arith.constant 4 : index
    %get3A_41 = arith.constant 0 : index
    %get3A_42 = arith.constant 0 : index
    %get3A_43 = vector.load %arg1[%get3A_40, %get3A_41, %get3A_42] : memref<8x128x128xf32, #tpu.memory_space<vmem>>, vector<1x128x128xf32>
    %get3A_44 = vector.shape_cast %get3A_43 : vector<1x128x128xf32> to vector<128x128xf32>
    %add3A_45 = arith.addf %add3A_34, %get3A_44 : vector<128x128xf32>
    %get3A_46 = arith.constant 4 : index
    %get3A_47 = arith.constant 0 : index
    %get3A_48 = vector.load %arg2[%get3A_46, %get3A_47] : memref<8x128xf32, #tpu.memory_space<vmem>>, vector<1x128xf32>
    %get3A_49 = vector.shape_cast %get3A_48 : vector<1x128xf32> to vector<128xf32>
    %add3A_50 = arith.addf %add3A_39, %get3A_49 : vector<128xf32>
    %get3A_51 = arith.constant 5 : index
    %get3A_52 = arith.constant 0 : index
    %get3A_53 = arith.constant 0 : index
    %get3A_54 = vector.load %arg1[%get3A_51, %get3A_52, %get3A_53] : memref<8x128x128xf32, #tpu.memory_space<vmem>>, vector<1x128x128xf32>
    %get3A_55 = vector.shape_cast %get3A_54 : vector<1x128x128xf32> to vector<128x128xf32>
    %add3A_56 = arith.addf %add3A_45, %get3A_55 : vector<128x128xf32>
    %get3A_57 = arith.constant 5 : index
    %get3A_58 = arith.constant 0 : index
    %get3A_59 = vector.load %arg2[%get3A_57, %get3A_58] : memref<8x128xf32, #tpu.memory_space<vmem>>, vector<1x128xf32>
    %get3A_60 = vector.shape_cast %get3A_59 : vector<1x128xf32> to vector<128xf32>
    %add3A_61 = arith.addf %add3A_50, %get3A_60 : vector<128xf32>
    %get3A_62 = arith.constant 6 : index
    %get3A_63 = arith.constant 0 : index
    %get3A_64 = arith.constant 0 : index
    %get3A_65 = vector.load %arg1[%get3A_62, %get3A_63, %get3A_64] : memref<8x128x128xf32, #tpu.memory_space<vmem>>, vector<1x128x128xf32>
    %get3A_66 = vector.shape_cast %get3A_65 : vector<1x128x128xf32> to vector<128x128xf32>
    %add3A_67 = arith.addf %add3A_56, %get3A_66 : vector<128x128xf32>
    %get3A_68 = arith.constant 6 : index
    %get3A_69 = arith.constant 0 : index
    %get3A_70 = vector.load %arg2[%get3A_68, %get3A_69] : memref<8x128xf32, #tpu.memory_space<vmem>>, vector<1x128xf32>
    %get3A_71 = vector.shape_cast %get3A_70 : vector<1x128xf32> to vector<128xf32>
    %add3A_72 = arith.addf %add3A_61, %get3A_71 : vector<128xf32>
    %get3A_73 = arith.constant 7 : index
    %get3A_74 = arith.constant 0 : index
    %get3A_75 = arith.constant 0 : index
    %get3A_76 = vector.load %arg1[%get3A_73, %get3A_74, %get3A_75] : memref<8x128x128xf32, #tpu.memory_space<vmem>>, vector<1x128x128xf32>
    %get3A_77 = vector.shape_cast %get3A_76 : vector<1x128x128xf32> to vector<128x128xf32>
    %add3A_78 = arith.addf %add3A_67, %get3A_77 : vector<128x128xf32>
    %get3A_79 = arith.constant 7 : index
    %get3A_80 = arith.constant 0 : index
    %get3A_81 = vector.load %arg2[%get3A_79, %get3A_80] : memref<8x128xf32, #tpu.memory_space<vmem>>, vector<1x128xf32>
    %get3A_82 = vector.shape_cast %get3A_81 : vector<1x128xf32> to vector<128xf32>
    %add3A_83 = arith.addf %add3A_72, %get3A_82 : vector<128xf32>
    %mul3A = arith.constant 1.250000e-01 : f32
    %mul3A_84 = vector.broadcast %mul3A : f32 to vector<128x128xf32>
    %mul3A_85 = arith.mulf %add3A_78, %mul3A_84 : vector<128x128xf32>
    %mul3A_86 = arith.constant 1.250000e-01 : f32
    %mul3A_87 = vector.broadcast %mul3A_86 : f32 to vector<128xf32>
    %mul3A_88 = arith.mulf %add3A_83, %mul3A_87 : vector<128xf32>
    %get3A_89 = arith.constant 0 : index
    %get3A_90 = arith.constant 0 : index
    %get3A_91 = vector.load %arg3[%get3A_89, %get3A_90] : memref<1000x128xf32, #tpu.memory_space<vmem>>, vector<1000x128xf32>
    %dot_general3A = arith.constant dense<0.000000e+00> : vector<1000x128xf32>
    %dot_general3A_92 = tpu.matmul %get3A_91, %mul3A_85, %dot_general3A {dimension_numbers = #tpu.dot_dimension_numbers<[1], [1], [0], [0], [0, 0, 1, 0], [], []>, transpose_lhs_hint = false} : vector<1000x128xf32>, vector<128x128xf32>, vector<1000x128xf32> -> vector<1000x128xf32>
    %broadcast_in_dim3A = vector.shape_cast %mul3A_88 : vector<128xf32> to vector<1x128xf32>
    %add3A_93 = vector.broadcast %broadcast_in_dim3A : vector<1x128xf32> to vector<1000x128xf32>
    %add3A_94 = arith.addf %dot_general3A_92, %add3A_93 : vector<1000x128xf32>
    %swap3A = arith.constant 0 : index
    %swap3A_95 = arith.constant 0 : index
    %swap3A_96 = vector.load %arg4[%swap3A, %swap3A_95] : memref<1000x128xf32, #tpu.memory_space<vmem>>, vector<1000x128xf32>
    tpu.vector_store %arg4[%swap3A, %swap3A_95], %add3A_94 {strides = array<i32>} : memref<1000x128xf32, #tpu.memory_space<vmem>>, vector<1000x128xf32>,
    return
  }
  func.func @transform_0(%arg0: i32) -> (i32, i32, i32) {
    %c0_i32 = arith.constant 0 : i32
    %c0_i32_0 = arith.constant 0 : i32
    %c0_i32_1 = arith.constant 0 : i32
    %c0_i32_2 = arith.constant 0 : i32
    return %c0_i32, %c0_i32_0, %c0_i32_1 : i32, i32, i32
  }
  func.func @transform_1(%arg0: i32) -> (i32, i32) {
    %c0_i32 = arith.constant 0 : i32
    %c0_i32_0 = arith.constant 0 : i32
    %c0_i32_1 = arith.constant 0 : i32
    return %c0_i32, %c0_i32_0 : i32, i32
  }
  func.func @transform_2(%arg0: i32) -> (i32, i32) {
    %c0_i32 = arith.constant 0 : i32
    %c0_i32_0 = arith.constant 0 : i32
    return %arg0, %c0_i32 : i32, i32
  }
  func.func @transform_3(%arg0: i32) -> (i32, i32) {
    %c0_i32 = arith.constant 0 : i32
    %c0_i32_0 = arith.constant 0 : i32
    return %arg0, %c0_i32 : i32, i32
  }
}

module attributes {stable_mosaic.version = 14 : i64} {
  func.func @body(%arg0: i32, %arg1: memref<2xf32, #tpu.memory_space<smem>>, %arg2: memref<1000x128xf32, #tpu.memory_space<vmem>>, %arg3: memref<2x1000x128xf32, #tpu.memory_space<vmem>>, %arg4: memref<2x10x1000xf32, #tpu.memory_space<vmem>>, %arg5: memref<1000x128xf32, #tpu.memory_space<vmem>>) attributes {dimension_semantics = [#tpu.dimension_semantics<arbitrary>], iteration_bounds = array<i64: 10>, scalar_prefetch = 0 : i64, scratch_operands = 0 : i64, tpu.core_type = #tpu.core_type<tc>, window_params = [{transform_indices = @transform_0, window_bounds = array<i64: 2>}, {transform_indices = @transform_1, window_bounds = array<i64: 1000, 128>}, {transform_indices = @transform_2, window_bounds = array<i64: 2, 1000, 128>}, {pipeline_mode = #tpu.pipeline_mode<synchronous>, transform_indices = @transform_3, window_bounds = array<i64: 2, 10, 1000>}, {transform_indices = @transform_4, window_bounds = array<i64: 1000, 128>}]} {
    %get3A = arith.constant 0 : index
    %get3A_0 = arith.index_cast %arg0 : i32 to index
    %get3A_1 = arith.constant 0 : index
    %get3A_2 = vector.load %arg4[%get3A, %get3A_0, %get3A_1] : memref<2x10x1000xf32, #tpu.memory_space<vmem>>, vector<1x1x1000xf32>
    %get3A_3 = vector.shape_cast %get3A_2 : vector<1x1x1000xf32> to vector<1000xf32>
    %get3A_4 = arith.constant 1 : index
    %get3A_5 = arith.index_cast %arg0 : i32 to index
    %get3A_6 = arith.constant 0 : index
    %get3A_7 = vector.load %arg4[%get3A_4, %get3A_5, %get3A_6] : memref<2x10x1000xf32, #tpu.memory_space<vmem>>, vector<1x1x1000xf32>
    %get3A_8 = vector.shape_cast %get3A_7 : vector<1x1x1000xf32> to vector<1000xf32>
    %add3A = arith.addf %get3A_3, %get3A_8 : vector<1000xf32>
    %max3A = arith.constant 1.000000e+00 : f32
    %max3A_9 = vector.broadcast %max3A : f32 to vector<1000xf32>
    %max3A_10 = arith.maximumf %add3A, %max3A_9 : vector<1000xf32>
    %div3A = arith.constant 1.000000e+00 : f32
    %div3A_11 = vector.broadcast %div3A : f32 to vector<1000xf32>
    %div3A_12 = arith.divf %div3A_11, %max3A_10 : vector<1000xf32>
    %get3A_13 = arith.constant 0 : index
    %get3A_14 = arith.constant 0 : index
    %get3A_15 = arith.constant 0 : index
    %get3A_16 = vector.load %arg3[%get3A_13, %get3A_14, %get3A_15] : memref<2x1000x128xf32, #tpu.memory_space<vmem>>, vector<1x1000x128xf32>
    %get3A_17 = vector.shape_cast %get3A_16 : vector<1x1000x128xf32> to vector<1000x128xf32>
    %get3A_18 = arith.constant 1 : index
    %get3A_19 = arith.constant 0 : index
    %get3A_20 = arith.constant 0 : index
    %get3A_21 = vector.load %arg3[%get3A_18, %get3A_19, %get3A_20] : memref<2x1000x128xf32, #tpu.memory_space<vmem>>, vector<1x1000x128xf32>
    %get3A_22 = vector.shape_cast %get3A_21 : vector<1x1000x128xf32> to vector<1000x128xf32>
    %add3A_23 = arith.addf %get3A_17, %get3A_22 : vector<1000x128xf32>
    %broadcast_in_dim3A = vector.shape_cast %div3A_12 : vector<1000xf32> to vector<1000x1xf32>
    %mul3A = vector.broadcast %broadcast_in_dim3A : vector<1000x1xf32> to vector<1000x128xf32>
    %mul3A_24 = arith.mulf %add3A_23, %mul3A : vector<1000x128xf32>
    %get3A_25 = arith.constant 0 : index
    %get3A_26 = memref.load %arg1[%get3A_25] : memref<2xf32, #tpu.memory_space<smem>>
    %get3A_27 = arith.constant 1 : index
    %get3A_28 = memref.load %arg1[%get3A_27] : memref<2xf32, #tpu.memory_space<smem>>
    %max3A_29 = arith.maximumf %get3A_26, %get3A_28 : f32
    %sub3A = arith.subf %get3A_26, %max3A_29 : f32
    %exp3A = math.exp %sub3A : f32
    %sub3A_30 = arith.subf %get3A_28, %max3A_29 : f32
    %exp3A_31 = math.exp %sub3A_30 : f32
    %add3A_32 = arith.addf %exp3A, %exp3A_31 : f32
    %div3A_33 = arith.constant 1.000000e+00 : f32
    %div3A_34 = arith.divf %div3A_33, %add3A_32 : f32
    %mul3A_35 = arith.mulf %exp3A, %div3A_34 : f32
    %get3A_36 = arith.constant 0 : index
    %get3A_37 = arith.constant 0 : index
    %get3A_38 = vector.load %arg2[%get3A_36, %get3A_37] : memref<1000x128xf32, #tpu.memory_space<vmem>>, vector<1000x128xf32>
    %mul3A_39 = vector.broadcast %mul3A_35 : f32 to vector<1000x128xf32>
    %mul3A_40 = arith.mulf %mul3A_39, %get3A_38 : vector<1000x128xf32>
    %mul3A_41 = arith.mulf %exp3A_31, %div3A_34 : f32
    %mul3A_42 = vector.broadcast %mul3A_41 : f32 to vector<1000x128xf32>
    %mul3A_43 = arith.mulf %mul3A_42, %mul3A_24 : vector<1000x128xf32>
    %add3A_44 = arith.addf %mul3A_40, %mul3A_43 : vector<1000x128xf32>
    %swap3A = arith.constant 0 : index
    %swap3A_45 = arith.constant 0 : index
    %swap3A_46 = vector.load %arg5[%swap3A, %swap3A_45] : memref<1000x128xf32, #tpu.memory_space<vmem>>, vector<1000x128xf32>
    tpu.vector_store %arg5[%swap3A, %swap3A_45], %add3A_44 {strides = array<i32>} : memref<1000x128xf32, #tpu.memory_space<vmem>>, vector<1000x128xf32>,
    return
  }
  func.func @transform_0(%arg0: i32) -> i32 {
    %c0_i32 = arith.constant 0 : i32
    %c0_i32_0 = arith.constant 0 : i32
    return %c0_i32 : i32
  }
  func.func @transform_1(%arg0: i32) -> (i32, i32) {
    %c0_i32 = arith.constant 0 : i32
    %c0_i32_0 = arith.constant 0 : i32
    return %arg0, %c0_i32 : i32, i32
  }
  func.func @transform_2(%arg0: i32) -> (i32, i32, i32) {
    %c0_i32 = arith.constant 0 : i32
    %c0_i32_0 = arith.constant 0 : i32
    %c0_i32_1 = arith.constant 0 : i32
    return %c0_i32, %arg0, %c0_i32_0 : i32, i32, i32
  }
  func.func @transform_3(%arg0: i32) -> (i32, i32, i32) {
    %c0_i32 = arith.constant 0 : i32
    %c0_i32_0 = arith.constant 0 : i32
    %c0_i32_1 = arith.constant 0 : i32
    %c0_i32_2 = arith.constant 0 : i32
    return %c0_i32, %c0_i32_0, %c0_i32_1 : i32, i32, i32
  }
  func.func @transform_4(%arg0: i32) -> (i32, i32) {
    %c0_i32 = arith.constant 0 : i32
    %c0_i32_0 = arith.constant 0 : i32
    return %arg0, %c0_i32 : i32, i32
  }
}

module attributes {stable_mosaic.version = 14 : i64} {
  func.func @body(%arg0: i32, %arg1: memref<8x128x128xf32, #tpu.memory_space<vmem>>, %arg2: memref<8x128xf32, #tpu.memory_space<vmem>>, %arg3: memref<2x1000x128xf32, #tpu.memory_space<vmem>>, %arg4: memref<2x10x1000xf32, #tpu.memory_space<vmem>>, %arg5: memref<1000x128xf32, #tpu.memory_space<vmem>>, %arg6: memref<1000x128xf32, #tpu.memory_space<vmem>>) attributes {dimension_semantics = [#tpu.dimension_semantics<arbitrary>], iteration_bounds = array<i64: 10>, scalar_prefetch = 0 : i64, scratch_operands = 0 : i64, tpu.core_type = #tpu.core_type<tc>, window_params = [{pipeline_mode = #tpu.pipeline_mode<synchronous>, transform_indices = @transform_0, window_bounds = array<i64: 8, 128, 128>}, {pipeline_mode = #tpu.pipeline_mode<synchronous>, transform_indices = @transform_1, window_bounds = array<i64: 8, 128>}, {transform_indices = @transform_2, window_bounds = array<i64: 2, 1000, 128>}, {pipeline_mode = #tpu.pipeline_mode<synchronous>, transform_indices = @transform_3, window_bounds = array<i64: 2, 10, 1000>}, {transform_indices = @transform_4, window_bounds = array<i64: 1000, 128>}, {transform_indices = @transform_5, window_bounds = array<i64: 1000, 128>}]} {
    %get3A = arith.constant 0 : index
    %get3A_0 = arith.constant 0 : index
    %get3A_1 = arith.constant 0 : index
    %get3A_2 = vector.load %arg1[%get3A, %get3A_0, %get3A_1] : memref<8x128x128xf32, #tpu.memory_space<vmem>>, vector<1x128x128xf32>
    %get3A_3 = vector.shape_cast %get3A_2 : vector<1x128x128xf32> to vector<128x128xf32>
    %get3A_4 = arith.constant 0 : index
    %get3A_5 = arith.constant 0 : index
    %get3A_6 = vector.load %arg2[%get3A_4, %get3A_5] : memref<8x128xf32, #tpu.memory_space<vmem>>, vector<1x128xf32>
    %get3A_7 = vector.shape_cast %get3A_6 : vector<1x128xf32> to vector<128xf32>
    %get3A_8 = arith.constant 1 : index
    %get3A_9 = arith.constant 0 : index
    %get3A_10 = arith.constant 0 : index
    %get3A_11 = vector.load %arg1[%get3A_8, %get3A_9, %get3A_10] : memref<8x128x128xf32, #tpu.memory_space<vmem>>, vector<1x128x128xf32>
    %get3A_12 = vector.shape_cast %get3A_11 : vector<1x128x128xf32> to vector<128x128xf32>
    %add3A = arith.addf %get3A_3, %get3A_12 : vector<128x128xf32>
    %get3A_13 = arith.constant 1 : index
    %get3A_14 = arith.constant 0 : index
    %get3A_15 = vector.load %arg2[%get3A_13, %get3A_14] : memref<8x128xf32, #tpu.memory_space<vmem>>, vector<1x128xf32>
    %get3A_16 = vector.shape_cast %get3A_15 : vector<1x128xf32> to vector<128xf32>
    %add3A_17 = arith.addf %get3A_7, %get3A_16 : vector<128xf32>
    %get3A_18 = arith.constant 2 : index
    %get3A_19 = arith.constant 0 : index
    %get3A_20 = arith.constant 0 : index
    %get3A_21 = vector.load %arg1[%get3A_18, %get3A_19, %get3A_20] : memref<8x128x128xf32, #tpu.memory_space<vmem>>, vector<1x128x128xf32>
    %get3A_22 = vector.shape_cast %get3A_21 : vector<1x128x128xf32> to vector<128x128xf32>
    %add3A_23 = arith.addf %add3A, %get3A_22 : vector<128x128xf32>
    %get3A_24 = arith.constant 2 : index
    %get3A_25 = arith.constant 0 : index
    %get3A_26 = vector.load %arg2[%get3A_24, %get3A_25] : memref<8x128xf32, #tpu.memory_space<vmem>>, vector<1x128xf32>
    %get3A_27 = vector.shape_cast %get3A_26 : vector<1x128xf32> to vector<128xf32>
    %add3A_28 = arith.addf %add3A_17, %get3A_27 : vector<128xf32>
    %get3A_29 = arith.constant 3 : index
    %get3A_30 = arith.constant 0 : index
    %get3A_31 = arith.constant 0 : index
    %get3A_32 = vector.load %arg1[%get3A_29, %get3A_30, %get3A_31] : memref<8x128x128xf32, #tpu.memory_space<vmem>>, vector<1x128x128xf32>
    %get3A_33 = vector.shape_cast %get3A_32 : vector<1x128x128xf32> to vector<128x128xf32>
    %add3A_34 = arith.addf %add3A_23, %get3A_33 : vector<128x128xf32>
    %get3A_35 = arith.constant 3 : index
    %get3A_36 = arith.constant 0 : index
    %get3A_37 = vector.load %arg2[%get3A_35, %get3A_36] : memref<8x128xf32, #tpu.memory_space<vmem>>, vector<1x128xf32>
    %get3A_38 = vector.shape_cast %get3A_37 : vector<1x128xf32> to vector<128xf32>
    %add3A_39 = arith.addf %add3A_28, %get3A_38 : vector<128xf32>
    %get3A_40 = arith.constant 4 : index
    %get3A_41 = arith.constant 0 : index
    %get3A_42 = arith.constant 0 : index
    %get3A_43 = vector.load %arg1[%get3A_40, %get3A_41, %get3A_42] : memref<8x128x128xf32, #tpu.memory_space<vmem>>, vector<1x128x128xf32>
    %get3A_44 = vector.shape_cast %get3A_43 : vector<1x128x128xf32> to vector<128x128xf32>
    %add3A_45 = arith.addf %add3A_34, %get3A_44 : vector<128x128xf32>
    %get3A_46 = arith.constant 4 : index
    %get3A_47 = arith.constant 0 : index
    %get3A_48 = vector.load %arg2[%get3A_46, %get3A_47] : memref<8x128xf32, #tpu.memory_space<vmem>>, vector<1x128xf32>
    %get3A_49 = vector.shape_cast %get3A_48 : vector<1x128xf32> to vector<128xf32>
    %add3A_50 = arith.addf %add3A_39, %get3A_49 : vector<128xf32>
    %get3A_51 = arith.constant 5 : index
    %get3A_52 = arith.constant 0 : index
    %get3A_53 = arith.constant 0 : index
    %get3A_54 = vector.load %arg1[%get3A_51, %get3A_52, %get3A_53] : memref<8x128x128xf32, #tpu.memory_space<vmem>>, vector<1x128x128xf32>
    %get3A_55 = vector.shape_cast %get3A_54 : vector<1x128x128xf32> to vector<128x128xf32>
    %add3A_56 = arith.addf %add3A_45, %get3A_55 : vector<128x128xf32>
    %get3A_57 = arith.constant 5 : index
    %get3A_58 = arith.constant 0 : index
    %get3A_59 = vector.load %arg2[%get3A_57, %get3A_58] : memref<8x128xf32, #tpu.memory_space<vmem>>, vector<1x128xf32>
    %get3A_60 = vector.shape_cast %get3A_59 : vector<1x128xf32> to vector<128xf32>
    %add3A_61 = arith.addf %add3A_50, %get3A_60 : vector<128xf32>
    %get3A_62 = arith.constant 6 : index
    %get3A_63 = arith.constant 0 : index
    %get3A_64 = arith.constant 0 : index
    %get3A_65 = vector.load %arg1[%get3A_62, %get3A_63, %get3A_64] : memref<8x128x128xf32, #tpu.memory_space<vmem>>, vector<1x128x128xf32>
    %get3A_66 = vector.shape_cast %get3A_65 : vector<1x128x128xf32> to vector<128x128xf32>
    %add3A_67 = arith.addf %add3A_56, %get3A_66 : vector<128x128xf32>
    %get3A_68 = arith.constant 6 : index
    %get3A_69 = arith.constant 0 : index
    %get3A_70 = vector.load %arg2[%get3A_68, %get3A_69] : memref<8x128xf32, #tpu.memory_space<vmem>>, vector<1x128xf32>
    %get3A_71 = vector.shape_cast %get3A_70 : vector<1x128xf32> to vector<128xf32>
    %add3A_72 = arith.addf %add3A_61, %get3A_71 : vector<128xf32>
    %get3A_73 = arith.constant 7 : index
    %get3A_74 = arith.constant 0 : index
    %get3A_75 = arith.constant 0 : index
    %get3A_76 = vector.load %arg1[%get3A_73, %get3A_74, %get3A_75] : memref<8x128x128xf32, #tpu.memory_space<vmem>>, vector<1x128x128xf32>
    %get3A_77 = vector.shape_cast %get3A_76 : vector<1x128x128xf32> to vector<128x128xf32>
    %add3A_78 = arith.addf %add3A_67, %get3A_77 : vector<128x128xf32>
    %get3A_79 = arith.constant 7 : index
    %get3A_80 = arith.constant 0 : index
    %get3A_81 = vector.load %arg2[%get3A_79, %get3A_80] : memref<8x128xf32, #tpu.memory_space<vmem>>, vector<1x128xf32>
    %get3A_82 = vector.shape_cast %get3A_81 : vector<1x128xf32> to vector<128xf32>
    %add3A_83 = arith.addf %add3A_72, %get3A_82 : vector<128xf32>
    %mul3A = arith.constant 1.250000e-01 : f32
    %mul3A_84 = vector.broadcast %mul3A : f32 to vector<128x128xf32>
    %mul3A_85 = arith.mulf %add3A_78, %mul3A_84 : vector<128x128xf32>
    %mul3A_86 = arith.constant 1.250000e-01 : f32
    %mul3A_87 = vector.broadcast %mul3A_86 : f32 to vector<128xf32>
    %mul3A_88 = arith.mulf %add3A_83, %mul3A_87 : vector<128xf32>
    %get3A_89 = arith.constant 0 : index
    %get3A_90 = arith.index_cast %arg0 : i32 to index
    %get3A_91 = arith.constant 0 : index
    %get3A_92 = vector.load %arg4[%get3A_89, %get3A_90, %get3A_91] : memref<2x10x1000xf32, #tpu.memory_space<vmem>>, vector<1x1x1000xf32>
    %get3A_93 = vector.shape_cast %get3A_92 : vector<1x1x1000xf32> to vector<1000xf32>
    %get3A_94 = arith.constant 1 : index
    %get3A_95 = arith.index_cast %arg0 : i32 to index
    %get3A_96 = arith.constant 0 : index
    %get3A_97 = vector.load %arg4[%get3A_94, %get3A_95, %get3A_96] : memref<2x10x1000xf32, #tpu.memory_space<vmem>>, vector<1x1x1000xf32>
    %get3A_98 = vector.shape_cast %get3A_97 : vector<1x1x1000xf32> to vector<1000xf32>
    %add3A_99 = arith.addf %get3A_93, %get3A_98 : vector<1000xf32>
    %max3A = arith.constant 1.000000e+00 : f32
    %max3A_100 = vector.broadcast %max3A : f32 to vector<1000xf32>
    %max3A_101 = arith.maximumf %add3A_99, %max3A_100 : vector<1000xf32>
    %div3A = arith.constant 1.000000e+00 : f32
    %div3A_102 = vector.broadcast %div3A : f32 to vector<1000xf32>
    %div3A_103 = arith.divf %div3A_102, %max3A_101 : vector<1000xf32>
    %get3A_104 = arith.constant 0 : index
    %get3A_105 = arith.constant 0 : index
    %get3A_106 = arith.constant 0 : index
    %get3A_107 = vector.load %arg3[%get3A_104, %get3A_105, %get3A_106] : memref<2x1000x128xf32, #tpu.memory_space<vmem>>, vector<1x1000x128xf32>
    %get3A_108 = vector.shape_cast %get3A_107 : vector<1x1000x128xf32> to vector<1000x128xf32>
    %get3A_109 = arith.constant 1 : index
    %get3A_110 = arith.constant 0 : index
    %get3A_111 = arith.constant 0 : index
    %get3A_112 = vector.load %arg3[%get3A_109, %get3A_110, %get3A_111] : memref<2x1000x128xf32, #tpu.memory_space<vmem>>, vector<1x1000x128xf32>
    %get3A_113 = vector.shape_cast %get3A_112 : vector<1x1000x128xf32> to vector<1000x128xf32>
    %add3A_114 = arith.addf %get3A_108, %get3A_113 : vector<1000x128xf32>
    %broadcast_in_dim3A = vector.shape_cast %div3A_103 : vector<1000xf32> to vector<1000x1xf32>
    %mul3A_115 = vector.broadcast %broadcast_in_dim3A : vector<1000x1xf32> to vector<1000x128xf32>
    %mul3A_116 = arith.mulf %add3A_114, %mul3A_115 : vector<1000x128xf32>
    %swap3A = arith.constant 0 : index
    %swap3A_117 = arith.constant 0 : index
    %swap3A_118 = vector.load %arg5[%swap3A, %swap3A_117] : memref<1000x128xf32, #tpu.memory_space<vmem>>, vector<1000x128xf32>
    tpu.vector_store %arg5[%swap3A, %swap3A_117], %mul3A_116 {strides = array<i32>} : memref<1000x128xf32, #tpu.memory_space<vmem>>, vector<1000x128xf32>,
    %dot_general3A = arith.constant dense<0.000000e+00> : vector<1000x128xf32>
    %dot_general3A_119 = tpu.matmul %mul3A_116, %mul3A_85, %dot_general3A {dimension_numbers = #tpu.dot_dimension_numbers<[1], [1], [0], [0], [0, 0, 1, 0], [], []>, transpose_lhs_hint = false} : vector<1000x128xf32>, vector<128x128xf32>, vector<1000x128xf32> -> vector<1000x128xf32>
    %broadcast_in_dim3A_120 = vector.shape_cast %mul3A_88 : vector<128xf32> to vector<1x128xf32>
    %add3A_121 = vector.broadcast %broadcast_in_dim3A_120 : vector<1x128xf32> to vector<1000x128xf32>
    %add3A_122 = arith.addf %dot_general3A_119, %add3A_121 : vector<1000x128xf32>
    %swap3A_123 = arith.constant 0 : index
    %swap3A_124 = arith.constant 0 : index
    %swap3A_125 = vector.load %arg6[%swap3A_123, %swap3A_124] : memref<1000x128xf32, #tpu.memory_space<vmem>>, vector<1000x128xf32>
    tpu.vector_store %arg6[%swap3A_123, %swap3A_124], %add3A_122 {strides = array<i32>} : memref<1000x128xf32, #tpu.memory_space<vmem>>, vector<1000x128xf32>,
    return
  }
  func.func @transform_0(%arg0: i32) -> (i32, i32, i32) {
    %c0_i32 = arith.constant 0 : i32
    %c0_i32_0 = arith.constant 0 : i32
    %c0_i32_1 = arith.constant 0 : i32
    %c0_i32_2 = arith.constant 0 : i32
    return %c0_i32, %c0_i32_0, %c0_i32_1 : i32, i32, i32
  }
  func.func @transform_1(%arg0: i32) -> (i32, i32) {
    %c0_i32 = arith.constant 0 : i32
    %c0_i32_0 = arith.constant 0 : i32
    %c0_i32_1 = arith.constant 0 : i32
    return %c0_i32, %c0_i32_0 : i32, i32
  }
  func.func @transform_2(%arg0: i32) -> (i32, i32, i32) {
    %c0_i32 = arith.constant 0 : i32
    %c0_i32_0 = arith.constant 0 : i32
    %c0_i32_1 = arith.constant 0 : i32
    return %c0_i32, %arg0, %c0_i32_0 : i32, i32, i32
  }
  func.func @transform_3(%arg0: i32) -> (i32, i32, i32) {
    %c0_i32 = arith.constant 0 : i32
    %c0_i32_0 = arith.constant 0 : i32
    %c0_i32_1 = arith.constant 0 : i32
    %c0_i32_2 = arith.constant 0 : i32
    return %c0_i32, %c0_i32_0, %c0_i32_1 : i32, i32, i32
  }
  func.func @transform_4(%arg0: i32) -> (i32, i32) {
    %c0_i32 = arith.constant 0 : i32
    %c0_i32_0 = arith.constant 0 : i32
    return %arg0, %c0_i32 : i32, i32
  }
  func.func @transform_5(%arg0: i32) -> (i32, i32) {
    %c0_i32 = arith.constant 0 : i32
    %c0_i32_0 = arith.constant 0 : i32
    return %arg0, %c0_i32 : i32, i32
  }
}

</mosaic_0001>

<sc_bundles>
// kernel: kernel.11.cloned.1.call-start
scs
__scs_entry_jumppad:
0x0: {  	(pc) =	sbr.rel $0x88, $3  }
0x1: {  	(tag) =	ssettag $0x0;
	lr =	simm.s32 $0x1  }
0x2: {  	[smem:$0x3F9C] =	sst lr;
	_ =	strace $0xD0000000  }
0x3: {  	_ = 	snop  }
0x4: {  	_ = 	snop  }
0x5: {  	_ = 	snop  }
0x6: {  	_ = 	snop  }
0x7: {  	_ = 	snop  }
__scs_overlays_trampoline_lowered:
0x8: {  	[smem:$0x3FAB] =	sst s0  }
0x9: {  	[smem:$0x3FAC] =	sst s1  }
0xa: {  	[smem:$0x3FAD] =	sst s2  }
0xb: {  	[smem:$0x3FAE] =	sst s3  }
0xc: {  	[smem:$0x3FAF] =	sst s4  }
0xd: {  	[smem:$0x3FB0] =	sst s5  }
0xe: {  	[smem:$0x3FB1] =	sst s6  }
0xf: {  	[smem:$0x3FB2] =	sst s7  }
0x10: {  	[smem:$0x3FB3] =	sst s8  }
0x11: {  	[smem:$0x3FB4] =	sst s9;
	s0 =	simm.s32 @!p0 $0x0  }
0x12: {  	s1 =	sld [smem:$0x3F9A];
	s0 =	simm.s32 @p0 $0x1  }
0x13: {  	[smem:$0x3FB5] =	sst s0;
	s0 =	simm.s32 @!p1 $0x0  }
0x14: {  	s2 =	sld [smem:$0x3F99];
	s0 =	simm.s32 @p1 $0x1  }
0x15: {  	[smem:$0x3FB6] =	sst s0;
	s0 =	simm.s32 @!p2 $0x0  }
0x16: {  	s3 =	sld [smem:$0x3FDB];
	s0 =	simm.s32 @p2 $0x1  }
0x17: {  	s4 =	simm.s32 $0x1BF5;
	[smem:$0x3FB8] =	sst s0  }
0x18: {  	s0 =	sld [smem:$0x3F9B];
	_ =	swait.ge [sflag:s4], $0x0  }
0x19: {  	s7 =	sld [smem:$0x3F9C]  }
0x1a: {  	s8 =	sadd.s32 $0xFFFFE003, lr  }
0x1b: {  	s9 =	sadd.s32 $0xFFFFFEF7, lr;
	s5 =	simm.s32 $0xFFFFFFFF;
	p2 =	slt.u32 s8, $0xFFFFF086  }
0x1c: {  	p1 =	slt.u32 s9, $0xF7A;
	s5 =	simm.s32 @!p2 $0x0  }
0x1d: {  	s5 =	simm.s32 @p1 $0x1;
	p0 =	seq.s32 s7, s2  }
0x1e: {  	s7 =	smul.u32 @!p0 $0xF7A, s2;
	p2 =	seq.s32 @!p0 s5, $0x0  }
0x1f: {  	s9 =	smul.u32 $0xF7A, s1;
	s8 =	simm.s32 @!p0 $0x1BF5;
	p2 =	por !p2, p0  }
0x20: {  	[sflag:s8] =	ssyncset.s32 @!p0 $0xFFFFF086;
	s6 =	sadd.s32 @!p0 s3, s7;
	s7 =	simm.s32 @!p0 $0x108  }
0x21: {  	s3 =	sadd.s32 s3, s9;
	s6 =	sadd.s32 @!p0 $0x88, s6;
	s7 =	simm.s32 @p2 $0x1082  }
0x22: {  	[simem:s7], [sflag:s8] =	dma.local @!p0 [hbm:s6], $0xF7A  }
0x23: {  	s9 =	sor.u32 $0xD0000000, s2;
	s6 =	simm.s32 $0x108;
	_ =	swait.ge @!p0 [sflag:s8], $0x0  }
0x24: {  	s3 =	sadd.s32 $0x88, s3;
	s6 =	simm.s32 @!p1 $0x1082;
	[sflag:s4] =	ssyncset.s32 $0xFFFFF086  }
0x25: {  	[simem:s6], [sflag:s4] =	dma.local [hbm:s3], $0xF7A  }
0x26: {  	[smem:$0x3F9C] =	sst s1;
	(tag) =	ssettag s2;
	_ =	strace s9  }
0x27: {  	s1 =	sld [smem:$0x3FAC]  }
0x28: {  	s2 =	sld [smem:$0x3FAD]  }
0x29: {  	s4 =	sld [smem:$0x3FAF]  }
0x2a: {  	p0 =	seq.s32 s5, $0x0;
	s5 =	sld [smem:$0x3FB0]  }
0x2b: {  	s6 =	sld [smem:$0x3FB1]  }
0x2c: {  	s7 =	sld [smem:$0x3FB2]  }
0x2d: {  	s3 =	simm.s32 $0x108;
	s8 =	sld [smem:$0x3FB3]  }
0x2e: {  	s3 =	simm.s32 @!p0 $0x1082;
	s9 =	sld [smem:$0x3FB4]  }
0x2f: {  	lr =	sadd.s32 s0, s3;
	s0 =	sld [smem:$0x3FAB]  }
0x30: {  	s3 =	sld [smem:$0x3FAE]  }
0x31: {  	[smem:$0x3FB7] =	sst s10  }
0x32: {  	s10 =	sld [smem:$0x3FB5];
	_ =	sdelay $0x3  }
0x33: {  	p0 =	seq.s32 s10, $0x1;
	s10 =	sld [smem:$0x3FB7];
	_ =	sdelay $0x3  }
0x34: {  	[smem:$0x3FB7] =	sst s10  }
0x35: {  	s10 =	sld [smem:$0x3FB6];
	_ =	sdelay $0x3  }
0x36: {  	p1 =	seq.s32 s10, $0x1;
	s10 =	sld [smem:$0x3FB7];
	_ =	sdelay $0x3  }
0x37: {  	[smem:$0x3FB7] =	sst s10  }
0x38: {  	s10 =	sld [smem:$0x3FB8]  }
0x39: {  	_ = 	snop;
	(pc) =	sbr.ind lr, $3  }
0x3a: {  	_ = 	snop  }
0x3b: {  	_ = 	snop  }
0x3c: {  	p2 =	seq.s32 s10, $0x1;
	s10 =	sld [smem:$0x3FB7]  }
0x3d: {  	_ =	shalt  }
0x3e: {  	_ =	shalt  }
0x3f: {  	_ =	shalt  }
0x40: {  	_ =	shalt  }
0x41: {  	_ =	shalt  }
0x42: {  	_ =	shalt  }
0x43: {  	_ =	shalt  }
0x44: {  	_ =	shalt  }
0x45: {  	_ =	shalt  }
0x46: {  	_ =	shalt  }
0x47: {  	_ =	shalt  }
0x48: {  	_ =	shalt  }
0x49: {  	_ =	shalt  }
0x4a: {  	_ =	shalt  }
0x4b: {  	_ =	shalt  }
0x4c: {  	_ =	shalt  }
0x4d: {  	_ =	shalt  }
0x4e: {  	_ =	shalt  }
0x4f: {  	_ =	shalt  }
0x50: {  	_ =	shalt  }
0x51: {  	_ =	shalt  }
0x52: {  	_ =	shalt  }
0x53: {  	_ =	shalt  }
0x54: {  	_ =	shalt  }
0x55: {  	_ =	shalt  }
0x56: {  	_ =	shalt  }
0x57: {  	_ =	shalt  }
0x58: {  	_ =	shalt  }
0x59: {  	_ =	shalt  }
0x5a: {  	_ =	shalt  }
0x5b: {  	_ =	shalt  }
0x5c: {  	_ =	shalt  }
0x5d: {  	_ =	shalt  }
0x5e: {  	_ =	shalt  }
0x5f: {  	_ =	shalt  }
0x60: {  	_ =	shalt  }
0x61: {  	_ =	shalt  }
0x62: {  	_ =	shalt  }
0x63: {  	_ =	shalt  }
0x64: {  	_ =	shalt  }
0x65: {  	_ =	shalt  }
0x66: {  	_ =	shalt  }
0x67: {  	_ =	shalt  }
0x68: {  	_ =	shalt  }
0x69: {  	_ =	shalt  }
0x6a: {  	_ =	shalt  }
0x6b: {  	_ =	shalt  }
0x6c: {  	_ =	shalt  }
0x6d: {  	_ =	shalt  }
0x6e: {  	_ =	shalt  }
0x6f: {  	_ =	shalt  }
0x70: {  	_ =	shalt  }
0x71: {  	_ =	shalt  }
0x72: {  	_ =	shalt  }
0x73: {  	_ =	shalt  }
0x74: {  	_ =	shalt  }
0x75: {  	_ =	shalt  }
0x76: {  	_ =	shalt  }
0x77: {  	_ =	shalt  }
0x78: {  	_ =	shalt  }
0x79: {  	_ =	shalt  }
0x7a: {  	_ =	shalt  }
0x7b: {  	_ =	shalt  }
0x7c: {  	_ =	shalt  }
0x7d: {  	_ =	shalt  }
0x7e: {  	_ =	shalt  }
0x7f: {  	_ =	shalt  }
0x80: {  	_ =	shalt  }
0x81: {  	_ =	shalt  }
0x82: {  	_ =	shalt  }
0x83: {  	_ =	shalt  }
0x84: {  	_ =	shalt  }
0x85: {  	_ =	shalt  }
0x86: {  	_ =	shalt  }
0x87: {  	_ =	shalt  }
.Lfunc_end0:
.L_simem_size_0:
called_computation.1_lowered:
.L_overlay_start_0:
0x88: {  	s2 =	sld [smem:$0x3FD9]  }
0x89: {  	s3 =	sld [smem:$0x3FFE];
	_ =	sdelay $0x1  }
0x8a: {  	s1 =	srdreg.scid  }
0x8b: {  	s0 =	sand.u32 $0x1, s1  }
0x8c: {  	s17 =	sshll.u32 s0, $0xA;
	s2 =	sadd.s32 s3, s2  }
0x8d: {  	s2 =	sadd.s32 s2, s17  }
0x8e: {  	[smem:$0x3FC3] =	sst s2  }
0x8f: {  	_ = 	snop  }
0x90: {  	s18 =	sld [smem:$0x3FD0];
	(tm) =	ssettm $0x1  }
0x91: {  	s19 =	sld [smem:$0x3FFB];
	_ =	sdelay $0x3  }
0x92: {  	_ =	strace s19  }
0x93: {  	s2 =	sld [smem:$0x3FFC];
	_ =	sdelay $0x3  }
0x94: {  	_ =	strace s2  }
0x95: {  	s2 =	sld [smem:$0x3FFD];
	_ =	sdelay $0x3  }
0x96: {  	_ =	strace s2  }
0x97: {  	_ =	strace $0x8FFFFFFF  }
0x98: {  	s20 =	sld [smem:$0x3FDB];
	_ =	sdelay $0x1  }
0x99: {  	s4 =	simm.s32 $_scs_section_size  }
0x9a: {  	s5 =	simm.s32 $_size__tile_overlayer_lowered;
	s6 =	simm.s32 $_tile_overlayer_lowered  }
0x9b: {  	s7 =	simm.s32 $0x1BFF;
	s21 =	sshll.u32 s6, $0x1;
	s4 =	sadd.s32 s4, s20  }
0x9c: {  	s22 =	simm.s32 $0x0;
	s5 =	sshll.u32 s5, $0x1;
	s6 =	sadd.s32 s21, s4  }
0x9d: {  	[timem:s22], [sflag:s7] =	dma.local [hbm:s6], s5  }
0x9e: {  	_ =	swait.ge [sflag:s7], s5  }
0x9f: {  	s5 =	ssub.s32 $0x0, s5;
	[sflag:s7] =	ssyncset.done $0x0  }
0xa0: {  	[sflag:s7] =	ssyncadd.s32 s5;
	_ =	sdelay $0x1  }
0xa1: {  	s23 =	simm.s32 $0x1B8B  }
0xa2: {  	_ =	swait.ge [sflag:s23], $0x1  }
0xa3: {  	[sflag:s23] =	ssyncset.done $0x0  }
0xa4: {  	[sflag:s23] =	ssyncadd.s32 $0xFFFFFFFF  }
0xa5: {  	s5 =	sld [smem:$0x0]  }
0xa6: {  	s6 =	sand.u32 $0xFFFFFFFE, s1  }
0xa7: {  	p0 =	sne.s32 s1, s6  }
0xa8: {  	s6 =	sshll.u32 @p0 s6, $0xE  }
0xa9: {  	s6 =	sadd.s32 @p0 $0x11B8D, s6;
	s7 =	sshll.u32 @p0 s5, $0x11  }
0xaa: {  	s6 =	sor.u32 @p0 s7, s6  }
0xab: {  	[sflag:s6] =	ssyncadd.remote.s32 @p0 $0x1;
	_ =	sdelay $0x1  }
0xac: {  	s6 =	simm.s32 @p0 $0x1B8D  }
0xad: {  	_ =	swait.eq @p0 [sflag:s6], $0x1  }
0xae: {  	[sflag:s6] =	ssyncadd.s32 @p0 $0xFFFFFFFF  }
0xaf: {  	s7 =	sshll.u32 @!p0 s1, $0xE  }
0xb0: {  	s7 =	sor.u32 @!p0 $0x4000, s7;
	s6 =	simm.s32 @!p0 $0x1B8D  }
0xb1: {  	s5 =	sshll.u32 @!p0 s5, $0x11;
	s7 =	sadd.s32 @!p0 $0x11B8D, s7;
	_ =	swait.eq @!p0 [sflag:s6], $0x1  }
0xb2: {  	s5 =	sor.u32 @!p0 s5, s7;
	[sflag:s6] =	ssyncadd.s32 @!p0 $0xFFFFFFFF  }
0xb3: {  	s25 =	simm.s32 $0x1B8E;
	s24 =	sld [smem:$0x3FFE];
	[sflag:s5] =	ssyncadd.remote.s32 @!p0 $0x1  }
0xb4: {  	s26 =	simm.s32 $execute0_lowered;
	[smem:$0x3FD2] =	sst s25  }
0xb5: {  	s6 =	sshll.u32 s26, $0x1;
	_ =	strace $0x80000049;
	[dreg:$0x1] =	wrdreg $0xFFFFFFFF  }
0xb6: {  	s28 =	simm.s32 $_size_execute0_lowered;
	s4 =	sadd.s32 s4, s6;
	[dreg:$0x0] =	wrdreg $0x0  }
0xb7: {  	s6 =	sshll.u32 s28, $0x1;
	[dreg:$0x2] =	wrdreg s4  }
0xb8: {  	[dreg:$0x3] =	wrdreg s6  }
0xb9: {  	[dreg:$0x4] =	wrdreg $0xC0  }
0xba: {  	_ =	task [dreg:s22], $0x5FFFF  }
0xbb: {  	[dreg:$0x1] =	wrdreg $0xFFFFFFFF  }
0xbc: {  	[dreg:$0x0] =	wrdreg $0x60  }
0xbd: {  	[dreg:$0x2] =	wrdreg s18  }
0xbe: {  	[dreg:$0x3] =	wrdreg s24  }
0xbf: {  	[dreg:$0x4] =	wrdreg $0xB8000  }
0xc0: {  	[dreg:$0x5] =	wrdreg $0xA  }
0xc1: {  	_ =	task.clear_ibuf [dreg:s22], $0x6FFFF;
	_ =	strace $0x90000049  }
0xc2: {  	s29 =	simm.s32 $0xA;
	_ =	strace $0x8000004B  }
0xc3: {  	_ =	swait.ge [sflag:s29], $0x1  }
0xc4: {  	[sflag:s29] =	ssyncadd.s32 $0xFFFFFFFF  }
0xc5: {  	_ =	strace $0x9000004B  }
0xc6: {  	_ =	sfence  }
0xc7: {  	s30 =	sld [smem:$0x0];
	_ =	sdelay $0x2  }
0xc8: {  	s31 =	sshll.u32 s1, $0xD;
	s1 =	sshrl.u32 s1, $0x2  }
0xc9: {  	s4 =	sand.u32 $0x4000, s31;
	s1 =	sadd.s32 s1, s30  }
0xca: {  	s0 =	sor.u32 s4, s0;
	s1 =	sshll.u32 s1, $0x11  }
0xcb: {  	s0 =	sor.u32 s1, s0  }
0xcc: {  	s0 =	sadd.s32 $0x8F2B, s0  }
0xcd: {  	[sflag:s0] =	ssyncadd.remote.s32 $0x1  }
0xce: {  	_ =	sfence.sel $0xFFFF  }
0xcf: {  	[dreg:$0x0] =	wrdreg $0xFFFFFFFF;
	(pc) =	sbr.abs _section_cstart, $3  }
0xd0: {  	[dreg:$0x1] =	wrdreg $0xFFFFFFFF  }
0xd1: {  	_ =	task.clear_ibuf [dreg:s22], $0x2FFFF;
	_ =	strace $0x9FFFFFFF  }
0xd2: {  	(tm) =	ssettm $0x7FFFFFFF  }
0xd3: {  	_ =	shalt  }
tec
execute0_lowered:
.L_overlay_start_1:
0x0: {  	(tag) =	ssettag $0x1  }
0x1: {  	s1 =	rddreg [dreg:$0x0]  }
0x2: {  	s0 =	rddreg [dreg:$0x1]  }
0x3: {  	s2 =	srdreg.scid;
	s13 =	stileid.u32  }
0x4: {  	s3 =	rddreg [dreg:$0x2];
	s4 =	simm.s32 $0x0;
	s28 =	simm.s32 $0x3  }
0x5: {  	s29 =	simm.s32 $0x800;
	s30 =	simm.s32 $0x80;
	s31 =	simm.s32 $0x1000  }
0x6: {  	s2 =	sand.u32 $0x1, s2;
	s5 =	sshll.u32 s13, $0x1;
	s7 =	smul.u32 $0x278, s13  }
0x7: {  	[smem:$0x7FF] =	sst s4;
	s6 =	sadd.s32 $0xBA00, s0;
	s10 =	smul.u32 $0x4F000, s13  }
0x8: {  	s8 =	sadd.s32 $0x1C00, s0;
	s0 =	sadd.s32 $0x16200, s0;
	s21 =	smul.u32 $0x4E20, s13  }
0x9: {  	s5 =	sor.u32 s2, s5;
	_ =	strace $0x8000004A;
	s10 =	sshrl.u32 s10, $0x2  }
0xa: {  	s9 =	ssub.s32 $0x2, s2;
	s12 =	smul.u32 $0x2780, s2;
	s10 =	sadd.s32 s10, s3  }
0xb: {  	s11 =	sshrl.u32 s9, $0x1;
	s19 =	sadd.s32 $0x12000, s10;
	[dreg:$0x8] =	wrdreg s10  }
0xc: {  	s9 =	ssub.s32 s9, s11;
	s22 =	sadd.s32 $0x13000, s10;
	[dreg:$0x9] =	wrdreg s19  }
0xd: {  	s23 =	smul.u32 $0x2710, s2;
	s9 =	smax.u32 s9, $0x1;
	[dreg:$0xe] =	wrdreg s22  }
0xe: {  	s2 =	smul.u32 $0x27800, s2;
	s25 =	sadd.s32 $0x2000, s10;
	[dreg:$0x10] =	wrdreg s9  }
0xf: {  	s5 =	smul.u32 $0x2710, s5;
	s26 =	sadd.s32 $0x4000, s10;
	[dreg:$0x11] =	wrdreg s25  }
0x10: {  	s7 =	sadd.s32 s7, s12;
	s12 =	sadd.s32 $0x6000, s10;
	[dreg:$0x12] =	wrdreg s26  }
0x11: {  	s5 =	sshrl.u32 s5, $0x3;
	s14 =	sadd.s32 $0x8000, s10;
	[dreg:$0x13] =	wrdreg s12  }
0x12: {  	s7 =	sshll.u32 s7, $0x4;
	s15 =	sadd.s32 $0xA000, s10;
	[dreg:$0x14] =	wrdreg s14  }
0x13: {  	s16 =	sadd.s32 $0xC000, s10;
	s17 =	sadd.s32 $0xE000, s10;
	[dreg:$0x15] =	wrdreg s15  }
0x14: {  	s5 =	sadd.s32 $0x400, s5;
	s11 =	sadd.s32 s0, s7;
	[dreg:$0x16] =	wrdreg s16  }
0x15: {  	[dreg:$0x17] =	wrdreg s17;
	s19 =	sadd.s32 $0x10000, s10;
	s0 =	sadd.s32 s2, s0  }
0x16: {  	s22 =	simm.s32 $0x780;
	s26 =	sadd.s32 $0x3000, s10;
	[dreg:$0x18] =	wrdreg s19  }
0x17: {  	s2 =	simm.s32 $0x5000;
	s17 =	simm.s32 $0xA800;
	[dreg:$0x6] =	wrdreg s22  }
0x18: {  	s12 =	simm.s32 $0xB00;
	s14 =	simm.s32 $0xB80;
	[dreg:$0xc] =	wrdreg s11  }
0x19: {  	s15 =	simm.s32 $0x480;
	s20 =	sadd.s32 s6, s5;
	[dreg:$0x1b] =	wrdreg s26  }
0x1a: {  	s16 =	simm.s32 $0xC00;
	s5 =	sadd.s32 s8, s5;
	[dreg:$0xa] =	wrdreg s20  }
0x1b: {  	s7 =	sadd.s32 $0x2400, s11;
	s24 =	sadd.s32 $0x2600, s11;
	[dreg:$0xb] =	wrdreg s5  }
0x1c: {  	s25 =	sadd.s32 $0x200, s11;
	s26 =	simm.s32 $0x9800;
	[dreg:$0xd] =	wrdreg s7  }
0x1d: {  	s22 =	simm.s32 $0x180;
	s11 =	simm.s32 $0x380;
	[dreg:$0xf] =	wrdreg s24  }
0x1e: {  	s5 =	sadd.s32 s23, s21;
	s20 =	smul.u32 $0x2780, s13;
	s21 =	sadd.s32 $0x1000, s10  }
0x1f: {  	s24 =	simm.s32 $0xF80;
	[dreg:$0x1a] =	wrdreg s25;
	s25 =	simm.s32 $0xA00  }
0x20: {  	s10 =	simm.s32 $0xA80;
	s13 =	simm.s32 $0x400;
	[dreg:$0x19] =	wrdreg s21  }
0x21: {  	s5 =	sshrl.u32 s5, $0x3;
	[dreg:$0x7] =	wrdreg s24;
	s24 =	simm.s32 $0x900  }
0x22: {  	s18 =	sadd.s32 s5, s8;
	s5 =	sadd.s32 s5, s6;
	s23 =	sadd.s32 s20, s0  }
0x23: {  	s0 =	simm.s32 $0x1;
	s8 =	simm.s32 $0x2;
	[dreg:$0x4] =	wrdreg s18  }
0x24: {  	v0 =	vimm.f32 $0.0e+00;
	s6 =	simm.s32 $0xF00;
	[dreg:$0x5] =	wrdreg s5;
	s5 =	simm.s32 $0x0  }
.LBB2_1:
0x25: {  	s18 =	sand.u32 $0x7E00, s4  }
0x26: {  	[dreg:$0x1c] =	wrdreg s5;
	s19 =	sand.u32 $0x70, s4;
	s20 =	sshrl.u32 s18, $0x2  }
0x27: {  	s18 =	simm.s32 $0x40;
	s20 =	sor.u32 s19, s20;
	s19 =	simm.s32 $0x0  }
.LBB2_2:
0x28: {  	p0 =	sne.s32 s18, $0x7FC0  }
0x29: {  	[tilespmem:s20+$0x9800] =	vst v0;
	s19 =	sadd.s32 $0x10, s19;
	s20 =	smov.u32 s18;
	s18 =	sadd.s32 $0x40, s18  }
.Ltmp0:
0x2a: {  	(pc) =	sbr.rel @p0 .LBB2_2-.Ltmp0, $4  }
0x2b: {  	_ = 	snop  }
0x2c: {  	s20 =	sand.u32 $0x7E00, s20  }
0x2d: {  	s21 =	sand.u32 $0x70, s19;
	s20 =	sshrl.u32 s20, $0x2  }
0x2e: {  	s20 =	sor.u32 s21, s20  }
0x2f: {  	[tilespmem:s20+$0x9800] =	vst v0;
	s18 =	rddreg [dreg:$0x8]  }
0x30: {  	[spmem:s18] =	stream.linear.scatter [tilespmem:s26], [sflag:$0x3], $0x2000, $0x38;
	[tilespmem:$0x1F400] =	vst v63  }
0x31: {  	_ =	swait.ge [sflag:s28], $0x2000  }
0x32: {  	[sflag:s28] =	ssyncset.done $0x0  }
0x33: {  	s19 =	rddreg [dreg:$0x11];
	[sflag:s28] =	ssyncadd.s32 $0xFFFFE000  }
0x34: {  	[spmem:s19] =	stream.linear.scatter [tilespmem:s26], [sflag:$0x3], $0x2000, $0x38;
	[tilespmem:$0x1F400] =	vst v63  }
0x35: {  	_ =	swait.ge [sflag:s28], $0x2000  }
0x36: {  	[sflag:s28] =	ssyncset.done $0x0  }
0x37: {  	s20 =	rddreg [dreg:$0x12];
	[sflag:s28] =	ssyncadd.s32 $0xFFFFE000  }
0x38: {  	[spmem:s20] =	stream.linear.scatter [tilespmem:s26], [sflag:$0x3], $0x2000, $0x38;
	[tilespmem:$0x1F400] =	vst v63  }
0x39: {  	_ =	swait.ge [sflag:s28], $0x2000  }
0x3a: {  	[sflag:s28] =	ssyncset.done $0x0  }
0x3b: {  	s21 =	rddreg [dreg:$0x13];
	[sflag:s28] =	ssyncadd.s32 $0xFFFFE000  }
0x3c: {  	[spmem:s21] =	stream.linear.scatter [tilespmem:s26], [sflag:$0x3], $0x2000, $0x38;
	[tilespmem:$0x1F400] =	vst v63  }
0x3d: {  	_ =	swait.ge [sflag:s28], $0x2000  }
0x3e: {  	[sflag:s28] =	ssyncset.done $0x0  }
0x3f: {  	s5 =	rddreg [dreg:$0x14];
	[sflag:s28] =	ssyncadd.s32 $0xFFFFE000  }
0x40: {  	[spmem:s5] =	stream.linear.scatter [tilespmem:s26], [sflag:$0x3], $0x2000, $0x38;
	[tilespmem:$0x1F400] =	vst v63  }
0x41: {  	_ =	swait.ge [sflag:s28], $0x2000  }
0x42: {  	[sflag:s28] =	ssyncset.done $0x0  }
0x43: {  	s7 =	rddreg [dreg:$0x15];
	[sflag:s28] =	ssyncadd.s32 $0xFFFFE000  }
0x44: {  	[spmem:s7] =	stream.linear.scatter [tilespmem:s26], [sflag:$0x3], $0x2000, $0x38;
	[tilespmem:$0x1F400] =	vst v63  }
0x45: {  	_ =	swait.ge [sflag:s28], $0x2000  }
0x46: {  	[sflag:s28] =	ssyncset.done $0x0  }
0x47: {  	s9 =	rddreg [dreg:$0x16];
	[sflag:s28] =	ssyncadd.s32 $0xFFFFE000  }
0x48: {  	[spmem:s9] =	stream.linear.scatter [tilespmem:s26], [sflag:$0x3], $0x2000, $0x38;
	[tilespmem:$0x1F400] =	vst v63  }
0x49: {  	_ =	swait.ge [sflag:s28], $0x2000  }
0x4a: {  	[sflag:s28] =	ssyncset.done $0x0  }
0x4b: {  	s19 =	rddreg [dreg:$0x17];
	[sflag:s28] =	ssyncadd.s32 $0xFFFFE000  }
0x4c: {  	[spmem:s19] =	stream.linear.scatter [tilespmem:s26], [sflag:$0x3], $0x2000, $0x38;
	[tilespmem:$0x1F400] =	vst v63  }
0x4d: {  	_ =	swait.ge [sflag:s28], $0x2000  }
0x4e: {  	[sflag:s28] =	ssyncset.done $0x0  }
0x4f: {  	s20 =	rddreg [dreg:$0x18];
	[sflag:s28] =	ssyncadd.s32 $0xFFFFE000  }
0x50: {  	[spmem:s20] =	stream.linear.scatter [tilespmem:s26], [sflag:$0x3], $0x2000, $0x38;
	[tilespmem:$0x1F400] =	vst v63  }
0x51: {  	_ =	swait.ge [sflag:s28], $0x2000  }
0x52: {  	[sflag:s28] =	ssyncset.done $0x0  }
0x53: {  	s21 =	rddreg [dreg:$0x9];
	[sflag:s28] =	ssyncadd.s32 $0xFFFFE000  }
0x54: {  	[spmem:s21] =	stream.linear.scatter [tilespmem:s26], [sflag:$0x3], $0x1C00, $0x38;
	[tilespmem:$0x1F400] =	vst v63  }
0x55: {  	_ =	swait.ge [sflag:s28], $0x1C00  }
0x56: {  	[sflag:s28] =	ssyncset.done $0x0  }
0x57: {  	[sflag:s28] =	ssyncadd.s32 $0xFFFFE400  }
0x58: {  	[bflag:$0x0] =	sbarrier.arrive $0xFFFF  }
0x59: {  	s5 =	rddreg [dreg:$0x5]  }
0x5a: {  	s18 =	sadd.s32 $0x0, s5  }
0x5b: {  	[tilespmem:s4], [sflag:$0x3] =	stream.linear.gather [hbm4b:s18+s4], $0x800, $0x38;
	[tilespmem:$0x1F400] =	vst v63  }
0x5c: {  	_ =	swait.ge [sflag:s28], $0x800  }
0x5d: {  	s7 =	rddreg [dreg:$0x4];
	[sflag:s28] =	ssyncset.done $0x0  }
0x5e: {  	[sflag:s28] =	ssyncadd.s32 $0xFFFFF800;
	s18 =	sadd.s32 $0x0, s7  }
0x5f: {  	[tilespmem:s29], [sflag:$0x3] =	stream.linear.gather [hbm4b:s18+s4], $0x800, $0x38;
	[tilespmem:$0x1F400] =	vst v63  }
0x60: {  	_ =	swait.ge [sflag:s28], $0x800  }
0x61: {  	[sflag:s28] =	ssyncset.done $0x0  }
0x62: {  	[sflag:s28] =	ssyncadd.s32 $0xFFFFF800  }
0x63: {  	[tilespmem:s31], [sflag:$0x1] =	stream.indirect.gather [hbm4b:s1+s30], $0x80, s4, s30, $0xb8;
	[tilespmem:$0x1F400] =	vst v63  }
0x64: {  	_ = 	snop  }
0x65: {  	[tilespmem:s2], [sflag:$0x2] =	stream.indirect.gather [hbm4b:s1+s30], $0x80, s30, s30, $0xb8;
	[tilespmem:$0x1F400] =	vst v63  }
0x66: {  	_ =	swait.ge [sflag:s0], $0x4000  }
0x67: {  	[sflag:s0] =	ssyncset.done $0x0  }
0x68: {  	[sflag:s0] =	ssyncadd.s32 $0xFFFFC000  }
0x69: {  	[spmem:s3] =	stream.indirect.scatter.add.f32 [tilespmem:s31], [sflag:$0x3], $0x80, s29, s30, $0xb8;
	[tilespmem:$0x1F400] =	vst v63  }
0x6a: {  	_ =	swait.ge [sflag:s28], $0x4000  }
0x6b: {  	[sflag:s28] =	ssyncset.done $0x0  }
0x6c: {  	s21 =	simm.s32 $0x100;
	[sflag:s28] =	ssyncadd.s32 $0xFFFFC000  }
0x6d: {  	[tilespmem:s31], [sflag:$0x1] =	stream.indirect.gather [hbm4b:s1+s30], $0x80, s21, s30, $0xb8;
	[tilespmem:$0x1F400] =	vst v63  }
0x6e: {  	_ =	swait.ge [sflag:s8], $0x4000  }
0x6f: {  	[sflag:s8] =	ssyncset.done $0x0  }
0x70: {  	s9 =	simm.s32 $0x880;
	[sflag:s8] =	ssyncadd.s32 $0xFFFFC000  }
0x71: {  	[spmem:s3] =	stream.indirect.scatter.add.f32 [tilespmem:s2], [sflag:$0x3], $0x80, s9, s30, $0xb8;
	[tilespmem:$0x1F400] =	vst v63  }
0x72: {  	_ =	swait.ge [sflag:s28], $0x4000  }
0x73: {  	[sflag:s28] =	ssyncset.done $0x0  }
0x74: {  	[sflag:s28] =	ssyncadd.s32 $0xFFFFC000  }
0x75: {  	[tilespmem:s2], [sflag:$0x2] =	stream.indirect.gather [hbm4b:s1+s30], $0x80, s22, s30, $0xb8;
	[tilespmem:$0x1F400] =	vst v63  }
0x76: {  	_ =	swait.ge [sflag:s0], $0x4000  }
0x77: {  	[sflag:s0] =	ssyncset.done $0x0  }
0x78: {  	[sflag:s0] =	ssyncadd.s32 $0xFFFFC000  }
0x79: {  	[spmem:s3] =	stream.indirect.scatter.add.f32 [tilespmem:s31], [sflag:$0x3], $0x80, s24, s30, $0xb8;
	[tilespmem:$0x1F400] =	vst v63  }
0x7a: {  	_ =	swait.ge [sflag:s28], $0x4000  }
0x7b: {  	[sflag:s28] =	ssyncset.done $0x0  }
0x7c: {  	s9 =	simm.s32 $0x200;
	[sflag:s28] =	ssyncadd.s32 $0xFFFFC000  }
0x7d: {  	[tilespmem:s31], [sflag:$0x1] =	stream.indirect.gather [hbm4b:s1+s30], $0x80, s9, s30, $0xb8;
	[tilespmem:$0x1F400] =	vst v63  }
0x7e: {  	_ =	swait.ge [sflag:s8], $0x4000  }
0x7f: {  	[sflag:s8] =	ssyncset.done $0x0  }
0x80: {  	s5 =	simm.s32 $0x980;
	[sflag:s8] =	ssyncadd.s32 $0xFFFFC000  }
0x81: {  	[spmem:s3] =	stream.indirect.scatter.add.f32 [tilespmem:s2], [sflag:$0x3], $0x80, s5, s30, $0xb8;
	[tilespmem:$0x1F400] =	vst v63  }
0x82: {  	_ =	swait.ge [sflag:s28], $0x4000  }
0x83: {  	[sflag:s28] =	ssyncset.done $0x0  }
0x84: {  	s18 =	simm.s32 $0x280;
	[sflag:s28] =	ssyncadd.s32 $0xFFFFC000  }
0x85: {  	[tilespmem:s2], [sflag:$0x2] =	stream.indirect.gather [hbm4b:s1+s30], $0x80, s18, s30, $0xb8;
	[tilespmem:$0x1F400] =	vst v63  }
0x86: {  	_ =	swait.ge [sflag:s0], $0x4000  }
0x87: {  	[sflag:s0] =	ssyncset.done $0x0  }
0x88: {  	[sflag:s0] =	ssyncadd.s32 $0xFFFFC000  }
0x89: {  	[spmem:s3] =	stream.indirect.scatter.add.f32 [tilespmem:s31], [sflag:$0x3], $0x80, s25, s30, $0xb8;
	[tilespmem:$0x1F400] =	vst v63  }
0x8a: {  	_ =	swait.ge [sflag:s28], $0x4000  }
0x8b: {  	[sflag:s28] =	ssyncset.done $0x0  }
0x8c: {  	s7 =	simm.s32 $0x300;
	[sflag:s28] =	ssyncadd.s32 $0xFFFFC000  }
0x8d: {  	[tilespmem:s31], [sflag:$0x1] =	stream.indirect.gather [hbm4b:s1+s30], $0x80, s7, s30, $0xb8;
	[tilespmem:$0x1F400] =	vst v63  }
0x8e: {  	_ =	swait.ge [sflag:s8], $0x4000  }
0x8f: {  	[sflag:s8] =	ssyncset.done $0x0  }
0x90: {  	[sflag:s8] =	ssyncadd.s32 $0xFFFFC000  }
0x91: {  	[spmem:s3] =	stream.indirect.scatter.add.f32 [tilespmem:s2], [sflag:$0x3], $0x80, s10, s30, $0xb8;
	[tilespmem:$0x1F400] =	vst v63  }
0x92: {  	_ =	swait.ge [sflag:s28], $0x4000  }
0x93: {  	[sflag:s28] =	ssyncset.done $0x0  }
0x94: {  	[sflag:s28] =	ssyncadd.s32 $0xFFFFC000  }
0x95: {  	[tilespmem:s2], [sflag:$0x2] =	stream.indirect.gather [hbm4b:s1+s30], $0x80, s11, s30, $0xb8;
	[tilespmem:$0x1F400] =	vst v63  }
0x96: {  	_ =	swait.ge [sflag:s0], $0x4000  }
0x97: {  	[sflag:s0] =	ssyncset.done $0x0  }
0x98: {  	[sflag:s0] =	ssyncadd.s32 $0xFFFFC000  }
0x99: {  	[spmem:s3] =	stream.indirect.scatter.add.f32 [tilespmem:s31], [sflag:$0x3], $0x80, s12, s30, $0xb8;
	[tilespmem:$0x1F400] =	vst v63  }
0x9a: {  	_ =	swait.ge [sflag:s28], $0x4000  }
0x9b: {  	[sflag:s28] =	ssyncset.done $0x0  }
0x9c: {  	[sflag:s28] =	ssyncadd.s32 $0xFFFFC000  }
0x9d: {  	[tilespmem:s31], [sflag:$0x1] =	stream.indirect.gather [hbm4b:s1+s30], $0x80, s13, s30, $0xb8;
	[tilespmem:$0x1F400] =	vst v63  }
0x9e: {  	_ =	swait.ge [sflag:s8], $0x4000  }
0x9f: {  	[sflag:s8] =	ssyncset.done $0x0  }
0xa0: {  	[sflag:s8] =	ssyncadd.s32 $0xFFFFC000  }
0xa1: {  	[spmem:s3] =	stream.indirect.scatter.add.f32 [tilespmem:s2], [sflag:$0x3], $0x80, s14, s30, $0xb8;
	[tilespmem:$0x1F400] =	vst v63  }
0xa2: {  	_ =	swait.ge [sflag:s28], $0x4000  }
0xa3: {  	[sflag:s28] =	ssyncset.done $0x0  }
0xa4: {  	[sflag:s28] =	ssyncadd.s32 $0xFFFFC000  }
0xa5: {  	[tilespmem:s2], [sflag:$0x2] =	stream.indirect.gather [hbm4b:s1+s30], $0x80, s15, s30, $0xb8;
	[tilespmem:$0x1F400] =	vst v63  }
0xa6: {  	_ =	swait.ge [sflag:s0], $0x4000  }
0xa7: {  	[sflag:s0] =	ssyncset.done $0x0  }
0xa8: {  	[sflag:s0] =	ssyncadd.s32 $0xFFFFC000  }
0xa9: {  	[spmem:s3] =	stream.indirect.scatter.add.f32 [tilespmem:s31], [sflag:$0x3], $0x80, s16, s30, $0xb8;
	[tilespmem:$0x1F400] =	vst v63  }
0xaa: {  	_ =	swait.ge [sflag:s28], $0x4000  }
0xab: {  	[sflag:s28] =	ssyncset.done $0x0  }
0xac: {  	s19 =	simm.s32 $0x500;
	[sflag:s28] =	ssyncadd.s32 $0xFFFFC000  }
0xad: {  	[tilespmem:s31], [sflag:$0x1] =	stream.indirect.gather [hbm4b:s1+s30], $0x80, s19, s30, $0xb8;
	[tilespmem:$0x1F400] =	vst v63  }
0xae: {  	_ =	swait.ge [sflag:s8], $0x4000  }
0xaf: {  	[sflag:s8] =	ssyncset.done $0x0  }
0xb0: {  	s20 =	simm.s32 $0xC80;
	[sflag:s8] =	ssyncadd.s32 $0xFFFFC000  }
0xb1: {  	[spmem:s3] =	stream.indirect.scatter.add.f32 [tilespmem:s2], [sflag:$0x3], $0x80, s20, s30, $0xb8;
	[tilespmem:$0x1F400] =	vst v63  }
0xb2: {  	_ =	swait.ge [sflag:s28], $0x4000  }
0xb3: {  	[sflag:s28] =	ssyncset.done $0x0  }
0xb4: {  	s18 =	simm.s32 $0x580;
	[sflag:s28] =	ssyncadd.s32 $0xFFFFC000  }
0xb5: {  	[tilespmem:s2], [sflag:$0x2] =	stream.indirect.gather [hbm4b:s1+s30], $0x80, s18, s30, $0xb8;
	[tilespmem:$0x1F400] =	vst v63  }
0xb6: {  	_ =	swait.ge [sflag:s0], $0x4000  }
0xb7: {  	[sflag:s0] =	ssyncset.done $0x0  }
0xb8: {  	s19 =	simm.s32 $0xD00;
	[sflag:s0] =	ssyncadd.s32 $0xFFFFC000  }
0xb9: {  	[spmem:s3] =	stream.indirect.scatter.add.f32 [tilespmem:s31], [sflag:$0x3], $0x80, s19, s30, $0xb8;
	[tilespmem:$0x1F400] =	vst v63  }
0xba: {  	_ =	swait.ge [sflag:s28], $0x4000  }
0xbb: {  	[sflag:s28] =	ssyncset.done $0x0  }
0xbc: {  	s20 =	simm.s32 $0x600;
	[sflag:s28] =	ssyncadd.s32 $0xFFFFC000  }
0xbd: {  	[tilespmem:s31], [sflag:$0x1] =	stream.indirect.gather [hbm4b:s1+s30], $0x80, s20, s30, $0xb8;
	[tilespmem:$0x1F400] =	vst v63  }
0xbe: {  	_ =	swait.ge [sflag:s8], $0x4000  }
0xbf: {  	[sflag:s8] =	ssyncset.done $0x0  }
0xc0: {  	s18 =	simm.s32 $0xD80;
	[sflag:s8] =	ssyncadd.s32 $0xFFFFC000  }
0xc1: {  	[spmem:s3] =	stream.indirect.scatter.add.f32 [tilespmem:s2], [sflag:$0x3], $0x80, s18, s30, $0xb8;
	[tilespmem:$0x1F400] =	vst v63  }
0xc2: {  	_ =	swait.ge [sflag:s28], $0x4000  }
0xc3: {  	[sflag:s28] =	ssyncset.done $0x0  }
0xc4: {  	s19 =	simm.s32 $0x680;
	[sflag:s28] =	ssyncadd.s32 $0xFFFFC000  }
0xc5: {  	[tilespmem:s2], [sflag:$0x2] =	stream.indirect.gather [hbm4b:s1+s30], $0x80, s19, s30, $0xb8;
	[tilespmem:$0x1F400] =	vst v63  }
0xc6: {  	_ =	swait.ge [sflag:s0], $0x4000  }
0xc7: {  	[sflag:s0] =	ssyncset.done $0x0  }
0xc8: {  	s20 =	simm.s32 $0xE00;
	[sflag:s0] =	ssyncadd.s32 $0xFFFFC000  }
0xc9: {  	[spmem:s3] =	stream.indirect.scatter.add.f32 [tilespmem:s31], [sflag:$0x3], $0x80, s20, s30, $0xb8;
	[tilespmem:$0x1F400] =	vst v63  }
0xca: {  	_ =	swait.ge [sflag:s28], $0x4000  }
0xcb: {  	[sflag:s28] =	ssyncset.done $0x0  }
0xcc: {  	s18 =	simm.s32 $0x700;
	[sflag:s28] =	ssyncadd.s32 $0xFFFFC000  }
0xcd: {  	[tilespmem:s31], [sflag:$0x1] =	stream.indirect.gather [hbm4b:s1+s30], $0x80, s18, s30, $0xb8;
	[tilespmem:$0x1F400] =	vst v63  }
0xce: {  	_ =	swait.ge [sflag:s8], $0x4000  }
0xcf: {  	[sflag:s8] =	ssyncset.done $0x0  }
0xd0: {  	s5 =	simm.s32 $0xE80;
	[sflag:s8] =	ssyncadd.s32 $0xFFFFC000  }
0xd1: {  	[spmem:s3] =	stream.indirect.scatter.add.f32 [tilespmem:s2], [sflag:$0x3], $0x80, s5, s30, $0xb8;
	[tilespmem:$0x1F400] =	vst v63  }
0xd2: {  	_ =	swait.ge [sflag:s28], $0x4000  }
0xd3: {  	[sflag:s28] =	ssyncset.done $0x0  }
0xd4: {  	s19 =	rddreg [dreg:$0x6];
	[sflag:s28] =	ssyncadd.s32 $0xFFFFC000  }
0xd5: {  	[tilespmem:s2], [sflag:$0x2] =	stream.indirect.gather [hbm4b:s1+s30], $0x80, s19, s30, $0xb8;
	[tilespmem:$0x1F400] =	vst v63  }
0xd6: {  	_ =	swait.ge [sflag:s0], $0x4000  }
0xd7: {  	[sflag:s0] =	ssyncset.done $0x0  }
0xd8: {  	[sflag:s0] =	ssyncadd.s32 $0xFFFFC000  }
0xd9: {  	[spmem:s3] =	stream.indirect.scatter.add.f32 [tilespmem:s31], [sflag:$0x3], $0x80, s6, s30, $0xb8;
	[tilespmem:$0x1F400] =	vst v63  }
0xda: {  	_ =	swait.ge [sflag:s28], $0x4000  }
0xdb: {  	[sflag:s28] =	ssyncset.done $0x0  }
0xdc: {  	[sflag:s28] =	ssyncadd.s32 $0xFFFFC000  }
0xdd: {  	_ =	swait.ge [sflag:s8], $0x4000  }
0xde: {  	[sflag:s8] =	ssyncset.done $0x0  }
0xdf: {  	s20 =	rddreg [dreg:$0x7];
	[sflag:s8] =	ssyncadd.s32 $0xFFFFC000  }
0xe0: {  	[spmem:s3] =	stream.indirect.scatter.add.f32 [tilespmem:s2], [sflag:$0x3], $0x80, s20, s30, $0xb8;
	[tilespmem:$0x1F400] =	vst v63  }
0xe1: {  	s18 =	simm.s32 $0x100;
	_ =	swait.ge [sflag:s28], $0x4000  }
.LBB2_4:
0xe2: {  	s19 =	rddreg [dreg:$0x5];
	s20 =	smov.u32 s18;
	[sflag:s28] =	ssyncset.done $0x0  }
0xe3: {  	s19 =	sadd.s32 s20, s19;
	[sflag:s28] =	ssyncadd.s32 $0xFFFFC000  }
0xe4: {  	[tilespmem:s4], [sflag:$0x3] =	stream.linear.gather [hbm4b:s19+s4], $0x800, $0x38;
	[tilespmem:$0x1F400] =	vst v63  }
0xe5: {  	_ =	swait.ge [sflag:s28], $0x800  }
0xe6: {  	s19 =	rddreg [dreg:$0x4];
	[sflag:s28] =	ssyncset.done $0x0  }
0xe7: {  	[sflag:s28] =	ssyncadd.s32 $0xFFFFF800;
	s19 =	sadd.s32 s20, s19  }
0xe8: {  	[tilespmem:s29], [sflag:$0x3] =	stream.linear.gather [hbm4b:s19+s4], $0x800, $0x38;
	[tilespmem:$0x1F400] =	vst v63  }
0xe9: {  	_ =	swait.ge [sflag:s28], $0x800  }
0xea: {  	[sflag:s28] =	ssyncset.done $0x0  }
0xeb: {  	[sflag:s28] =	ssyncadd.s32 $0xFFFFF800  }
0xec: {  	[tilespmem:s31], [sflag:$0x1] =	stream.indirect.gather [hbm4b:s1+s30], $0x80, s4, s30, $0xb8;
	[tilespmem:$0x1F400] =	vst v63  }
0xed: {  	_ = 	snop  }
0xee: {  	[tilespmem:s2], [sflag:$0x2] =	stream.indirect.gather [hbm4b:s1+s30], $0x80, s30, s30, $0xb8;
	[tilespmem:$0x1F400] =	vst v63  }
0xef: {  	_ =	swait.ge [sflag:s0], $0x4000  }
0xf0: {  	[sflag:s0] =	ssyncset.done $0x0  }
0xf1: {  	[sflag:s0] =	ssyncadd.s32 $0xFFFFC000  }
0xf2: {  	[spmem:s3] =	stream.indirect.scatter.add.f32 [tilespmem:s31], [sflag:$0x3], $0x80, s29, s30, $0xb8;
	[tilespmem:$0x1F400] =	vst v63  }
0xf3: {  	_ =	swait.ge [sflag:s28], $0x4000  }
0xf4: {  	[sflag:s28] =	ssyncset.done $0x0  }
0xf5: {  	[sflag:s28] =	ssyncadd.s32 $0xFFFFC000  }
0xf6: {  	[tilespmem:s31], [sflag:$0x1] =	stream.indirect.gather [hbm4b:s1+s30], $0x80, s21, s30, $0xb8;
	[tilespmem:$0x1F400] =	vst v63  }
0xf7: {  	_ =	swait.ge [sflag:s8], $0x4000  }
0xf8: {  	[sflag:s8] =	ssyncset.done $0x0  }
0xf9: {  	s20 =	simm.s32 $0x880;
	[sflag:s8] =	ssyncadd.s32 $0xFFFFC000  }
0xfa: {  	[spmem:s3] =	stream.indirect.scatter.add.f32 [tilespmem:s2], [sflag:$0x3], $0x80, s20, s30, $0xb8;
	[tilespmem:$0x1F400] =	vst v63  }
0xfb: {  	_ =	swait.ge [sflag:s28], $0x4000  }
0xfc: {  	[sflag:s28] =	ssyncset.done $0x0  }
0xfd: {  	[sflag:s28] =	ssyncadd.s32 $0xFFFFC000  }
0xfe: {  	[tilespmem:s2], [sflag:$0x2] =	stream.indirect.gather [hbm4b:s1+s30], $0x80, s22, s30, $0xb8;
	[tilespmem:$0x1F400] =	vst v63  }
0xff: {  	_ =	swait.ge [sflag:s0], $0x4000  }
0x100: {  	[sflag:s0] =	ssyncset.done $0x0  }
0x101: {  	[sflag:s0] =	ssyncadd.s32 $0xFFFFC000  }
0x102: {  	[spmem:s3] =	stream.indirect.scatter.add.f32 [tilespmem:s31], [sflag:$0x3], $0x80, s24, s30, $0xb8;
	[tilespmem:$0x1F400] =	vst v63  }
0x103: {  	_ =	swait.ge [sflag:s28], $0x4000  }
0x104: {  	[sflag:s28] =	ssyncset.done $0x0  }
0x105: {  	[sflag:s28] =	ssyncadd.s32 $0xFFFFC000  }
0x106: {  	[tilespmem:s31], [sflag:$0x1] =	stream.indirect.gather [hbm4b:s1+s30], $0x80, s9, s30, $0xb8;
	[tilespmem:$0x1F400] =	vst v63  }
0x107: {  	_ =	swait.ge [sflag:s8], $0x4000  }
0x108: {  	[sflag:s8] =	ssyncset.done $0x0  }
0x109: {  	s19 =	simm.s32 $0x980;
	[sflag:s8] =	ssyncadd.s32 $0xFFFFC000  }
0x10a: {  	[spmem:s3] =	stream.indirect.scatter.add.f32 [tilespmem:s2], [sflag:$0x3], $0x80, s19, s30, $0xb8;
	[tilespmem:$0x1F400] =	vst v63  }
0x10b: {  	_ =	swait.ge [sflag:s28], $0x4000  }
0x10c: {  	[sflag:s28] =	ssyncset.done $0x0  }
0x10d: {  	s19 =	simm.s32 $0x280;
	[sflag:s28] =	ssyncadd.s32 $0xFFFFC000  }
0x10e: {  	[tilespmem:s2], [sflag:$0x2] =	stream.indirect.gather [hbm4b:s1+s30], $0x80, s19, s30, $0xb8;
	[tilespmem:$0x1F400] =	vst v63  }
0x10f: {  	_ =	swait.ge [sflag:s0], $0x4000  }
0x110: {  	[sflag:s0] =	ssyncset.done $0x0  }
0x111: {  	[sflag:s0] =	ssyncadd.s32 $0xFFFFC000  }
0x112: {  	[spmem:s3] =	stream.indirect.scatter.add.f32 [tilespmem:s31], [sflag:$0x3], $0x80, s25, s30, $0xb8;
	[tilespmem:$0x1F400] =	vst v63  }
0x113: {  	_ =	swait.ge [sflag:s28], $0x4000  }
0x114: {  	[sflag:s28] =	ssyncset.done $0x0  }
0x115: {  	[sflag:s28] =	ssyncadd.s32 $0xFFFFC000  }
0x116: {  	[tilespmem:s31], [sflag:$0x1] =	stream.indirect.gather [hbm4b:s1+s30], $0x80, s7, s30, $0xb8;
	[tilespmem:$0x1F400] =	vst v63  }
0x117: {  	_ =	swait.ge [sflag:s8], $0x4000  }
0x118: {  	[sflag:s8] =	ssyncset.done $0x0  }
0x119: {  	[sflag:s8] =	ssyncadd.s32 $0xFFFFC000  }
0x11a: {  	[spmem:s3] =	stream.indirect.scatter.add.f32 [tilespmem:s2], [sflag:$0x3], $0x80, s10, s30, $0xb8;
	[tilespmem:$0x1F400] =	vst v63  }
0x11b: {  	_ =	swait.ge [sflag:s28], $0x4000  }
0x11c: {  	[sflag:s28] =	ssyncset.done $0x0  }
0x11d: {  	[sflag:s28] =	ssyncadd.s32 $0xFFFFC000  }
0x11e: {  	[tilespmem:s2], [sflag:$0x2] =	stream.indirect.gather [hbm4b:s1+s30], $0x80, s11, s30, $0xb8;
	[tilespmem:$0x1F400] =	vst v63  }
0x11f: {  	_ =	swait.ge [sflag:s0], $0x4000  }
0x120: {  	[sflag:s0] =	ssyncset.done $0x0  }
0x121: {  	[sflag:s0] =	ssyncadd.s32 $0xFFFFC000  }
0x122: {  	[spmem:s3] =	stream.indirect.scatter.add.f32 [tilespmem:s31], [sflag:$0x3], $0x80, s12, s30, $0xb8;
	[tilespmem:$0x1F400] =	vst v63  }
0x123: {  	_ =	swait.ge [sflag:s28], $0x4000  }
0x124: {  	[sflag:s28] =	ssyncset.done $0x0  }
0x125: {  	[sflag:s28] =	ssyncadd.s32 $0xFFFFC000  }
0x126: {  	[tilespmem:s31], [sflag:$0x1] =	stream.indirect.gather [hbm4b:s1+s30], $0x80, s13, s30, $0xb8;
	[tilespmem:$0x1F400] =	vst v63  }
0x127: {  	_ =	swait.ge [sflag:s8], $0x4000  }
0x128: {  	[sflag:s8] =	ssyncset.done $0x0  }
0x129: {  	[sflag:s8] =	ssyncadd.s32 $0xFFFFC000  }
0x12a: {  	[spmem:s3] =	stream.indirect.scatter.add.f32 [tilespmem:s2], [sflag:$0x3], $0x80, s14, s30, $0xb8;
	[tilespmem:$0x1F400] =	vst v63  }
0x12b: {  	_ =	swait.ge [sflag:s28], $0x4000  }
0x12c: {  	[sflag:s28] =	ssyncset.done $0x0  }
0x12d: {  	[sflag:s28] =	ssyncadd.s32 $0xFFFFC000  }
0x12e: {  	[tilespmem:s2], [sflag:$0x2] =	stream.indirect.gather [hbm4b:s1+s30], $0x80, s15, s30, $0xb8;
	[tilespmem:$0x1F400] =	vst v63  }
0x12f: {  	_ =	swait.ge [sflag:s0], $0x4000  }
0x130: {  	[sflag:s0] =	ssyncset.done $0x0  }
0x131: {  	[sflag:s0] =	ssyncadd.s32 $0xFFFFC000  }
0x132: {  	[spmem:s3] =	stream.indirect.scatter.add.f32 [tilespmem:s31], [sflag:$0x3], $0x80, s16, s30, $0xb8;
	[tilespmem:$0x1F400] =	vst v63  }
0x133: {  	_ =	swait.ge [sflag:s28], $0x4000  }
0x134: {  	[sflag:s28] =	ssyncset.done $0x0  }
0x135: {  	s19 =	simm.s32 $0x500;
	[sflag:s28] =	ssyncadd.s32 $0xFFFFC000  }
0x136: {  	[tilespmem:s31], [sflag:$0x1] =	stream.indirect.gather [hbm4b:s1+s30], $0x80, s19, s30, $0xb8;
	[tilespmem:$0x1F400] =	vst v63  }
0x137: {  	_ =	swait.ge [sflag:s8], $0x4000  }
0x138: {  	[sflag:s8] =	ssyncset.done $0x0  }
0x139: {  	s19 =	simm.s32 $0xC80;
	[sflag:s8] =	ssyncadd.s32 $0xFFFFC000  }
0x13a: {  	[spmem:s3] =	stream.indirect.scatter.add.f32 [tilespmem:s2], [sflag:$0x3], $0x80, s19, s30, $0xb8;
	[tilespmem:$0x1F400] =	vst v63  }
0x13b: {  	_ =	swait.ge [sflag:s28], $0x4000  }
0x13c: {  	[sflag:s28] =	ssyncset.done $0x0  }
0x13d: {  	s19 =	simm.s32 $0x580;
	[sflag:s28] =	ssyncadd.s32 $0xFFFFC000  }
0x13e: {  	[tilespmem:s2], [sflag:$0x2] =	stream.indirect.gather [hbm4b:s1+s30], $0x80, s19, s30, $0xb8;
	[tilespmem:$0x1F400] =	vst v63  }
0x13f: {  	_ =	swait.ge [sflag:s0], $0x4000  }
0x140: {  	[sflag:s0] =	ssyncset.done $0x0  }
0x141: {  	s19 =	simm.s32 $0xD00;
	[sflag:s0] =	ssyncadd.s32 $0xFFFFC000  }
0x142: {  	[spmem:s3] =	stream.indirect.scatter.add.f32 [tilespmem:s31], [sflag:$0x3], $0x80, s19, s30, $0xb8;
	[tilespmem:$0x1F400] =	vst v63  }
0x143: {  	_ =	swait.ge [sflag:s28], $0x4000  }
0x144: {  	[sflag:s28] =	ssyncset.done $0x0  }
0x145: {  	s19 =	simm.s32 $0x600;
	[sflag:s28] =	ssyncadd.s32 $0xFFFFC000  }
0x146: {  	[tilespmem:s31], [sflag:$0x1] =	stream.indirect.gather [hbm4b:s1+s30], $0x80, s19, s30, $0xb8;
	[tilespmem:$0x1F400] =	vst v63  }
0x147: {  	_ =	swait.ge [sflag:s8], $0x4000  }
0x148: {  	[sflag:s8] =	ssyncset.done $0x0  }
0x149: {  	s19 =	simm.s32 $0xD80;
	[sflag:s8] =	ssyncadd.s32 $0xFFFFC000  }
0x14a: {  	[spmem:s3] =	stream.indirect.scatter.add.f32 [tilespmem:s2], [sflag:$0x3], $0x80, s19, s30, $0xb8;
	[tilespmem:$0x1F400] =	vst v63  }
0x14b: {  	_ =	swait.ge [sflag:s28], $0x4000  }
0x14c: {  	[sflag:s28] =	ssyncset.done $0x0  }
0x14d: {  	s19 =	simm.s32 $0x680;
	[sflag:s28] =	ssyncadd.s32 $0xFFFFC000  }
0x14e: {  	[tilespmem:s2], [sflag:$0x2] =	stream.indirect.gather [hbm4b:s1+s30], $0x80, s19, s30, $0xb8;
	[tilespmem:$0x1F400] =	vst v63  }
0x14f: {  	_ =	swait.ge [sflag:s0], $0x4000  }
0x150: {  	[sflag:s0] =	ssyncset.done $0x0  }
0x151: {  	s19 =	simm.s32 $0xE00;
	[sflag:s0] =	ssyncadd.s32 $0xFFFFC000  }
0x152: {  	[spmem:s3] =	stream.indirect.scatter.add.f32 [tilespmem:s31], [sflag:$0x3], $0x80, s19, s30, $0xb8;
	[tilespmem:$0x1F400] =	vst v63  }
0x153: {  	_ =	swait.ge [sflag:s28], $0x4000  }
0x154: {  	[sflag:s28] =	ssyncset.done $0x0  }
0x155: {  	s19 =	simm.s32 $0x700;
	[sflag:s28] =	ssyncadd.s32 $0xFFFFC000  }
0x156: {  	[tilespmem:s31], [sflag:$0x1] =	stream.indirect.gather [hbm4b:s1+s30], $0x80, s19, s30, $0xb8;
	[tilespmem:$0x1F400] =	vst v63  }
0x157: {  	_ =	swait.ge [sflag:s8], $0x4000  }
0x158: {  	[sflag:s8] =	ssyncset.done $0x0  }
0x159: {  	[sflag:s8] =	ssyncadd.s32 $0xFFFFC000  }
0x15a: {  	[spmem:s3] =	stream.indirect.scatter.add.f32 [tilespmem:s2], [sflag:$0x3], $0x80, s5, s30, $0xb8;
	[tilespmem:$0x1F400] =	vst v63  }
0x15b: {  	_ =	swait.ge [sflag:s28], $0x4000  }
0x15c: {  	[sflag:s28] =	ssyncset.done $0x0  }
0x15d: {  	s19 =	rddreg [dreg:$0x6];
	[sflag:s28] =	ssyncadd.s32 $0xFFFFC000  }
0x15e: {  	[tilespmem:s2], [sflag:$0x2] =	stream.indirect.gather [hbm4b:s1+s30], $0x80, s19, s30, $0xb8;
	[tilespmem:$0x1F400] =	vst v63  }
0x15f: {  	_ =	swait.ge [sflag:s0], $0x4000  }
0x160: {  	[sflag:s0] =	ssyncset.done $0x0  }
0x161: {  	[sflag:s0] =	ssyncadd.s32 $0xFFFFC000  }
0x162: {  	[spmem:s3] =	stream.indirect.scatter.add.f32 [tilespmem:s31], [sflag:$0x3], $0x80, s6, s30, $0xb8;
	[tilespmem:$0x1F400] =	vst v63  }
0x163: {  	_ =	swait.ge [sflag:s28], $0x4000  }
0x164: {  	[sflag:s28] =	ssyncset.done $0x0  }
0x165: {  	p0 =	sne.s32 s18, $0x300;
	[sflag:s28] =	ssyncadd.s32 $0xFFFFC000  }
.Ltmp1:
0x166: {  	_ =	swait.ge [sflag:s8], $0x4000;
	(pc) =	sbr.rel @p0 .LBB2_4-.Ltmp1, $4  }
0x167: {  	[sflag:s8] =	ssyncset.done $0x0  }
0x168: {  	s19 =	rddreg [dreg:$0x7];
	[sflag:s8] =	ssyncadd.s32 $0xFFFFC000  }
0x169: {  	[spmem:s3] =	stream.indirect.scatter.add.f32 [tilespmem:s2], [sflag:$0x3], $0x80, s19, s30, $0xb8;
	[tilespmem:$0x1F400] =	vst v63  }
0x16a: {  	s18 =	sadd.s32 $0x100, s18;
	_ =	swait.ge [sflag:s28], $0x4000  }
0x16b: {  	[sflag:s28] =	ssyncset.done $0x0  }
0x16c: {  	s18 =	simm.s32 $0x0;
	s19 =	rddreg [dreg:$0xa];
	[sflag:s28] =	ssyncadd.s32 $0xFFFFC000  }
0x16d: {  	[tilespmem:s18], [sflag:$0x3] =	stream.linear.gather [hbm4b:s19+s18], $0x710, $0x38;
	[tilespmem:$0x1F400] =	vst v63  }
0x16e: {  	_ =	swait.ge [sflag:s28], $0x710  }
0x16f: {  	[sflag:s28] =	ssyncset.done $0x0  }
0x170: {  	s19 =	rddreg [dreg:$0xb];
	[sflag:s28] =	ssyncadd.s32 $0xFFFFF8F0  }
0x171: {  	[tilespmem:s29], [sflag:$0x3] =	stream.linear.gather [hbm4b:s19+s18], $0x710, $0x38;
	[tilespmem:$0x1F400] =	vst v63  }
0x172: {  	_ =	swait.ge [sflag:s28], $0x710  }
0x173: {  	[sflag:s28] =	ssyncset.done $0x0  }
0x174: {  	[sflag:s28] =	ssyncadd.s32 $0xFFFFF8F0  }
0x175: {  	[tilespmem:s31], [sflag:$0x1] =	stream.indirect.gather [hbm4b:s1+s30], $0x80, s18, s30, $0xb8;
	[tilespmem:$0x1F400] =	vst v63  }
0x176: {  	_ = 	snop  }
0x177: {  	[tilespmem:s2], [sflag:$0x2] =	stream.indirect.gather [hbm4b:s1+s30], $0x80, s30, s30, $0xb8;
	[tilespmem:$0x1F400] =	vst v63  }
0x178: {  	_ =	swait.ge [sflag:s0], $0x4000  }
0x179: {  	[sflag:s0] =	ssyncset.done $0x0  }
0x17a: {  	[sflag:s0] =	ssyncadd.s32 $0xFFFFC000  }
0x17b: {  	[spmem:s3] =	stream.indirect.scatter.add.f32 [tilespmem:s31], [sflag:$0x3], $0x80, s29, s30, $0xb8;
	[tilespmem:$0x1F400] =	vst v63  }
0x17c: {  	_ =	swait.ge [sflag:s28], $0x4000  }
0x17d: {  	[sflag:s28] =	ssyncset.done $0x0  }
0x17e: {  	[sflag:s28] =	ssyncadd.s32 $0xFFFFC000  }
0x17f: {  	[tilespmem:s31], [sflag:$0x1] =	stream.indirect.gather [hbm4b:s1+s30], $0x80, s21, s30, $0xb8;
	[tilespmem:$0x1F400] =	vst v63  }
0x180: {  	_ =	swait.ge [sflag:s8], $0x4000  }
0x181: {  	[sflag:s8] =	ssyncset.done $0x0  }
0x182: {  	[sflag:s8] =	ssyncadd.s32 $0xFFFFC000  }
0x183: {  	[spmem:s3] =	stream.indirect.scatter.add.f32 [tilespmem:s2], [sflag:$0x3], $0x80, s20, s30, $0xb8;
	[tilespmem:$0x1F400] =	vst v63  }
0x184: {  	_ =	swait.ge [sflag:s28], $0x4000  }
0x185: {  	[sflag:s28] =	ssyncset.done $0x0  }
0x186: {  	[sflag:s28] =	ssyncadd.s32 $0xFFFFC000  }
0x187: {  	[tilespmem:s2], [sflag:$0x2] =	stream.indirect.gather [hbm4b:s1+s30], $0x80, s22, s30, $0xb8;
	[tilespmem:$0x1F400] =	vst v63  }
0x188: {  	_ =	swait.ge [sflag:s0], $0x4000  }
0x189: {  	[sflag:s0] =	ssyncset.done $0x0  }
0x18a: {  	[sflag:s0] =	ssyncadd.s32 $0xFFFFC000  }
0x18b: {  	[spmem:s3] =	stream.indirect.scatter.add.f32 [tilespmem:s31], [sflag:$0x3], $0x80, s24, s30, $0xb8;
	[tilespmem:$0x1F400] =	vst v63  }
0x18c: {  	_ =	swait.ge [sflag:s28], $0x4000  }
0x18d: {  	[sflag:s28] =	ssyncset.done $0x0  }
0x18e: {  	[sflag:s28] =	ssyncadd.s32 $0xFFFFC000  }
0x18f: {  	[tilespmem:s31], [sflag:$0x1] =	stream.indirect.gather [hbm4b:s1+s30], $0x80, s9, s30, $0xb8;
	[tilespmem:$0x1F400] =	vst v63  }
0x190: {  	_ =	swait.ge [sflag:s8], $0x4000  }
0x191: {  	[sflag:s8] =	ssyncset.done $0x0  }
0x192: {  	s20 =	simm.s32 $0x980;
	[sflag:s8] =	ssyncadd.s32 $0xFFFFC000  }
0x193: {  	[spmem:s3] =	stream.indirect.scatter.add.f32 [tilespmem:s2], [sflag:$0x3], $0x80, s20, s30, $0xb8;
	[tilespmem:$0x1F400] =	vst v63  }
0x194: {  	_ =	swait.ge [sflag:s28], $0x4000  }
0x195: {  	[sflag:s28] =	ssyncset.done $0x0  }
0x196: {  	s21 =	simm.s32 $0x280;
	[sflag:s28] =	ssyncadd.s32 $0xFFFFC000  }
0x197: {  	[tilespmem:s2], [sflag:$0x2] =	stream.indirect.gather [hbm4b:s1+s30], $0x80, s21, s30, $0xb8;
	[tilespmem:$0x1F400] =	vst v63  }
0x198: {  	_ =	swait.ge [sflag:s0], $0x4000  }
0x199: {  	[sflag:s0] =	ssyncset.done $0x0  }
0x19a: {  	[sflag:s0] =	ssyncadd.s32 $0xFFFFC000  }
0x19b: {  	[spmem:s3] =	stream.indirect.scatter.add.f32 [tilespmem:s31], [sflag:$0x3], $0x80, s25, s30, $0xb8;
	[tilespmem:$0x1F400] =	vst v63  }
0x19c: {  	_ =	swait.ge [sflag:s28], $0x4000  }
0x19d: {  	[sflag:s28] =	ssyncset.done $0x0  }
0x19e: {  	[sflag:s28] =	ssyncadd.s32 $0xFFFFC000  }
0x19f: {  	[tilespmem:s31], [sflag:$0x1] =	stream.indirect.gather [hbm4b:s1+s30], $0x80, s7, s30, $0xb8;
	[tilespmem:$0x1F400] =	vst v63  }
0x1a0: {  	_ =	swait.ge [sflag:s8], $0x4000  }
0x1a1: {  	[sflag:s8] =	ssyncset.done $0x0  }
0x1a2: {  	[sflag:s8] =	ssyncadd.s32 $0xFFFFC000  }
0x1a3: {  	[spmem:s3] =	stream.indirect.scatter.add.f32 [tilespmem:s2], [sflag:$0x3], $0x80, s10, s30, $0xb8;
	[tilespmem:$0x1F400] =	vst v63  }
0x1a4: {  	_ =	swait.ge [sflag:s28], $0x4000  }
0x1a5: {  	[sflag:s28] =	ssyncset.done $0x0  }
0x1a6: {  	[sflag:s28] =	ssyncadd.s32 $0xFFFFC000  }
0x1a7: {  	[tilespmem:s2], [sflag:$0x2] =	stream.indirect.gather [hbm4b:s1+s30], $0x80, s11, s30, $0xb8;
	[tilespmem:$0x1F400] =	vst v63  }
0x1a8: {  	_ =	swait.ge [sflag:s0], $0x4000  }
0x1a9: {  	[sflag:s0] =	ssyncset.done $0x0  }
0x1aa: {  	[sflag:s0] =	ssyncadd.s32 $0xFFFFC000  }
0x1ab: {  	[spmem:s3] =	stream.indirect.scatter.add.f32 [tilespmem:s31], [sflag:$0x3], $0x80, s12, s30, $0xb8;
	[tilespmem:$0x1F400] =	vst v63  }
0x1ac: {  	_ =	swait.ge [sflag:s28], $0x4000  }
0x1ad: {  	[sflag:s28] =	ssyncset.done $0x0  }
0x1ae: {  	[sflag:s28] =	ssyncadd.s32 $0xFFFFC000  }
0x1af: {  	[tilespmem:s31], [sflag:$0x1] =	stream.indirect.gather [hbm4b:s1+s30], $0x80, s13, s30, $0xb8;
	[tilespmem:$0x1F400] =	vst v63  }
0x1b0: {  	_ =	swait.ge [sflag:s8], $0x4000  }
0x1b1: {  	[sflag:s8] =	ssyncset.done $0x0  }
0x1b2: {  	[sflag:s8] =	ssyncadd.s32 $0xFFFFC000  }
0x1b3: {  	[spmem:s3] =	stream.indirect.scatter.add.f32 [tilespmem:s2], [sflag:$0x3], $0x80, s14, s30, $0xb8;
	[tilespmem:$0x1F400] =	vst v63  }
0x1b4: {  	_ =	swait.ge [sflag:s28], $0x4000  }
0x1b5: {  	[sflag:s28] =	ssyncset.done $0x0  }
0x1b6: {  	[sflag:s28] =	ssyncadd.s32 $0xFFFFC000  }
0x1b7: {  	[tilespmem:s2], [sflag:$0x2] =	stream.indirect.gather [hbm4b:s1+s30], $0x80, s15, s30, $0xb8;
	[tilespmem:$0x1F400] =	vst v63  }
0x1b8: {  	_ =	swait.ge [sflag:s0], $0x4000  }
0x1b9: {  	[sflag:s0] =	ssyncset.done $0x0  }
0x1ba: {  	[sflag:s0] =	ssyncadd.s32 $0xFFFFC000  }
0x1bb: {  	[spmem:s3] =	stream.indirect.scatter.add.f32 [tilespmem:s31], [sflag:$0x3], $0x80, s16, s30, $0xb8;
	[tilespmem:$0x1F400] =	vst v63  }
0x1bc: {  	_ =	swait.ge [sflag:s28], $0x4000  }
0x1bd: {  	[sflag:s28] =	ssyncset.done $0x0  }
0x1be: {  	s19 =	simm.s32 $0x500;
	[sflag:s28] =	ssyncadd.s32 $0xFFFFC000  }
0x1bf: {  	[tilespmem:s31], [sflag:$0x1] =	stream.indirect.gather [hbm4b:s1+s30], $0x80, s19, s30, $0xb8;
	[tilespmem:$0x1F400] =	vst v63  }
0x1c0: {  	_ =	swait.ge [sflag:s8], $0x4000  }
0x1c1: {  	[sflag:s8] =	ssyncset.done $0x0  }
0x1c2: {  	s20 =	simm.s32 $0xC80;
	[sflag:s8] =	ssyncadd.s32 $0xFFFFC000  }
0x1c3: {  	[spmem:s3] =	stream.indirect.scatter.add.f32 [tilespmem:s2], [sflag:$0x3], $0x80, s20, s30, $0xb8;
	[tilespmem:$0x1F400] =	vst v63  }
0x1c4: {  	_ =	swait.ge [sflag:s28], $0x4000  }
0x1c5: {  	[sflag:s28] =	ssyncset.done $0x0  }
0x1c6: {  	s21 =	simm.s32 $0x580;
	[sflag:s28] =	ssyncadd.s32 $0xFFFFC000  }
0x1c7: {  	[tilespmem:s2], [sflag:$0x2] =	stream.indirect.gather [hbm4b:s1+s30], $0x80, s21, s30, $0xb8;
	[tilespmem:$0x1F400] =	vst v63  }
0x1c8: {  	_ =	swait.ge [sflag:s0], $0x4000  }
0x1c9: {  	[sflag:s0] =	ssyncset.done $0x0  }
0x1ca: {  	s9 =	simm.s32 $0xD00;
	[sflag:s0] =	ssyncadd.s32 $0xFFFFC000  }
0x1cb: {  	[spmem:s3] =	stream.indirect.scatter.add.f32 [tilespmem:s31], [sflag:$0x3], $0x80, s9, s30, $0xb8;
	[tilespmem:$0x1F400] =	vst v63  }
0x1cc: {  	_ =	swait.ge [sflag:s28], $0x4000  }
0x1cd: {  	[sflag:s28] =	ssyncset.done $0x0  }
0x1ce: {  	s19 =	simm.s32 $0x600;
	[sflag:s28] =	ssyncadd.s32 $0xFFFFC000  }
0x1cf: {  	[tilespmem:s31], [sflag:$0x1] =	stream.indirect.gather [hbm4b:s1+s30], $0x80, s19, s30, $0xb8;
	[tilespmem:$0x1F400] =	vst v63  }
0x1d0: {  	_ =	swait.ge [sflag:s8], $0x4000  }
0x1d1: {  	[sflag:s8] =	ssyncset.done $0x0  }
0x1d2: {  	s20 =	simm.s32 $0xD80;
	[sflag:s8] =	ssyncadd.s32 $0xFFFFC000  }
0x1d3: {  	[spmem:s3] =	stream.indirect.scatter.add.f32 [tilespmem:s2], [sflag:$0x3], $0x80, s20, s30, $0xb8;
	[tilespmem:$0x1F400] =	vst v63  }
0x1d4: {  	_ =	swait.ge [sflag:s28], $0x4000  }
0x1d5: {  	[sflag:s28] =	ssyncset.done $0x0  }
0x1d6: {  	s21 =	simm.s32 $0x680;
	[sflag:s28] =	ssyncadd.s32 $0xFFFFC000  }
0x1d7: {  	[tilespmem:s2], [sflag:$0x2] =	stream.indirect.gather [hbm4b:s1+s30], $0x80, s21, s30, $0xb8;
	[tilespmem:$0x1F400] =	vst v63  }
0x1d8: {  	_ =	swait.ge [sflag:s0], $0x4000  }
0x1d9: {  	[sflag:s0] =	ssyncset.done $0x0  }
0x1da: {  	s9 =	simm.s32 $0xE00;
	[sflag:s0] =	ssyncadd.s32 $0xFFFFC000  }
0x1db: {  	[spmem:s3] =	stream.indirect.scatter.add.f32 [tilespmem:s31], [sflag:$0x3], $0x80, s9, s30, $0xb8;
	[tilespmem:$0x1F400] =	vst v63  }
0x1dc: {  	_ =	swait.ge [sflag:s28], $0x4000  }
0x1dd: {  	[sflag:s28] =	ssyncset.done $0x0  }
0x1de: {  	[sflag:s28] =	ssyncadd.s32 $0xFFFFC000  }
0x1df: {  	_ =	swait.ge [sflag:s8], $0x4000  }
0x1e0: {  	[sflag:s8] =	ssyncset.done $0x0  }
0x1e1: {  	[sflag:s8] =	ssyncadd.s32 $0xFFFFC000  }
0x1e2: {  	[spmem:s3] =	stream.indirect.scatter.add.f32 [tilespmem:s2], [sflag:$0x3], $0x80, s5, s30, $0xb8;
	[tilespmem:$0x1F400] =	vst v63  }
0x1e3: {  	_ =	swait.ge [sflag:s28], $0x4000  }
0x1e4: {  	s19 =	simm.s32 $0x10;
	[sflag:s28] =	ssyncset.done $0x0  }
0x1e5: {  	s20 =	simm.s32 $0x9000;
	s21 =	simm.s32 $0x700;
	[sflag:s28] =	ssyncadd.s32 $0xFFFFC000  }
0x1e6: {  	[tilespmem:s20], [sflag:$0x1] =	stream.indirect.gather [hbm4b:s1+s19], $0x80, s21, s19, $0xb8;
	[tilespmem:$0x1F400] =	vst v63  }
0x1e7: {  	_ =	swait.ge [sflag:s0], $0x800  }
0x1e8: {  	[sflag:s0] =	ssyncset.done $0x0  }
0x1e9: {  	[sflag:s0] =	ssyncadd.s32 $0xFFFFF800  }
0x1ea: {  	[spmem:s3] =	stream.indirect.scatter.add.f32 [tilespmem:s20], [sflag:$0x3], $0x80, s6, s19, $0xb8;
	[tilespmem:$0x1F400] =	vst v63  }
0x1eb: {  	_ =	swait.ge [sflag:s28], $0x800  }
0x1ec: {  	[sflag:s28] =	ssyncset.done $0x0  }
0x1ed: {  	[sflag:s28] =	ssyncadd.s32 $0xFFFFF800  }
0x1ee: {  	[bflag:$0x0] =	sbarrier.arrive $0xFFFF  }
0x1ef: {  	s7 =	rddreg [dreg:$0x8]  }
0x1f0: {  	[tilespmem:s26], [sflag:$0x3] =	stream.linear.gather [spmem:s7], $0x1000, $0x38;
	[tilespmem:$0x1F400] =	vst v63  }
0x1f1: {  	_ =	swait.ge [sflag:s28], $0x1000  }
0x1f2: {  	[sflag:s28] =	ssyncset.done $0x0  }
0x1f3: {  	s9 =	rddreg [dreg:$0xc];
	[sflag:s28] =	ssyncadd.s32 $0xFFFFF000  }
0x1f4: {  	[hbm4b:s9+s18] =	stream.linear.scatter [tilespmem:s26], [sflag:$0x1], $0x1000, $0x38;
	[tilespmem:$0x1F400] =	vst v63  }
0x1f5: {  	s20 =	rddreg [dreg:$0x19]  }
0x1f6: {  	[tilespmem:s17], [sflag:$0x3] =	stream.linear.gather [spmem:s20], $0x1000, $0x38;
	[tilespmem:$0x1F400] =	vst v63  }
0x1f7: {  	_ =	swait.ge [sflag:s28], $0x1000  }
0x1f8: {  	[sflag:s28] =	ssyncset.done $0x0  }
0x1f9: {  	s21 =	rddreg [dreg:$0x1a];
	[sflag:s28] =	ssyncadd.s32 $0xFFFFF000  }
0x1fa: {  	[hbm4b:s21+s18] =	stream.linear.scatter [tilespmem:s17], [sflag:$0x2], $0x1000, $0x38;
	[tilespmem:$0x1F400] =	vst v63  }
0x1fb: {  	_ =	swait.ge [sflag:s0], $0x1000  }
0x1fc: {  	[sflag:s0] =	ssyncset.done $0x0;
	s5 =	rddreg [dreg:$0x1b]  }
0x1fd: {  	[sflag:s0] =	ssyncadd.s32 $0xFFFFF000;
	s7 =	sadd.s32 $0xFFFFF000, s5  }
0x1fe: {  	[tilespmem:s26], [sflag:$0x3] =	stream.linear.gather [spmem:s7], $0x1000, $0x38;
	[tilespmem:$0x1F400] =	vst v63  }
0x1ff: {  	_ =	swait.ge [sflag:s28], $0x1000  }
0x200: {  	s9 =	sadd.s32 $0x0, s23;
	[sflag:s28] =	ssyncset.done $0x0  }
0x201: {  	s20 =	sadd.s32 $0x400, s9;
	[sflag:s28] =	ssyncadd.s32 $0xFFFFF000  }
0x202: {  	[hbm4b:s20+s4] =	stream.linear.scatter [tilespmem:s26], [sflag:$0x1], $0x1000, $0x38;
	[tilespmem:$0x1F400] =	vst v63  }
0x203: {  	_ =	swait.ge [sflag:s8], $0x1000  }
0x204: {  	[sflag:s8] =	ssyncset.done $0x0  }
0x205: {  	[sflag:s8] =	ssyncadd.s32 $0xFFFFF000  }
0x206: {  	[tilespmem:s17], [sflag:$0x3] =	stream.linear.gather [spmem:s5], $0x1000, $0x38;
	[tilespmem:$0x1F400] =	vst v63  }
0x207: {  	_ =	swait.ge [sflag:s28], $0x1000  }
0x208: {  	s18 =	simm.s32 $0x400;
	[sflag:s28] =	ssyncset.done $0x0  }
0x209: {  	s19 =	sadd.s32 $0x2000, s5;
	s20 =	sadd.s32 $0x600, s9;
	[sflag:s28] =	ssyncadd.s32 $0xFFFFF000  }
.LBB2_6:
0x20a: {  	[hbm4b:s20+s4] =	stream.linear.scatter [tilespmem:s17], [sflag:$0x2], $0x1000, $0x38;
	[tilespmem:$0x1F400] =	vst v63  }
0x20b: {  	s20 =	smov.u32 s18  }
0x20c: {  	p0 =	sne.s32 s18, $0x1C00;
	s18 =	sadd.s32 $0x400, s18;
	_ =	swait.ge [sflag:s0], $0x1000  }
0x20d: {  	[sflag:s0] =	ssyncset.done $0x0  }
0x20e: {  	s21 =	sadd.s32 $0xFFFFF000, s19;
	[sflag:s0] =	ssyncadd.s32 $0xFFFFF000  }
0x20f: {  	[tilespmem:s26], [sflag:$0x3] =	stream.linear.gather [spmem:s21], $0x1000, $0x38;
	[tilespmem:$0x1F400] =	vst v63  }
0x210: {  	_ =	swait.ge [sflag:s28], $0x1000  }
0x211: {  	s20 =	sadd.s32 s20, s23;
	[sflag:s28] =	ssyncset.done $0x0  }
0x212: {  	s21 =	sadd.s32 $0x400, s20;
	[sflag:s28] =	ssyncadd.s32 $0xFFFFF000  }
0x213: {  	[hbm4b:s21+s4] =	stream.linear.scatter [tilespmem:s26], [sflag:$0x1], $0x1000, $0x38;
	[tilespmem:$0x1F400] =	vst v63  }
0x214: {  	_ =	swait.ge [sflag:s8], $0x1000  }
0x215: {  	[sflag:s8] =	ssyncset.done $0x0  }
.Ltmp2:
0x216: {  	[sflag:s8] =	ssyncadd.s32 $0xFFFFF000;
	(pc) =	sbr.rel @p0 .LBB2_6-.Ltmp2, $4  }
0x217: {  	[tilespmem:s17], [sflag:$0x3] =	stream.linear.gather [spmem:s19], $0x1000, $0x38;
	[tilespmem:$0x1F400] =	vst v63  }
0x218: {  	_ =	swait.ge [sflag:s28], $0x1000  }
0x219: {  	[sflag:s28] =	ssyncset.done $0x0  }
0x21a: {  	s20 =	sadd.s32 $0x600, s20;
	s19 =	sadd.s32 $0x2000, s19;
	[sflag:s28] =	ssyncadd.s32 $0xFFFFF000  }
0x21b: {  	[hbm4b:s20+s4] =	stream.linear.scatter [tilespmem:s17], [sflag:$0x2], $0x1000, $0x38;
	[tilespmem:$0x1F400] =	vst v63  }
0x21c: {  	_ =	swait.ge [sflag:s0], $0x1000  }
0x21d: {  	[sflag:s0] =	ssyncset.done $0x0  }
0x21e: {  	s18 =	rddreg [dreg:$0x9];
	[sflag:s0] =	ssyncadd.s32 $0xFFFFF000  }
0x21f: {  	[tilespmem:s26], [sflag:$0x3] =	stream.linear.gather [spmem:s18], $0x1000, $0x38;
	[tilespmem:$0x1F400] =	vst v63  }
0x220: {  	_ =	swait.ge [sflag:s28], $0x1000  }
0x221: {  	[sflag:s28] =	ssyncset.done $0x0  }
0x222: {  	s9 =	rddreg [dreg:$0xd];
	[sflag:s28] =	ssyncadd.s32 $0xFFFFF000  }
0x223: {  	[hbm4b:s9+s4] =	stream.linear.scatter [tilespmem:s26], [sflag:$0x1], $0x1000, $0x38;
	[tilespmem:$0x1F400] =	vst v63  }
0x224: {  	_ =	swait.ge [sflag:s8], $0x1000  }
0x225: {  	[sflag:s8] =	ssyncset.done $0x0  }
0x226: {  	s19 =	rddreg [dreg:$0xe];
	[sflag:s8] =	ssyncadd.s32 $0xFFFFF000  }
0x227: {  	[tilespmem:s17], [sflag:$0x3] =	stream.linear.gather [spmem:s19], $0xC00, $0x38;
	[tilespmem:$0x1F400] =	vst v63  }
0x228: {  	_ =	swait.ge [sflag:s28], $0xC00  }
0x229: {  	[sflag:s28] =	ssyncset.done $0x0  }
0x22a: {  	s20 =	rddreg [dreg:$0xf];
	[sflag:s28] =	ssyncadd.s32 $0xFFFFF400  }
0x22b: {  	[hbm4b:s20+s4] =	stream.linear.scatter [tilespmem:s17], [sflag:$0x2], $0xC00, $0x38;
	[tilespmem:$0x1F400] =	vst v63  }
0x22c: {  	_ =	swait.ge [sflag:s0], $0x1000  }
0x22d: {  	[sflag:s0] =	ssyncset.done $0x0  }
0x22e: {  	[sflag:s0] =	ssyncadd.s32 $0xFFFFF000  }
0x22f: {  	_ =	swait.ge [sflag:s8], $0xC00  }
0x230: {  	s5 =	rddreg [dreg:$0x1c]  }
0x231: {  	s21 =	rddreg [dreg:$0x10];
	s5 =	sadd.s32 $0x1, s5  }
0x232: {  	p0 =	sne.s32 s5, s21  }
.Ltmp3:
0x233: {  	_ = 	snop;
	(pc) =	sbr.rel @p0 .LBB2_1-.Ltmp3, $3  }
0x234: {  	_ =	sdelay $0x1  }
0x235: {  	[sflag:s8] =	ssyncset.done $0x0  }
0x236: {  	[sflag:s8] =	ssyncadd.s32 $0xFFFFF400  }
0x237: {  	_ =	sfence.sel $0x180000  }
0x238: {  	[bflag:$0x0] =	sbarrier.arrive $0xFFFF  }
0x239: {  	_ =	strace $0x9000004A  }
0x23a: {  	s0 =	stileid.u32;
	[bflag:$0x2] =	sbarrier.arrive $0xFFFF  }
0x23b: {  	p0 =	sne.s32 s0, $0x0;
	s0 =	rddreg [dreg:$0x3]  }
0x23c: {  	s0 =	sadd.s32 @!p0 $0x100000, s0  }
0x23d: {  	[sflag:s0] =	ssyncadd.tile.s32 @!p0 $0x1;
	_ =	shalt  }
.Lfunc_end2:
_tile_overlayer_lowered:
.L_overlay_start_2:
0x23e: {  	(tag) =	ssettag $0x2  }
0x23f: {  	s0 =	rddreg [dreg:$0x0];
	s2 =	stileid.u32  }
0x240: {  	s1 =	rddreg [dreg:$0x1];
	p0 =	sne.s32 s2, $0x0  }
0x241: {  	s3 =	rddreg [dreg:$0x2];
	[bflag:$0x3] =	sbarrier.arrive $0xFFFF;
	s2 =	simm.s32 @!p0 $0x1C03  }
0x242: {  	[timem:s3], [sflag:s2] =	dma.local @!p0 [hbm:s0], s1  }
0x243: {  	s0 =	simm.s32 @!p0 $0x3  }
0x244: {  	_ =	swait.ge @!p0 [sflag:s0], s1  }
0x245: {  	s1 =	ssub.s32 @!p0 $0x0, s1;
	[sflag:s0] =	ssyncset.done @!p0 $0x0  }
0x246: {  	[sflag:s0] =	ssyncadd.s32 @!p0 s1  }
0x247: {  	[bflag:$0x3] =	sbarrier.arrive $0xFFFF  }
0x248: {  	_ =	shalt  }

// kernel: kernel.14.cloned.1.call-start
scs
__scs_entry_jumppad:
0x0: {  	(pc) =	sbr.rel $0x88, $3  }
0x1: {  	(tag) =	ssettag $0x0;
	lr =	simm.s32 $0x1  }
0x2: {  	[smem:$0x3F9C] =	sst lr;
	_ =	strace $0xD0000000  }
0x3: {  	_ = 	snop  }
0x4: {  	_ = 	snop  }
0x5: {  	_ = 	snop  }
0x6: {  	_ = 	snop  }
0x7: {  	_ = 	snop  }
__scs_overlays_trampoline_lowered:
0x8: {  	[smem:$0x3FAB] =	sst s0  }
0x9: {  	[smem:$0x3FAC] =	sst s1  }
0xa: {  	[smem:$0x3FAD] =	sst s2  }
0xb: {  	[smem:$0x3FAE] =	sst s3  }
0xc: {  	[smem:$0x3FAF] =	sst s4  }
0xd: {  	[smem:$0x3FB0] =	sst s5  }
0xe: {  	[smem:$0x3FB1] =	sst s6  }
0xf: {  	[smem:$0x3FB2] =	sst s7  }
0x10: {  	[smem:$0x3FB3] =	sst s8  }
0x11: {  	[smem:$0x3FB4] =	sst s9;
	s0 =	simm.s32 @!p0 $0x0  }
0x12: {  	s1 =	sld [smem:$0x3F9A];
	s0 =	simm.s32 @p0 $0x1  }
0x13: {  	[smem:$0x3FB5] =	sst s0;
	s0 =	simm.s32 @!p1 $0x0  }
0x14: {  	s2 =	sld [smem:$0x3F99];
	s0 =	simm.s32 @p1 $0x1  }
0x15: {  	[smem:$0x3FB6] =	sst s0;
	s0 =	simm.s32 @!p2 $0x0  }
0x16: {  	s3 =	sld [smem:$0x3FDB];
	s0 =	simm.s32 @p2 $0x1  }
0x17: {  	s4 =	simm.s32 $0x1BF5;
	[smem:$0x3FB8] =	sst s0  }
0x18: {  	s0 =	sld [smem:$0x3F9B];
	_ =	swait.ge [sflag:s4], $0x0  }
0x19: {  	s7 =	sld [smem:$0x3F9C]  }
0x1a: {  	s8 =	sadd.s32 $0xFFFFE003, lr  }
0x1b: {  	s9 =	sadd.s32 $0xFFFFFEF7, lr;
	s5 =	simm.s32 $0xFFFFFFFF;
	p2 =	slt.u32 s8, $0xFFFFF086  }
0x1c: {  	p1 =	slt.u32 s9, $0xF7A;
	s5 =	simm.s32 @!p2 $0x0  }
0x1d: {  	s5 =	simm.s32 @p1 $0x1;
	p0 =	seq.s32 s7, s2  }
0x1e: {  	s7 =	smul.u32 @!p0 $0xF7A, s2;
	p2 =	seq.s32 @!p0 s5, $0x0  }
0x1f: {  	s9 =	smul.u32 $0xF7A, s1;
	s8 =	simm.s32 @!p0 $0x1BF5;
	p2 =	por !p2, p0  }
0x20: {  	[sflag:s8] =	ssyncset.s32 @!p0 $0xFFFFF086;
	s6 =	sadd.s32 @!p0 s3, s7;
	s7 =	simm.s32 @!p0 $0x108  }
0x21: {  	s3 =	sadd.s32 s3, s9;
	s6 =	sadd.s32 @!p0 $0x88, s6;
	s7 =	simm.s32 @p2 $0x1082  }
0x22: {  	[simem:s7], [sflag:s8] =	dma.local @!p0 [hbm:s6], $0xF7A  }
0x23: {  	s9 =	sor.u32 $0xD0000000, s2;
	s6 =	simm.s32 $0x108;
	_ =	swait.ge @!p0 [sflag:s8], $0x0  }
0x24: {  	s3 =	sadd.s32 $0x88, s3;
	s6 =	simm.s32 @!p1 $0x1082;
	[sflag:s4] =	ssyncset.s32 $0xFFFFF086  }
0x25: {  	[simem:s6], [sflag:s4] =	dma.local [hbm:s3], $0xF7A  }
0x26: {  	[smem:$0x3F9C] =	sst s1;
	(tag) =	ssettag s2;
	_ =	strace s9  }
0x27: {  	s1 =	sld [smem:$0x3FAC]  }
0x28: {  	s2 =	sld [smem:$0x3FAD]  }
0x29: {  	s4 =	sld [smem:$0x3FAF]  }
0x2a: {  	p0 =	seq.s32 s5, $0x0;
	s5 =	sld [smem:$0x3FB0]  }
0x2b: {  	s6 =	sld [smem:$0x3FB1]  }
0x2c: {  	s7 =	sld [smem:$0x3FB2]  }
0x2d: {  	s3 =	simm.s32 $0x108;
	s8 =	sld [smem:$0x3FB3]  }
0x2e: {  	s3 =	simm.s32 @!p0 $0x1082;
	s9 =	sld [smem:$0x3FB4]  }
0x2f: {  	lr =	sadd.s32 s0, s3;
	s0 =	sld [smem:$0x3FAB]  }
0x30: {  	s3 =	sld [smem:$0x3FAE]  }
0x31: {  	[smem:$0x3FB7] =	sst s10  }
0x32: {  	s10 =	sld [smem:$0x3FB5];
	_ =	sdelay $0x3  }
0x33: {  	p0 =	seq.s32 s10, $0x1;
	s10 =	sld [smem:$0x3FB7];
	_ =	sdelay $0x3  }
0x34: {  	[smem:$0x3FB7] =	sst s10  }
0x35: {  	s10 =	sld [smem:$0x3FB6];
	_ =	sdelay $0x3  }
0x36: {  	p1 =	seq.s32 s10, $0x1;
	s10 =	sld [smem:$0x3FB7];
	_ =	sdelay $0x3  }
0x37: {  	[smem:$0x3FB7] =	sst s10  }
0x38: {  	s10 =	sld [smem:$0x3FB8]  }
0x39: {  	_ = 	snop;
	(pc) =	sbr.ind lr, $3  }
0x3a: {  	_ = 	snop  }
0x3b: {  	_ = 	snop  }
0x3c: {  	p2 =	seq.s32 s10, $0x1;
	s10 =	sld [smem:$0x3FB7]  }
0x3d: {  	_ =	shalt  }
0x3e: {  	_ =	shalt  }
0x3f: {  	_ =	shalt  }
0x40: {  	_ =	shalt  }
0x41: {  	_ =	shalt  }
0x42: {  	_ =	shalt  }
0x43: {  	_ =	shalt  }
0x44: {  	_ =	shalt  }
0x45: {  	_ =	shalt  }
0x46: {  	_ =	shalt  }
0x47: {  	_ =	shalt  }
0x48: {  	_ =	shalt  }
0x49: {  	_ =	shalt  }
0x4a: {  	_ =	shalt  }
0x4b: {  	_ =	shalt  }
0x4c: {  	_ =	shalt  }
0x4d: {  	_ =	shalt  }
0x4e: {  	_ =	shalt  }
0x4f: {  	_ =	shalt  }
0x50: {  	_ =	shalt  }
0x51: {  	_ =	shalt  }
0x52: {  	_ =	shalt  }
0x53: {  	_ =	shalt  }
0x54: {  	_ =	shalt  }
0x55: {  	_ =	shalt  }
0x56: {  	_ =	shalt  }
0x57: {  	_ =	shalt  }
0x58: {  	_ =	shalt  }
0x59: {  	_ =	shalt  }
0x5a: {  	_ =	shalt  }
0x5b: {  	_ =	shalt  }
0x5c: {  	_ =	shalt  }
0x5d: {  	_ =	shalt  }
0x5e: {  	_ =	shalt  }
0x5f: {  	_ =	shalt  }
0x60: {  	_ =	shalt  }
0x61: {  	_ =	shalt  }
0x62: {  	_ =	shalt  }
0x63: {  	_ =	shalt  }
0x64: {  	_ =	shalt  }
0x65: {  	_ =	shalt  }
0x66: {  	_ =	shalt  }
0x67: {  	_ =	shalt  }
0x68: {  	_ =	shalt  }
0x69: {  	_ =	shalt  }
0x6a: {  	_ =	shalt  }
0x6b: {  	_ =	shalt  }
0x6c: {  	_ =	shalt  }
0x6d: {  	_ =	shalt  }
0x6e: {  	_ =	shalt  }
0x6f: {  	_ =	shalt  }
0x70: {  	_ =	shalt  }
0x71: {  	_ =	shalt  }
0x72: {  	_ =	shalt  }
0x73: {  	_ =	shalt  }
0x74: {  	_ =	shalt  }
0x75: {  	_ =	shalt  }
0x76: {  	_ =	shalt  }
0x77: {  	_ =	shalt  }
0x78: {  	_ =	shalt  }
0x79: {  	_ =	shalt  }
0x7a: {  	_ =	shalt  }
0x7b: {  	_ =	shalt  }
0x7c: {  	_ =	shalt  }
0x7d: {  	_ =	shalt  }
0x7e: {  	_ =	shalt  }
0x7f: {  	_ =	shalt  }
0x80: {  	_ =	shalt  }
0x81: {  	_ =	shalt  }
0x82: {  	_ =	shalt  }
0x83: {  	_ =	shalt  }
0x84: {  	_ =	shalt  }
0x85: {  	_ =	shalt  }
0x86: {  	_ =	shalt  }
0x87: {  	_ =	shalt  }
.Lfunc_end0:
.L_simem_size_0:
called_computation.2_lowered:
.L_overlay_start_0:
0x88: {  	s2 =	sld [smem:$0x3FD9]  }
0x89: {  	s3 =	sld [smem:$0x3FFE];
	_ =	sdelay $0x1  }
0x8a: {  	s1 =	srdreg.scid  }
0x8b: {  	s0 =	sand.u32 $0x1, s1  }
0x8c: {  	s17 =	sshll.u32 s0, $0xA;
	s2 =	sadd.s32 s3, s2  }
0x8d: {  	s2 =	sadd.s32 s2, s17  }
0x8e: {  	[smem:$0x3FC3] =	sst s2  }
0x8f: {  	_ = 	snop  }
0x90: {  	s2 =	sld [smem:$0x3FD0];
	(tm) =	ssettm $0x1  }
0x91: {  	s18 =	sld [smem:$0x3FFB];
	_ =	sdelay $0x3  }
0x92: {  	_ =	strace s18  }
0x93: {  	s3 =	sld [smem:$0x3FFC];
	_ =	sdelay $0x3  }
0x94: {  	_ =	strace s3  }
0x95: {  	s3 =	sld [smem:$0x3FFD];
	_ =	sdelay $0x3  }
0x96: {  	_ =	strace s3  }
0x97: {  	_ =	strace $0x8FFFFFFF  }
0x98: {  	s19 =	sld [smem:$0x3FDB];
	_ =	sdelay $0x1  }
0x99: {  	s4 =	simm.s32 $_scs_section_size  }
0x9a: {  	s5 =	simm.s32 $_size__tile_overlayer_lowered;
	s6 =	simm.s32 $_tile_overlayer_lowered  }
0x9b: {  	s22 =	simm.s32 $0x1BFF;
	s21 =	sshll.u32 s6, $0x1;
	s3 =	sadd.s32 s4, s19  }
0x9c: {  	s7 =	simm.s32 $0x0;
	s20 =	sshll.u32 s5, $0x1;
	s5 =	sadd.s32 s21, s3  }
0x9d: {  	[timem:s7], [sflag:s22] =	dma.local [hbm:s5], s20  }
0x9e: {  	_ =	swait.ge [sflag:s22], s20  }
0x9f: {  	s4 =	ssub.s32 $0x0, s20;
	[sflag:s22] =	ssyncset.done $0x0  }
0xa0: {  	[sflag:s22] =	ssyncadd.s32 s4;
	_ =	sdelay $0x1  }
0xa1: {  	s23 =	simm.s32 $0x1B8B  }
0xa2: {  	_ =	swait.ge [sflag:s23], $0x1  }
0xa3: {  	[sflag:s23] =	ssyncset.done $0x0  }
0xa4: {  	s25 =	simm.s32 $0x1B8E;
	s24 =	sld [smem:$0x3FFE];
	[sflag:s23] =	ssyncadd.s32 $0xFFFFFFFF  }
0xa5: {  	s26 =	simm.s32 $execute0_lowered;
	[smem:$0x3FD2] =	sst s25  }
0xa6: {  	s5 =	sshll.u32 s26, $0x1;
	_ =	strace $0x8000004C;
	[dreg:$0x1] =	wrdreg $0xFFFFFFFF  }
0xa7: {  	s28 =	simm.s32 $_size_execute0_lowered;
	s3 =	sadd.s32 s3, s5;
	[dreg:$0x0] =	wrdreg $0x0  }
0xa8: {  	s5 =	sshll.u32 s28, $0x1;
	[dreg:$0x2] =	wrdreg s3  }
0xa9: {  	[dreg:$0x3] =	wrdreg s5  }
0xaa: {  	[dreg:$0x4] =	wrdreg $0xC0  }
0xab: {  	_ =	task [dreg:s7], $0x5FFFF  }
0xac: {  	[dreg:$0x1] =	wrdreg $0xFFFFFFFF  }
0xad: {  	[dreg:$0x0] =	wrdreg $0x60  }
0xae: {  	[dreg:$0x2] =	wrdreg s2  }
0xaf: {  	[dreg:$0x3] =	wrdreg s24  }
0xb0: {  	[dreg:$0x4] =	wrdreg $0xB8000  }
0xb1: {  	[dreg:$0x5] =	wrdreg $0x9  }
0xb2: {  	_ =	task.clear_ibuf [dreg:s7], $0x6FFFF;
	_ =	strace $0x9000004C  }
0xb3: {  	s29 =	simm.s32 $0x9;
	_ =	strace $0x8000004E  }
0xb4: {  	_ =	swait.ge [sflag:s29], $0x1  }
0xb5: {  	[sflag:s29] =	ssyncadd.s32 $0xFFFFFFFF  }
0xb6: {  	_ =	strace $0x9000004E  }
0xb7: {  	_ =	sfence  }
0xb8: {  	s30 =	sld [smem:$0x0];
	_ =	sdelay $0x2  }
0xb9: {  	s31 =	sshll.u32 s1, $0xD;
	s1 =	sshrl.u32 s1, $0x2  }
0xba: {  	s3 =	sand.u32 $0x4000, s31;
	s1 =	sadd.s32 s1, s30  }
0xbb: {  	s0 =	sor.u32 s3, s0;
	s1 =	sshll.u32 s1, $0x11  }
0xbc: {  	s0 =	sor.u32 s1, s0  }
0xbd: {  	s0 =	sadd.s32 $0x8F2B, s0  }
0xbe: {  	[sflag:s0] =	ssyncadd.remote.s32 $0x1  }
0xbf: {  	_ =	sfence.sel $0xFFFF  }
0xc0: {  	[dreg:$0x0] =	wrdreg $0xFFFFFFFF;
	(pc) =	sbr.abs _section_cstart, $3  }
0xc1: {  	[dreg:$0x1] =	wrdreg $0xFFFFFFFF  }
0xc2: {  	_ =	task.clear_ibuf [dreg:s7], $0x2FFFF;
	_ =	strace $0x9FFFFFFF  }
0xc3: {  	(tm) =	ssettm $0x7FFFFFFF  }
tec
execute0_lowered:
.L_overlay_start_1:
0x0: {  	(tag) =	ssettag $0x1  }
0x1: {  	s1 =	rddreg [dreg:$0x0]  }
0x2: {  	s0 =	rddreg [dreg:$0x1]  }
0x3: {  	s2 =	srdreg.scid;
	s13 =	stileid.u32  }
0x4: {  	s3 =	rddreg [dreg:$0x2];
	s4 =	simm.s32 $0x0;
	s28 =	simm.s32 $0x3  }
0x5: {  	s29 =	simm.s32 $0x800;
	s30 =	simm.s32 $0x80;
	s31 =	simm.s32 $0x1000  }
0x6: {  	s2 =	sand.u32 $0x1, s2;
	s5 =	sshll.u32 s13, $0x1;
	s7 =	smul.u32 $0x278, s13  }
0x7: {  	[smem:$0x7FF] =	sst s4;
	s6 =	sadd.s32 $0xBA00, s0;
	s10 =	smul.u32 $0x4F000, s13  }
0x8: {  	s8 =	sadd.s32 $0x1C00, s0;
	s0 =	sadd.s32 $0x15800, s0;
	s21 =	smul.u32 $0x4E20, s13  }
0x9: {  	s5 =	sor.u32 s2, s5;
	_ =	strace $0x8000004D;
	s10 =	sshrl.u32 s10, $0x2  }
0xa: {  	s9 =	ssub.s32 $0x2, s2;
	s12 =	smul.u32 $0x2780, s2;
	s10 =	sadd.s32 s10, s3  }
0xb: {  	s11 =	sshrl.u32 s9, $0x1;
	s19 =	sadd.s32 $0x12000, s10;
	[dreg:$0x8] =	wrdreg s10  }
0xc: {  	s9 =	ssub.s32 s9, s11;
	s22 =	sadd.s32 $0x13000, s10;
	[dreg:$0x9] =	wrdreg s19  }
0xd: {  	s23 =	smul.u32 $0x2710, s2;
	s9 =	smax.u32 s9, $0x1;
	[dreg:$0xe] =	wrdreg s22  }
0xe: {  	s2 =	smul.u32 $0x27800, s2;
	s25 =	sadd.s32 $0x2000, s10;
	[dreg:$0x10] =	wrdreg s9  }
0xf: {  	s5 =	smul.u32 $0x2710, s5;
	s26 =	sadd.s32 $0x4000, s10;
	[dreg:$0x11] =	wrdreg s25  }
0x10: {  	s7 =	sadd.s32 s7, s12;
	s12 =	sadd.s32 $0x6000, s10;
	[dreg:$0x12] =	wrdreg s26  }
0x11: {  	s5 =	sshrl.u32 s5, $0x3;
	s14 =	sadd.s32 $0x8000, s10;
	[dreg:$0x13] =	wrdreg s12  }
0x12: {  	s7 =	sshll.u32 s7, $0x4;
	s15 =	sadd.s32 $0xA000, s10;
	[dreg:$0x14] =	wrdreg s14  }
0x13: {  	s16 =	sadd.s32 $0xC000, s10;
	s17 =	sadd.s32 $0xE000, s10;
	[dreg:$0x15] =	wrdreg s15  }
0x14: {  	s5 =	sadd.s32 $0x400, s5;
	s11 =	sadd.s32 s0, s7;
	[dreg:$0x16] =	wrdreg s16  }
0x15: {  	[dreg:$0x17] =	wrdreg s17;
	s19 =	sadd.s32 $0x10000, s10;
	s0 =	sadd.s32 s2, s0  }
0x16: {  	s22 =	simm.s32 $0x780;
	s26 =	sadd.s32 $0x3000, s10;
	[dreg:$0x18] =	wrdreg s19  }
0x17: {  	s2 =	simm.s32 $0x5000;
	s17 =	simm.s32 $0xA800;
	[dreg:$0x6] =	wrdreg s22  }
0x18: {  	s12 =	simm.s32 $0xB00;
	s14 =	simm.s32 $0xB80;
	[dreg:$0xc] =	wrdreg s11  }
0x19: {  	s15 =	simm.s32 $0x480;
	s20 =	sadd.s32 s6, s5;
	[dreg:$0x1b] =	wrdreg s26  }
0x1a: {  	s16 =	simm.s32 $0xC00;
	s5 =	sadd.s32 s8, s5;
	[dreg:$0xa] =	wrdreg s20  }
0x1b: {  	s7 =	sadd.s32 $0x2400, s11;
	s24 =	sadd.s32 $0x2600, s11;
	[dreg:$0xb] =	wrdreg s5  }
0x1c: {  	s25 =	sadd.s32 $0x200, s11;
	s26 =	simm.s32 $0x9800;
	[dreg:$0xd] =	wrdreg s7  }
0x1d: {  	s22 =	simm.s32 $0x180;
	s11 =	simm.s32 $0x380;
	[dreg:$0xf] =	wrdreg s24  }
0x1e: {  	s5 =	sadd.s32 s23, s21;
	s20 =	smul.u32 $0x2780, s13;
	s21 =	sadd.s32 $0x1000, s10  }
0x1f: {  	s24 =	simm.s32 $0xF80;
	[dreg:$0x1a] =	wrdreg s25;
	s25 =	simm.s32 $0xA00  }
0x20: {  	s10 =	simm.s32 $0xA80;
	s13 =	simm.s32 $0x400;
	[dreg:$0x19] =	wrdreg s21  }
0x21: {  	s5 =	sshrl.u32 s5, $0x3;
	[dreg:$0x7] =	wrdreg s24;
	s24 =	simm.s32 $0x900  }
0x22: {  	s18 =	sadd.s32 s5, s8;
	s5 =	sadd.s32 s5, s6;
	s23 =	sadd.s32 s20, s0  }
0x23: {  	s0 =	simm.s32 $0x1;
	s8 =	simm.s32 $0x2;
	[dreg:$0x4] =	wrdreg s18  }
0x24: {  	v0 =	vimm.f32 $0.0e+00;
	s6 =	simm.s32 $0xF00;
	[dreg:$0x5] =	wrdreg s5;
	s5 =	simm.s32 $0x0  }
.LBB2_1:
0x25: {  	s18 =	sand.u32 $0x7E00, s4  }
0x26: {  	[dreg:$0x1c] =	wrdreg s5;
	s19 =	sand.u32 $0x70, s4;
	s20 =	sshrl.u32 s18, $0x2  }
0x27: {  	s18 =	simm.s32 $0x40;
	s20 =	sor.u32 s19, s20;
	s19 =	simm.s32 $0x0  }
.LBB2_2:
0x28: {  	p0 =	sne.s32 s18, $0x7FC0  }
0x29: {  	[tilespmem:s20+$0x9800] =	vst v0;
	s19 =	sadd.s32 $0x10, s19;
	s20 =	smov.u32 s18;
	s18 =	sadd.s32 $0x40, s18  }
.Ltmp0:
0x2a: {  	(pc) =	sbr.rel @p0 .LBB2_2-.Ltmp0, $4  }
0x2b: {  	_ = 	snop  }
0x2c: {  	s20 =	sand.u32 $0x7E00, s20  }
0x2d: {  	s21 =	sand.u32 $0x70, s19;
	s20 =	sshrl.u32 s20, $0x2  }
0x2e: {  	s20 =	sor.u32 s21, s20  }
0x2f: {  	[tilespmem:s20+$0x9800] =	vst v0;
	s18 =	rddreg [dreg:$0x8]  }
0x30: {  	[spmem:s18] =	stream.linear.scatter [tilespmem:s26], [sflag:$0x3], $0x2000, $0x38;
	[tilespmem:$0x1F400] =	vst v63  }
0x31: {  	_ =	swait.ge [sflag:s28], $0x2000  }
0x32: {  	[sflag:s28] =	ssyncset.done $0x0  }
0x33: {  	s19 =	rddreg [dreg:$0x11];
	[sflag:s28] =	ssyncadd.s32 $0xFFFFE000  }
0x34: {  	[spmem:s19] =	stream.linear.scatter [tilespmem:s26], [sflag:$0x3], $0x2000, $0x38;
	[tilespmem:$0x1F400] =	vst v63  }
0x35: {  	_ =	swait.ge [sflag:s28], $0x2000  }
0x36: {  	[sflag:s28] =	ssyncset.done $0x0  }
0x37: {  	s20 =	rddreg [dreg:$0x12];
	[sflag:s28] =	ssyncadd.s32 $0xFFFFE000  }
0x38: {  	[spmem:s20] =	stream.linear.scatter [tilespmem:s26], [sflag:$0x3], $0x2000, $0x38;
	[tilespmem:$0x1F400] =	vst v63  }
0x39: {  	_ =	swait.ge [sflag:s28], $0x2000  }
0x3a: {  	[sflag:s28] =	ssyncset.done $0x0  }
0x3b: {  	s21 =	rddreg [dreg:$0x13];
	[sflag:s28] =	ssyncadd.s32 $0xFFFFE000  }
0x3c: {  	[spmem:s21] =	stream.linear.scatter [tilespmem:s26], [sflag:$0x3], $0x2000, $0x38;
	[tilespmem:$0x1F400] =	vst v63  }
0x3d: {  	_ =	swait.ge [sflag:s28], $0x2000  }
0x3e: {  	[sflag:s28] =	ssyncset.done $0x0  }
0x3f: {  	s5 =	rddreg [dreg:$0x14];
	[sflag:s28] =	ssyncadd.s32 $0xFFFFE000  }
0x40: {  	[spmem:s5] =	stream.linear.scatter [tilespmem:s26], [sflag:$0x3], $0x2000, $0x38;
	[tilespmem:$0x1F400] =	vst v63  }
0x41: {  	_ =	swait.ge [sflag:s28], $0x2000  }
0x42: {  	[sflag:s28] =	ssyncset.done $0x0  }
0x43: {  	s7 =	rddreg [dreg:$0x15];
	[sflag:s28] =	ssyncadd.s32 $0xFFFFE000  }
0x44: {  	[spmem:s7] =	stream.linear.scatter [tilespmem:s26], [sflag:$0x3], $0x2000, $0x38;
	[tilespmem:$0x1F400] =	vst v63  }
0x45: {  	_ =	swait.ge [sflag:s28], $0x2000  }
0x46: {  	[sflag:s28] =	ssyncset.done $0x0  }
0x47: {  	s9 =	rddreg [dreg:$0x16];
	[sflag:s28] =	ssyncadd.s32 $0xFFFFE000  }
0x48: {  	[spmem:s9] =	stream.linear.scatter [tilespmem:s26], [sflag:$0x3], $0x2000, $0x38;
	[tilespmem:$0x1F400] =	vst v63  }
0x49: {  	_ =	swait.ge [sflag:s28], $0x2000  }
0x4a: {  	[sflag:s28] =	ssyncset.done $0x0  }
0x4b: {  	s19 =	rddreg [dreg:$0x17];
	[sflag:s28] =	ssyncadd.s32 $0xFFFFE000  }
0x4c: {  	[spmem:s19] =	stream.linear.scatter [tilespmem:s26], [sflag:$0x3], $0x2000, $0x38;
	[tilespmem:$0x1F400] =	vst v63  }
0x4d: {  	_ =	swait.ge [sflag:s28], $0x2000  }
0x4e: {  	[sflag:s28] =	ssyncset.done $0x0  }
0x4f: {  	s20 =	rddreg [dreg:$0x18];
	[sflag:s28] =	ssyncadd.s32 $0xFFFFE000  }
0x50: {  	[spmem:s20] =	stream.linear.scatter [tilespmem:s26], [sflag:$0x3], $0x2000, $0x38;
	[tilespmem:$0x1F400] =	vst v63  }
0x51: {  	_ =	swait.ge [sflag:s28], $0x2000  }
0x52: {  	[sflag:s28] =	ssyncset.done $0x0  }
0x53: {  	s21 =	rddreg [dreg:$0x9];
	[sflag:s28] =	ssyncadd.s32 $0xFFFFE000  }
0x54: {  	[spmem:s21] =	stream.linear.scatter [tilespmem:s26], [sflag:$0x3], $0x1C00, $0x38;
	[tilespmem:$0x1F400] =	vst v63  }
0x55: {  	_ =	swait.ge [sflag:s28], $0x1C00  }
0x56: {  	[sflag:s28] =	ssyncset.done $0x0  }
0x57: {  	[sflag:s28] =	ssyncadd.s32 $0xFFFFE400  }
0x58: {  	[bflag:$0x0] =	sbarrier.arrive $0xFFFF  }
0x59: {  	s5 =	rddreg [dreg:$0x5]  }
0x5a: {  	s18 =	sadd.s32 $0x0, s5  }
0x5b: {  	[tilespmem:s4], [sflag:$0x3] =	stream.linear.gather [hbm4b:s18+s4], $0x800, $0x38;
	[tilespmem:$0x1F400] =	vst v63  }
0x5c: {  	_ =	swait.ge [sflag:s28], $0x800  }
0x5d: {  	s7 =	rddreg [dreg:$0x4];
	[sflag:s28] =	ssyncset.done $0x0  }
0x5e: {  	[sflag:s28] =	ssyncadd.s32 $0xFFFFF800;
	s18 =	sadd.s32 $0x0, s7  }
0x5f: {  	[tilespmem:s29], [sflag:$0x3] =	stream.linear.gather [hbm4b:s18+s4], $0x800, $0x38;
	[tilespmem:$0x1F400] =	vst v63  }
0x60: {  	_ =	swait.ge [sflag:s28], $0x800  }
0x61: {  	[sflag:s28] =	ssyncset.done $0x0  }
0x62: {  	[sflag:s28] =	ssyncadd.s32 $0xFFFFF800  }
0x63: {  	[tilespmem:s31], [sflag:$0x1] =	stream.indirect.gather [hbm4b:s1+s30], $0x80, s4, s30, $0xb8;
	[tilespmem:$0x1F400] =	vst v63  }
0x64: {  	_ = 	snop  }
0x65: {  	[tilespmem:s2], [sflag:$0x2] =	stream.indirect.gather [hbm4b:s1+s30], $0x80, s30, s30, $0xb8;
	[tilespmem:$0x1F400] =	vst v63  }
0x66: {  	_ =	swait.ge [sflag:s0], $0x4000  }
0x67: {  	[sflag:s0] =	ssyncset.done $0x0  }
0x68: {  	[sflag:s0] =	ssyncadd.s32 $0xFFFFC000  }
0x69: {  	[spmem:s3] =	stream.indirect.scatter.add.f32 [tilespmem:s31], [sflag:$0x3], $0x80, s29, s30, $0xb8;
	[tilespmem:$0x1F400] =	vst v63  }
0x6a: {  	_ =	swait.ge [sflag:s28], $0x4000  }
0x6b: {  	[sflag:s28] =	ssyncset.done $0x0  }
0x6c: {  	s21 =	simm.s32 $0x100;
	[sflag:s28] =	ssyncadd.s32 $0xFFFFC000  }
0x6d: {  	[tilespmem:s31], [sflag:$0x1] =	stream.indirect.gather [hbm4b:s1+s30], $0x80, s21, s30, $0xb8;
	[tilespmem:$0x1F400] =	vst v63  }
0x6e: {  	_ =	swait.ge [sflag:s8], $0x4000  }
0x6f: {  	[sflag:s8] =	ssyncset.done $0x0  }
0x70: {  	s9 =	simm.s32 $0x880;
	[sflag:s8] =	ssyncadd.s32 $0xFFFFC000  }
0x71: {  	[spmem:s3] =	stream.indirect.scatter.add.f32 [tilespmem:s2], [sflag:$0x3], $0x80, s9, s30, $0xb8;
	[tilespmem:$0x1F400] =	vst v63  }
0x72: {  	_ =	swait.ge [sflag:s28], $0x4000  }
0x73: {  	[sflag:s28] =	ssyncset.done $0x0  }
0x74: {  	[sflag:s28] =	ssyncadd.s32 $0xFFFFC000  }
0x75: {  	[tilespmem:s2], [sflag:$0x2] =	stream.indirect.gather [hbm4b:s1+s30], $0x80, s22, s30, $0xb8;
	[tilespmem:$0x1F400] =	vst v63  }
0x76: {  	_ =	swait.ge [sflag:s0], $0x4000  }
0x77: {  	[sflag:s0] =	ssyncset.done $0x0  }
0x78: {  	[sflag:s0] =	ssyncadd.s32 $0xFFFFC000  }
0x79: {  	[spmem:s3] =	stream.indirect.scatter.add.f32 [tilespmem:s31], [sflag:$0x3], $0x80, s24, s30, $0xb8;
	[tilespmem:$0x1F400] =	vst v63  }
0x7a: {  	_ =	swait.ge [sflag:s28], $0x4000  }
0x7b: {  	[sflag:s28] =	ssyncset.done $0x0  }
0x7c: {  	s9 =	simm.s32 $0x200;
	[sflag:s28] =	ssyncadd.s32 $0xFFFFC000  }
0x7d: {  	[tilespmem:s31], [sflag:$0x1] =	stream.indirect.gather [hbm4b:s1+s30], $0x80, s9, s30, $0xb8;
	[tilespmem:$0x1F400] =	vst v63  }
0x7e: {  	_ =	swait.ge [sflag:s8], $0x4000  }
0x7f: {  	[sflag:s8] =	ssyncset.done $0x0  }
0x80: {  	s5 =	simm.s32 $0x980;
	[sflag:s8] =	ssyncadd.s32 $0xFFFFC000  }
0x81: {  	[spmem:s3] =	stream.indirect.scatter.add.f32 [tilespmem:s2], [sflag:$0x3], $0x80, s5, s30, $0xb8;
	[tilespmem:$0x1F400] =	vst v63  }
0x82: {  	_ =	swait.ge [sflag:s28], $0x4000  }
0x83: {  	[sflag:s28] =	ssyncset.done $0x0  }
0x84: {  	s18 =	simm.s32 $0x280;
	[sflag:s28] =	ssyncadd.s32 $0xFFFFC000  }
0x85: {  	[tilespmem:s2], [sflag:$0x2] =	stream.indirect.gather [hbm4b:s1+s30], $0x80, s18, s30, $0xb8;
	[tilespmem:$0x1F400] =	vst v63  }
0x86: {  	_ =	swait.ge [sflag:s0], $0x4000  }
0x87: {  	[sflag:s0] =	ssyncset.done $0x0  }
0x88: {  	[sflag:s0] =	ssyncadd.s32 $0xFFFFC000  }
0x89: {  	[spmem:s3] =	stream.indirect.scatter.add.f32 [tilespmem:s31], [sflag:$0x3], $0x80, s25, s30, $0xb8;
	[tilespmem:$0x1F400] =	vst v63  }
0x8a: {  	_ =	swait.ge [sflag:s28], $0x4000  }
0x8b: {  	[sflag:s28] =	ssyncset.done $0x0  }
0x8c: {  	s7 =	simm.s32 $0x300;
	[sflag:s28] =	ssyncadd.s32 $0xFFFFC000  }
0x8d: {  	[tilespmem:s31], [sflag:$0x1] =	stream.indirect.gather [hbm4b:s1+s30], $0x80, s7, s30, $0xb8;
	[tilespmem:$0x1F400] =	vst v63  }
0x8e: {  	_ =	swait.ge [sflag:s8], $0x4000  }
0x8f: {  	[sflag:s8] =	ssyncset.done $0x0  }
0x90: {  	[sflag:s8] =	ssyncadd.s32 $0xFFFFC000  }
0x91: {  	[spmem:s3] =	stream.indirect.scatter.add.f32 [tilespmem:s2], [sflag:$0x3], $0x80, s10, s30, $0xb8;
	[tilespmem:$0x1F400] =	vst v63  }
0x92: {  	_ =	swait.ge [sflag:s28], $0x4000  }
0x93: {  	[sflag:s28] =	ssyncset.done $0x0  }
0x94: {  	[sflag:s28] =	ssyncadd.s32 $0xFFFFC000  }
0x95: {  	[tilespmem:s2], [sflag:$0x2] =	stream.indirect.gather [hbm4b:s1+s30], $0x80, s11, s30, $0xb8;
	[tilespmem:$0x1F400] =	vst v63  }
0x96: {  	_ =	swait.ge [sflag:s0], $0x4000  }
0x97: {  	[sflag:s0] =	ssyncset.done $0x0  }
0x98: {  	[sflag:s0] =	ssyncadd.s32 $0xFFFFC000  }
0x99: {  	[spmem:s3] =	stream.indirect.scatter.add.f32 [tilespmem:s31], [sflag:$0x3], $0x80, s12, s30, $0xb8;
	[tilespmem:$0x1F400] =	vst v63  }
0x9a: {  	_ =	swait.ge [sflag:s28], $0x4000  }
0x9b: {  	[sflag:s28] =	ssyncset.done $0x0  }
0x9c: {  	[sflag:s28] =	ssyncadd.s32 $0xFFFFC000  }
0x9d: {  	[tilespmem:s31], [sflag:$0x1] =	stream.indirect.gather [hbm4b:s1+s30], $0x80, s13, s30, $0xb8;
	[tilespmem:$0x1F400] =	vst v63  }
0x9e: {  	_ =	swait.ge [sflag:s8], $0x4000  }
0x9f: {  	[sflag:s8] =	ssyncset.done $0x0  }
0xa0: {  	[sflag:s8] =	ssyncadd.s32 $0xFFFFC000  }
0xa1: {  	[spmem:s3] =	stream.indirect.scatter.add.f32 [tilespmem:s2], [sflag:$0x3], $0x80, s14, s30, $0xb8;
	[tilespmem:$0x1F400] =	vst v63  }
0xa2: {  	_ =	swait.ge [sflag:s28], $0x4000  }
0xa3: {  	[sflag:s28] =	ssyncset.done $0x0  }
0xa4: {  	[sflag:s28] =	ssyncadd.s32 $0xFFFFC000  }
0xa5: {  	[tilespmem:s2], [sflag:$0x2] =	stream.indirect.gather [hbm4b:s1+s30], $0x80, s15, s30, $0xb8;
	[tilespmem:$0x1F400] =	vst v63  }
0xa6: {  	_ =	swait.ge [sflag:s0], $0x4000  }
0xa7: {  	[sflag:s0] =	ssyncset.done $0x0  }
0xa8: {  	[sflag:s0] =	ssyncadd.s32 $0xFFFFC000  }
0xa9: {  	[spmem:s3] =	stream.indirect.scatter.add.f32 [tilespmem:s31], [sflag:$0x3], $0x80, s16, s30, $0xb8;
	[tilespmem:$0x1F400] =	vst v63  }
0xaa: {  	_ =	swait.ge [sflag:s28], $0x4000  }
0xab: {  	[sflag:s28] =	ssyncset.done $0x0  }
0xac: {  	s19 =	simm.s32 $0x500;
	[sflag:s28] =	ssyncadd.s32 $0xFFFFC000  }
0xad: {  	[tilespmem:s31], [sflag:$0x1] =	stream.indirect.gather [hbm4b:s1+s30], $0x80, s19, s30, $0xb8;
	[tilespmem:$0x1F400] =	vst v63  }
0xae: {  	_ =	swait.ge [sflag:s8], $0x4000  }
0xaf: {  	[sflag:s8] =	ssyncset.done $0x0  }
0xb0: {  	s20 =	simm.s32 $0xC80;
	[sflag:s8] =	ssyncadd.s32 $0xFFFFC000  }
0xb1: {  	[spmem:s3] =	stream.indirect.scatter.add.f32 [tilespmem:s2], [sflag:$0x3], $0x80, s20, s30, $0xb8;
	[tilespmem:$0x1F400] =	vst v63  }
0xb2: {  	_ =	swait.ge [sflag:s28], $0x4000  }
0xb3: {  	[sflag:s28] =	ssyncset.done $0x0  }
0xb4: {  	s18 =	simm.s32 $0x580;
	[sflag:s28] =	ssyncadd.s32 $0xFFFFC000  }
0xb5: {  	[tilespmem:s2], [sflag:$0x2] =	stream.indirect.gather [hbm4b:s1+s30], $0x80, s18, s30, $0xb8;
	[tilespmem:$0x1F400] =	vst v63  }
0xb6: {  	_ =	swait.ge [sflag:s0], $0x4000  }
0xb7: {  	[sflag:s0] =	ssyncset.done $0x0  }
0xb8: {  	s19 =	simm.s32 $0xD00;
	[sflag:s0] =	ssyncadd.s32 $0xFFFFC000  }
0xb9: {  	[spmem:s3] =	stream.indirect.scatter.add.f32 [tilespmem:s31], [sflag:$0x3], $0x80, s19, s30, $0xb8;
	[tilespmem:$0x1F400] =	vst v63  }
0xba: {  	_ =	swait.ge [sflag:s28], $0x4000  }
0xbb: {  	[sflag:s28] =	ssyncset.done $0x0  }
0xbc: {  	s20 =	simm.s32 $0x600;
	[sflag:s28] =	ssyncadd.s32 $0xFFFFC000  }
0xbd: {  	[tilespmem:s31], [sflag:$0x1] =	stream.indirect.gather [hbm4b:s1+s30], $0x80, s20, s30, $0xb8;
	[tilespmem:$0x1F400] =	vst v63  }
0xbe: {  	_ =	swait.ge [sflag:s8], $0x4000  }
0xbf: {  	[sflag:s8] =	ssyncset.done $0x0  }
0xc0: {  	s18 =	simm.s32 $0xD80;
	[sflag:s8] =	ssyncadd.s32 $0xFFFFC000  }
0xc1: {  	[spmem:s3] =	stream.indirect.scatter.add.f32 [tilespmem:s2], [sflag:$0x3], $0x80, s18, s30, $0xb8;
	[tilespmem:$0x1F400] =	vst v63  }
0xc2: {  	_ =	swait.ge [sflag:s28], $0x4000  }
0xc3: {  	[sflag:s28] =	ssyncset.done $0x0  }
0xc4: {  	s19 =	simm.s32 $0x680;
	[sflag:s28] =	ssyncadd.s32 $0xFFFFC000  }
0xc5: {  	[tilespmem:s2], [sflag:$0x2] =	stream.indirect.gather [hbm4b:s1+s30], $0x80, s19, s30, $0xb8;
	[tilespmem:$0x1F400] =	vst v63  }
0xc6: {  	_ =	swait.ge [sflag:s0], $0x4000  }
0xc7: {  	[sflag:s0] =	ssyncset.done $0x0  }
0xc8: {  	s20 =	simm.s32 $0xE00;
	[sflag:s0] =	ssyncadd.s32 $0xFFFFC000  }
0xc9: {  	[spmem:s3] =	stream.indirect.scatter.add.f32 [tilespmem:s31], [sflag:$0x3], $0x80, s20, s30, $0xb8;
	[tilespmem:$0x1F400] =	vst v63  }
0xca: {  	_ =	swait.ge [sflag:s28], $0x4000  }
0xcb: {  	[sflag:s28] =	ssyncset.done $0x0  }
0xcc: {  	s18 =	simm.s32 $0x700;
	[sflag:s28] =	ssyncadd.s32 $0xFFFFC000  }
0xcd: {  	[tilespmem:s31], [sflag:$0x1] =	stream.indirect.gather [hbm4b:s1+s30], $0x80, s18, s30, $0xb8;
	[tilespmem:$0x1F400] =	vst v63  }
0xce: {  	_ =	swait.ge [sflag:s8], $0x4000  }
0xcf: {  	[sflag:s8] =	ssyncset.done $0x0  }
0xd0: {  	s5 =	simm.s32 $0xE80;
	[sflag:s8] =	ssyncadd.s32 $0xFFFFC000  }
0xd1: {  	[spmem:s3] =	stream.indirect.scatter.add.f32 [tilespmem:s2], [sflag:$0x3], $0x80, s5, s30, $0xb8;
	[tilespmem:$0x1F400] =	vst v63  }
0xd2: {  	_ =	swait.ge [sflag:s28], $0x4000  }
0xd3: {  	[sflag:s28] =	ssyncset.done $0x0  }
0xd4: {  	s19 =	rddreg [dreg:$0x6];
	[sflag:s28] =	ssyncadd.s32 $0xFFFFC000  }
0xd5: {  	[tilespmem:s2], [sflag:$0x2] =	stream.indirect.gather [hbm4b:s1+s30], $0x80, s19, s30, $0xb8;
	[tilespmem:$0x1F400] =	vst v63  }
0xd6: {  	_ =	swait.ge [sflag:s0], $0x4000  }
0xd7: {  	[sflag:s0] =	ssyncset.done $0x0  }
0xd8: {  	[sflag:s0] =	ssyncadd.s32 $0xFFFFC000  }
0xd9: {  	[spmem:s3] =	stream.indirect.scatter.add.f32 [tilespmem:s31], [sflag:$0x3], $0x80, s6, s30, $0xb8;
	[tilespmem:$0x1F400] =	vst v63  }
0xda: {  	_ =	swait.ge [sflag:s28], $0x4000  }
0xdb: {  	[sflag:s28] =	ssyncset.done $0x0  }
0xdc: {  	[sflag:s28] =	ssyncadd.s32 $0xFFFFC000  }
0xdd: {  	_ =	swait.ge [sflag:s8], $0x4000  }
0xde: {  	[sflag:s8] =	ssyncset.done $0x0  }
0xdf: {  	s20 =	rddreg [dreg:$0x7];
	[sflag:s8] =	ssyncadd.s32 $0xFFFFC000  }
0xe0: {  	[spmem:s3] =	stream.indirect.scatter.add.f32 [tilespmem:s2], [sflag:$0x3], $0x80, s20, s30, $0xb8;
	[tilespmem:$0x1F400] =	vst v63  }
0xe1: {  	s18 =	simm.s32 $0x100;
	_ =	swait.ge [sflag:s28], $0x4000  }
.LBB2_4:
0xe2: {  	s19 =	rddreg [dreg:$0x5];
	s20 =	smov.u32 s18;
	[sflag:s28] =	ssyncset.done $0x0  }
0xe3: {  	s19 =	sadd.s32 s20, s19;
	[sflag:s28] =	ssyncadd.s32 $0xFFFFC000  }
0xe4: {  	[tilespmem:s4], [sflag:$0x3] =	stream.linear.gather [hbm4b:s19+s4], $0x800, $0x38;
	[tilespmem:$0x1F400] =	vst v63  }
0xe5: {  	_ =	swait.ge [sflag:s28], $0x800  }
0xe6: {  	s19 =	rddreg [dreg:$0x4];
	[sflag:s28] =	ssyncset.done $0x0  }
0xe7: {  	[sflag:s28] =	ssyncadd.s32 $0xFFFFF800;
	s19 =	sadd.s32 s20, s19  }
0xe8: {  	[tilespmem:s29], [sflag:$0x3] =	stream.linear.gather [hbm4b:s19+s4], $0x800, $0x38;
	[tilespmem:$0x1F400] =	vst v63  }
0xe9: {  	_ =	swait.ge [sflag:s28], $0x800  }
0xea: {  	[sflag:s28] =	ssyncset.done $0x0  }
0xeb: {  	[sflag:s28] =	ssyncadd.s32 $0xFFFFF800  }
0xec: {  	[tilespmem:s31], [sflag:$0x1] =	stream.indirect.gather [hbm4b:s1+s30], $0x80, s4, s30, $0xb8;
	[tilespmem:$0x1F400] =	vst v63  }
0xed: {  	_ = 	snop  }
0xee: {  	[tilespmem:s2], [sflag:$0x2] =	stream.indirect.gather [hbm4b:s1+s30], $0x80, s30, s30, $0xb8;
	[tilespmem:$0x1F400] =	vst v63  }
0xef: {  	_ =	swait.ge [sflag:s0], $0x4000  }
0xf0: {  	[sflag:s0] =	ssyncset.done $0x0  }
0xf1: {  	[sflag:s0] =	ssyncadd.s32 $0xFFFFC000  }
0xf2: {  	[spmem:s3] =	stream.indirect.scatter.add.f32 [tilespmem:s31], [sflag:$0x3], $0x80, s29, s30, $0xb8;
	[tilespmem:$0x1F400] =	vst v63  }
0xf3: {  	_ =	swait.ge [sflag:s28], $0x4000  }
0xf4: {  	[sflag:s28] =	ssyncset.done $0x0  }
0xf5: {  	[sflag:s28] =	ssyncadd.s32 $0xFFFFC000  }
0xf6: {  	[tilespmem:s31], [sflag:$0x1] =	stream.indirect.gather [hbm4b:s1+s30], $0x80, s21, s30, $0xb8;
	[tilespmem:$0x1F400] =	vst v63  }
0xf7: {  	_ =	swait.ge [sflag:s8], $0x4000  }
0xf8: {  	[sflag:s8] =	ssyncset.done $0x0  }
0xf9: {  	s20 =	simm.s32 $0x880;
	[sflag:s8] =	ssyncadd.s32 $0xFFFFC000  }
0xfa: {  	[spmem:s3] =	stream.indirect.scatter.add.f32 [tilespmem:s2], [sflag:$0x3], $0x80, s20, s30, $0xb8;
	[tilespmem:$0x1F400] =	vst v63  }
0xfb: {  	_ =	swait.ge [sflag:s28], $0x4000  }
0xfc: {  	[sflag:s28] =	ssyncset.done $0x0  }
0xfd: {  	[sflag:s28] =	ssyncadd.s32 $0xFFFFC000  }
0xfe: {  	[tilespmem:s2], [sflag:$0x2] =	stream.indirect.gather [hbm4b:s1+s30], $0x80, s22, s30, $0xb8;
	[tilespmem:$0x1F400] =	vst v63  }
0xff: {  	_ =	swait.ge [sflag:s0], $0x4000  }
0x100: {  	[sflag:s0] =	ssyncset.done $0x0  }
0x101: {  	[sflag:s0] =	ssyncadd.s32 $0xFFFFC000  }
0x102: {  	[spmem:s3] =	stream.indirect.scatter.add.f32 [tilespmem:s31], [sflag:$0x3], $0x80, s24, s30, $0xb8;
	[tilespmem:$0x1F400] =	vst v63  }
0x103: {  	_ =	swait.ge [sflag:s28], $0x4000  }
0x104: {  	[sflag:s28] =	ssyncset.done $0x0  }
0x105: {  	[sflag:s28] =	ssyncadd.s32 $0xFFFFC000  }
0x106: {  	[tilespmem:s31], [sflag:$0x1] =	stream.indirect.gather [hbm4b:s1+s30], $0x80, s9, s30, $0xb8;
	[tilespmem:$0x1F400] =	vst v63  }
0x107: {  	_ =	swait.ge [sflag:s8], $0x4000  }
0x108: {  	[sflag:s8] =	ssyncset.done $0x0  }
0x109: {  	s19 =	simm.s32 $0x980;
	[sflag:s8] =	ssyncadd.s32 $0xFFFFC000  }
0x10a: {  	[spmem:s3] =	stream.indirect.scatter.add.f32 [tilespmem:s2], [sflag:$0x3], $0x80, s19, s30, $0xb8;
	[tilespmem:$0x1F400] =	vst v63  }
0x10b: {  	_ =	swait.ge [sflag:s28], $0x4000  }
0x10c: {  	[sflag:s28] =	ssyncset.done $0x0  }
0x10d: {  	s19 =	simm.s32 $0x280;
	[sflag:s28] =	ssyncadd.s32 $0xFFFFC000  }
0x10e: {  	[tilespmem:s2], [sflag:$0x2] =	stream.indirect.gather [hbm4b:s1+s30], $0x80, s19, s30, $0xb8;
	[tilespmem:$0x1F400] =	vst v63  }
0x10f: {  	_ =	swait.ge [sflag:s0], $0x4000  }
0x110: {  	[sflag:s0] =	ssyncset.done $0x0  }
0x111: {  	[sflag:s0] =	ssyncadd.s32 $0xFFFFC000  }
0x112: {  	[spmem:s3] =	stream.indirect.scatter.add.f32 [tilespmem:s31], [sflag:$0x3], $0x80, s25, s30, $0xb8;
	[tilespmem:$0x1F400] =	vst v63  }
0x113: {  	_ =	swait.ge [sflag:s28], $0x4000  }
0x114: {  	[sflag:s28] =	ssyncset.done $0x0  }
0x115: {  	[sflag:s28] =	ssyncadd.s32 $0xFFFFC000  }
0x116: {  	[tilespmem:s31], [sflag:$0x1] =	stream.indirect.gather [hbm4b:s1+s30], $0x80, s7, s30, $0xb8;
	[tilespmem:$0x1F400] =	vst v63  }
0x117: {  	_ =	swait.ge [sflag:s8], $0x4000  }
0x118: {  	[sflag:s8] =	ssyncset.done $0x0  }
0x119: {  	[sflag:s8] =	ssyncadd.s32 $0xFFFFC000  }
0x11a: {  	[spmem:s3] =	stream.indirect.scatter.add.f32 [tilespmem:s2], [sflag:$0x3], $0x80, s10, s30, $0xb8;
	[tilespmem:$0x1F400] =	vst v63  }
0x11b: {  	_ =	swait.ge [sflag:s28], $0x4000  }
0x11c: {  	[sflag:s28] =	ssyncset.done $0x0  }
0x11d: {  	[sflag:s28] =	ssyncadd.s32 $0xFFFFC000  }
0x11e: {  	[tilespmem:s2], [sflag:$0x2] =	stream.indirect.gather [hbm4b:s1+s30], $0x80, s11, s30, $0xb8;
	[tilespmem:$0x1F400] =	vst v63  }
0x11f: {  	_ =	swait.ge [sflag:s0], $0x4000  }
0x120: {  	[sflag:s0] =	ssyncset.done $0x0  }
0x121: {  	[sflag:s0] =	ssyncadd.s32 $0xFFFFC000  }
0x122: {  	[spmem:s3] =	stream.indirect.scatter.add.f32 [tilespmem:s31], [sflag:$0x3], $0x80, s12, s30, $0xb8;
	[tilespmem:$0x1F400] =	vst v63  }
0x123: {  	_ =	swait.ge [sflag:s28], $0x4000  }
0x124: {  	[sflag:s28] =	ssyncset.done $0x0  }
0x125: {  	[sflag:s28] =	ssyncadd.s32 $0xFFFFC000  }
0x126: {  	[tilespmem:s31], [sflag:$0x1] =	stream.indirect.gather [hbm4b:s1+s30], $0x80, s13, s30, $0xb8;
	[tilespmem:$0x1F400] =	vst v63  }
0x127: {  	_ =	swait.ge [sflag:s8], $0x4000  }
0x128: {  	[sflag:s8] =	ssyncset.done $0x0  }
0x129: {  	[sflag:s8] =	ssyncadd.s32 $0xFFFFC000  }
0x12a: {  	[spmem:s3] =	stream.indirect.scatter.add.f32 [tilespmem:s2], [sflag:$0x3], $0x80, s14, s30, $0xb8;
	[tilespmem:$0x1F400] =	vst v63  }
0x12b: {  	_ =	swait.ge [sflag:s28], $0x4000  }
0x12c: {  	[sflag:s28] =	ssyncset.done $0x0  }
0x12d: {  	[sflag:s28] =	ssyncadd.s32 $0xFFFFC000  }
0x12e: {  	[tilespmem:s2], [sflag:$0x2] =	stream.indirect.gather [hbm4b:s1+s30], $0x80, s15, s30, $0xb8;
	[tilespmem:$0x1F400] =	vst v63  }
0x12f: {  	_ =	swait.ge [sflag:s0], $0x4000  }
0x130: {  	[sflag:s0] =	ssyncset.done $0x0  }
0x131: {  	[sflag:s0] =	ssyncadd.s32 $0xFFFFC000  }
0x132: {  	[spmem:s3] =	stream.indirect.scatter.add.f32 [tilespmem:s31], [sflag:$0x3], $0x80, s16, s30, $0xb8;
	[tilespmem:$0x1F400] =	vst v63  }
0x133: {  	_ =	swait.ge [sflag:s28], $0x4000  }
0x134: {  	[sflag:s28] =	ssyncset.done $0x0  }
0x135: {  	s19 =	simm.s32 $0x500;
	[sflag:s28] =	ssyncadd.s32 $0xFFFFC000  }
0x136: {  	[tilespmem:s31], [sflag:$0x1] =	stream.indirect.gather [hbm4b:s1+s30], $0x80, s19, s30, $0xb8;
	[tilespmem:$0x1F400] =	vst v63  }
0x137: {  	_ =	swait.ge [sflag:s8], $0x4000  }
0x138: {  	[sflag:s8] =	ssyncset.done $0x0  }
0x139: {  	s19 =	simm.s32 $0xC80;
	[sflag:s8] =	ssyncadd.s32 $0xFFFFC000  }
0x13a: {  	[spmem:s3] =	stream.indirect.scatter.add.f32 [tilespmem:s2], [sflag:$0x3], $0x80, s19, s30, $0xb8;
	[tilespmem:$0x1F400] =	vst v63  }
0x13b: {  	_ =	swait.ge [sflag:s28], $0x4000  }
0x13c: {  	[sflag:s28] =	ssyncset.done $0x0  }
0x13d: {  	s19 =	simm.s32 $0x580;
	[sflag:s28] =	ssyncadd.s32 $0xFFFFC000  }
0x13e: {  	[tilespmem:s2], [sflag:$0x2] =	stream.indirect.gather [hbm4b:s1+s30], $0x80, s19, s30, $0xb8;
	[tilespmem:$0x1F400] =	vst v63  }
0x13f: {  	_ =	swait.ge [sflag:s0], $0x4000  }
0x140: {  	[sflag:s0] =	ssyncset.done $0x0  }
0x141: {  	s19 =	simm.s32 $0xD00;
	[sflag:s0] =	ssyncadd.s32 $0xFFFFC000  }
0x142: {  	[spmem:s3] =	stream.indirect.scatter.add.f32 [tilespmem:s31], [sflag:$0x3], $0x80, s19, s30, $0xb8;
	[tilespmem:$0x1F400] =	vst v63  }
0x143: {  	_ =	swait.ge [sflag:s28], $0x4000  }
0x144: {  	[sflag:s28] =	ssyncset.done $0x0  }
0x145: {  	s19 =	simm.s32 $0x600;
	[sflag:s28] =	ssyncadd.s32 $0xFFFFC000  }
0x146: {  	[tilespmem:s31], [sflag:$0x1] =	stream.indirect.gather [hbm4b:s1+s30], $0x80, s19, s30, $0xb8;
	[tilespmem:$0x1F400] =	vst v63  }
0x147: {  	_ =	swait.ge [sflag:s8], $0x4000  }
0x148: {  	[sflag:s8] =	ssyncset.done $0x0  }
0x149: {  	s19 =	simm.s32 $0xD80;
	[sflag:s8] =	ssyncadd.s32 $0xFFFFC000  }
0x14a: {  	[spmem:s3] =	stream.indirect.scatter.add.f32 [tilespmem:s2], [sflag:$0x3], $0x80, s19, s30, $0xb8;
	[tilespmem:$0x1F400] =	vst v63  }
0x14b: {  	_ =	swait.ge [sflag:s28], $0x4000  }
0x14c: {  	[sflag:s28] =	ssyncset.done $0x0  }
0x14d: {  	s19 =	simm.s32 $0x680;
	[sflag:s28] =	ssyncadd.s32 $0xFFFFC000  }
0x14e: {  	[tilespmem:s2], [sflag:$0x2] =	stream.indirect.gather [hbm4b:s1+s30], $0x80, s19, s30, $0xb8;
	[tilespmem:$0x1F400] =	vst v63  }
0x14f: {  	_ =	swait.ge [sflag:s0], $0x4000  }
0x150: {  	[sflag:s0] =	ssyncset.done $0x0  }
0x151: {  	s19 =	simm.s32 $0xE00;
	[sflag:s0] =	ssyncadd.s32 $0xFFFFC000  }
0x152: {  	[spmem:s3] =	stream.indirect.scatter.add.f32 [tilespmem:s31], [sflag:$0x3], $0x80, s19, s30, $0xb8;
	[tilespmem:$0x1F400] =	vst v63  }
0x153: {  	_ =	swait.ge [sflag:s28], $0x4000  }
0x154: {  	[sflag:s28] =	ssyncset.done $0x0  }
0x155: {  	s19 =	simm.s32 $0x700;
	[sflag:s28] =	ssyncadd.s32 $0xFFFFC000  }
0x156: {  	[tilespmem:s31], [sflag:$0x1] =	stream.indirect.gather [hbm4b:s1+s30], $0x80, s19, s30, $0xb8;
	[tilespmem:$0x1F400] =	vst v63  }
0x157: {  	_ =	swait.ge [sflag:s8], $0x4000  }
0x158: {  	[sflag:s8] =	ssyncset.done $0x0  }
0x159: {  	[sflag:s8] =	ssyncadd.s32 $0xFFFFC000  }
0x15a: {  	[spmem:s3] =	stream.indirect.scatter.add.f32 [tilespmem:s2], [sflag:$0x3], $0x80, s5, s30, $0xb8;
	[tilespmem:$0x1F400] =	vst v63  }
0x15b: {  	_ =	swait.ge [sflag:s28], $0x4000  }
0x15c: {  	[sflag:s28] =	ssyncset.done $0x0  }
0x15d: {  	s19 =	rddreg [dreg:$0x6];
	[sflag:s28] =	ssyncadd.s32 $0xFFFFC000  }
0x15e: {  	[tilespmem:s2], [sflag:$0x2] =	stream.indirect.gather [hbm4b:s1+s30], $0x80, s19, s30, $0xb8;
	[tilespmem:$0x1F400] =	vst v63  }
0x15f: {  	_ =	swait.ge [sflag:s0], $0x4000  }
0x160: {  	[sflag:s0] =	ssyncset.done $0x0  }
0x161: {  	[sflag:s0] =	ssyncadd.s32 $0xFFFFC000  }
0x162: {  	[spmem:s3] =	stream.indirect.scatter.add.f32 [tilespmem:s31], [sflag:$0x3], $0x80, s6, s30, $0xb8;
	[tilespmem:$0x1F400] =	vst v63  }
0x163: {  	_ =	swait.ge [sflag:s28], $0x4000  }
0x164: {  	[sflag:s28] =	ssyncset.done $0x0  }
0x165: {  	p0 =	sne.s32 s18, $0x300;
	[sflag:s28] =	ssyncadd.s32 $0xFFFFC000  }
.Ltmp1:
0x166: {  	_ =	swait.ge [sflag:s8], $0x4000;
	(pc) =	sbr.rel @p0 .LBB2_4-.Ltmp1, $4  }
0x167: {  	[sflag:s8] =	ssyncset.done $0x0  }
0x168: {  	s19 =	rddreg [dreg:$0x7];
	[sflag:s8] =	ssyncadd.s32 $0xFFFFC000  }
0x169: {  	[spmem:s3] =	stream.indirect.scatter.add.f32 [tilespmem:s2], [sflag:$0x3], $0x80, s19, s30, $0xb8;
	[tilespmem:$0x1F400] =	vst v63  }
0x16a: {  	s18 =	sadd.s32 $0x100, s18;
	_ =	swait.ge [sflag:s28], $0x4000  }
0x16b: {  	[sflag:s28] =	ssyncset.done $0x0  }
0x16c: {  	s18 =	simm.s32 $0x0;
	s19 =	rddreg [dreg:$0xa];
	[sflag:s28] =	ssyncadd.s32 $0xFFFFC000  }
0x16d: {  	[tilespmem:s18], [sflag:$0x3] =	stream.linear.gather [hbm4b:s19+s18], $0x710, $0x38;
	[tilespmem:$0x1F400] =	vst v63  }
0x16e: {  	_ =	swait.ge [sflag:s28], $0x710  }
0x16f: {  	[sflag:s28] =	ssyncset.done $0x0  }
0x170: {  	s19 =	rddreg [dreg:$0xb];
	[sflag:s28] =	ssyncadd.s32 $0xFFFFF8F0  }
0x171: {  	[tilespmem:s29], [sflag:$0x3] =	stream.linear.gather [hbm4b:s19+s18], $0x710, $0x38;
	[tilespmem:$0x1F400] =	vst v63  }
0x172: {  	_ =	swait.ge [sflag:s28], $0x710  }
0x173: {  	[sflag:s28] =	ssyncset.done $0x0  }
0x174: {  	[sflag:s28] =	ssyncadd.s32 $0xFFFFF8F0  }
0x175: {  	[tilespmem:s31], [sflag:$0x1] =	stream.indirect.gather [hbm4b:s1+s30], $0x80, s18, s30, $0xb8;
	[tilespmem:$0x1F400] =	vst v63  }
0x176: {  	_ = 	snop  }
0x177: {  	[tilespmem:s2], [sflag:$0x2] =	stream.indirect.gather [hbm4b:s1+s30], $0x80, s30, s30, $0xb8;
	[tilespmem:$0x1F400] =	vst v63  }
0x178: {  	_ =	swait.ge [sflag:s0], $0x4000  }
0x179: {  	[sflag:s0] =	ssyncset.done $0x0  }
0x17a: {  	[sflag:s0] =	ssyncadd.s32 $0xFFFFC000  }
0x17b: {  	[spmem:s3] =	stream.indirect.scatter.add.f32 [tilespmem:s31], [sflag:$0x3], $0x80, s29, s30, $0xb8;
	[tilespmem:$0x1F400] =	vst v63  }
0x17c: {  	_ =	swait.ge [sflag:s28], $0x4000  }
0x17d: {  	[sflag:s28] =	ssyncset.done $0x0  }
0x17e: {  	[sflag:s28] =	ssyncadd.s32 $0xFFFFC000  }
0x17f: {  	[tilespmem:s31], [sflag:$0x1] =	stream.indirect.gather [hbm4b:s1+s30], $0x80, s21, s30, $0xb8;
	[tilespmem:$0x1F400] =	vst v63  }
0x180: {  	_ =	swait.ge [sflag:s8], $0x4000  }
0x181: {  	[sflag:s8] =	ssyncset.done $0x0  }
0x182: {  	[sflag:s8] =	ssyncadd.s32 $0xFFFFC000  }
0x183: {  	[spmem:s3] =	stream.indirect.scatter.add.f32 [tilespmem:s2], [sflag:$0x3], $0x80, s20, s30, $0xb8;
	[tilespmem:$0x1F400] =	vst v63  }
0x184: {  	_ =	swait.ge [sflag:s28], $0x4000  }
0x185: {  	[sflag:s28] =	ssyncset.done $0x0  }
0x186: {  	[sflag:s28] =	ssyncadd.s32 $0xFFFFC000  }
0x187: {  	[tilespmem:s2], [sflag:$0x2] =	stream.indirect.gather [hbm4b:s1+s30], $0x80, s22, s30, $0xb8;
	[tilespmem:$0x1F400] =	vst v63  }
0x188: {  	_ =	swait.ge [sflag:s0], $0x4000  }
0x189: {  	[sflag:s0] =	ssyncset.done $0x0  }
0x18a: {  	[sflag:s0] =	ssyncadd.s32 $0xFFFFC000  }
0x18b: {  	[spmem:s3] =	stream.indirect.scatter.add.f32 [tilespmem:s31], [sflag:$0x3], $0x80, s24, s30, $0xb8;
	[tilespmem:$0x1F400] =	vst v63  }
0x18c: {  	_ =	swait.ge [sflag:s28], $0x4000  }
0x18d: {  	[sflag:s28] =	ssyncset.done $0x0  }
0x18e: {  	[sflag:s28] =	ssyncadd.s32 $0xFFFFC000  }
0x18f: {  	[tilespmem:s31], [sflag:$0x1] =	stream.indirect.gather [hbm4b:s1+s30], $0x80, s9, s30, $0xb8;
	[tilespmem:$0x1F400] =	vst v63  }
0x190: {  	_ =	swait.ge [sflag:s8], $0x4000  }
0x191: {  	[sflag:s8] =	ssyncset.done $0x0  }
0x192: {  	s20 =	simm.s32 $0x980;
	[sflag:s8] =	ssyncadd.s32 $0xFFFFC000  }
0x193: {  	[spmem:s3] =	stream.indirect.scatter.add.f32 [tilespmem:s2], [sflag:$0x3], $0x80, s20, s30, $0xb8;
	[tilespmem:$0x1F400] =	vst v63  }
0x194: {  	_ =	swait.ge [sflag:s28], $0x4000  }
0x195: {  	[sflag:s28] =	ssyncset.done $0x0  }
0x196: {  	s21 =	simm.s32 $0x280;
	[sflag:s28] =	ssyncadd.s32 $0xFFFFC000  }
0x197: {  	[tilespmem:s2], [sflag:$0x2] =	stream.indirect.gather [hbm4b:s1+s30], $0x80, s21, s30, $0xb8;
	[tilespmem:$0x1F400] =	vst v63  }
0x198: {  	_ =	swait.ge [sflag:s0], $0x4000  }
0x199: {  	[sflag:s0] =	ssyncset.done $0x0  }
0x19a: {  	[sflag:s0] =	ssyncadd.s32 $0xFFFFC000  }
0x19b: {  	[spmem:s3] =	stream.indirect.scatter.add.f32 [tilespmem:s31], [sflag:$0x3], $0x80, s25, s30, $0xb8;
	[tilespmem:$0x1F400] =	vst v63  }
0x19c: {  	_ =	swait.ge [sflag:s28], $0x4000  }
0x19d: {  	[sflag:s28] =	ssyncset.done $0x0  }
0x19e: {  	[sflag:s28] =	ssyncadd.s32 $0xFFFFC000  }
0x19f: {  	[tilespmem:s31], [sflag:$0x1] =	stream.indirect.gather [hbm4b:s1+s30], $0x80, s7, s30, $0xb8;
	[tilespmem:$0x1F400] =	vst v63  }
0x1a0: {  	_ =	swait.ge [sflag:s8], $0x4000  }
0x1a1: {  	[sflag:s8] =	ssyncset.done $0x0  }
0x1a2: {  	[sflag:s8] =	ssyncadd.s32 $0xFFFFC000  }
0x1a3: {  	[spmem:s3] =	stream.indirect.scatter.add.f32 [tilespmem:s2], [sflag:$0x3], $0x80, s10, s30, $0xb8;
	[tilespmem:$0x1F400] =	vst v63  }
0x1a4: {  	_ =	swait.ge [sflag:s28], $0x4000  }
0x1a5: {  	[sflag:s28] =	ssyncset.done $0x0  }
0x1a6: {  	[sflag:s28] =	ssyncadd.s32 $0xFFFFC000  }
0x1a7: {  	[tilespmem:s2], [sflag:$0x2] =	stream.indirect.gather [hbm4b:s1+s30], $0x80, s11, s30, $0xb8;
	[tilespmem:$0x1F400] =	vst v63  }
0x1a8: {  	_ =	swait.ge [sflag:s0], $0x4000  }
0x1a9: {  	[sflag:s0] =	ssyncset.done $0x0  }
0x1aa: {  	[sflag:s0] =	ssyncadd.s32 $0xFFFFC000  }
0x1ab: {  	[spmem:s3] =	stream.indirect.scatter.add.f32 [tilespmem:s31], [sflag:$0x3], $0x80, s12, s30, $0xb8;
	[tilespmem:$0x1F400] =	vst v63  }
0x1ac: {  	_ =	swait.ge [sflag:s28], $0x4000  }
0x1ad: {  	[sflag:s28] =	ssyncset.done $0x0  }
0x1ae: {  	[sflag:s28] =	ssyncadd.s32 $0xFFFFC000  }
0x1af: {  	[tilespmem:s31], [sflag:$0x1] =	stream.indirect.gather [hbm4b:s1+s30], $0x80, s13, s30, $0xb8;
	[tilespmem:$0x1F400] =	vst v63  }
0x1b0: {  	_ =	swait.ge [sflag:s8], $0x4000  }
0x1b1: {  	[sflag:s8] =	ssyncset.done $0x0  }
0x1b2: {  	[sflag:s8] =	ssyncadd.s32 $0xFFFFC000  }
0x1b3: {  	[spmem:s3] =	stream.indirect.scatter.add.f32 [tilespmem:s2], [sflag:$0x3], $0x80, s14, s30, $0xb8;
	[tilespmem:$0x1F400] =	vst v63  }
0x1b4: {  	_ =	swait.ge [sflag:s28], $0x4000  }
0x1b5: {  	[sflag:s28] =	ssyncset.done $0x0  }
0x1b6: {  	[sflag:s28] =	ssyncadd.s32 $0xFFFFC000  }
0x1b7: {  	[tilespmem:s2], [sflag:$0x2] =	stream.indirect.gather [hbm4b:s1+s30], $0x80, s15, s30, $0xb8;
	[tilespmem:$0x1F400] =	vst v63  }
0x1b8: {  	_ =	swait.ge [sflag:s0], $0x4000  }
0x1b9: {  	[sflag:s0] =	ssyncset.done $0x0  }
0x1ba: {  	[sflag:s0] =	ssyncadd.s32 $0xFFFFC000  }
0x1bb: {  	[spmem:s3] =	stream.indirect.scatter.add.f32 [tilespmem:s31], [sflag:$0x3], $0x80, s16, s30, $0xb8;
	[tilespmem:$0x1F400] =	vst v63  }
0x1bc: {  	_ =	swait.ge [sflag:s28], $0x4000  }
0x1bd: {  	[sflag:s28] =	ssyncset.done $0x0  }
0x1be: {  	s19 =	simm.s32 $0x500;
	[sflag:s28] =	ssyncadd.s32 $0xFFFFC000  }
0x1bf: {  	[tilespmem:s31], [sflag:$0x1] =	stream.indirect.gather [hbm4b:s1+s30], $0x80, s19, s30, $0xb8;
	[tilespmem:$0x1F400] =	vst v63  }
0x1c0: {  	_ =	swait.ge [sflag:s8], $0x4000  }
0x1c1: {  	[sflag:s8] =	ssyncset.done $0x0  }
0x1c2: {  	s20 =	simm.s32 $0xC80;
	[sflag:s8] =	ssyncadd.s32 $0xFFFFC000  }
0x1c3: {  	[spmem:s3] =	stream.indirect.scatter.add.f32 [tilespmem:s2], [sflag:$0x3], $0x80, s20, s30, $0xb8;
	[tilespmem:$0x1F400] =	vst v63  }
0x1c4: {  	_ =	swait.ge [sflag:s28], $0x4000  }
0x1c5: {  	[sflag:s28] =	ssyncset.done $0x0  }
0x1c6: {  	s21 =	simm.s32 $0x580;
	[sflag:s28] =	ssyncadd.s32 $0xFFFFC000  }
0x1c7: {  	[tilespmem:s2], [sflag:$0x2] =	stream.indirect.gather [hbm4b:s1+s30], $0x80, s21, s30, $0xb8;
	[tilespmem:$0x1F400] =	vst v63  }
0x1c8: {  	_ =	swait.ge [sflag:s0], $0x4000  }
0x1c9: {  	[sflag:s0] =	ssyncset.done $0x0  }
0x1ca: {  	s9 =	simm.s32 $0xD00;
	[sflag:s0] =	ssyncadd.s32 $0xFFFFC000  }
0x1cb: {  	[spmem:s3] =	stream.indirect.scatter.add.f32 [tilespmem:s31], [sflag:$0x3], $0x80, s9, s30, $0xb8;
	[tilespmem:$0x1F400] =	vst v63  }
0x1cc: {  	_ =	swait.ge [sflag:s28], $0x4000  }
0x1cd: {  	[sflag:s28] =	ssyncset.done $0x0  }
0x1ce: {  	s19 =	simm.s32 $0x600;
	[sflag:s28] =	ssyncadd.s32 $0xFFFFC000  }
0x1cf: {  	[tilespmem:s31], [sflag:$0x1] =	stream.indirect.gather [hbm4b:s1+s30], $0x80, s19, s30, $0xb8;
	[tilespmem:$0x1F400] =	vst v63  }
0x1d0: {  	_ =	swait.ge [sflag:s8], $0x4000  }
0x1d1: {  	[sflag:s8] =	ssyncset.done $0x0  }
0x1d2: {  	s20 =	simm.s32 $0xD80;
	[sflag:s8] =	ssyncadd.s32 $0xFFFFC000  }
0x1d3: {  	[spmem:s3] =	stream.indirect.scatter.add.f32 [tilespmem:s2], [sflag:$0x3], $0x80, s20, s30, $0xb8;
	[tilespmem:$0x1F400] =	vst v63  }
0x1d4: {  	_ =	swait.ge [sflag:s28], $0x4000  }
0x1d5: {  	[sflag:s28] =	ssyncset.done $0x0  }
0x1d6: {  	s21 =	simm.s32 $0x680;
	[sflag:s28] =	ssyncadd.s32 $0xFFFFC000  }
0x1d7: {  	[tilespmem:s2], [sflag:$0x2] =	stream.indirect.gather [hbm4b:s1+s30], $0x80, s21, s30, $0xb8;
	[tilespmem:$0x1F400] =	vst v63  }
0x1d8: {  	_ =	swait.ge [sflag:s0], $0x4000  }
0x1d9: {  	[sflag:s0] =	ssyncset.done $0x0  }
0x1da: {  	s9 =	simm.s32 $0xE00;
	[sflag:s0] =	ssyncadd.s32 $0xFFFFC000  }
0x1db: {  	[spmem:s3] =	stream.indirect.scatter.add.f32 [tilespmem:s31], [sflag:$0x3], $0x80, s9, s30, $0xb8;
	[tilespmem:$0x1F400] =	vst v63  }
0x1dc: {  	_ =	swait.ge [sflag:s28], $0x4000  }
0x1dd: {  	[sflag:s28] =	ssyncset.done $0x0  }
0x1de: {  	[sflag:s28] =	ssyncadd.s32 $0xFFFFC000  }
0x1df: {  	_ =	swait.ge [sflag:s8], $0x4000  }
0x1e0: {  	[sflag:s8] =	ssyncset.done $0x0  }
0x1e1: {  	[sflag:s8] =	ssyncadd.s32 $0xFFFFC000  }
0x1e2: {  	[spmem:s3] =	stream.indirect.scatter.add.f32 [tilespmem:s2], [sflag:$0x3], $0x80, s5, s30, $0xb8;
	[tilespmem:$0x1F400] =	vst v63  }
0x1e3: {  	_ =	swait.ge [sflag:s28], $0x4000  }
0x1e4: {  	s19 =	simm.s32 $0x10;
	[sflag:s28] =	ssyncset.done $0x0  }
0x1e5: {  	s20 =	simm.s32 $0x9000;
	s21 =	simm.s32 $0x700;
	[sflag:s28] =	ssyncadd.s32 $0xFFFFC000  }
0x1e6: {  	[tilespmem:s20], [sflag:$0x1] =	stream.indirect.gather [hbm4b:s1+s19], $0x80, s21, s19, $0xb8;
	[tilespmem:$0x1F400] =	vst v63  }
0x1e7: {  	_ =	swait.ge [sflag:s0], $0x800  }
0x1e8: {  	[sflag:s0] =	ssyncset.done $0x0  }
0x1e9: {  	[sflag:s0] =	ssyncadd.s32 $0xFFFFF800  }
0x1ea: {  	[spmem:s3] =	stream.indirect.scatter.add.f32 [tilespmem:s20], [sflag:$0x3], $0x80, s6, s19, $0xb8;
	[tilespmem:$0x1F400] =	vst v63  }
0x1eb: {  	_ =	swait.ge [sflag:s28], $0x800  }
0x1ec: {  	[sflag:s28] =	ssyncset.done $0x0  }
0x1ed: {  	[sflag:s28] =	ssyncadd.s32 $0xFFFFF800  }
0x1ee: {  	[bflag:$0x0] =	sbarrier.arrive $0xFFFF  }
0x1ef: {  	s7 =	rddreg [dreg:$0x8]  }
0x1f0: {  	[tilespmem:s26], [sflag:$0x3] =	stream.linear.gather [spmem:s7], $0x1000, $0x38;
	[tilespmem:$0x1F400] =	vst v63  }
0x1f1: {  	_ =	swait.ge [sflag:s28], $0x1000  }
0x1f2: {  	[sflag:s28] =	ssyncset.done $0x0  }
0x1f3: {  	s9 =	rddreg [dreg:$0xc];
	[sflag:s28] =	ssyncadd.s32 $0xFFFFF000  }
0x1f4: {  	[hbm4b:s9+s18] =	stream.linear.scatter [tilespmem:s26], [sflag:$0x1], $0x1000, $0x38;
	[tilespmem:$0x1F400] =	vst v63  }
0x1f5: {  	s20 =	rddreg [dreg:$0x19]  }
0x1f6: {  	[tilespmem:s17], [sflag:$0x3] =	stream.linear.gather [spmem:s20], $0x1000, $0x38;
	[tilespmem:$0x1F400] =	vst v63  }
0x1f7: {  	_ =	swait.ge [sflag:s28], $0x1000  }
0x1f8: {  	[sflag:s28] =	ssyncset.done $0x0  }
0x1f9: {  	s21 =	rddreg [dreg:$0x1a];
	[sflag:s28] =	ssyncadd.s32 $0xFFFFF000  }
0x1fa: {  	[hbm4b:s21+s18] =	stream.linear.scatter [tilespmem:s17], [sflag:$0x2], $0x1000, $0x38;
	[tilespmem:$0x1F400] =	vst v63  }
0x1fb: {  	_ =	swait.ge [sflag:s0], $0x1000  }
0x1fc: {  	[sflag:s0] =	ssyncset.done $0x0;
	s5 =	rddreg [dreg:$0x1b]  }
0x1fd: {  	[sflag:s0] =	ssyncadd.s32 $0xFFFFF000;
	s7 =	sadd.s32 $0xFFFFF000, s5  }
0x1fe: {  	[tilespmem:s26], [sflag:$0x3] =	stream.linear.gather [spmem:s7], $0x1000, $0x38;
	[tilespmem:$0x1F400] =	vst v63  }
0x1ff: {  	_ =	swait.ge [sflag:s28], $0x1000  }
0x200: {  	s9 =	sadd.s32 $0x0, s23;
	[sflag:s28] =	ssyncset.done $0x0  }
0x201: {  	s20 =	sadd.s32 $0x400, s9;
	[sflag:s28] =	ssyncadd.s32 $0xFFFFF000  }
0x202: {  	[hbm4b:s20+s4] =	stream.linear.scatter [tilespmem:s26], [sflag:$0x1], $0x1000, $0x38;
	[tilespmem:$0x1F400] =	vst v63  }
0x203: {  	_ =	swait.ge [sflag:s8], $0x1000  }
0x204: {  	[sflag:s8] =	ssyncset.done $0x0  }
0x205: {  	[sflag:s8] =	ssyncadd.s32 $0xFFFFF000  }
0x206: {  	[tilespmem:s17], [sflag:$0x3] =	stream.linear.gather [spmem:s5], $0x1000, $0x38;
	[tilespmem:$0x1F400] =	vst v63  }
0x207: {  	_ =	swait.ge [sflag:s28], $0x1000  }
0x208: {  	s18 =	simm.s32 $0x400;
	[sflag:s28] =	ssyncset.done $0x0  }
0x209: {  	s19 =	sadd.s32 $0x2000, s5;
	s20 =	sadd.s32 $0x600, s9;
	[sflag:s28] =	ssyncadd.s32 $0xFFFFF000  }
.LBB2_6:
0x20a: {  	[hbm4b:s20+s4] =	stream.linear.scatter [tilespmem:s17], [sflag:$0x2], $0x1000, $0x38;
	[tilespmem:$0x1F400] =	vst v63  }
0x20b: {  	s20 =	smov.u32 s18  }
0x20c: {  	p0 =	sne.s32 s18, $0x1C00;
	s18 =	sadd.s32 $0x400, s18;
	_ =	swait.ge [sflag:s0], $0x1000  }
0x20d: {  	[sflag:s0] =	ssyncset.done $0x0  }
0x20e: {  	s21 =	sadd.s32 $0xFFFFF000, s19;
	[sflag:s0] =	ssyncadd.s32 $0xFFFFF000  }
0x20f: {  	[tilespmem:s26], [sflag:$0x3] =	stream.linear.gather [spmem:s21], $0x1000, $0x38;
	[tilespmem:$0x1F400] =	vst v63  }
0x210: {  	_ =	swait.ge [sflag:s28], $0x1000  }
0x211: {  	s20 =	sadd.s32 s20, s23;
	[sflag:s28] =	ssyncset.done $0x0  }
0x212: {  	s21 =	sadd.s32 $0x400, s20;
	[sflag:s28] =	ssyncadd.s32 $0xFFFFF000  }
0x213: {  	[hbm4b:s21+s4] =	stream.linear.scatter [tilespmem:s26], [sflag:$0x1], $0x1000, $0x38;
	[tilespmem:$0x1F400] =	vst v63  }
0x214: {  	_ =	swait.ge [sflag:s8], $0x1000  }
0x215: {  	[sflag:s8] =	ssyncset.done $0x0  }
.Ltmp2:
0x216: {  	[sflag:s8] =	ssyncadd.s32 $0xFFFFF000;
	(pc) =	sbr.rel @p0 .LBB2_6-.Ltmp2, $4  }
0x217: {  	[tilespmem:s17], [sflag:$0x3] =	stream.linear.gather [spmem:s19], $0x1000, $0x38;
	[tilespmem:$0x1F400] =	vst v63  }
0x218: {  	_ =	swait.ge [sflag:s28], $0x1000  }
0x219: {  	[sflag:s28] =	ssyncset.done $0x0  }
0x21a: {  	s20 =	sadd.s32 $0x600, s20;
	s19 =	sadd.s32 $0x2000, s19;
	[sflag:s28] =	ssyncadd.s32 $0xFFFFF000  }
0x21b: {  	[hbm4b:s20+s4] =	stream.linear.scatter [tilespmem:s17], [sflag:$0x2], $0x1000, $0x38;
	[tilespmem:$0x1F400] =	vst v63  }
0x21c: {  	_ =	swait.ge [sflag:s0], $0x1000  }
0x21d: {  	[sflag:s0] =	ssyncset.done $0x0  }
0x21e: {  	s18 =	rddreg [dreg:$0x9];
	[sflag:s0] =	ssyncadd.s32 $0xFFFFF000  }
0x21f: {  	[tilespmem:s26], [sflag:$0x3] =	stream.linear.gather [spmem:s18], $0x1000, $0x38;
	[tilespmem:$0x1F400] =	vst v63  }
0x220: {  	_ =	swait.ge [sflag:s28], $0x1000  }
0x221: {  	[sflag:s28] =	ssyncset.done $0x0  }
0x222: {  	s9 =	rddreg [dreg:$0xd];
	[sflag:s28] =	ssyncadd.s32 $0xFFFFF000  }
0x223: {  	[hbm4b:s9+s4] =	stream.linear.scatter [tilespmem:s26], [sflag:$0x1], $0x1000, $0x38;
	[tilespmem:$0x1F400] =	vst v63  }
0x224: {  	_ =	swait.ge [sflag:s8], $0x1000  }
0x225: {  	[sflag:s8] =	ssyncset.done $0x0  }
0x226: {  	s19 =	rddreg [dreg:$0xe];
	[sflag:s8] =	ssyncadd.s32 $0xFFFFF000  }
0x227: {  	[tilespmem:s17], [sflag:$0x3] =	stream.linear.gather [spmem:s19], $0xC00, $0x38;
	[tilespmem:$0x1F400] =	vst v63  }
0x228: {  	_ =	swait.ge [sflag:s28], $0xC00  }
0x229: {  	[sflag:s28] =	ssyncset.done $0x0  }
0x22a: {  	s20 =	rddreg [dreg:$0xf];
	[sflag:s28] =	ssyncadd.s32 $0xFFFFF400  }
0x22b: {  	[hbm4b:s20+s4] =	stream.linear.scatter [tilespmem:s17], [sflag:$0x2], $0xC00, $0x38;
	[tilespmem:$0x1F400] =	vst v63  }
0x22c: {  	_ =	swait.ge [sflag:s0], $0x1000  }
0x22d: {  	[sflag:s0] =	ssyncset.done $0x0  }
0x22e: {  	[sflag:s0] =	ssyncadd.s32 $0xFFFFF000  }
0x22f: {  	_ =	swait.ge [sflag:s8], $0xC00  }
0x230: {  	s5 =	rddreg [dreg:$0x1c]  }
0x231: {  	s21 =	rddreg [dreg:$0x10];
	s5 =	sadd.s32 $0x1, s5  }
0x232: {  	p0 =	sne.s32 s5, s21  }
.Ltmp3:
0x233: {  	_ = 	snop;
	(pc) =	sbr.rel @p0 .LBB2_1-.Ltmp3, $3  }
0x234: {  	_ =	sdelay $0x1  }
0x235: {  	[sflag:s8] =	ssyncset.done $0x0  }
0x236: {  	[sflag:s8] =	ssyncadd.s32 $0xFFFFF400  }
0x237: {  	_ =	sfence.sel $0x180000  }
0x238: {  	[bflag:$0x0] =	sbarrier.arrive $0xFFFF  }
0x239: {  	_ =	strace $0x9000004D  }
0x23a: {  	s0 =	stileid.u32;
	[bflag:$0x2] =	sbarrier.arrive $0xFFFF  }
0x23b: {  	p0 =	sne.s32 s0, $0x0;
	s0 =	rddreg [dreg:$0x3]  }
0x23c: {  	s0 =	sadd.s32 @!p0 $0x100000, s0  }
0x23d: {  	[sflag:s0] =	ssyncadd.tile.s32 @!p0 $0x1;
	_ =	shalt  }
.Lfunc_end2:
_tile_overlayer_lowered:
.L_overlay_start_2:
0x23e: {  	(tag) =	ssettag $0x2  }
0x23f: {  	s0 =	rddreg [dreg:$0x0];
	s2 =	stileid.u32  }
0x240: {  	s1 =	rddreg [dreg:$0x1];
	p0 =	sne.s32 s2, $0x0  }
0x241: {  	s3 =	rddreg [dreg:$0x2];
	[bflag:$0x3] =	sbarrier.arrive $0xFFFF;
	s2 =	simm.s32 @!p0 $0x1C03  }
0x242: {  	[timem:s3], [sflag:s2] =	dma.local @!p0 [hbm:s0], s1  }
0x243: {  	s0 =	simm.s32 @!p0 $0x3  }
0x244: {  	_ =	swait.ge @!p0 [sflag:s0], s1  }
0x245: {  	s1 =	ssub.s32 @!p0 $0x0, s1;
	[sflag:s0] =	ssyncset.done @!p0 $0x0  }
0x246: {  	[sflag:s0] =	ssyncadd.s32 @!p0 s1  }
0x247: {  	[bflag:$0x3] =	sbarrier.arrive $0xFFFF  }
0x248: {  	_ =	shalt  }

// kernel: kernel.8.cloned.1.call-start
scs
__scs_entry_jumppad:
0x0: {  	(pc) =	sbr.rel $0x88, $3  }
0x1: {  	(tag) =	ssettag $0x0;
	lr =	simm.s32 $0x1  }
0x2: {  	[smem:$0x3F9C] =	sst lr;
	_ =	strace $0xD0000000  }
0x3: {  	_ = 	snop  }
0x4: {  	_ = 	snop  }
0x5: {  	_ = 	snop  }
0x6: {  	_ = 	snop  }
0x7: {  	_ = 	snop  }
__scs_overlays_trampoline_lowered:
0x8: {  	[smem:$0x3FAB] =	sst s0  }
0x9: {  	[smem:$0x3FAC] =	sst s1  }
0xa: {  	[smem:$0x3FAD] =	sst s2  }
0xb: {  	[smem:$0x3FAE] =	sst s3  }
0xc: {  	[smem:$0x3FAF] =	sst s4  }
0xd: {  	[smem:$0x3FB0] =	sst s5  }
0xe: {  	[smem:$0x3FB1] =	sst s6  }
0xf: {  	[smem:$0x3FB2] =	sst s7  }
0x10: {  	[smem:$0x3FB3] =	sst s8  }
0x11: {  	[smem:$0x3FB4] =	sst s9;
	s0 =	simm.s32 @!p0 $0x0  }
0x12: {  	s1 =	sld [smem:$0x3F9A];
	s0 =	simm.s32 @p0 $0x1  }
0x13: {  	[smem:$0x3FB5] =	sst s0;
	s0 =	simm.s32 @!p1 $0x0  }
0x14: {  	s2 =	sld [smem:$0x3F99];
	s0 =	simm.s32 @p1 $0x1  }
0x15: {  	[smem:$0x3FB6] =	sst s0;
	s0 =	simm.s32 @!p2 $0x0  }
0x16: {  	s3 =	sld [smem:$0x3FDB];
	s0 =	simm.s32 @p2 $0x1  }
0x17: {  	s4 =	simm.s32 $0x1BF5;
	[smem:$0x3FB8] =	sst s0  }
0x18: {  	s0 =	sld [smem:$0x3F9B];
	_ =	swait.ge [sflag:s4], $0x0  }
0x19: {  	s7 =	sld [smem:$0x3F9C]  }
0x1a: {  	s8 =	sadd.s32 $0xFFFFE003, lr  }
0x1b: {  	s9 =	sadd.s32 $0xFFFFFEF7, lr;
	s5 =	simm.s32 $0xFFFFFFFF;
	p2 =	slt.u32 s8, $0xFFFFF086  }
0x1c: {  	p1 =	slt.u32 s9, $0xF7A;
	s5 =	simm.s32 @!p2 $0x0  }
0x1d: {  	s5 =	simm.s32 @p1 $0x1;
	p0 =	seq.s32 s7, s2  }
0x1e: {  	s7 =	smul.u32 @!p0 $0xF7A, s2;
	p2 =	seq.s32 @!p0 s5, $0x0  }
0x1f: {  	s9 =	smul.u32 $0xF7A, s1;
	s8 =	simm.s32 @!p0 $0x1BF5;
	p2 =	por !p2, p0  }
0x20: {  	[sflag:s8] =	ssyncset.s32 @!p0 $0xFFFFF086;
	s6 =	sadd.s32 @!p0 s3, s7;
	s7 =	simm.s32 @!p0 $0x108  }
0x21: {  	s3 =	sadd.s32 s3, s9;
	s6 =	sadd.s32 @!p0 $0x88, s6;
	s7 =	simm.s32 @p2 $0x1082  }
0x22: {  	[simem:s7], [sflag:s8] =	dma.local @!p0 [hbm:s6], $0xF7A  }
0x23: {  	s9 =	sor.u32 $0xD0000000, s2;
	s6 =	simm.s32 $0x108;
	_ =	swait.ge @!p0 [sflag:s8], $0x0  }
0x24: {  	s3 =	sadd.s32 $0x88, s3;
	s6 =	simm.s32 @!p1 $0x1082;
	[sflag:s4] =	ssyncset.s32 $0xFFFFF086  }
0x25: {  	[simem:s6], [sflag:s4] =	dma.local [hbm:s3], $0xF7A  }
0x26: {  	[smem:$0x3F9C] =	sst s1;
	(tag) =	ssettag s2;
	_ =	strace s9  }
0x27: {  	s1 =	sld [smem:$0x3FAC]  }
0x28: {  	s2 =	sld [smem:$0x3FAD]  }
0x29: {  	s4 =	sld [smem:$0x3FAF]  }
0x2a: {  	p0 =	seq.s32 s5, $0x0;
	s5 =	sld [smem:$0x3FB0]  }
0x2b: {  	s6 =	sld [smem:$0x3FB1]  }
0x2c: {  	s7 =	sld [smem:$0x3FB2]  }
0x2d: {  	s3 =	simm.s32 $0x108;
	s8 =	sld [smem:$0x3FB3]  }
0x2e: {  	s3 =	simm.s32 @!p0 $0x1082;
	s9 =	sld [smem:$0x3FB4]  }
0x2f: {  	lr =	sadd.s32 s0, s3;
	s0 =	sld [smem:$0x3FAB]  }
0x30: {  	s3 =	sld [smem:$0x3FAE]  }
0x31: {  	[smem:$0x3FB7] =	sst s10  }
0x32: {  	s10 =	sld [smem:$0x3FB5];
	_ =	sdelay $0x3  }
0x33: {  	p0 =	seq.s32 s10, $0x1;
	s10 =	sld [smem:$0x3FB7];
	_ =	sdelay $0x3  }
0x34: {  	[smem:$0x3FB7] =	sst s10  }
0x35: {  	s10 =	sld [smem:$0x3FB6];
	_ =	sdelay $0x3  }
0x36: {  	p1 =	seq.s32 s10, $0x1;
	s10 =	sld [smem:$0x3FB7];
	_ =	sdelay $0x3  }
0x37: {  	[smem:$0x3FB7] =	sst s10  }
0x38: {  	s10 =	sld [smem:$0x3FB8]  }
0x39: {  	_ = 	snop;
	(pc) =	sbr.ind lr, $3  }
0x3a: {  	_ = 	snop  }
0x3b: {  	_ = 	snop  }
0x3c: {  	p2 =	seq.s32 s10, $0x1;
	s10 =	sld [smem:$0x3FB7]  }
0x3d: {  	_ =	shalt  }
0x3e: {  	_ =	shalt  }
0x3f: {  	_ =	shalt  }
0x40: {  	_ =	shalt  }
0x41: {  	_ =	shalt  }
0x42: {  	_ =	shalt  }
0x43: {  	_ =	shalt  }
0x44: {  	_ =	shalt  }
0x45: {  	_ =	shalt  }
0x46: {  	_ =	shalt  }
0x47: {  	_ =	shalt  }
0x48: {  	_ =	shalt  }
0x49: {  	_ =	shalt  }
0x4a: {  	_ =	shalt  }
0x4b: {  	_ =	shalt  }
0x4c: {  	_ =	shalt  }
0x4d: {  	_ =	shalt  }
0x4e: {  	_ =	shalt  }
0x4f: {  	_ =	shalt  }
0x50: {  	_ =	shalt  }
0x51: {  	_ =	shalt  }
0x52: {  	_ =	shalt  }
0x53: {  	_ =	shalt  }
0x54: {  	_ =	shalt  }
0x55: {  	_ =	shalt  }
0x56: {  	_ =	shalt  }
0x57: {  	_ =	shalt  }
0x58: {  	_ =	shalt  }
0x59: {  	_ =	shalt  }
0x5a: {  	_ =	shalt  }
0x5b: {  	_ =	shalt  }
0x5c: {  	_ =	shalt  }
0x5d: {  	_ =	shalt  }
0x5e: {  	_ =	shalt  }
0x5f: {  	_ =	shalt  }
0x60: {  	_ =	shalt  }
0x61: {  	_ =	shalt  }
0x62: {  	_ =	shalt  }
0x63: {  	_ =	shalt  }
0x64: {  	_ =	shalt  }
0x65: {  	_ =	shalt  }
0x66: {  	_ =	shalt  }
0x67: {  	_ =	shalt  }
0x68: {  	_ =	shalt  }
0x69: {  	_ =	shalt  }
0x6a: {  	_ =	shalt  }
0x6b: {  	_ =	shalt  }
0x6c: {  	_ =	shalt  }
0x6d: {  	_ =	shalt  }
0x6e: {  	_ =	shalt  }
0x6f: {  	_ =	shalt  }
0x70: {  	_ =	shalt  }
0x71: {  	_ =	shalt  }
0x72: {  	_ =	shalt  }
0x73: {  	_ =	shalt  }
0x74: {  	_ =	shalt  }
0x75: {  	_ =	shalt  }
0x76: {  	_ =	shalt  }
0x77: {  	_ =	shalt  }
0x78: {  	_ =	shalt  }
0x79: {  	_ =	shalt  }
0x7a: {  	_ =	shalt  }
0x7b: {  	_ =	shalt  }
0x7c: {  	_ =	shalt  }
0x7d: {  	_ =	shalt  }
0x7e: {  	_ =	shalt  }
0x7f: {  	_ =	shalt  }
0x80: {  	_ =	shalt  }
0x81: {  	_ =	shalt  }
0x82: {  	_ =	shalt  }
0x83: {  	_ =	shalt  }
0x84: {  	_ =	shalt  }
0x85: {  	_ =	shalt  }
0x86: {  	_ =	shalt  }
0x87: {  	_ =	shalt  }
.Lfunc_end0:
.L_simem_size_0:
called_computation_lowered:
.L_overlay_start_0:
0x88: {  	s2 =	sld [smem:$0x3FD9]  }
0x89: {  	s3 =	sld [smem:$0x3FFE];
	_ =	sdelay $0x1  }
0x8a: {  	s1 =	srdreg.scid  }
0x8b: {  	s0 =	sand.u32 $0x1, s1  }
0x8c: {  	s16 =	sshll.u32 s0, $0xA;
	s2 =	sadd.s32 s3, s2  }
0x8d: {  	s2 =	sadd.s32 s2, s16  }
0x8e: {  	[smem:$0x3FC3] =	sst s2  }
0x8f: {  	_ = 	snop  }
0x90: {  	(tm) =	ssettm $0x1  }
0x91: {  	s17 =	sld [smem:$0x3FFB];
	_ =	sdelay $0x3  }
0x92: {  	_ =	strace s17  }
0x93: {  	s2 =	sld [smem:$0x3FFC];
	_ =	sdelay $0x3  }
0x94: {  	_ =	strace s2  }
0x95: {  	s2 =	sld [smem:$0x3FFD];
	_ =	sdelay $0x3  }
0x96: {  	_ =	strace s2  }
0x97: {  	_ =	strace $0x8FFFFFFF  }
0x98: {  	s18 =	sld [smem:$0x3FDB];
	_ =	sdelay $0x1  }
0x99: {  	s19 =	simm.s32 $_scs_section_size  }
0x9a: {  	s4 =	simm.s32 $_size__tile_overlayer_lowered;
	s5 =	simm.s32 $_tile_overlayer_lowered  }
0x9b: {  	s22 =	simm.s32 $0x1BFF;
	s21 =	sshll.u32 s5, $0x1;
	s2 =	sadd.s32 s19, s18  }
0x9c: {  	s6 =	simm.s32 $0x0;
	s20 =	sshll.u32 s4, $0x1;
	s4 =	sadd.s32 s21, s2  }
0x9d: {  	[timem:s6], [sflag:s22] =	dma.local [hbm:s4], s20  }
0x9e: {  	_ =	swait.ge [sflag:s22], s20  }
0x9f: {  	s3 =	ssub.s32 $0x0, s20;
	[sflag:s22] =	ssyncset.done $0x0  }
0xa0: {  	[sflag:s22] =	ssyncadd.s32 s3;
	_ =	sdelay $0x1  }
0xa1: {  	s23 =	simm.s32 $0x1B8B  }
0xa2: {  	_ =	swait.ge [sflag:s23], $0x1  }
0xa3: {  	[sflag:s23] =	ssyncset.done $0x0  }
0xa4: {  	s25 =	simm.s32 $0x1B8E;
	s24 =	sld [smem:$0x3FFE];
	[sflag:s23] =	ssyncadd.s32 $0xFFFFFFFF  }
0xa5: {  	s26 =	simm.s32 $execute0_lowered;
	[smem:$0x3FD2] =	sst s25  }
0xa6: {  	s4 =	sshll.u32 s26, $0x1;
	_ =	strace $0x80000046;
	[dreg:$0x1] =	wrdreg $0xFFFFFFFF  }
0xa7: {  	s28 =	simm.s32 $_size_execute0_lowered;
	s2 =	sadd.s32 s2, s4;
	[dreg:$0x0] =	wrdreg $0x0  }
0xa8: {  	s4 =	sshll.u32 s28, $0x1;
	[dreg:$0x2] =	wrdreg s2  }
0xa9: {  	[dreg:$0x3] =	wrdreg s4  }
0xaa: {  	[dreg:$0x4] =	wrdreg $0xC0  }
0xab: {  	_ =	task [dreg:s6], $0x5FFFF  }
0xac: {  	[dreg:$0x1] =	wrdreg $0xFFFFFFFF  }
0xad: {  	[dreg:$0x0] =	wrdreg $0x60  }
0xae: {  	[dreg:$0x2] =	wrdreg s24  }
0xaf: {  	[dreg:$0x3] =	wrdreg $0x2A800  }
0xb0: {  	[dreg:$0x4] =	wrdreg $0x9  }
0xb1: {  	_ =	task.clear_ibuf [dreg:s6], $0x5FFFF;
	_ =	strace $0x90000046  }
0xb2: {  	s29 =	simm.s32 $0x9;
	_ =	strace $0x80000048  }
0xb3: {  	_ =	swait.ge [sflag:s29], $0x1  }
0xb4: {  	[sflag:s29] =	ssyncadd.s32 $0xFFFFFFFF  }
0xb5: {  	_ =	strace $0x90000048  }
0xb6: {  	_ =	sfence  }
0xb7: {  	s30 =	sld [smem:$0x0];
	_ =	sdelay $0x2  }
0xb8: {  	s31 =	sshll.u32 s1, $0xD;
	s1 =	sshrl.u32 s1, $0x2  }
0xb9: {  	s3 =	sand.u32 $0x4000, s31;
	s1 =	sadd.s32 s1, s30  }
0xba: {  	s0 =	sor.u32 s3, s0;
	s1 =	sshll.u32 s1, $0x11  }
0xbb: {  	s0 =	sor.u32 s1, s0  }
0xbc: {  	s0 =	sadd.s32 $0x8F2B, s0  }
0xbd: {  	[sflag:s0] =	ssyncadd.remote.s32 $0x1  }
0xbe: {  	_ =	sfence.sel $0xFFFF  }
0xbf: {  	[dreg:$0x0] =	wrdreg $0xFFFFFFFF;
	(pc) =	sbr.abs _section_cstart, $3  }
0xc0: {  	[dreg:$0x1] =	wrdreg $0xFFFFFFFF  }
0xc1: {  	_ =	task.clear_ibuf [dreg:s6], $0x2FFFF;
	_ =	strace $0x9FFFFFFF  }
0xc2: {  	(tm) =	ssettm $0x7FFFFFFF  }
0xc3: {  	_ =	shalt  }
tec
execute0_lowered:
.L_overlay_start_1:
0x0: {  	(tag) =	ssettag $0x1  }
0x1: {  	s1 =	srdreg.scid;
	s4 =	rddreg [dreg:$0x0]  }
0x2: {  	s0 =	stileid.u32;
	s2 =	rddreg [dreg:$0x1];
	s3 =	simm.s32 $0x0  }
0x3: {  	s10 =	simm.s32 $0x80;
	s11 =	simm.s32 $0x2780;
	s12 =	simm.s32 $0x10  }
0x4: {  	s13 =	simm.s32 $0x2700;
	s5 =	sand.u32 $0x1, s1;
	s6 =	smul.u32 $0x278, s0  }
0x5: {  	s7 =	sshll.u32 s0, $0x1;
	s1 =	rddreg [dreg:$0x2];
	s8 =	smul.u32 $0x2780, s5  }
0x6: {  	s14 =	simm.s32 $0x0;
	[smem:$0x7FF] =	sst s3;
	s7 =	sor.u32 s5, s7  }
0x7: {  	s5 =	ssub.s32 $0x2, s5;
	s7 =	smul.u32 $0x4E2, s7;
	s8 =	sadd.s32 s6, s8  }
0x8: {  	_ =	strace $0x80000047;
	s31 =	sshrl.u32 s5, $0x1;
	s8 =	sshrl.u32 s8, $0x3  }
0x9: {  	s9 =	ssub.s32 s5, s31;
	s7 =	sadd.s32 s7, s4;
	s8 =	sadd.s32 s8, s4  }
0xa: {  	s4 =	sadd.s32 s6, s2;
	s5 =	sadd.s32 $0x1C00, s7;
	s7 =	smax.u32 s9, $0x1  }
0xb: {  	v0 =	vimm.f32 $0.0e+00;
	v1 =	vimm.f32 $1.000000000e+00;
	s9 =	simm.s32 $0x1;
	s6 =	sadd.s32 $0x15800, s8;
	s8 =	simm.s32 $0x2800  }
.LBB2_1:
0xc: {  	[tilespmem:$0x2800] =	vst v0  }
0xd: {  	[tilespmem:$0x2810] =	vst v0  }
0xe: {  	[tilespmem:$0x2820] =	vst v0  }
0xf: {  	[tilespmem:$0x2830] =	vst v0  }
0x10: {  	[tilespmem:$0x2840] =	vst v0  }
0x11: {  	[tilespmem:$0x2850] =	vst v0  }
0x12: {  	[tilespmem:$0x2860] =	vst v0  }
0x13: {  	[tilespmem:$0x2870] =	vst v0  }
0x14: {  	[tilespmem:$0x2880] =	vst v0  }
0x15: {  	[tilespmem:$0x2890] =	vst v0  }
0x16: {  	[tilespmem:$0x28A0] =	vst v0  }
0x17: {  	[tilespmem:$0x28B0] =	vst v0  }
0x18: {  	[tilespmem:$0x28C0] =	vst v0  }
0x19: {  	[tilespmem:$0x28D0] =	vst v0  }
0x1a: {  	[tilespmem:$0x28E0] =	vst v0  }
0x1b: {  	[tilespmem:$0x28F0] =	vst v0  }
0x1c: {  	[tilespmem:$0x2900] =	vst v0  }
0x1d: {  	[tilespmem:$0x2910] =	vst v0  }
0x1e: {  	[tilespmem:$0x2920] =	vst v0  }
0x1f: {  	[tilespmem:$0x2930] =	vst v0  }
0x20: {  	[tilespmem:$0x2940] =	vst v0  }
0x21: {  	[tilespmem:$0x2950] =	vst v0  }
0x22: {  	[tilespmem:$0x2960] =	vst v0  }
0x23: {  	[tilespmem:$0x2970] =	vst v0  }
0x24: {  	[tilespmem:$0x2980] =	vst v0  }
0x25: {  	[tilespmem:$0x2990] =	vst v0  }
0x26: {  	[tilespmem:$0x29A0] =	vst v0  }
0x27: {  	[tilespmem:$0x29B0] =	vst v0  }
0x28: {  	[tilespmem:$0x29C0] =	vst v0  }
0x29: {  	[tilespmem:$0x29D0] =	vst v0  }
0x2a: {  	[tilespmem:$0x29E0] =	vst v0  }
0x2b: {  	[tilespmem:$0x29F0] =	vst v0  }
0x2c: {  	[tilespmem:$0x2A00] =	vst v0  }
0x2d: {  	[tilespmem:$0x2A10] =	vst v0  }
0x2e: {  	[tilespmem:$0x2A20] =	vst v0  }
0x2f: {  	[tilespmem:$0x2A30] =	vst v0  }
0x30: {  	[tilespmem:$0x2A40] =	vst v0  }
0x31: {  	[tilespmem:$0x2A50] =	vst v0  }
0x32: {  	[tilespmem:$0x2A60] =	vst v0  }
0x33: {  	[tilespmem:$0x2A70] =	vst v0  }
0x34: {  	[tilespmem:$0x2780] =	vst v1  }
0x35: {  	[tilespmem:$0x2790] =	vst v1  }
0x36: {  	[tilespmem:$0x27A0] =	vst v1  }
0x37: {  	[tilespmem:$0x27B0] =	vst v1  }
0x38: {  	[tilespmem:$0x27C0] =	vst v1  }
0x39: {  	[tilespmem:$0x27D0] =	vst v1  }
0x3a: {  	[tilespmem:$0x27E0] =	vst v1  }
0x3b: {  	[tilespmem:$0x27F0] =	vst v1  }
0x3c: {  	[spmem:s4] =	stream.linear.scatter [tilespmem:s8], [sflag:$0x1], $0x278, $0x38;
	[tilespmem:$0x2CF8] =	vst v63  }
0x3d: {  	_ =	swait.ge [sflag:s9], $0x278  }
0x3e: {  	[sflag:s9] =	ssyncset.done $0x0  }
0x3f: {  	[sflag:s9] =	ssyncadd.s32 $0xFFFFFD88  }
0x40: {  	[tilespmem:s3], [sflag:$0x1] =	stream.linear.gather [hbm4b:s5+s3], $0x2710, $0x38;
	[tilespmem:$0x2CF8] =	vst v63  }
0x41: {  	_ =	swait.ge [sflag:s9], $0x2710  }
0x42: {  	[sflag:s9] =	ssyncset.done $0x0  }
0x43: {  	[sflag:s9] =	ssyncadd.s32 $0xFFFFD8F0  }
0x44: {  	s15 =	simm.s32 $0x0;
	[bflag:$0x0] =	sbarrier.arrive $0xFFFF  }
0x45: {  	[spmem:s2] =	stream.indirect.scatter.add.f32 [tilespmem:s11], [sflag:$0x1], $0x1, s15, s10, $0xb8;
	[tilespmem:$0x2CF8] =	vst v63  }
0x46: {  	_ =	swait.ge [sflag:s9], $0x80  }
0x47: {  	s15 =	simm.s32 $0x200;
	[sflag:s9] =	ssyncset.done $0x0  }
.LBB2_2:
0x48: {  	s16 =	sshra.s32 s15, $0x2;
	[sflag:s9] =	ssyncadd.s32 $0xFFFFFF80;
	p0 =	sne.s32 s15, $0x9A00  }
0x49: {  	[spmem:s2] =	stream.indirect.scatter.add.f32 [tilespmem:s11], [sflag:$0x1], $0x1, s16, s10, $0xb8;
	[tilespmem:$0x2CF8] =	vst v63  }
.Ltmp0:
0x4a: {  	_ = 	snop;
	(pc) =	sbr.rel @p0 .LBB2_2-.Ltmp0, $4  }
0x4b: {  	_ = 	snop  }
0x4c: {  	s15 =	sadd.s32 $0x200, s15  }
0x4d: {  	_ =	swait.ge [sflag:s9], $0x80  }
0x4e: {  	[sflag:s9] =	ssyncset.done $0x0  }
0x4f: {  	[sflag:s9] =	ssyncadd.s32 $0xFFFFFF80  }
0x50: {  	[spmem:s2] =	stream.indirect.scatter.add.f32 [tilespmem:s11], [sflag:$0x1], $0x1, s13, s12, $0xb8;
	[tilespmem:$0x2CF8] =	vst v63  }
0x51: {  	_ =	swait.ge [sflag:s9], $0x10  }
0x52: {  	[sflag:s9] =	ssyncset.done $0x0  }
0x53: {  	[sflag:s9] =	ssyncadd.s32 $0xFFFFFFF0  }
0x54: {  	[bflag:$0x0] =	sbarrier.arrive $0xFFFF  }
0x55: {  	[tilespmem:s8], [sflag:$0x1] =	stream.linear.gather [spmem:s4], $0x278, $0x38;
	[tilespmem:$0x2CF8] =	vst v63  }
0x56: {  	s14 =	sadd.s32 $0x1, s14;
	_ =	swait.ge [sflag:s9], $0x278  }
0x57: {  	p0 =	sne.s32 s14, s7;
	[sflag:s9] =	ssyncset.done $0x0  }
.Ltmp1:
0x58: {  	[sflag:s9] =	ssyncadd.s32 $0xFFFFFD88;
	(pc) =	sbr.rel @p0 .LBB2_1-.Ltmp1, $4  }
0x59: {  	[hbm4b:s6+s3] =	stream.linear.scatter [tilespmem:s8], [sflag:$0x1], $0x278, $0x38;
	[tilespmem:$0x2CF8] =	vst v63  }
0x5a: {  	_ =	swait.ge [sflag:s9], $0x278  }
0x5b: {  	[sflag:s9] =	ssyncset.done $0x0  }
0x5c: {  	[sflag:s9] =	ssyncadd.s32 $0xFFFFFD88  }
0x5d: {  	_ =	sfence.sel $0x180000  }
0x5e: {  	[bflag:$0x0] =	sbarrier.arrive $0xFFFF  }
0x5f: {  	p0 =	sne.s32 s0, $0x0;
	_ =	strace $0x90000047  }
0x60: {  	s0 =	sadd.s32 @!p0 $0x100000, s1;
	[bflag:$0x2] =	sbarrier.arrive $0xFFFF  }
0x61: {  	[sflag:s0] =	ssyncadd.tile.s32 @!p0 $0x1;
	_ =	shalt  }
.Lfunc_end2:
_tile_overlayer_lowered:
.L_overlay_start_2:
0x62: {  	(tag) =	ssettag $0x2  }
0x63: {  	s0 =	rddreg [dreg:$0x0];
	s2 =	stileid.u32  }
0x64: {  	s1 =	rddreg [dreg:$0x1];
	p0 =	sne.s32 s2, $0x0  }
0x65: {  	s3 =	rddreg [dreg:$0x2];
	[bflag:$0x3] =	sbarrier.arrive $0xFFFF;
	s2 =	simm.s32 @!p0 $0x1C01  }
0x66: {  	[timem:s3], [sflag:s2] =	dma.local @!p0 [hbm:s0], s1  }
0x67: {  	s0 =	simm.s32 @!p0 $0x1  }
0x68: {  	_ =	swait.ge @!p0 [sflag:s0], s1  }
0x69: {  	s1 =	ssub.s32 @!p0 $0x0, s1;
	[sflag:s0] =	ssyncset.done @!p0 $0x0  }
0x6a: {  	[sflag:s0] =	ssyncadd.s32 @!p0 s1  }
0x6b: {  	[bflag:$0x3] =	sbarrier.arrive $0xFFFF  }
0x6c: {  	_ =	shalt  }

</sc_bundles>
